<compile_context>
chip_gen: v7x
topology: tpu7x:2x2x1
jax: 0.10.2.dev20260603
libtpu: 0.0.44.dev20260713+nightly
codegen_flags: <defaults>
</compile_context>

<pallas_src>
import numpy as np

import jax
import jax.numpy as jnp
from jax import lax
from jax.experimental import pallas as pl
from jax.experimental.pallas import tpu as pltpu
from jax.experimental.pallas import tpu_sc as plsc

N = 10000
E = 320000
IN_F = 128
OUT_F = 16
HEADS = 8
ALPHA = 0.2

NC, NS, L = 2, 16, 16
NW = NC * NS
C = 80
NCHUNK = 125
EW = NCHUNK * C
ROWS_PER_TILE = N // NS
LAST = NCHUNK - 1

_PERM = np.zeros((IN_F, IN_F), np.float32)
for _k in range(OUT_F):
    for _h in range(HEADS):
        _PERM[_k * HEADS + _h, _h * OUT_F + _k] = 1.0
_EXPAND = np.zeros((HEADS, IN_F), np.float32)
for _k in range(OUT_F):
    for _h in range(HEADS):
        _EXPAND[_h, _k * HEADS + _h] = 1.0


def _dense_body(x_ref, wcat_ref, w_ref, a_ref, wh_ref, ssrc_ref, sdst_ref):
    xb = x_ref[...]
    wh_ref[...] = jnp.dot(xb, wcat_ref[...],
                          preferred_element_type=jnp.float32)
    avecs = []
    for h in range(HEADS):
        avecs.append(jnp.dot(w_ref[h], a_ref[h, :OUT_F, :],
                             preferred_element_type=jnp.float32))
    for h in range(HEADS):
        avecs.append(jnp.dot(w_ref[h], a_ref[h, OUT_F:, :],
                             preferred_element_type=jnp.float32))
    amat = jnp.concatenate(avecs, axis=1)
    ss = jnp.dot(xb, amat, preferred_element_type=jnp.float32)
    ssrc_ref[...] = ss[:, :HEADS]
    sdst_ref[...] = ss[:, HEADS:]


def _dense(x, w_cat, W, a):
    BN = 1000
    return pl.pallas_call(
        _dense_body,
        grid=(N // BN,),
        in_specs=[
            pl.BlockSpec((BN, IN_F), lambda i: (i, 0)),
            pl.BlockSpec((IN_F, IN_F), lambda i: (0, 0)),
            pl.BlockSpec((HEADS, IN_F, OUT_F), lambda i: (0, 0, 0)),
            pl.BlockSpec((HEADS, 2 * OUT_F, 1), lambda i: (0, 0, 0)),
        ],
        out_specs=[
            pl.BlockSpec((BN, IN_F), lambda i: (i, 0)),
            pl.BlockSpec((BN, HEADS), lambda i: (i, 0)),
            pl.BlockSpec((BN, HEADS), lambda i: (i, 0)),
        ],
        out_shape=[
            jax.ShapeDtypeStruct((N, IN_F), jnp.float32),
            jax.ShapeDtypeStruct((N, HEADS), jnp.float32),
            jax.ShapeDtypeStruct((N, HEADS), jnp.float32),
        ],
    )(x, w_cat, W, a)


def _sc_body(wh_hbm, ssrc_hbm, sdst_hbm, ei_hbm, num_hbm, den_hbm,
             src_v, dst_v, gs_v, gd_v, w_v, rows_v,
             acc_num, acc_den, sem_r, sem_g, sem_h, sem_sr, sem_sw):
    c_idx = lax.axis_index("c")
    s_idx = lax.axis_index("s")
    wid = s_idx * NC + c_idx

    iota = lax.iota(jnp.int32, L)
    row_base = iota >> 3
    col_lo = iota & 7
    z16 = jnp.zeros((L,), jnp.float32)

    pltpu.sync_copy(ei_hbm.at[0, pl.ds(wid * EW, EW)], src_v)
    pltpu.sync_copy(ei_hbm.at[1, pl.ds(wid * EW, EW)], dst_v)

    def _zrow(r, carry):
        for s in range(2):
            for cc in range(IN_F // L):
                rows_v[s, r, pl.ds(cc * L, L)] = z16
        return carry
    lax.fori_loop(0, C, _zrow, 0)
    def _zw(k, carry):
        for s in range(2):
            plsc.store_scatter(w_v.at[s], [2 * k + row_base, col_lo], z16)
        return carry
    lax.fori_loop(0, C // 2, _zw, 0)

    base = s_idx * ROWS_PER_TILE
    for b in range(7):
        pltpu.sync_copy(rows_v.at[0], acc_num.at[pl.ds(base + b * C, C)])
        pltpu.sync_copy(w_v.at[0], acc_den.at[pl.ds(base + b * C, C)])
    pltpu.sync_copy(rows_v.at[0, pl.ds(0, 65)],
                    acc_num.at[pl.ds(base + 560, 65)])
    pltpu.sync_copy(w_v.at[0, pl.ds(0, 65)],
                    acc_den.at[pl.ds(base + 560, 65)])
    plsc.subcore_barrier()

    pltpu.async_copy(rows_v.at[1], acc_num.at[src_v.at[pl.ds(0, C)]], sem_sr, add=True)
    pltpu.async_copy(w_v.at[1], acc_den.at[src_v.at[pl.ds(0, C)]], sem_sw, add=True)
    pltpu.async_copy(wh_hbm.at[dst_v.at[pl.ds(0, C)]], rows_v.at[0], sem_r)
    pltpu.async_copy(ssrc_hbm.at[src_v.at[pl.ds(0, C)]], gs_v, sem_g)
    pltpu.async_copy(sdst_hbm.at[dst_v.at[pl.ds(0, C)]], gd_v, sem_h)

    def _chunk(j, carry):
        p = j & 1
        pn = 1 - p
        jn = jnp.minimum(j + 1, LAST)

        pltpu.make_async_copy(ssrc_hbm.at[src_v.at[pl.ds(j * C, C)]], gs_v, sem_g).wait()
        pltpu.make_async_copy(sdst_hbm.at[dst_v.at[pl.ds(j * C, C)]], gd_v, sem_h).wait()

        def _wbody(k):
            ridx = 2 * k + row_base
            s1 = plsc.load_gather(gs_v, [ridx, col_lo])
            s2 = plsc.load_gather(gd_v, [ridx, col_lo])
            z = s1 + s2
            w = jnp.exp(-jnp.where(z > 0, z, ALPHA * z))
            plsc.store_scatter(w_v.at[p], [ridx, col_lo], w)
        plsc.parallel_loop(0, C // 2, unroll=4)(_wbody)

        pltpu.async_copy(ssrc_hbm.at[src_v.at[pl.ds(jn * C, C)]], gs_v, sem_g)
        pltpu.async_copy(sdst_hbm.at[dst_v.at[pl.ds(jn * C, C)]], gd_v, sem_h)

        pltpu.make_async_copy(wh_hbm.at[dst_v.at[pl.ds(j * C, C)]], rows_v.at[p],
                              sem_r).wait()

        pltpu.make_async_copy(rows_v.at[pn], acc_num.at[src_v.at[pl.ds(j * C, C)]],
                              sem_sr).wait()
        pltpu.make_async_copy(w_v.at[pn], acc_den.at[src_v.at[pl.ds(j * C, C)]],
                              sem_sw).wait()
        pltpu.async_copy(wh_hbm.at[dst_v.at[pl.ds(jn * C, C)]], rows_v.at[pn], sem_r)

        def _sbody(e):
            esp = iota * 0 + e
            wp = plsc.load_gather(w_v.at[p], [esp, col_lo])
            for h8 in range(HEADS):
                seg = rows_v[p, e, pl.ds(h8 * L, L)]
                rows_v[p, e, pl.ds(h8 * L, L)] = seg * wp
        plsc.parallel_loop(0, C, unroll=2)(_sbody)

        pltpu.async_copy(rows_v.at[p], acc_num.at[src_v.at[pl.ds(j * C, C)]], sem_sr,
                         add=True)
        pltpu.async_copy(w_v.at[p], acc_den.at[src_v.at[pl.ds(j * C, C)]], sem_sw,
                         add=True)
        return carry

    lax.fori_loop(0, NCHUNK, _chunk, 0)

    pltpu.make_async_copy(ssrc_hbm.at[src_v.at[pl.ds(LAST * C, C)]], gs_v, sem_g).wait()
    pltpu.make_async_copy(sdst_hbm.at[dst_v.at[pl.ds(LAST * C, C)]], gd_v, sem_h).wait()
    pltpu.make_async_copy(wh_hbm.at[dst_v.at[pl.ds(LAST * C, C)]],
                          rows_v.at[(LAST + 1) & 1], sem_r).wait()
    pltpu.make_async_copy(rows_v.at[LAST & 1], acc_num.at[src_v.at[pl.ds(LAST * C, C)]],
                          sem_sr).wait()
    pltpu.make_async_copy(w_v.at[LAST & 1], acc_den.at[src_v.at[pl.ds(LAST * C, C)]],
                          sem_sw).wait()
    plsc.subcore_barrier()

    for b in range(7):
        r0 = base + b * C
        pltpu.sync_copy(acc_num.at[pl.ds(r0, C)], rows_v.at[0])
        pltpu.sync_copy(rows_v.at[0], num_hbm.at[c_idx, pl.ds(r0, C)])
        pltpu.sync_copy(acc_den.at[pl.ds(r0, C)], w_v.at[0])
        pltpu.sync_copy(w_v.at[0], den_hbm.at[c_idx, pl.ds(r0, C)])
    r0 = base + 560
    pltpu.sync_copy(acc_num.at[pl.ds(r0, 65)], rows_v.at[0, pl.ds(0, 65)])
    pltpu.sync_copy(rows_v.at[0, pl.ds(0, 65)],
                    num_hbm.at[c_idx, pl.ds(r0, 65)])
    pltpu.sync_copy(acc_den.at[pl.ds(r0, 65)], w_v.at[0, pl.ds(0, 65)])
    pltpu.sync_copy(w_v.at[0, pl.ds(0, 65)],
                    den_hbm.at[c_idx, pl.ds(r0, 65)])


def _sc_edge(wh_tab, ssrc_tab, sdst_tab, edge_index):
    mesh = plsc.VectorSubcoreMesh(core_axis_name="c", subcore_axis_name="s",
                                  num_cores=NC, num_subcores=NS)
    f = pl.kernel(
        _sc_body,
        out_type=[
            jax.ShapeDtypeStruct((NC, N, IN_F), jnp.float32),
            jax.ShapeDtypeStruct((NC, N, HEADS), jnp.float32),
        ],
        mesh=mesh,
        compiler_params=pltpu.CompilerParams(needs_layout_passes=False,
                                             use_tc_tiling_on_sc=False),
        scratch_types=[
            pltpu.VMEM((EW,), jnp.int32),
            pltpu.VMEM((EW,), jnp.int32),
            pltpu.VMEM((C, HEADS), jnp.float32),
            pltpu.VMEM((C, HEADS), jnp.float32),
            pltpu.VMEM((2, C, HEADS), jnp.float32),
            pltpu.VMEM((2, C, IN_F), jnp.float32),
            pltpu.VMEM_SHARED((N, IN_F), jnp.float32),
            pltpu.VMEM_SHARED((N, HEADS), jnp.float32),
            pltpu.SemaphoreType.DMA,
            pltpu.SemaphoreType.DMA,
            pltpu.SemaphoreType.DMA,
            pltpu.SemaphoreType.DMA,
            pltpu.SemaphoreType.DMA,
        ],
    )
    return f(wh_tab, ssrc_tab, sdst_tab, edge_index)


def _norm_body(num_ref, den_ref, perm_ref, exp_ref, out_ref):
    num = num_ref[0] + num_ref[1]
    den = den_ref[0] + den_ref[1]
    inv = 1.0 / (den + 1e-10)
    inv_hm = jnp.dot(inv, exp_ref[...], preferred_element_type=jnp.float32)
    out_ref[...] = jnp.dot(num * inv_hm, perm_ref[...],
                           preferred_element_type=jnp.float32)


def _normalize(num, den, perm, expand):
    BN = 1000
    return pl.pallas_call(
        _norm_body,
        grid=(N // BN,),
        in_specs=[
            pl.BlockSpec((NC, BN, IN_F), lambda i: (0, i, 0)),
            pl.BlockSpec((NC, BN, HEADS), lambda i: (0, i, 0)),
            pl.BlockSpec((IN_F, IN_F), lambda i: (0, 0)),
            pl.BlockSpec((HEADS, IN_F), lambda i: (0, 0)),
        ],
        out_specs=pl.BlockSpec((BN, IN_F), lambda i: (i, 0)),
        out_shape=jax.ShapeDtypeStruct((N, IN_F), jnp.float32),
    )(num, den, perm, expand)


@jax.jit
def kernel(x, edge_index, W, a):
    w_cat = jnp.transpose(W, (1, 2, 0)).reshape(IN_F, HEADS * OUT_F)

    wh_tab, ssrc_tab, sdst_tab = _dense(x, w_cat, W, a)
    num, den = _sc_edge(wh_tab, ssrc_tab, sdst_tab, edge_index)
    return _normalize(num, den, jnp.asarray(_PERM), jnp.asarray(_EXPAND))

# --- scband reference (transcript-rebuilt; emitter-appended) ---
"""Pipeline reference for scband-sparse-gatconv-80762565034629 (READ-ONLY COPY).

The authoritative reference and input builder live on the scoring server;
editing this copy changes nothing except your own understanding.
"""

import jax, jax.numpy as jnp
import numpy as np

N = 10000
E = 320000
IN_F = 128
OUT_F = 16
HEADS = 8
ALPHA = 0.2


def _glorot(key, shape):
    fan_in, fan_out = shape[-2], shape[-1]
    limit = np.sqrt(6.0 / (fan_in + fan_out))
    return jax.random.uniform(key, shape, dtype=jnp.float32, minval=-limit, maxval=limit)


def setup_inputs(seed: int = 0) -> dict:
    key = jax.random.key(seed)
    k1, k2, k3, k4 = jax.random.split(key, 4)
    x = jax.random.normal(k1, (N, IN_F), dtype=jnp.float32)
    edge_index = jax.random.randint(k2, (2, E), 0, N, dtype=jnp.int32)
    W = _glorot(k3, (HEADS, IN_F, OUT_F))
    a = _glorot(k4, (HEADS, 2 * OUT_F, 1))
    return {"x": x, "edge_index": edge_index, "W": W, "a": a}


def reference(x, edge_index, W, a):
    # SparseGATConv forward (eval mode: dropout=0), reduction='concat', bias=False
    src = edge_index[0]
    dst = edge_index[1]
    outputs = []
    for h in range(HEADS):
        Wh = x @ W[h]                                   # [N, OUT_F]
        Whij = jnp.concatenate([Wh[src], Wh[dst]], axis=1)  # gather: [E, 2*OUT_F]
        edge_e = -jax.nn.leaky_relu(Whij @ a[h], negative_slope=ALPHA)  # [E, 1]
        # sparse softmax over edges grouped by source node
        e_max = jnp.max(edge_e)
        e_exp = jnp.exp(edge_e - e_max)                 # [E, 1]
        e_exp_sum = jax.ops.segment_sum(e_exp[:, 0], src, num_segments=N)[:, None]  # scatter-add
        e_exp_sum = e_exp_sum + 1e-10
        attention = e_exp / e_exp_sum[src]              # gather + divide: [E, 1]
        # sparse matmul: scatter-add attention-weighted target features into source rows
        h_prime = jnp.zeros_like(Wh).at[src].add(attention * Wh[dst])
        outputs.append(h_prime)
    return jnp.concatenate(outputs, axis=1)            # [N, HEADS*OUT_F]

if __name__ == "__main__":
    import jax
    _d = setup_inputs()
    print(jax.jit(kernel)(*tuple(_d.values())))

</pallas_src>

<mosaic_0001>
#map = affine_map<(d0, d1) -> (0, 0)>
#map1 = affine_map<(d0, d1) -> (0, 0, 0)>
module attributes {stable_mosaic.version = 14 : i64} {
  func.func @_sc_body(%arg0: i32, %arg1: i32, %arg2: memref<10000x128xf32, #tpu.memory_space<hbm>>, %arg3: memref<10000x8xf32, #tpu.memory_space<hbm>>, %arg4: memref<10000x8xf32, #tpu.memory_space<hbm>>, %arg5: memref<2x320000xi32, #tpu.memory_space<hbm>>, %arg6: memref<2x10000x128xf32, #tpu.memory_space<hbm>>, %arg7: memref<2x10000x8xf32, #tpu.memory_space<hbm>>, %arg8: memref<10000xi32, #tpu.memory_space<vmem>>, %arg9: memref<10000xi32, #tpu.memory_space<vmem>>, %arg10: memref<80x8xf32, #tpu.memory_space<vmem>>, %arg11: memref<80x8xf32, #tpu.memory_space<vmem>>, %arg12: memref<2x80x8xf32, #tpu.memory_space<vmem>>, %arg13: memref<2x80x128xf32, #tpu.memory_space<vmem>>, %arg14: memref<10000x128xf32, #tpu.memory_space<vmem_shared>>, %arg15: memref<10000x8xf32, #tpu.memory_space<vmem_shared>>, %arg16: memref<!tpu.dma_semaphore, #tpu.memory_space<semaphore_mem>>, %arg17: memref<!tpu.dma_semaphore, #tpu.memory_space<semaphore_mem>>, %arg18: memref<!tpu.dma_semaphore, #tpu.memory_space<semaphore_mem>>, %arg19: memref<!tpu.dma_semaphore, #tpu.memory_space<semaphore_mem>>, %arg20: memref<!tpu.dma_semaphore, #tpu.memory_space<semaphore_mem>>) attributes {dimension_semantics = [#tpu.dimension_semantics<core_parallel>, #tpu.dimension_semantics<subcore_parallel>], iteration_bounds = array<i64: 2, 16>, scalar_prefetch = 0 : i64, scratch_operands = 13 : i64, tpu.core_type = #tpu.core_type<sc_vector_subcore>, window_params = [{transform_indices = #map}, {transform_indices = #map}, {transform_indices = #map}, {transform_indices = #map}, {transform_indices = #map1}, {transform_indices = #map1}]} {
    %mul3A = arith.constant 2 : i32
    %mul3A_0 = arith.muli %arg1, %mul3A : i32
    %add3A = arith.addi %mul3A_0, %arg0 : i32
    %iota3A = tpu.iota {dimensions = array<i32: 0>} : vector<16xi32>
    %shift_right_arithmetic3A = arith.constant 3 : i32
    %shift_right_arithmetic3A_1 = vector.broadcast %shift_right_arithmetic3A : i32 to vector<16xi32>
    %shift_right_arithmetic3A_2 = arith.shrsi %iota3A, %shift_right_arithmetic3A_1 : vector<16xi32>
    %and3A = arith.constant 7 : i32
    %and3A_3 = vector.broadcast %and3A : i32 to vector<16xi32>
    %and3A_4 = arith.andi %iota3A, %and3A_3 : vector<16xi32>
    %broadcast_in_dim3A = arith.constant 0.000000e+00 : f32
    %broadcast_in_dim3A_5 = vector.broadcast %broadcast_in_dim3A : f32 to vector<16xf32>
    %mul3A_6 = arith.constant 10000 : i32
    %mul3A_7 = arith.muli %add3A, %mul3A_6 : i32
    %run_scoped3A = arith.constant 0 : i32
    "tpu.region"() ({
      %run_scoped3A_205 = tpu.sem_alloc : memref<!tpu.dma_semaphore, #tpu.memory_space<semaphore_mem>>
      %dma_start3A_206 = tpu.memref_slice %arg5[%run_scoped3A, %mul3A_7] : memref<2x320000xi32, #tpu.memory_space<hbm>> -> memref<1x10000xi32, #tpu.memory_space<hbm>>
      %dma_start3A_207 = tpu.memref_squeeze %dma_start3A_206 : memref<1x10000xi32, #tpu.memory_space<hbm>> -> memref<10000xi32, #tpu.memory_space<hbm>>
      %dma_start3A_208 = tpu.memref_slice %arg5[%run_scoped3A, %mul3A_7] : memref<2x320000xi32, #tpu.memory_space<hbm>> -> memref<1x10000xi32, #tpu.memory_space<hbm>>
      %dma_start3A_209 = tpu.memref_squeeze %dma_start3A_208 : memref<1x10000xi32, #tpu.memory_space<hbm>> -> memref<10000xi32, #tpu.memory_space<hbm>>
      tpu.enqueue_dma source(%dma_start3A_209 : memref<10000xi32, #tpu.memory_space<hbm>>) target(%arg8 : memref<10000xi32, #tpu.memory_space<vmem>>) target_semaphore(%run_scoped3A_205 : memref<!tpu.dma_semaphore, #tpu.memory_space<semaphore_mem>>)
      %dma_wait3A_210 = tpu.memref_slice %arg5[%run_scoped3A, %mul3A_7] : memref<2x320000xi32, #tpu.memory_space<hbm>> -> memref<1x10000xi32, #tpu.memory_space<hbm>>
      %dma_wait3A_211 = tpu.memref_squeeze %dma_wait3A_210 : memref<1x10000xi32, #tpu.memory_space<hbm>> -> memref<10000xi32, #tpu.memory_space<hbm>>
      %dma_wait3A_212 = tpu.memref_slice %arg5[%run_scoped3A, %mul3A_7] : memref<2x320000xi32, #tpu.memory_space<hbm>> -> memref<1x10000xi32, #tpu.memory_space<hbm>>
      %dma_wait3A_213 = tpu.memref_squeeze %dma_wait3A_212 : memref<1x10000xi32, #tpu.memory_space<hbm>> -> memref<10000xi32, #tpu.memory_space<hbm>>
      tpu.wait_dma2 semaphore(%run_scoped3A_205 : memref<!tpu.dma_semaphore, #tpu.memory_space<semaphore_mem>>) src(%dma_wait3A_213 : memref<10000xi32, #tpu.memory_space<hbm>>) dst(%arg8 : memref<10000xi32, #tpu.memory_space<vmem>>)
      tpu.yield
    }) : () -> ()
    %mul3A_8 = arith.constant 10000 : i32
    %mul3A_9 = arith.muli %add3A, %mul3A_8 : i32
    %run_scoped3A_10 = arith.constant 1 : i32
    "tpu.region"() ({
      %run_scoped3A_205 = tpu.sem_alloc : memref<!tpu.dma_semaphore, #tpu.memory_space<semaphore_mem>>
      %dma_start3A_206 = tpu.memref_slice %arg5[%run_scoped3A_10, %mul3A_9] : memref<2x320000xi32, #tpu.memory_space<hbm>> -> memref<1x10000xi32, #tpu.memory_space<hbm>>
      %dma_start3A_207 = tpu.memref_squeeze %dma_start3A_206 : memref<1x10000xi32, #tpu.memory_space<hbm>> -> memref<10000xi32, #tpu.memory_space<hbm>>
      %dma_start3A_208 = tpu.memref_slice %arg5[%run_scoped3A_10, %mul3A_9] : memref<2x320000xi32, #tpu.memory_space<hbm>> -> memref<1x10000xi32, #tpu.memory_space<hbm>>
      %dma_start3A_209 = tpu.memref_squeeze %dma_start3A_208 : memref<1x10000xi32, #tpu.memory_space<hbm>> -> memref<10000xi32, #tpu.memory_space<hbm>>
      tpu.enqueue_dma source(%dma_start3A_209 : memref<10000xi32, #tpu.memory_space<hbm>>) target(%arg9 : memref<10000xi32, #tpu.memory_space<vmem>>) target_semaphore(%run_scoped3A_205 : memref<!tpu.dma_semaphore, #tpu.memory_space<semaphore_mem>>)
      %dma_wait3A_210 = tpu.memref_slice %arg5[%run_scoped3A_10, %mul3A_9] : memref<2x320000xi32, #tpu.memory_space<hbm>> -> memref<1x10000xi32, #tpu.memory_space<hbm>>
      %dma_wait3A_211 = tpu.memref_squeeze %dma_wait3A_210 : memref<1x10000xi32, #tpu.memory_space<hbm>> -> memref<10000xi32, #tpu.memory_space<hbm>>
      %dma_wait3A_212 = tpu.memref_slice %arg5[%run_scoped3A_10, %mul3A_9] : memref<2x320000xi32, #tpu.memory_space<hbm>> -> memref<1x10000xi32, #tpu.memory_space<hbm>>
      %dma_wait3A_213 = tpu.memref_squeeze %dma_wait3A_212 : memref<1x10000xi32, #tpu.memory_space<hbm>> -> memref<10000xi32, #tpu.memory_space<hbm>>
      tpu.wait_dma2 semaphore(%run_scoped3A_205 : memref<!tpu.dma_semaphore, #tpu.memory_space<semaphore_mem>>) src(%dma_wait3A_213 : memref<10000xi32, #tpu.memory_space<hbm>>) dst(%arg9 : memref<10000xi32, #tpu.memory_space<vmem>>)
      tpu.yield
    }) : () -> ()
    %scan3A = arith.constant 0 : i32
    %scan3A_11 = arith.constant 0 : i32
    %scan3A_12 = arith.constant 80 : i32
    %scan3A_13 = arith.addi %scan3A_11, %scan3A_12 : i32
    %scan3A_14 = arith.constant 1 : i32
    scf.for %scan3A_205 = %scan3A_11 to %scan3A_13 step %scan3A_14  : i32 {
      %swap3A = arith.constant 0 : i32
      %swap3A_206 = arith.index_cast %swap3A : i32 to index
      %swap3A_207 = arith.index_cast %scan3A_205 : i32 to index
      %swap3A_208 = arith.constant 0 : index
      %swap3A_209 = tpu.vector_load %arg13[%swap3A_206, %swap3A_207, %swap3A_208] {strides = array<i32>} : memref<2x80x128xf32, #tpu.memory_space<vmem>>, vector<16xf32>,
      tpu.vector_store %arg13[%swap3A_206, %swap3A_207, %swap3A_208], %broadcast_in_dim3A_5 {strides = array<i32>} : memref<2x80x128xf32, #tpu.memory_space<vmem>>, vector<16xf32>,
      %swap3A_210 = arith.constant 0 : i32
      %swap3A_211 = arith.index_cast %swap3A_210 : i32 to index
      %swap3A_212 = arith.index_cast %scan3A_205 : i32 to index
      %swap3A_213 = arith.constant 16 : index
      %swap3A_214 = tpu.vector_load %arg13[%swap3A_211, %swap3A_212, %swap3A_213] {strides = array<i32>} : memref<2x80x128xf32, #tpu.memory_space<vmem>>, vector<16xf32>,
      tpu.vector_store %arg13[%swap3A_211, %swap3A_212, %swap3A_213], %broadcast_in_dim3A_5 {strides = array<i32>} : memref<2x80x128xf32, #tpu.memory_space<vmem>>, vector<16xf32>,
      %swap3A_215 = arith.constant 0 : i32
      %swap3A_216 = arith.index_cast %swap3A_215 : i32 to index
      %swap3A_217 = arith.index_cast %scan3A_205 : i32 to index
      %swap3A_218 = arith.constant 32 : index
      %swap3A_219 = tpu.vector_load %arg13[%swap3A_216, %swap3A_217, %swap3A_218] {strides = array<i32>} : memref<2x80x128xf32, #tpu.memory_space<vmem>>, vector<16xf32>,
      tpu.vector_store %arg13[%swap3A_216, %swap3A_217, %swap3A_218], %broadcast_in_dim3A_5 {strides = array<i32>} : memref<2x80x128xf32, #tpu.memory_space<vmem>>, vector<16xf32>,
      %swap3A_220 = arith.constant 0 : i32
      %swap3A_221 = arith.index_cast %swap3A_220 : i32 to index
      %swap3A_222 = arith.index_cast %scan3A_205 : i32 to index
      %swap3A_223 = arith.constant 48 : index
      %swap3A_224 = tpu.vector_load %arg13[%swap3A_221, %swap3A_222, %swap3A_223] {strides = array<i32>} : memref<2x80x128xf32, #tpu.memory_space<vmem>>, vector<16xf32>,
      tpu.vector_store %arg13[%swap3A_221, %swap3A_222, %swap3A_223], %broadcast_in_dim3A_5 {strides = array<i32>} : memref<2x80x128xf32, #tpu.memory_space<vmem>>, vector<16xf32>,
      %swap3A_225 = arith.constant 0 : i32
      %swap3A_226 = arith.index_cast %swap3A_225 : i32 to index
      %swap3A_227 = arith.index_cast %scan3A_205 : i32 to index
      %swap3A_228 = arith.constant 64 : index
      %swap3A_229 = tpu.vector_load %arg13[%swap3A_226, %swap3A_227, %swap3A_228] {strides = array<i32>} : memref<2x80x128xf32, #tpu.memory_space<vmem>>, vector<16xf32>,
      tpu.vector_store %arg13[%swap3A_226, %swap3A_227, %swap3A_228], %broadcast_in_dim3A_5 {strides = array<i32>} : memref<2x80x128xf32, #tpu.memory_space<vmem>>, vector<16xf32>,
      %swap3A_230 = arith.constant 0 : i32
      %swap3A_231 = arith.index_cast %swap3A_230 : i32 to index
      %swap3A_232 = arith.index_cast %scan3A_205 : i32 to index
      %swap3A_233 = arith.constant 80 : index
      %swap3A_234 = tpu.vector_load %arg13[%swap3A_231, %swap3A_232, %swap3A_233] {strides = array<i32>} : memref<2x80x128xf32, #tpu.memory_space<vmem>>, vector<16xf32>,
      tpu.vector_store %arg13[%swap3A_231, %swap3A_232, %swap3A_233], %broadcast_in_dim3A_5 {strides = array<i32>} : memref<2x80x128xf32, #tpu.memory_space<vmem>>, vector<16xf32>,
      %swap3A_235 = arith.constant 0 : i32
      %swap3A_236 = arith.index_cast %swap3A_235 : i32 to index
      %swap3A_237 = arith.index_cast %scan3A_205 : i32 to index
      %swap3A_238 = arith.constant 96 : index
      %swap3A_239 = tpu.vector_load %arg13[%swap3A_236, %swap3A_237, %swap3A_238] {strides = array<i32>} : memref<2x80x128xf32, #tpu.memory_space<vmem>>, vector<16xf32>,
      tpu.vector_store %arg13[%swap3A_236, %swap3A_237, %swap3A_238], %broadcast_in_dim3A_5 {strides = array<i32>} : memref<2x80x128xf32, #tpu.memory_space<vmem>>, vector<16xf32>,
      %swap3A_240 = arith.constant 0 : i32
      %swap3A_241 = arith.index_cast %swap3A_240 : i32 to index
      %swap3A_242 = arith.index_cast %scan3A_205 : i32 to index
      %swap3A_243 = arith.constant 112 : index
      %swap3A_244 = tpu.vector_load %arg13[%swap3A_241, %swap3A_242, %swap3A_243] {strides = array<i32>} : memref<2x80x128xf32, #tpu.memory_space<vmem>>, vector<16xf32>,
      tpu.vector_store %arg13[%swap3A_241, %swap3A_242, %swap3A_243], %broadcast_in_dim3A_5 {strides = array<i32>} : memref<2x80x128xf32, #tpu.memory_space<vmem>>, vector<16xf32>,
      %swap3A_245 = arith.constant 1 : i32
      %swap3A_246 = arith.index_cast %swap3A_245 : i32 to index
      %swap3A_247 = arith.index_cast %scan3A_205 : i32 to index
      %swap3A_248 = arith.constant 0 : index
      %swap3A_249 = tpu.vector_load %arg13[%swap3A_246, %swap3A_247, %swap3A_248] {strides = array<i32>} : memref<2x80x128xf32, #tpu.memory_space<vmem>>, vector<16xf32>,
      tpu.vector_store %arg13[%swap3A_246, %swap3A_247, %swap3A_248], %broadcast_in_dim3A_5 {strides = array<i32>} : memref<2x80x128xf32, #tpu.memory_space<vmem>>, vector<16xf32>,
      %swap3A_250 = arith.constant 1 : i32
      %swap3A_251 = arith.index_cast %swap3A_250 : i32 to index
      %swap3A_252 = arith.index_cast %scan3A_205 : i32 to index
      %swap3A_253 = arith.constant 16 : index
      %swap3A_254 = tpu.vector_load %arg13[%swap3A_251, %swap3A_252, %swap3A_253] {strides = array<i32>} : memref<2x80x128xf32, #tpu.memory_space<vmem>>, vector<16xf32>,
      tpu.vector_store %arg13[%swap3A_251, %swap3A_252, %swap3A_253], %broadcast_in_dim3A_5 {strides = array<i32>} : memref<2x80x128xf32, #tpu.memory_space<vmem>>, vector<16xf32>,
      %swap3A_255 = arith.constant 1 : i32
      %swap3A_256 = arith.index_cast %swap3A_255 : i32 to index
      %swap3A_257 = arith.index_cast %scan3A_205 : i32 to index
      %swap3A_258 = arith.constant 32 : index
      %swap3A_259 = tpu.vector_load %arg13[%swap3A_256, %swap3A_257, %swap3A_258] {strides = array<i32>} : memref<2x80x128xf32, #tpu.memory_space<vmem>>, vector<16xf32>,
      tpu.vector_store %arg13[%swap3A_256, %swap3A_257, %swap3A_258], %broadcast_in_dim3A_5 {strides = array<i32>} : memref<2x80x128xf32, #tpu.memory_space<vmem>>, vector<16xf32>,
      %swap3A_260 = arith.constant 1 : i32
      %swap3A_261 = arith.index_cast %swap3A_260 : i32 to index
      %swap3A_262 = arith.index_cast %scan3A_205 : i32 to index
      %swap3A_263 = arith.constant 48 : index
      %swap3A_264 = tpu.vector_load %arg13[%swap3A_261, %swap3A_262, %swap3A_263] {strides = array<i32>} : memref<2x80x128xf32, #tpu.memory_space<vmem>>, vector<16xf32>,
      tpu.vector_store %arg13[%swap3A_261, %swap3A_262, %swap3A_263], %broadcast_in_dim3A_5 {strides = array<i32>} : memref<2x80x128xf32, #tpu.memory_space<vmem>>, vector<16xf32>,
      %swap3A_265 = arith.constant 1 : i32
      %swap3A_266 = arith.index_cast %swap3A_265 : i32 to index
      %swap3A_267 = arith.index_cast %scan3A_205 : i32 to index
      %swap3A_268 = arith.constant 64 : index
      %swap3A_269 = tpu.vector_load %arg13[%swap3A_266, %swap3A_267, %swap3A_268] {strides = array<i32>} : memref<2x80x128xf32, #tpu.memory_space<vmem>>, vector<16xf32>,
      tpu.vector_store %arg13[%swap3A_266, %swap3A_267, %swap3A_268], %broadcast_in_dim3A_5 {strides = array<i32>} : memref<2x80x128xf32, #tpu.memory_space<vmem>>, vector<16xf32>,
      %swap3A_270 = arith.constant 1 : i32
      %swap3A_271 = arith.index_cast %swap3A_270 : i32 to index
      %swap3A_272 = arith.index_cast %scan3A_205 : i32 to index
      %swap3A_273 = arith.constant 80 : index
      %swap3A_274 = tpu.vector_load %arg13[%swap3A_271, %swap3A_272, %swap3A_273] {strides = array<i32>} : memref<2x80x128xf32, #tpu.memory_space<vmem>>, vector<16xf32>,
      tpu.vector_store %arg13[%swap3A_271, %swap3A_272, %swap3A_273], %broadcast_in_dim3A_5 {strides = array<i32>} : memref<2x80x128xf32, #tpu.memory_space<vmem>>, vector<16xf32>,
      %swap3A_275 = arith.constant 1 : i32
      %swap3A_276 = arith.index_cast %swap3A_275 : i32 to index
      %swap3A_277 = arith.index_cast %scan3A_205 : i32 to index
      %swap3A_278 = arith.constant 96 : index
      %swap3A_279 = tpu.vector_load %arg13[%swap3A_276, %swap3A_277, %swap3A_278] {strides = array<i32>} : memref<2x80x128xf32, #tpu.memory_space<vmem>>, vector<16xf32>,
      tpu.vector_store %arg13[%swap3A_276, %swap3A_277, %swap3A_278], %broadcast_in_dim3A_5 {strides = array<i32>} : memref<2x80x128xf32, #tpu.memory_space<vmem>>, vector<16xf32>,
      %swap3A_280 = arith.constant 1 : i32
      %swap3A_281 = arith.index_cast %swap3A_280 : i32 to index
      %swap3A_282 = arith.index_cast %scan3A_205 : i32 to index
      %swap3A_283 = arith.constant 112 : index
      %swap3A_284 = tpu.vector_load %arg13[%swap3A_281, %swap3A_282, %swap3A_283] {strides = array<i32>} : memref<2x80x128xf32, #tpu.memory_space<vmem>>, vector<16xf32>,
      tpu.vector_store %arg13[%swap3A_281, %swap3A_282, %swap3A_283], %broadcast_in_dim3A_5 {strides = array<i32>} : memref<2x80x128xf32, #tpu.memory_space<vmem>>, vector<16xf32>,
    }
    %scan3A_15 = arith.constant 80 : i32
    %scan3A_16 = arith.constant 0 : i32
    %scan3A_17 = arith.constant 0 : i32
    %scan3A_18 = arith.constant 40 : i32
    %scan3A_19 = arith.addi %scan3A_17, %scan3A_18 : i32
    %scan3A_20 = arith.constant 1 : i32
    scf.for %scan3A_205 = %scan3A_17 to %scan3A_19 step %scan3A_20  : i32 {
      %mul3A_206 = arith.constant 2 : i32
      %mul3A_207 = arith.muli %mul3A_206, %scan3A_205 : i32
      %add3A_208 = vector.broadcast %mul3A_207 : i32 to vector<16xi32>
      %add3A_209 = arith.addi %add3A_208, %shift_right_arithmetic3A_2 : vector<16xi32>
      %scatter3A = arith.constant 0 : i32
      %scatter3A_210 = arith.constant 0 : i32
      %scatter3A_211 = arith.constant 0 : i32
      %scatter3A_212 = tpu.memref_slice %arg12[%scatter3A, %scatter3A_210, %scatter3A_211] : memref<2x80x8xf32, #tpu.memory_space<vmem>> -> memref<1x80x8xf32, #tpu.memory_space<vmem>>
      %scatter3A_213 = tpu.memref_squeeze %scatter3A_212 : memref<1x80x8xf32, #tpu.memory_space<vmem>> -> memref<80x8xf32, #tpu.memory_space<vmem>>
      tpu.vector_store_idx %scatter3A_213[%add3A_209, %and3A_4], %broadcast_in_dim3A_5 : memref<80x8xf32, #tpu.memory_space<vmem>>[vector<16xi32>, vector<16xi32>], vector<16xf32>,
      %mul3A_214 = arith.constant 2 : i32
      %mul3A_215 = arith.muli %mul3A_214, %scan3A_205 : i32
      %add3A_216 = vector.broadcast %mul3A_215 : i32 to vector<16xi32>
      %add3A_217 = arith.addi %add3A_216, %shift_right_arithmetic3A_2 : vector<16xi32>
      %scatter3A_218 = arith.constant 1 : i32
      %scatter3A_219 = arith.constant 0 : i32
      %scatter3A_220 = arith.constant 0 : i32
      %scatter3A_221 = tpu.memref_slice %arg12[%scatter3A_218, %scatter3A_219, %scatter3A_220] : memref<2x80x8xf32, #tpu.memory_space<vmem>> -> memref<1x80x8xf32, #tpu.memory_space<vmem>>
      %scatter3A_222 = tpu.memref_squeeze %scatter3A_221 : memref<1x80x8xf32, #tpu.memory_space<vmem>> -> memref<80x8xf32, #tpu.memory_space<vmem>>
      tpu.vector_store_idx %scatter3A_222[%add3A_217, %and3A_4], %broadcast_in_dim3A_5 : memref<80x8xf32, #tpu.memory_space<vmem>>[vector<16xi32>, vector<16xi32>], vector<16xf32>,
    }
    %scan3A_21 = arith.constant 40 : i32
    %mul3A_22 = arith.constant 625 : i32
    %mul3A_23 = arith.muli %arg1, %mul3A_22 : i32
    %add3A_24 = arith.constant 0 : i32
    %add3A_25 = arith.addi %mul3A_23, %add3A_24 : i32
    %run_scoped3A_26 = arith.constant 0 : i32
    "tpu.region"() ({
      %run_scoped3A_205 = tpu.sem_alloc : memref<!tpu.dma_semaphore, #tpu.memory_space<semaphore_mem>>
      %dma_start3A_206 = arith.constant 0 : i32
      %dma_start3A_207 = arith.constant 0 : i32
      %dma_start3A_208 = tpu.memref_slice %arg13[%run_scoped3A_26, %dma_start3A_206, %dma_start3A_207] : memref<2x80x128xf32, #tpu.memory_space<vmem>> -> memref<1x80x128xf32, #tpu.memory_space<vmem>>
      %dma_start3A_209 = tpu.memref_squeeze %dma_start3A_208 : memref<1x80x128xf32, #tpu.memory_space<vmem>> -> memref<80x128xf32, #tpu.memory_space<vmem>>
      %dma_start3A_210 = arith.constant 0 : i32
      %dma_start3A_211 = tpu.memref_slice %arg14[%add3A_25, %dma_start3A_210] : memref<10000x128xf32, #tpu.memory_space<vmem_shared>> -> memref<80x128xf32, #tpu.memory_space<vmem_shared>>
      %dma_start3A_212 = arith.constant 0 : i32
      %dma_start3A_213 = tpu.memref_slice %arg14[%add3A_25, %dma_start3A_212] : memref<10000x128xf32, #tpu.memory_space<vmem_shared>> -> memref<80x128xf32, #tpu.memory_space<vmem_shared>>
      %dma_start3A_214 = arith.constant 0 : i32
      %dma_start3A_215 = arith.constant 0 : i32
      %dma_start3A_216 = tpu.memref_slice %arg13[%run_scoped3A_26, %dma_start3A_214, %dma_start3A_215] : memref<2x80x128xf32, #tpu.memory_space<vmem>> -> memref<1x80x128xf32, #tpu.memory_space<vmem>>
      %dma_start3A_217 = tpu.memref_squeeze %dma_start3A_216 : memref<1x80x128xf32, #tpu.memory_space<vmem>> -> memref<80x128xf32, #tpu.memory_space<vmem>>
      tpu.enqueue_dma source(%dma_start3A_217 : memref<80x128xf32, #tpu.memory_space<vmem>>) target(%dma_start3A_213 : memref<80x128xf32, #tpu.memory_space<vmem_shared>>) target_semaphore(%run_scoped3A_205 : memref<!tpu.dma_semaphore, #tpu.memory_space<semaphore_mem>>)
      %dma_wait3A_218 = arith.constant 0 : i32
      %dma_wait3A_219 = arith.constant 0 : i32
      %dma_wait3A_220 = tpu.memref_slice %arg13[%run_scoped3A_26, %dma_wait3A_218, %dma_wait3A_219] : memref<2x80x128xf32, #tpu.memory_space<vmem>> -> memref<1x80x128xf32, #tpu.memory_space<vmem>>
      %dma_wait3A_221 = tpu.memref_squeeze %dma_wait3A_220 : memref<1x80x128xf32, #tpu.memory_space<vmem>> -> memref<80x128xf32, #tpu.memory_space<vmem>>
      %dma_wait3A_222 = arith.constant 0 : i32
      %dma_wait3A_223 = tpu.memref_slice %arg14[%add3A_25, %dma_wait3A_222] : memref<10000x128xf32, #tpu.memory_space<vmem_shared>> -> memref<80x128xf32, #tpu.memory_space<vmem_shared>>
      %dma_wait3A_224 = arith.constant 0 : i32
      %dma_wait3A_225 = tpu.memref_slice %arg14[%add3A_25, %dma_wait3A_224] : memref<10000x128xf32, #tpu.memory_space<vmem_shared>> -> memref<80x128xf32, #tpu.memory_space<vmem_shared>>
      %dma_wait3A_226 = arith.constant 0 : i32
      %dma_wait3A_227 = arith.constant 0 : i32
      %dma_wait3A_228 = tpu.memref_slice %arg13[%run_scoped3A_26, %dma_wait3A_226, %dma_wait3A_227] : memref<2x80x128xf32, #tpu.memory_space<vmem>> -> memref<1x80x128xf32, #tpu.memory_space<vmem>>
      %dma_wait3A_229 = tpu.memref_squeeze %dma_wait3A_228 : memref<1x80x128xf32, #tpu.memory_space<vmem>> -> memref<80x128xf32, #tpu.memory_space<vmem>>
      tpu.wait_dma2 semaphore(%run_scoped3A_205 : memref<!tpu.dma_semaphore, #tpu.memory_space<semaphore_mem>>) src(%dma_wait3A_229 : memref<80x128xf32, #tpu.memory_space<vmem>>) dst(%dma_wait3A_225 : memref<80x128xf32, #tpu.memory_space<vmem_shared>>)
      tpu.yield
    }) : () -> ()
    %add3A_27 = arith.constant 0 : i32
    %add3A_28 = arith.addi %mul3A_23, %add3A_27 : i32
    %run_scoped3A_29 = arith.constant 0 : i32
    "tpu.region"() ({
      %run_scoped3A_205 = tpu.sem_alloc : memref<!tpu.dma_semaphore, #tpu.memory_space<semaphore_mem>>
      %dma_start3A_206 = arith.constant 0 : i32
      %dma_start3A_207 = arith.constant 0 : i32
      %dma_start3A_208 = tpu.memref_slice %arg12[%run_scoped3A_29, %dma_start3A_206, %dma_start3A_207] : memref<2x80x8xf32, #tpu.memory_space<vmem>> -> memref<1x80x8xf32, #tpu.memory_space<vmem>>
      %dma_start3A_209 = tpu.memref_squeeze %dma_start3A_208 : memref<1x80x8xf32, #tpu.memory_space<vmem>> -> memref<80x8xf32, #tpu.memory_space<vmem>>
      %dma_start3A_210 = arith.constant 0 : i32
      %dma_start3A_211 = tpu.memref_slice %arg15[%add3A_28, %dma_start3A_210] : memref<10000x8xf32, #tpu.memory_space<vmem_shared>> -> memref<80x8xf32, #tpu.memory_space<vmem_shared>>
      %dma_start3A_212 = arith.constant 0 : i32
      %dma_start3A_213 = tpu.memref_slice %arg15[%add3A_28, %dma_start3A_212] : memref<10000x8xf32, #tpu.memory_space<vmem_shared>> -> memref<80x8xf32, #tpu.memory_space<vmem_shared>>
      %dma_start3A_214 = arith.constant 0 : i32
      %dma_start3A_215 = arith.constant 0 : i32
      %dma_start3A_216 = tpu.memref_slice %arg12[%run_scoped3A_29, %dma_start3A_214, %dma_start3A_215] : memref<2x80x8xf32, #tpu.memory_space<vmem>> -> memref<1x80x8xf32, #tpu.memory_space<vmem>>
      %dma_start3A_217 = tpu.memref_squeeze %dma_start3A_216 : memref<1x80x8xf32, #tpu.memory_space<vmem>> -> memref<80x8xf32, #tpu.memory_space<vmem>>
      tpu.enqueue_dma source(%dma_start3A_217 : memref<80x8xf32, #tpu.memory_space<vmem>>) target(%dma_start3A_213 : memref<80x8xf32, #tpu.memory_space<vmem_shared>>) target_semaphore(%run_scoped3A_205 : memref<!tpu.dma_semaphore, #tpu.memory_space<semaphore_mem>>)
      %dma_wait3A_218 = arith.constant 0 : i32
      %dma_wait3A_219 = arith.constant 0 : i32
      %dma_wait3A_220 = tpu.memref_slice %arg12[%run_scoped3A_29, %dma_wait3A_218, %dma_wait3A_219] : memref<2x80x8xf32, #tpu.memory_space<vmem>> -> memref<1x80x8xf32, #tpu.memory_space<vmem>>
      %dma_wait3A_221 = tpu.memref_squeeze %dma_wait3A_220 : memref<1x80x8xf32, #tpu.memory_space<vmem>> -> memref<80x8xf32, #tpu.memory_space<vmem>>
      %dma_wait3A_222 = arith.constant 0 : i32
      %dma_wait3A_223 = tpu.memref_slice %arg15[%add3A_28, %dma_wait3A_222] : memref<10000x8xf32, #tpu.memory_space<vmem_shared>> -> memref<80x8xf32, #tpu.memory_space<vmem_shared>>
      %dma_wait3A_224 = arith.constant 0 : i32
      %dma_wait3A_225 = tpu.memref_slice %arg15[%add3A_28, %dma_wait3A_224] : memref<10000x8xf32, #tpu.memory_space<vmem_shared>> -> memref<80x8xf32, #tpu.memory_space<vmem_shared>>
      %dma_wait3A_226 = arith.constant 0 : i32
      %dma_wait3A_227 = arith.constant 0 : i32
      %dma_wait3A_228 = tpu.memref_slice %arg12[%run_scoped3A_29, %dma_wait3A_226, %dma_wait3A_227] : memref<2x80x8xf32, #tpu.memory_space<vmem>> -> memref<1x80x8xf32, #tpu.memory_space<vmem>>
      %dma_wait3A_229 = tpu.memref_squeeze %dma_wait3A_228 : memref<1x80x8xf32, #tpu.memory_space<vmem>> -> memref<80x8xf32, #tpu.memory_space<vmem>>
      tpu.wait_dma2 semaphore(%run_scoped3A_205 : memref<!tpu.dma_semaphore, #tpu.memory_space<semaphore_mem>>) src(%dma_wait3A_229 : memref<80x8xf32, #tpu.memory_space<vmem>>) dst(%dma_wait3A_225 : memref<80x8xf32, #tpu.memory_space<vmem_shared>>)
      tpu.yield
    }) : () -> ()
    %add3A_30 = arith.constant 80 : i32
    %add3A_31 = arith.addi %mul3A_23, %add3A_30 : i32
    %run_scoped3A_32 = arith.constant 0 : i32
    "tpu.region"() ({
      %run_scoped3A_205 = tpu.sem_alloc : memref<!tpu.dma_semaphore, #tpu.memory_space<semaphore_mem>>
      %dma_start3A_206 = arith.constant 0 : i32
      %dma_start3A_207 = arith.constant 0 : i32
      %dma_start3A_208 = tpu.memref_slice %arg13[%run_scoped3A_32, %dma_start3A_206, %dma_start3A_207] : memref<2x80x128xf32, #tpu.memory_space<vmem>> -> memref<1x80x128xf32, #tpu.memory_space<vmem>>
      %dma_start3A_209 = tpu.memref_squeeze %dma_start3A_208 : memref<1x80x128xf32, #tpu.memory_space<vmem>> -> memref<80x128xf32, #tpu.memory_space<vmem>>
      %dma_start3A_210 = arith.constant 0 : i32
      %dma_start3A_211 = tpu.memref_slice %arg14[%add3A_31, %dma_start3A_210] : memref<10000x128xf32, #tpu.memory_space<vmem_shared>> -> memref<80x128xf32, #tpu.memory_space<vmem_shared>>
      %dma_start3A_212 = arith.constant 0 : i32
      %dma_start3A_213 = tpu.memref_slice %arg14[%add3A_31, %dma_start3A_212] : memref<10000x128xf32, #tpu.memory_space<vmem_shared>> -> memref<80x128xf32, #tpu.memory_space<vmem_shared>>
      %dma_start3A_214 = arith.constant 0 : i32
      %dma_start3A_215 = arith.constant 0 : i32
      %dma_start3A_216 = tpu.memref_slice %arg13[%run_scoped3A_32, %dma_start3A_214, %dma_start3A_215] : memref<2x80x128xf32, #tpu.memory_space<vmem>> -> memref<1x80x128xf32, #tpu.memory_space<vmem>>
      %dma_start3A_217 = tpu.memref_squeeze %dma_start3A_216 : memref<1x80x128xf32, #tpu.memory_space<vmem>> -> memref<80x128xf32, #tpu.memory_space<vmem>>
      tpu.enqueue_dma source(%dma_start3A_217 : memref<80x128xf32, #tpu.memory_space<vmem>>) target(%dma_start3A_213 : memref<80x128xf32, #tpu.memory_space<vmem_shared>>) target_semaphore(%run_scoped3A_205 : memref<!tpu.dma_semaphore, #tpu.memory_space<semaphore_mem>>)
      %dma_wait3A_218 = arith.constant 0 : i32
      %dma_wait3A_219 = arith.constant 0 : i32
      %dma_wait3A_220 = tpu.memref_slice %arg13[%run_scoped3A_32, %dma_wait3A_218, %dma_wait3A_219] : memref<2x80x128xf32, #tpu.memory_space<vmem>> -> memref<1x80x128xf32, #tpu.memory_space<vmem>>
      %dma_wait3A_221 = tpu.memref_squeeze %dma_wait3A_220 : memref<1x80x128xf32, #tpu.memory_space<vmem>> -> memref<80x128xf32, #tpu.memory_space<vmem>>
      %dma_wait3A_222 = arith.constant 0 : i32
      %dma_wait3A_223 = tpu.memref_slice %arg14[%add3A_31, %dma_wait3A_222] : memref<10000x128xf32, #tpu.memory_space<vmem_shared>> -> memref<80x128xf32, #tpu.memory_space<vmem_shared>>
      %dma_wait3A_224 = arith.constant 0 : i32
      %dma_wait3A_225 = tpu.memref_slice %arg14[%add3A_31, %dma_wait3A_224] : memref<10000x128xf32, #tpu.memory_space<vmem_shared>> -> memref<80x128xf32, #tpu.memory_space<vmem_shared>>
      %dma_wait3A_226 = arith.constant 0 : i32
      %dma_wait3A_227 = arith.constant 0 : i32
      %dma_wait3A_228 = tpu.memref_slice %arg13[%run_scoped3A_32, %dma_wait3A_226, %dma_wait3A_227] : memref<2x80x128xf32, #tpu.memory_space<vmem>> -> memref<1x80x128xf32, #tpu.memory_space<vmem>>
      %dma_wait3A_229 = tpu.memref_squeeze %dma_wait3A_228 : memref<1x80x128xf32, #tpu.memory_space<vmem>> -> memref<80x128xf32, #tpu.memory_space<vmem>>
      tpu.wait_dma2 semaphore(%run_scoped3A_205 : memref<!tpu.dma_semaphore, #tpu.memory_space<semaphore_mem>>) src(%dma_wait3A_229 : memref<80x128xf32, #tpu.memory_space<vmem>>) dst(%dma_wait3A_225 : memref<80x128xf32, #tpu.memory_space<vmem_shared>>)
      tpu.yield
    }) : () -> ()
    %add3A_33 = arith.constant 80 : i32
    %add3A_34 = arith.addi %mul3A_23, %add3A_33 : i32
    %run_scoped3A_35 = arith.constant 0 : i32
    "tpu.region"() ({
      %run_scoped3A_205 = tpu.sem_alloc : memref<!tpu.dma_semaphore, #tpu.memory_space<semaphore_mem>>
      %dma_start3A_206 = arith.constant 0 : i32
      %dma_start3A_207 = arith.constant 0 : i32
      %dma_start3A_208 = tpu.memref_slice %arg12[%run_scoped3A_35, %dma_start3A_206, %dma_start3A_207] : memref<2x80x8xf32, #tpu.memory_space<vmem>> -> memref<1x80x8xf32, #tpu.memory_space<vmem>>
      %dma_start3A_209 = tpu.memref_squeeze %dma_start3A_208 : memref<1x80x8xf32, #tpu.memory_space<vmem>> -> memref<80x8xf32, #tpu.memory_space<vmem>>
      %dma_start3A_210 = arith.constant 0 : i32
      %dma_start3A_211 = tpu.memref_slice %arg15[%add3A_34, %dma_start3A_210] : memref<10000x8xf32, #tpu.memory_space<vmem_shared>> -> memref<80x8xf32, #tpu.memory_space<vmem_shared>>
      %dma_start3A_212 = arith.constant 0 : i32
      %dma_start3A_213 = tpu.memref_slice %arg15[%add3A_34, %dma_start3A_212] : memref<10000x8xf32, #tpu.memory_space<vmem_shared>> -> memref<80x8xf32, #tpu.memory_space<vmem_shared>>
      %dma_start3A_214 = arith.constant 0 : i32
      %dma_start3A_215 = arith.constant 0 : i32
      %dma_start3A_216 = tpu.memref_slice %arg12[%run_scoped3A_35, %dma_start3A_214, %dma_start3A_215] : memref<2x80x8xf32, #tpu.memory_space<vmem>> -> memref<1x80x8xf32, #tpu.memory_space<vmem>>
      %dma_start3A_217 = tpu.memref_squeeze %dma_start3A_216 : memref<1x80x8xf32, #tpu.memory_space<vmem>> -> memref<80x8xf32, #tpu.memory_space<vmem>>
      tpu.enqueue_dma source(%dma_start3A_217 : memref<80x8xf32, #tpu.memory_space<vmem>>) target(%dma_start3A_213 : memref<80x8xf32, #tpu.memory_space<vmem_shared>>) target_semaphore(%run_scoped3A_205 : memref<!tpu.dma_semaphore, #tpu.memory_space<semaphore_mem>>)
      %dma_wait3A_218 = arith.constant 0 : i32
      %dma_wait3A_219 = arith.constant 0 : i32
      %dma_wait3A_220 = tpu.memref_slice %arg12[%run_scoped3A_35, %dma_wait3A_218, %dma_wait3A_219] : memref<2x80x8xf32, #tpu.memory_space<vmem>> -> memref<1x80x8xf32, #tpu.memory_space<vmem>>
      %dma_wait3A_221 = tpu.memref_squeeze %dma_wait3A_220 : memref<1x80x8xf32, #tpu.memory_space<vmem>> -> memref<80x8xf32, #tpu.memory_space<vmem>>
      %dma_wait3A_222 = arith.constant 0 : i32
      %dma_wait3A_223 = tpu.memref_slice %arg15[%add3A_34, %dma_wait3A_222] : memref<10000x8xf32, #tpu.memory_space<vmem_shared>> -> memref<80x8xf32, #tpu.memory_space<vmem_shared>>
      %dma_wait3A_224 = arith.constant 0 : i32
      %dma_wait3A_225 = tpu.memref_slice %arg15[%add3A_34, %dma_wait3A_224] : memref<10000x8xf32, #tpu.memory_space<vmem_shared>> -> memref<80x8xf32, #tpu.memory_space<vmem_shared>>
      %dma_wait3A_226 = arith.constant 0 : i32
      %dma_wait3A_227 = arith.constant 0 : i32
      %dma_wait3A_228 = tpu.memref_slice %arg12[%run_scoped3A_35, %dma_wait3A_226, %dma_wait3A_227] : memref<2x80x8xf32, #tpu.memory_space<vmem>> -> memref<1x80x8xf32, #tpu.memory_space<vmem>>
      %dma_wait3A_229 = tpu.memref_squeeze %dma_wait3A_228 : memref<1x80x8xf32, #tpu.memory_space<vmem>> -> memref<80x8xf32, #tpu.memory_space<vmem>>
      tpu.wait_dma2 semaphore(%run_scoped3A_205 : memref<!tpu.dma_semaphore, #tpu.memory_space<semaphore_mem>>) src(%dma_wait3A_229 : memref<80x8xf32, #tpu.memory_space<vmem>>) dst(%dma_wait3A_225 : memref<80x8xf32, #tpu.memory_space<vmem_shared>>)
      tpu.yield
    }) : () -> ()
    %add3A_36 = arith.constant 160 : i32
    %add3A_37 = arith.addi %mul3A_23, %add3A_36 : i32
    %run_scoped3A_38 = arith.constant 0 : i32
    "tpu.region"() ({
      %run_scoped3A_205 = tpu.sem_alloc : memref<!tpu.dma_semaphore, #tpu.memory_space<semaphore_mem>>
      %dma_start3A_206 = arith.constant 0 : i32
      %dma_start3A_207 = arith.constant 0 : i32
      %dma_start3A_208 = tpu.memref_slice %arg13[%run_scoped3A_38, %dma_start3A_206, %dma_start3A_207] : memref<2x80x128xf32, #tpu.memory_space<vmem>> -> memref<1x80x128xf32, #tpu.memory_space<vmem>>
      %dma_start3A_209 = tpu.memref_squeeze %dma_start3A_208 : memref<1x80x128xf32, #tpu.memory_space<vmem>> -> memref<80x128xf32, #tpu.memory_space<vmem>>
      %dma_start3A_210 = arith.constant 0 : i32
      %dma_start3A_211 = tpu.memref_slice %arg14[%add3A_37, %dma_start3A_210] : memref<10000x128xf32, #tpu.memory_space<vmem_shared>> -> memref<80x128xf32, #tpu.memory_space<vmem_shared>>
      %dma_start3A_212 = arith.constant 0 : i32
      %dma_start3A_213 = tpu.memref_slice %arg14[%add3A_37, %dma_start3A_212] : memref<10000x128xf32, #tpu.memory_space<vmem_shared>> -> memref<80x128xf32, #tpu.memory_space<vmem_shared>>
      %dma_start3A_214 = arith.constant 0 : i32
      %dma_start3A_215 = arith.constant 0 : i32
      %dma_start3A_216 = tpu.memref_slice %arg13[%run_scoped3A_38, %dma_start3A_214, %dma_start3A_215] : memref<2x80x128xf32, #tpu.memory_space<vmem>> -> memref<1x80x128xf32, #tpu.memory_space<vmem>>
      %dma_start3A_217 = tpu.memref_squeeze %dma_start3A_216 : memref<1x80x128xf32, #tpu.memory_space<vmem>> -> memref<80x128xf32, #tpu.memory_space<vmem>>
      tpu.enqueue_dma source(%dma_start3A_217 : memref<80x128xf32, #tpu.memory_space<vmem>>) target(%dma_start3A_213 : memref<80x128xf32, #tpu.memory_space<vmem_shared>>) target_semaphore(%run_scoped3A_205 : memref<!tpu.dma_semaphore, #tpu.memory_space<semaphore_mem>>)
      %dma_wait3A_218 = arith.constant 0 : i32
      %dma_wait3A_219 = arith.constant 0 : i32
      %dma_wait3A_220 = tpu.memref_slice %arg13[%run_scoped3A_38, %dma_wait3A_218, %dma_wait3A_219] : memref<2x80x128xf32, #tpu.memory_space<vmem>> -> memref<1x80x128xf32, #tpu.memory_space<vmem>>
      %dma_wait3A_221 = tpu.memref_squeeze %dma_wait3A_220 : memref<1x80x128xf32, #tpu.memory_space<vmem>> -> memref<80x128xf32, #tpu.memory_space<vmem>>
      %dma_wait3A_222 = arith.constant 0 : i32
      %dma_wait3A_223 = tpu.memref_slice %arg14[%add3A_37, %dma_wait3A_222] : memref<10000x128xf32, #tpu.memory_space<vmem_shared>> -> memref<80x128xf32, #tpu.memory_space<vmem_shared>>
      %dma_wait3A_224 = arith.constant 0 : i32
      %dma_wait3A_225 = tpu.memref_slice %arg14[%add3A_37, %dma_wait3A_224] : memref<10000x128xf32, #tpu.memory_space<vmem_shared>> -> memref<80x128xf32, #tpu.memory_space<vmem_shared>>
      %dma_wait3A_226 = arith.constant 0 : i32
      %dma_wait3A_227 = arith.constant 0 : i32
      %dma_wait3A_228 = tpu.memref_slice %arg13[%run_scoped3A_38, %dma_wait3A_226, %dma_wait3A_227] : memref<2x80x128xf32, #tpu.memory_space<vmem>> -> memref<1x80x128xf32, #tpu.memory_space<vmem>>
      %dma_wait3A_229 = tpu.memref_squeeze %dma_wait3A_228 : memref<1x80x128xf32, #tpu.memory_space<vmem>> -> memref<80x128xf32, #tpu.memory_space<vmem>>
      tpu.wait_dma2 semaphore(%run_scoped3A_205 : memref<!tpu.dma_semaphore, #tpu.memory_space<semaphore_mem>>) src(%dma_wait3A_229 : memref<80x128xf32, #tpu.memory_space<vmem>>) dst(%dma_wait3A_225 : memref<80x128xf32, #tpu.memory_space<vmem_shared>>)
      tpu.yield
    }) : () -> ()
    %add3A_39 = arith.constant 160 : i32
    %add3A_40 = arith.addi %mul3A_23, %add3A_39 : i32
    %run_scoped3A_41 = arith.constant 0 : i32
    "tpu.region"() ({
      %run_scoped3A_205 = tpu.sem_alloc : memref<!tpu.dma_semaphore, #tpu.memory_space<semaphore_mem>>
      %dma_start3A_206 = arith.constant 0 : i32
      %dma_start3A_207 = arith.constant 0 : i32
      %dma_start3A_208 = tpu.memref_slice %arg12[%run_scoped3A_41, %dma_start3A_206, %dma_start3A_207] : memref<2x80x8xf32, #tpu.memory_space<vmem>> -> memref<1x80x8xf32, #tpu.memory_space<vmem>>
      %dma_start3A_209 = tpu.memref_squeeze %dma_start3A_208 : memref<1x80x8xf32, #tpu.memory_space<vmem>> -> memref<80x8xf32, #tpu.memory_space<vmem>>
      %dma_start3A_210 = arith.constant 0 : i32
      %dma_start3A_211 = tpu.memref_slice %arg15[%add3A_40, %dma_start3A_210] : memref<10000x8xf32, #tpu.memory_space<vmem_shared>> -> memref<80x8xf32, #tpu.memory_space<vmem_shared>>
      %dma_start3A_212 = arith.constant 0 : i32
      %dma_start3A_213 = tpu.memref_slice %arg15[%add3A_40, %dma_start3A_212] : memref<10000x8xf32, #tpu.memory_space<vmem_shared>> -> memref<80x8xf32, #tpu.memory_space<vmem_shared>>
      %dma_start3A_214 = arith.constant 0 : i32
      %dma_start3A_215 = arith.constant 0 : i32
      %dma_start3A_216 = tpu.memref_slice %arg12[%run_scoped3A_41, %dma_start3A_214, %dma_start3A_215] : memref<2x80x8xf32, #tpu.memory_space<vmem>> -> memref<1x80x8xf32, #tpu.memory_space<vmem>>
      %dma_start3A_217 = tpu.memref_squeeze %dma_start3A_216 : memref<1x80x8xf32, #tpu.memory_space<vmem>> -> memref<80x8xf32, #tpu.memory_space<vmem>>
      tpu.enqueue_dma source(%dma_start3A_217 : memref<80x8xf32, #tpu.memory_space<vmem>>) target(%dma_start3A_213 : memref<80x8xf32, #tpu.memory_space<vmem_shared>>) target_semaphore(%run_scoped3A_205 : memref<!tpu.dma_semaphore, #tpu.memory_space<semaphore_mem>>)
      %dma_wait3A_218 = arith.constant 0 : i32
      %dma_wait3A_219 = arith.constant 0 : i32
      %dma_wait3A_220 = tpu.memref_slice %arg12[%run_scoped3A_41, %dma_wait3A_218, %dma_wait3A_219] : memref<2x80x8xf32, #tpu.memory_space<vmem>> -> memref<1x80x8xf32, #tpu.memory_space<vmem>>
      %dma_wait3A_221 = tpu.memref_squeeze %dma_wait3A_220 : memref<1x80x8xf32, #tpu.memory_space<vmem>> -> memref<80x8xf32, #tpu.memory_space<vmem>>
      %dma_wait3A_222 = arith.constant 0 : i32
      %dma_wait3A_223 = tpu.memref_slice %arg15[%add3A_40, %dma_wait3A_222] : memref<10000x8xf32, #tpu.memory_space<vmem_shared>> -> memref<80x8xf32, #tpu.memory_space<vmem_shared>>
      %dma_wait3A_224 = arith.constant 0 : i32
      %dma_wait3A_225 = tpu.memref_slice %arg15[%add3A_40, %dma_wait3A_224] : memref<10000x8xf32, #tpu.memory_space<vmem_shared>> -> memref<80x8xf32, #tpu.memory_space<vmem_shared>>
      %dma_wait3A_226 = arith.constant 0 : i32
      %dma_wait3A_227 = arith.constant 0 : i32
      %dma_wait3A_228 = tpu.memref_slice %arg12[%run_scoped3A_41, %dma_wait3A_226, %dma_wait3A_227] : memref<2x80x8xf32, #tpu.memory_space<vmem>> -> memref<1x80x8xf32, #tpu.memory_space<vmem>>
      %dma_wait3A_229 = tpu.memref_squeeze %dma_wait3A_228 : memref<1x80x8xf32, #tpu.memory_space<vmem>> -> memref<80x8xf32, #tpu.memory_space<vmem>>
      tpu.wait_dma2 semaphore(%run_scoped3A_205 : memref<!tpu.dma_semaphore, #tpu.memory_space<semaphore_mem>>) src(%dma_wait3A_229 : memref<80x8xf32, #tpu.memory_space<vmem>>) dst(%dma_wait3A_225 : memref<80x8xf32, #tpu.memory_space<vmem_shared>>)
      tpu.yield
    }) : () -> ()
    %add3A_42 = arith.constant 240 : i32
    %add3A_43 = arith.addi %mul3A_23, %add3A_42 : i32
    %run_scoped3A_44 = arith.constant 0 : i32
    "tpu.region"() ({
      %run_scoped3A_205 = tpu.sem_alloc : memref<!tpu.dma_semaphore, #tpu.memory_space<semaphore_mem>>
      %dma_start3A_206 = arith.constant 0 : i32
      %dma_start3A_207 = arith.constant 0 : i32
      %dma_start3A_208 = tpu.memref_slice %arg13[%run_scoped3A_44, %dma_start3A_206, %dma_start3A_207] : memref<2x80x128xf32, #tpu.memory_space<vmem>> -> memref<1x80x128xf32, #tpu.memory_space<vmem>>
      %dma_start3A_209 = tpu.memref_squeeze %dma_start3A_208 : memref<1x80x128xf32, #tpu.memory_space<vmem>> -> memref<80x128xf32, #tpu.memory_space<vmem>>
      %dma_start3A_210 = arith.constant 0 : i32
      %dma_start3A_211 = tpu.memref_slice %arg14[%add3A_43, %dma_start3A_210] : memref<10000x128xf32, #tpu.memory_space<vmem_shared>> -> memref<80x128xf32, #tpu.memory_space<vmem_shared>>
      %dma_start3A_212 = arith.constant 0 : i32
      %dma_start3A_213 = tpu.memref_slice %arg14[%add3A_43, %dma_start3A_212] : memref<10000x128xf32, #tpu.memory_space<vmem_shared>> -> memref<80x128xf32, #tpu.memory_space<vmem_shared>>
      %dma_start3A_214 = arith.constant 0 : i32
      %dma_start3A_215 = arith.constant 0 : i32
      %dma_start3A_216 = tpu.memref_slice %arg13[%run_scoped3A_44, %dma_start3A_214, %dma_start3A_215] : memref<2x80x128xf32, #tpu.memory_space<vmem>> -> memref<1x80x128xf32, #tpu.memory_space<vmem>>
      %dma_start3A_217 = tpu.memref_squeeze %dma_start3A_216 : memref<1x80x128xf32, #tpu.memory_space<vmem>> -> memref<80x128xf32, #tpu.memory_space<vmem>>
      tpu.enqueue_dma source(%dma_start3A_217 : memref<80x128xf32, #tpu.memory_space<vmem>>) target(%dma_start3A_213 : memref<80x128xf32, #tpu.memory_space<vmem_shared>>) target_semaphore(%run_scoped3A_205 : memref<!tpu.dma_semaphore, #tpu.memory_space<semaphore_mem>>)
      %dma_wait3A_218 = arith.constant 0 : i32
      %dma_wait3A_219 = arith.constant 0 : i32
      %dma_wait3A_220 = tpu.memref_slice %arg13[%run_scoped3A_44, %dma_wait3A_218, %dma_wait3A_219] : memref<2x80x128xf32, #tpu.memory_space<vmem>> -> memref<1x80x128xf32, #tpu.memory_space<vmem>>
      %dma_wait3A_221 = tpu.memref_squeeze %dma_wait3A_220 : memref<1x80x128xf32, #tpu.memory_space<vmem>> -> memref<80x128xf32, #tpu.memory_space<vmem>>
      %dma_wait3A_222 = arith.constant 0 : i32
      %dma_wait3A_223 = tpu.memref_slice %arg14[%add3A_43, %dma_wait3A_222] : memref<10000x128xf32, #tpu.memory_space<vmem_shared>> -> memref<80x128xf32, #tpu.memory_space<vmem_shared>>
      %dma_wait3A_224 = arith.constant 0 : i32
      %dma_wait3A_225 = tpu.memref_slice %arg14[%add3A_43, %dma_wait3A_224] : memref<10000x128xf32, #tpu.memory_space<vmem_shared>> -> memref<80x128xf32, #tpu.memory_space<vmem_shared>>
      %dma_wait3A_226 = arith.constant 0 : i32
      %dma_wait3A_227 = arith.constant 0 : i32
      %dma_wait3A_228 = tpu.memref_slice %arg13[%run_scoped3A_44, %dma_wait3A_226, %dma_wait3A_227] : memref<2x80x128xf32, #tpu.memory_space<vmem>> -> memref<1x80x128xf32, #tpu.memory_space<vmem>>
      %dma_wait3A_229 = tpu.memref_squeeze %dma_wait3A_228 : memref<1x80x128xf32, #tpu.memory_space<vmem>> -> memref<80x128xf32, #tpu.memory_space<vmem>>
      tpu.wait_dma2 semaphore(%run_scoped3A_205 : memref<!tpu.dma_semaphore, #tpu.memory_space<semaphore_mem>>) src(%dma_wait3A_229 : memref<80x128xf32, #tpu.memory_space<vmem>>) dst(%dma_wait3A_225 : memref<80x128xf32, #tpu.memory_space<vmem_shared>>)
      tpu.yield
    }) : () -> ()
    %add3A_45 = arith.constant 240 : i32
    %add3A_46 = arith.addi %mul3A_23, %add3A_45 : i32
    %run_scoped3A_47 = arith.constant 0 : i32
    "tpu.region"() ({
      %run_scoped3A_205 = tpu.sem_alloc : memref<!tpu.dma_semaphore, #tpu.memory_space<semaphore_mem>>
      %dma_start3A_206 = arith.constant 0 : i32
      %dma_start3A_207 = arith.constant 0 : i32
      %dma_start3A_208 = tpu.memref_slice %arg12[%run_scoped3A_47, %dma_start3A_206, %dma_start3A_207] : memref<2x80x8xf32, #tpu.memory_space<vmem>> -> memref<1x80x8xf32, #tpu.memory_space<vmem>>
      %dma_start3A_209 = tpu.memref_squeeze %dma_start3A_208 : memref<1x80x8xf32, #tpu.memory_space<vmem>> -> memref<80x8xf32, #tpu.memory_space<vmem>>
      %dma_start3A_210 = arith.constant 0 : i32
      %dma_start3A_211 = tpu.memref_slice %arg15[%add3A_46, %dma_start3A_210] : memref<10000x8xf32, #tpu.memory_space<vmem_shared>> -> memref<80x8xf32, #tpu.memory_space<vmem_shared>>
      %dma_start3A_212 = arith.constant 0 : i32
      %dma_start3A_213 = tpu.memref_slice %arg15[%add3A_46, %dma_start3A_212] : memref<10000x8xf32, #tpu.memory_space<vmem_shared>> -> memref<80x8xf32, #tpu.memory_space<vmem_shared>>
      %dma_start3A_214 = arith.constant 0 : i32
      %dma_start3A_215 = arith.constant 0 : i32
      %dma_start3A_216 = tpu.memref_slice %arg12[%run_scoped3A_47, %dma_start3A_214, %dma_start3A_215] : memref<2x80x8xf32, #tpu.memory_space<vmem>> -> memref<1x80x8xf32, #tpu.memory_space<vmem>>
      %dma_start3A_217 = tpu.memref_squeeze %dma_start3A_216 : memref<1x80x8xf32, #tpu.memory_space<vmem>> -> memref<80x8xf32, #tpu.memory_space<vmem>>
      tpu.enqueue_dma source(%dma_start3A_217 : memref<80x8xf32, #tpu.memory_space<vmem>>) target(%dma_start3A_213 : memref<80x8xf32, #tpu.memory_space<vmem_shared>>) target_semaphore(%run_scoped3A_205 : memref<!tpu.dma_semaphore, #tpu.memory_space<semaphore_mem>>)
      %dma_wait3A_218 = arith.constant 0 : i32
      %dma_wait3A_219 = arith.constant 0 : i32
      %dma_wait3A_220 = tpu.memref_slice %arg12[%run_scoped3A_47, %dma_wait3A_218, %dma_wait3A_219] : memref<2x80x8xf32, #tpu.memory_space<vmem>> -> memref<1x80x8xf32, #tpu.memory_space<vmem>>
      %dma_wait3A_221 = tpu.memref_squeeze %dma_wait3A_220 : memref<1x80x8xf32, #tpu.memory_space<vmem>> -> memref<80x8xf32, #tpu.memory_space<vmem>>
      %dma_wait3A_222 = arith.constant 0 : i32
      %dma_wait3A_223 = tpu.memref_slice %arg15[%add3A_46, %dma_wait3A_222] : memref<10000x8xf32, #tpu.memory_space<vmem_shared>> -> memref<80x8xf32, #tpu.memory_space<vmem_shared>>
      %dma_wait3A_224 = arith.constant 0 : i32
      %dma_wait3A_225 = tpu.memref_slice %arg15[%add3A_46, %dma_wait3A_224] : memref<10000x8xf32, #tpu.memory_space<vmem_shared>> -> memref<80x8xf32, #tpu.memory_space<vmem_shared>>
      %dma_wait3A_226 = arith.constant 0 : i32
      %dma_wait3A_227 = arith.constant 0 : i32
      %dma_wait3A_228 = tpu.memref_slice %arg12[%run_scoped3A_47, %dma_wait3A_226, %dma_wait3A_227] : memref<2x80x8xf32, #tpu.memory_space<vmem>> -> memref<1x80x8xf32, #tpu.memory_space<vmem>>
      %dma_wait3A_229 = tpu.memref_squeeze %dma_wait3A_228 : memref<1x80x8xf32, #tpu.memory_space<vmem>> -> memref<80x8xf32, #tpu.memory_space<vmem>>
      tpu.wait_dma2 semaphore(%run_scoped3A_205 : memref<!tpu.dma_semaphore, #tpu.memory_space<semaphore_mem>>) src(%dma_wait3A_229 : memref<80x8xf32, #tpu.memory_space<vmem>>) dst(%dma_wait3A_225 : memref<80x8xf32, #tpu.memory_space<vmem_shared>>)
      tpu.yield
    }) : () -> ()
    %add3A_48 = arith.constant 320 : i32
    %add3A_49 = arith.addi %mul3A_23, %add3A_48 : i32
    %run_scoped3A_50 = arith.constant 0 : i32
    "tpu.region"() ({
      %run_scoped3A_205 = tpu.sem_alloc : memref<!tpu.dma_semaphore, #tpu.memory_space<semaphore_mem>>
      %dma_start3A_206 = arith.constant 0 : i32
      %dma_start3A_207 = arith.constant 0 : i32
      %dma_start3A_208 = tpu.memref_slice %arg13[%run_scoped3A_50, %dma_start3A_206, %dma_start3A_207] : memref<2x80x128xf32, #tpu.memory_space<vmem>> -> memref<1x80x128xf32, #tpu.memory_space<vmem>>
      %dma_start3A_209 = tpu.memref_squeeze %dma_start3A_208 : memref<1x80x128xf32, #tpu.memory_space<vmem>> -> memref<80x128xf32, #tpu.memory_space<vmem>>
      %dma_start3A_210 = arith.constant 0 : i32
      %dma_start3A_211 = tpu.memref_slice %arg14[%add3A_49, %dma_start3A_210] : memref<10000x128xf32, #tpu.memory_space<vmem_shared>> -> memref<80x128xf32, #tpu.memory_space<vmem_shared>>
      %dma_start3A_212 = arith.constant 0 : i32
      %dma_start3A_213 = tpu.memref_slice %arg14[%add3A_49, %dma_start3A_212] : memref<10000x128xf32, #tpu.memory_space<vmem_shared>> -> memref<80x128xf32, #tpu.memory_space<vmem_shared>>
      %dma_start3A_214 = arith.constant 0 : i32
      %dma_start3A_215 = arith.constant 0 : i32
      %dma_start3A_216 = tpu.memref_slice %arg13[%run_scoped3A_50, %dma_start3A_214, %dma_start3A_215] : memref<2x80x128xf32, #tpu.memory_space<vmem>> -> memref<1x80x128xf32, #tpu.memory_space<vmem>>
      %dma_start3A_217 = tpu.memref_squeeze %dma_start3A_216 : memref<1x80x128xf32, #tpu.memory_space<vmem>> -> memref<80x128xf32, #tpu.memory_space<vmem>>
      tpu.enqueue_dma source(%dma_start3A_217 : memref<80x128xf32, #tpu.memory_space<vmem>>) target(%dma_start3A_213 : memref<80x128xf32, #tpu.memory_space<vmem_shared>>) target_semaphore(%run_scoped3A_205 : memref<!tpu.dma_semaphore, #tpu.memory_space<semaphore_mem>>)
      %dma_wait3A_218 = arith.constant 0 : i32
      %dma_wait3A_219 = arith.constant 0 : i32
      %dma_wait3A_220 = tpu.memref_slice %arg13[%run_scoped3A_50, %dma_wait3A_218, %dma_wait3A_219] : memref<2x80x128xf32, #tpu.memory_space<vmem>> -> memref<1x80x128xf32, #tpu.memory_space<vmem>>
      %dma_wait3A_221 = tpu.memref_squeeze %dma_wait3A_220 : memref<1x80x128xf32, #tpu.memory_space<vmem>> -> memref<80x128xf32, #tpu.memory_space<vmem>>
      %dma_wait3A_222 = arith.constant 0 : i32
      %dma_wait3A_223 = tpu.memref_slice %arg14[%add3A_49, %dma_wait3A_222] : memref<10000x128xf32, #tpu.memory_space<vmem_shared>> -> memref<80x128xf32, #tpu.memory_space<vmem_shared>>
      %dma_wait3A_224 = arith.constant 0 : i32
      %dma_wait3A_225 = tpu.memref_slice %arg14[%add3A_49, %dma_wait3A_224] : memref<10000x128xf32, #tpu.memory_space<vmem_shared>> -> memref<80x128xf32, #tpu.memory_space<vmem_shared>>
      %dma_wait3A_226 = arith.constant 0 : i32
      %dma_wait3A_227 = arith.constant 0 : i32
      %dma_wait3A_228 = tpu.memref_slice %arg13[%run_scoped3A_50, %dma_wait3A_226, %dma_wait3A_227] : memref<2x80x128xf32, #tpu.memory_space<vmem>> -> memref<1x80x128xf32, #tpu.memory_space<vmem>>
      %dma_wait3A_229 = tpu.memref_squeeze %dma_wait3A_228 : memref<1x80x128xf32, #tpu.memory_space<vmem>> -> memref<80x128xf32, #tpu.memory_space<vmem>>
      tpu.wait_dma2 semaphore(%run_scoped3A_205 : memref<!tpu.dma_semaphore, #tpu.memory_space<semaphore_mem>>) src(%dma_wait3A_229 : memref<80x128xf32, #tpu.memory_space<vmem>>) dst(%dma_wait3A_225 : memref<80x128xf32, #tpu.memory_space<vmem_shared>>)
      tpu.yield
    }) : () -> ()
    %add3A_51 = arith.constant 320 : i32
    %add3A_52 = arith.addi %mul3A_23, %add3A_51 : i32
    %run_scoped3A_53 = arith.constant 0 : i32
    "tpu.region"() ({
      %run_scoped3A_205 = tpu.sem_alloc : memref<!tpu.dma_semaphore, #tpu.memory_space<semaphore_mem>>
      %dma_start3A_206 = arith.constant 0 : i32
      %dma_start3A_207 = arith.constant 0 : i32
      %dma_start3A_208 = tpu.memref_slice %arg12[%run_scoped3A_53, %dma_start3A_206, %dma_start3A_207] : memref<2x80x8xf32, #tpu.memory_space<vmem>> -> memref<1x80x8xf32, #tpu.memory_space<vmem>>
      %dma_start3A_209 = tpu.memref_squeeze %dma_start3A_208 : memref<1x80x8xf32, #tpu.memory_space<vmem>> -> memref<80x8xf32, #tpu.memory_space<vmem>>
      %dma_start3A_210 = arith.constant 0 : i32
      %dma_start3A_211 = tpu.memref_slice %arg15[%add3A_52, %dma_start3A_210] : memref<10000x8xf32, #tpu.memory_space<vmem_shared>> -> memref<80x8xf32, #tpu.memory_space<vmem_shared>>
      %dma_start3A_212 = arith.constant 0 : i32
      %dma_start3A_213 = tpu.memref_slice %arg15[%add3A_52, %dma_start3A_212] : memref<10000x8xf32, #tpu.memory_space<vmem_shared>> -> memref<80x8xf32, #tpu.memory_space<vmem_shared>>
      %dma_start3A_214 = arith.constant 0 : i32
      %dma_start3A_215 = arith.constant 0 : i32
      %dma_start3A_216 = tpu.memref_slice %arg12[%run_scoped3A_53, %dma_start3A_214, %dma_start3A_215] : memref<2x80x8xf32, #tpu.memory_space<vmem>> -> memref<1x80x8xf32, #tpu.memory_space<vmem>>
      %dma_start3A_217 = tpu.memref_squeeze %dma_start3A_216 : memref<1x80x8xf32, #tpu.memory_space<vmem>> -> memref<80x8xf32, #tpu.memory_space<vmem>>
      tpu.enqueue_dma source(%dma_start3A_217 : memref<80x8xf32, #tpu.memory_space<vmem>>) target(%dma_start3A_213 : memref<80x8xf32, #tpu.memory_space<vmem_shared>>) target_semaphore(%run_scoped3A_205 : memref<!tpu.dma_semaphore, #tpu.memory_space<semaphore_mem>>)
      %dma_wait3A_218 = arith.constant 0 : i32
      %dma_wait3A_219 = arith.constant 0 : i32
      %dma_wait3A_220 = tpu.memref_slice %arg12[%run_scoped3A_53, %dma_wait3A_218, %dma_wait3A_219] : memref<2x80x8xf32, #tpu.memory_space<vmem>> -> memref<1x80x8xf32, #tpu.memory_space<vmem>>
      %dma_wait3A_221 = tpu.memref_squeeze %dma_wait3A_220 : memref<1x80x8xf32, #tpu.memory_space<vmem>> -> memref<80x8xf32, #tpu.memory_space<vmem>>
      %dma_wait3A_222 = arith.constant 0 : i32
      %dma_wait3A_223 = tpu.memref_slice %arg15[%add3A_52, %dma_wait3A_222] : memref<10000x8xf32, #tpu.memory_space<vmem_shared>> -> memref<80x8xf32, #tpu.memory_space<vmem_shared>>
      %dma_wait3A_224 = arith.constant 0 : i32
      %dma_wait3A_225 = tpu.memref_slice %arg15[%add3A_52, %dma_wait3A_224] : memref<10000x8xf32, #tpu.memory_space<vmem_shared>> -> memref<80x8xf32, #tpu.memory_space<vmem_shared>>
      %dma_wait3A_226 = arith.constant 0 : i32
      %dma_wait3A_227 = arith.constant 0 : i32
      %dma_wait3A_228 = tpu.memref_slice %arg12[%run_scoped3A_53, %dma_wait3A_226, %dma_wait3A_227] : memref<2x80x8xf32, #tpu.memory_space<vmem>> -> memref<1x80x8xf32, #tpu.memory_space<vmem>>
      %dma_wait3A_229 = tpu.memref_squeeze %dma_wait3A_228 : memref<1x80x8xf32, #tpu.memory_space<vmem>> -> memref<80x8xf32, #tpu.memory_space<vmem>>
      tpu.wait_dma2 semaphore(%run_scoped3A_205 : memref<!tpu.dma_semaphore, #tpu.memory_space<semaphore_mem>>) src(%dma_wait3A_229 : memref<80x8xf32, #tpu.memory_space<vmem>>) dst(%dma_wait3A_225 : memref<80x8xf32, #tpu.memory_space<vmem_shared>>)
      tpu.yield
    }) : () -> ()
    %add3A_54 = arith.constant 400 : i32
    %add3A_55 = arith.addi %mul3A_23, %add3A_54 : i32
    %run_scoped3A_56 = arith.constant 0 : i32
    "tpu.region"() ({
      %run_scoped3A_205 = tpu.sem_alloc : memref<!tpu.dma_semaphore, #tpu.memory_space<semaphore_mem>>
      %dma_start3A_206 = arith.constant 0 : i32
      %dma_start3A_207 = arith.constant 0 : i32
      %dma_start3A_208 = tpu.memref_slice %arg13[%run_scoped3A_56, %dma_start3A_206, %dma_start3A_207] : memref<2x80x128xf32, #tpu.memory_space<vmem>> -> memref<1x80x128xf32, #tpu.memory_space<vmem>>
      %dma_start3A_209 = tpu.memref_squeeze %dma_start3A_208 : memref<1x80x128xf32, #tpu.memory_space<vmem>> -> memref<80x128xf32, #tpu.memory_space<vmem>>
      %dma_start3A_210 = arith.constant 0 : i32
      %dma_start3A_211 = tpu.memref_slice %arg14[%add3A_55, %dma_start3A_210] : memref<10000x128xf32, #tpu.memory_space<vmem_shared>> -> memref<80x128xf32, #tpu.memory_space<vmem_shared>>
      %dma_start3A_212 = arith.constant 0 : i32
      %dma_start3A_213 = tpu.memref_slice %arg14[%add3A_55, %dma_start3A_212] : memref<10000x128xf32, #tpu.memory_space<vmem_shared>> -> memref<80x128xf32, #tpu.memory_space<vmem_shared>>
      %dma_start3A_214 = arith.constant 0 : i32
      %dma_start3A_215 = arith.constant 0 : i32
      %dma_start3A_216 = tpu.memref_slice %arg13[%run_scoped3A_56, %dma_start3A_214, %dma_start3A_215] : memref<2x80x128xf32, #tpu.memory_space<vmem>> -> memref<1x80x128xf32, #tpu.memory_space<vmem>>
      %dma_start3A_217 = tpu.memref_squeeze %dma_start3A_216 : memref<1x80x128xf32, #tpu.memory_space<vmem>> -> memref<80x128xf32, #tpu.memory_space<vmem>>
      tpu.enqueue_dma source(%dma_start3A_217 : memref<80x128xf32, #tpu.memory_space<vmem>>) target(%dma_start3A_213 : memref<80x128xf32, #tpu.memory_space<vmem_shared>>) target_semaphore(%run_scoped3A_205 : memref<!tpu.dma_semaphore, #tpu.memory_space<semaphore_mem>>)
      %dma_wait3A_218 = arith.constant 0 : i32
      %dma_wait3A_219 = arith.constant 0 : i32
      %dma_wait3A_220 = tpu.memref_slice %arg13[%run_scoped3A_56, %dma_wait3A_218, %dma_wait3A_219] : memref<2x80x128xf32, #tpu.memory_space<vmem>> -> memref<1x80x128xf32, #tpu.memory_space<vmem>>
      %dma_wait3A_221 = tpu.memref_squeeze %dma_wait3A_220 : memref<1x80x128xf32, #tpu.memory_space<vmem>> -> memref<80x128xf32, #tpu.memory_space<vmem>>
      %dma_wait3A_222 = arith.constant 0 : i32
      %dma_wait3A_223 = tpu.memref_slice %arg14[%add3A_55, %dma_wait3A_222] : memref<10000x128xf32, #tpu.memory_space<vmem_shared>> -> memref<80x128xf32, #tpu.memory_space<vmem_shared>>
      %dma_wait3A_224 = arith.constant 0 : i32
      %dma_wait3A_225 = tpu.memref_slice %arg14[%add3A_55, %dma_wait3A_224] : memref<10000x128xf32, #tpu.memory_space<vmem_shared>> -> memref<80x128xf32, #tpu.memory_space<vmem_shared>>
      %dma_wait3A_226 = arith.constant 0 : i32
      %dma_wait3A_227 = arith.constant 0 : i32
      %dma_wait3A_228 = tpu.memref_slice %arg13[%run_scoped3A_56, %dma_wait3A_226, %dma_wait3A_227] : memref<2x80x128xf32, #tpu.memory_space<vmem>> -> memref<1x80x128xf32, #tpu.memory_space<vmem>>
      %dma_wait3A_229 = tpu.memref_squeeze %dma_wait3A_228 : memref<1x80x128xf32, #tpu.memory_space<vmem>> -> memref<80x128xf32, #tpu.memory_space<vmem>>
      tpu.wait_dma2 semaphore(%run_scoped3A_205 : memref<!tpu.dma_semaphore, #tpu.memory_space<semaphore_mem>>) src(%dma_wait3A_229 : memref<80x128xf32, #tpu.memory_space<vmem>>) dst(%dma_wait3A_225 : memref<80x128xf32, #tpu.memory_space<vmem_shared>>)
      tpu.yield
    }) : () -> ()
    %add3A_57 = arith.constant 400 : i32
    %add3A_58 = arith.addi %mul3A_23, %add3A_57 : i32
    %run_scoped3A_59 = arith.constant 0 : i32
    "tpu.region"() ({
      %run_scoped3A_205 = tpu.sem_alloc : memref<!tpu.dma_semaphore, #tpu.memory_space<semaphore_mem>>
      %dma_start3A_206 = arith.constant 0 : i32
      %dma_start3A_207 = arith.constant 0 : i32
      %dma_start3A_208 = tpu.memref_slice %arg12[%run_scoped3A_59, %dma_start3A_206, %dma_start3A_207] : memref<2x80x8xf32, #tpu.memory_space<vmem>> -> memref<1x80x8xf32, #tpu.memory_space<vmem>>
      %dma_start3A_209 = tpu.memref_squeeze %dma_start3A_208 : memref<1x80x8xf32, #tpu.memory_space<vmem>> -> memref<80x8xf32, #tpu.memory_space<vmem>>
      %dma_start3A_210 = arith.constant 0 : i32
      %dma_start3A_211 = tpu.memref_slice %arg15[%add3A_58, %dma_start3A_210] : memref<10000x8xf32, #tpu.memory_space<vmem_shared>> -> memref<80x8xf32, #tpu.memory_space<vmem_shared>>
      %dma_start3A_212 = arith.constant 0 : i32
      %dma_start3A_213 = tpu.memref_slice %arg15[%add3A_58, %dma_start3A_212] : memref<10000x8xf32, #tpu.memory_space<vmem_shared>> -> memref<80x8xf32, #tpu.memory_space<vmem_shared>>
      %dma_start3A_214 = arith.constant 0 : i32
      %dma_start3A_215 = arith.constant 0 : i32
      %dma_start3A_216 = tpu.memref_slice %arg12[%run_scoped3A_59, %dma_start3A_214, %dma_start3A_215] : memref<2x80x8xf32, #tpu.memory_space<vmem>> -> memref<1x80x8xf32, #tpu.memory_space<vmem>>
      %dma_start3A_217 = tpu.memref_squeeze %dma_start3A_216 : memref<1x80x8xf32, #tpu.memory_space<vmem>> -> memref<80x8xf32, #tpu.memory_space<vmem>>
      tpu.enqueue_dma source(%dma_start3A_217 : memref<80x8xf32, #tpu.memory_space<vmem>>) target(%dma_start3A_213 : memref<80x8xf32, #tpu.memory_space<vmem_shared>>) target_semaphore(%run_scoped3A_205 : memref<!tpu.dma_semaphore, #tpu.memory_space<semaphore_mem>>)
      %dma_wait3A_218 = arith.constant 0 : i32
      %dma_wait3A_219 = arith.constant 0 : i32
      %dma_wait3A_220 = tpu.memref_slice %arg12[%run_scoped3A_59, %dma_wait3A_218, %dma_wait3A_219] : memref<2x80x8xf32, #tpu.memory_space<vmem>> -> memref<1x80x8xf32, #tpu.memory_space<vmem>>
      %dma_wait3A_221 = tpu.memref_squeeze %dma_wait3A_220 : memref<1x80x8xf32, #tpu.memory_space<vmem>> -> memref<80x8xf32, #tpu.memory_space<vmem>>
      %dma_wait3A_222 = arith.constant 0 : i32
      %dma_wait3A_223 = tpu.memref_slice %arg15[%add3A_58, %dma_wait3A_222] : memref<10000x8xf32, #tpu.memory_space<vmem_shared>> -> memref<80x8xf32, #tpu.memory_space<vmem_shared>>
      %dma_wait3A_224 = arith.constant 0 : i32
      %dma_wait3A_225 = tpu.memref_slice %arg15[%add3A_58, %dma_wait3A_224] : memref<10000x8xf32, #tpu.memory_space<vmem_shared>> -> memref<80x8xf32, #tpu.memory_space<vmem_shared>>
      %dma_wait3A_226 = arith.constant 0 : i32
      %dma_wait3A_227 = arith.constant 0 : i32
      %dma_wait3A_228 = tpu.memref_slice %arg12[%run_scoped3A_59, %dma_wait3A_226, %dma_wait3A_227] : memref<2x80x8xf32, #tpu.memory_space<vmem>> -> memref<1x80x8xf32, #tpu.memory_space<vmem>>
      %dma_wait3A_229 = tpu.memref_squeeze %dma_wait3A_228 : memref<1x80x8xf32, #tpu.memory_space<vmem>> -> memref<80x8xf32, #tpu.memory_space<vmem>>
      tpu.wait_dma2 semaphore(%run_scoped3A_205 : memref<!tpu.dma_semaphore, #tpu.memory_space<semaphore_mem>>) src(%dma_wait3A_229 : memref<80x8xf32, #tpu.memory_space<vmem>>) dst(%dma_wait3A_225 : memref<80x8xf32, #tpu.memory_space<vmem_shared>>)
      tpu.yield
    }) : () -> ()
    %add3A_60 = arith.constant 480 : i32
    %add3A_61 = arith.addi %mul3A_23, %add3A_60 : i32
    %run_scoped3A_62 = arith.constant 0 : i32
    "tpu.region"() ({
      %run_scoped3A_205 = tpu.sem_alloc : memref<!tpu.dma_semaphore, #tpu.memory_space<semaphore_mem>>
      %dma_start3A_206 = arith.constant 0 : i32
      %dma_start3A_207 = arith.constant 0 : i32
      %dma_start3A_208 = tpu.memref_slice %arg13[%run_scoped3A_62, %dma_start3A_206, %dma_start3A_207] : memref<2x80x128xf32, #tpu.memory_space<vmem>> -> memref<1x80x128xf32, #tpu.memory_space<vmem>>
      %dma_start3A_209 = tpu.memref_squeeze %dma_start3A_208 : memref<1x80x128xf32, #tpu.memory_space<vmem>> -> memref<80x128xf32, #tpu.memory_space<vmem>>
      %dma_start3A_210 = arith.constant 0 : i32
      %dma_start3A_211 = tpu.memref_slice %arg14[%add3A_61, %dma_start3A_210] : memref<10000x128xf32, #tpu.memory_space<vmem_shared>> -> memref<80x128xf32, #tpu.memory_space<vmem_shared>>
      %dma_start3A_212 = arith.constant 0 : i32
      %dma_start3A_213 = tpu.memref_slice %arg14[%add3A_61, %dma_start3A_212] : memref<10000x128xf32, #tpu.memory_space<vmem_shared>> -> memref<80x128xf32, #tpu.memory_space<vmem_shared>>
      %dma_start3A_214 = arith.constant 0 : i32
      %dma_start3A_215 = arith.constant 0 : i32
      %dma_start3A_216 = tpu.memref_slice %arg13[%run_scoped3A_62, %dma_start3A_214, %dma_start3A_215] : memref<2x80x128xf32, #tpu.memory_space<vmem>> -> memref<1x80x128xf32, #tpu.memory_space<vmem>>
      %dma_start3A_217 = tpu.memref_squeeze %dma_start3A_216 : memref<1x80x128xf32, #tpu.memory_space<vmem>> -> memref<80x128xf32, #tpu.memory_space<vmem>>
      tpu.enqueue_dma source(%dma_start3A_217 : memref<80x128xf32, #tpu.memory_space<vmem>>) target(%dma_start3A_213 : memref<80x128xf32, #tpu.memory_space<vmem_shared>>) target_semaphore(%run_scoped3A_205 : memref<!tpu.dma_semaphore, #tpu.memory_space<semaphore_mem>>)
      %dma_wait3A_218 = arith.constant 0 : i32
      %dma_wait3A_219 = arith.constant 0 : i32
      %dma_wait3A_220 = tpu.memref_slice %arg13[%run_scoped3A_62, %dma_wait3A_218, %dma_wait3A_219] : memref<2x80x128xf32, #tpu.memory_space<vmem>> -> memref<1x80x128xf32, #tpu.memory_space<vmem>>
      %dma_wait3A_221 = tpu.memref_squeeze %dma_wait3A_220 : memref<1x80x128xf32, #tpu.memory_space<vmem>> -> memref<80x128xf32, #tpu.memory_space<vmem>>
      %dma_wait3A_222 = arith.constant 0 : i32
      %dma_wait3A_223 = tpu.memref_slice %arg14[%add3A_61, %dma_wait3A_222] : memref<10000x128xf32, #tpu.memory_space<vmem_shared>> -> memref<80x128xf32, #tpu.memory_space<vmem_shared>>
      %dma_wait3A_224 = arith.constant 0 : i32
      %dma_wait3A_225 = tpu.memref_slice %arg14[%add3A_61, %dma_wait3A_224] : memref<10000x128xf32, #tpu.memory_space<vmem_shared>> -> memref<80x128xf32, #tpu.memory_space<vmem_shared>>
      %dma_wait3A_226 = arith.constant 0 : i32
      %dma_wait3A_227 = arith.constant 0 : i32
      %dma_wait3A_228 = tpu.memref_slice %arg13[%run_scoped3A_62, %dma_wait3A_226, %dma_wait3A_227] : memref<2x80x128xf32, #tpu.memory_space<vmem>> -> memref<1x80x128xf32, #tpu.memory_space<vmem>>
      %dma_wait3A_229 = tpu.memref_squeeze %dma_wait3A_228 : memref<1x80x128xf32, #tpu.memory_space<vmem>> -> memref<80x128xf32, #tpu.memory_space<vmem>>
      tpu.wait_dma2 semaphore(%run_scoped3A_205 : memref<!tpu.dma_semaphore, #tpu.memory_space<semaphore_mem>>) src(%dma_wait3A_229 : memref<80x128xf32, #tpu.memory_space<vmem>>) dst(%dma_wait3A_225 : memref<80x128xf32, #tpu.memory_space<vmem_shared>>)
      tpu.yield
    }) : () -> ()
    %add3A_63 = arith.constant 480 : i32
    %add3A_64 = arith.addi %mul3A_23, %add3A_63 : i32
    %run_scoped3A_65 = arith.constant 0 : i32
    "tpu.region"() ({
      %run_scoped3A_205 = tpu.sem_alloc : memref<!tpu.dma_semaphore, #tpu.memory_space<semaphore_mem>>
      %dma_start3A_206 = arith.constant 0 : i32
      %dma_start3A_207 = arith.constant 0 : i32
      %dma_start3A_208 = tpu.memref_slice %arg12[%run_scoped3A_65, %dma_start3A_206, %dma_start3A_207] : memref<2x80x8xf32, #tpu.memory_space<vmem>> -> memref<1x80x8xf32, #tpu.memory_space<vmem>>
      %dma_start3A_209 = tpu.memref_squeeze %dma_start3A_208 : memref<1x80x8xf32, #tpu.memory_space<vmem>> -> memref<80x8xf32, #tpu.memory_space<vmem>>
      %dma_start3A_210 = arith.constant 0 : i32
      %dma_start3A_211 = tpu.memref_slice %arg15[%add3A_64, %dma_start3A_210] : memref<10000x8xf32, #tpu.memory_space<vmem_shared>> -> memref<80x8xf32, #tpu.memory_space<vmem_shared>>
      %dma_start3A_212 = arith.constant 0 : i32
      %dma_start3A_213 = tpu.memref_slice %arg15[%add3A_64, %dma_start3A_212] : memref<10000x8xf32, #tpu.memory_space<vmem_shared>> -> memref<80x8xf32, #tpu.memory_space<vmem_shared>>
      %dma_start3A_214 = arith.constant 0 : i32
      %dma_start3A_215 = arith.constant 0 : i32
      %dma_start3A_216 = tpu.memref_slice %arg12[%run_scoped3A_65, %dma_start3A_214, %dma_start3A_215] : memref<2x80x8xf32, #tpu.memory_space<vmem>> -> memref<1x80x8xf32, #tpu.memory_space<vmem>>
      %dma_start3A_217 = tpu.memref_squeeze %dma_start3A_216 : memref<1x80x8xf32, #tpu.memory_space<vmem>> -> memref<80x8xf32, #tpu.memory_space<vmem>>
      tpu.enqueue_dma source(%dma_start3A_217 : memref<80x8xf32, #tpu.memory_space<vmem>>) target(%dma_start3A_213 : memref<80x8xf32, #tpu.memory_space<vmem_shared>>) target_semaphore(%run_scoped3A_205 : memref<!tpu.dma_semaphore, #tpu.memory_space<semaphore_mem>>)
      %dma_wait3A_218 = arith.constant 0 : i32
      %dma_wait3A_219 = arith.constant 0 : i32
      %dma_wait3A_220 = tpu.memref_slice %arg12[%run_scoped3A_65, %dma_wait3A_218, %dma_wait3A_219] : memref<2x80x8xf32, #tpu.memory_space<vmem>> -> memref<1x80x8xf32, #tpu.memory_space<vmem>>
      %dma_wait3A_221 = tpu.memref_squeeze %dma_wait3A_220 : memref<1x80x8xf32, #tpu.memory_space<vmem>> -> memref<80x8xf32, #tpu.memory_space<vmem>>
      %dma_wait3A_222 = arith.constant 0 : i32
      %dma_wait3A_223 = tpu.memref_slice %arg15[%add3A_64, %dma_wait3A_222] : memref<10000x8xf32, #tpu.memory_space<vmem_shared>> -> memref<80x8xf32, #tpu.memory_space<vmem_shared>>
      %dma_wait3A_224 = arith.constant 0 : i32
      %dma_wait3A_225 = tpu.memref_slice %arg15[%add3A_64, %dma_wait3A_224] : memref<10000x8xf32, #tpu.memory_space<vmem_shared>> -> memref<80x8xf32, #tpu.memory_space<vmem_shared>>
      %dma_wait3A_226 = arith.constant 0 : i32
      %dma_wait3A_227 = arith.constant 0 : i32
      %dma_wait3A_228 = tpu.memref_slice %arg12[%run_scoped3A_65, %dma_wait3A_226, %dma_wait3A_227] : memref<2x80x8xf32, #tpu.memory_space<vmem>> -> memref<1x80x8xf32, #tpu.memory_space<vmem>>
      %dma_wait3A_229 = tpu.memref_squeeze %dma_wait3A_228 : memref<1x80x8xf32, #tpu.memory_space<vmem>> -> memref<80x8xf32, #tpu.memory_space<vmem>>
      tpu.wait_dma2 semaphore(%run_scoped3A_205 : memref<!tpu.dma_semaphore, #tpu.memory_space<semaphore_mem>>) src(%dma_wait3A_229 : memref<80x8xf32, #tpu.memory_space<vmem>>) dst(%dma_wait3A_225 : memref<80x8xf32, #tpu.memory_space<vmem_shared>>)
      tpu.yield
    }) : () -> ()
    %add3A_66 = arith.constant 560 : i32
    %add3A_67 = arith.addi %mul3A_23, %add3A_66 : i32
    %run_scoped3A_68 = arith.constant 0 : i32
    "tpu.region"() ({
      %run_scoped3A_205 = tpu.sem_alloc : memref<!tpu.dma_semaphore, #tpu.memory_space<semaphore_mem>>
      %dma_start3A_206 = arith.constant 0 : i32
      %dma_start3A_207 = arith.constant 0 : i32
      %dma_start3A_208 = tpu.memref_slice %arg13[%run_scoped3A_68, %dma_start3A_206, %dma_start3A_207] : memref<2x80x128xf32, #tpu.memory_space<vmem>> -> memref<1x65x128xf32, #tpu.memory_space<vmem>>
      %dma_start3A_209 = tpu.memref_squeeze %dma_start3A_208 : memref<1x65x128xf32, #tpu.memory_space<vmem>> -> memref<65x128xf32, #tpu.memory_space<vmem>>
      %dma_start3A_210 = arith.constant 0 : i32
      %dma_start3A_211 = tpu.memref_slice %arg14[%add3A_67, %dma_start3A_210] : memref<10000x128xf32, #tpu.memory_space<vmem_shared>> -> memref<65x128xf32, #tpu.memory_space<vmem_shared>>
      %dma_start3A_212 = arith.constant 0 : i32
      %dma_start3A_213 = tpu.memref_slice %arg14[%add3A_67, %dma_start3A_212] : memref<10000x128xf32, #tpu.memory_space<vmem_shared>> -> memref<65x128xf32, #tpu.memory_space<vmem_shared>>
      %dma_start3A_214 = arith.constant 0 : i32
      %dma_start3A_215 = arith.constant 0 : i32
      %dma_start3A_216 = tpu.memref_slice %arg13[%run_scoped3A_68, %dma_start3A_214, %dma_start3A_215] : memref<2x80x128xf32, #tpu.memory_space<vmem>> -> memref<1x65x128xf32, #tpu.memory_space<vmem>>
      %dma_start3A_217 = tpu.memref_squeeze %dma_start3A_216 : memref<1x65x128xf32, #tpu.memory_space<vmem>> -> memref<65x128xf32, #tpu.memory_space<vmem>>
      tpu.enqueue_dma source(%dma_start3A_217 : memref<65x128xf32, #tpu.memory_space<vmem>>) target(%dma_start3A_213 : memref<65x128xf32, #tpu.memory_space<vmem_shared>>) target_semaphore(%run_scoped3A_205 : memref<!tpu.dma_semaphore, #tpu.memory_space<semaphore_mem>>)
      %dma_wait3A_218 = arith.constant 0 : i32
      %dma_wait3A_219 = arith.constant 0 : i32
      %dma_wait3A_220 = tpu.memref_slice %arg13[%run_scoped3A_68, %dma_wait3A_218, %dma_wait3A_219] : memref<2x80x128xf32, #tpu.memory_space<vmem>> -> memref<1x65x128xf32, #tpu.memory_space<vmem>>
      %dma_wait3A_221 = tpu.memref_squeeze %dma_wait3A_220 : memref<1x65x128xf32, #tpu.memory_space<vmem>> -> memref<65x128xf32, #tpu.memory_space<vmem>>
      %dma_wait3A_222 = arith.constant 0 : i32
      %dma_wait3A_223 = tpu.memref_slice %arg14[%add3A_67, %dma_wait3A_222] : memref<10000x128xf32, #tpu.memory_space<vmem_shared>> -> memref<65x128xf32, #tpu.memory_space<vmem_shared>>
      %dma_wait3A_224 = arith.constant 0 : i32
      %dma_wait3A_225 = tpu.memref_slice %arg14[%add3A_67, %dma_wait3A_224] : memref<10000x128xf32, #tpu.memory_space<vmem_shared>> -> memref<65x128xf32, #tpu.memory_space<vmem_shared>>
      %dma_wait3A_226 = arith.constant 0 : i32
      %dma_wait3A_227 = arith.constant 0 : i32
      %dma_wait3A_228 = tpu.memref_slice %arg13[%run_scoped3A_68, %dma_wait3A_226, %dma_wait3A_227] : memref<2x80x128xf32, #tpu.memory_space<vmem>> -> memref<1x65x128xf32, #tpu.memory_space<vmem>>
      %dma_wait3A_229 = tpu.memref_squeeze %dma_wait3A_228 : memref<1x65x128xf32, #tpu.memory_space<vmem>> -> memref<65x128xf32, #tpu.memory_space<vmem>>
      tpu.wait_dma2 semaphore(%run_scoped3A_205 : memref<!tpu.dma_semaphore, #tpu.memory_space<semaphore_mem>>) src(%dma_wait3A_229 : memref<65x128xf32, #tpu.memory_space<vmem>>) dst(%dma_wait3A_225 : memref<65x128xf32, #tpu.memory_space<vmem_shared>>)
      tpu.yield
    }) : () -> ()
    %add3A_69 = arith.constant 560 : i32
    %add3A_70 = arith.addi %mul3A_23, %add3A_69 : i32
    %run_scoped3A_71 = arith.constant 0 : i32
    "tpu.region"() ({
      %run_scoped3A_205 = tpu.sem_alloc : memref<!tpu.dma_semaphore, #tpu.memory_space<semaphore_mem>>
      %dma_start3A_206 = arith.constant 0 : i32
      %dma_start3A_207 = arith.constant 0 : i32
      %dma_start3A_208 = tpu.memref_slice %arg12[%run_scoped3A_71, %dma_start3A_206, %dma_start3A_207] : memref<2x80x8xf32, #tpu.memory_space<vmem>> -> memref<1x65x8xf32, #tpu.memory_space<vmem>>
      %dma_start3A_209 = tpu.memref_squeeze %dma_start3A_208 : memref<1x65x8xf32, #tpu.memory_space<vmem>> -> memref<65x8xf32, #tpu.memory_space<vmem>>
      %dma_start3A_210 = arith.constant 0 : i32
      %dma_start3A_211 = tpu.memref_slice %arg15[%add3A_70, %dma_start3A_210] : memref<10000x8xf32, #tpu.memory_space<vmem_shared>> -> memref<65x8xf32, #tpu.memory_space<vmem_shared>>
      %dma_start3A_212 = arith.constant 0 : i32
      %dma_start3A_213 = tpu.memref_slice %arg15[%add3A_70, %dma_start3A_212] : memref<10000x8xf32, #tpu.memory_space<vmem_shared>> -> memref<65x8xf32, #tpu.memory_space<vmem_shared>>
      %dma_start3A_214 = arith.constant 0 : i32
      %dma_start3A_215 = arith.constant 0 : i32
      %dma_start3A_216 = tpu.memref_slice %arg12[%run_scoped3A_71, %dma_start3A_214, %dma_start3A_215] : memref<2x80x8xf32, #tpu.memory_space<vmem>> -> memref<1x65x8xf32, #tpu.memory_space<vmem>>
      %dma_start3A_217 = tpu.memref_squeeze %dma_start3A_216 : memref<1x65x8xf32, #tpu.memory_space<vmem>> -> memref<65x8xf32, #tpu.memory_space<vmem>>
      tpu.enqueue_dma source(%dma_start3A_217 : memref<65x8xf32, #tpu.memory_space<vmem>>) target(%dma_start3A_213 : memref<65x8xf32, #tpu.memory_space<vmem_shared>>) target_semaphore(%run_scoped3A_205 : memref<!tpu.dma_semaphore, #tpu.memory_space<semaphore_mem>>)
      %dma_wait3A_218 = arith.constant 0 : i32
      %dma_wait3A_219 = arith.constant 0 : i32
      %dma_wait3A_220 = tpu.memref_slice %arg12[%run_scoped3A_71, %dma_wait3A_218, %dma_wait3A_219] : memref<2x80x8xf32, #tpu.memory_space<vmem>> -> memref<1x65x8xf32, #tpu.memory_space<vmem>>
      %dma_wait3A_221 = tpu.memref_squeeze %dma_wait3A_220 : memref<1x65x8xf32, #tpu.memory_space<vmem>> -> memref<65x8xf32, #tpu.memory_space<vmem>>
      %dma_wait3A_222 = arith.constant 0 : i32
      %dma_wait3A_223 = tpu.memref_slice %arg15[%add3A_70, %dma_wait3A_222] : memref<10000x8xf32, #tpu.memory_space<vmem_shared>> -> memref<65x8xf32, #tpu.memory_space<vmem_shared>>
      %dma_wait3A_224 = arith.constant 0 : i32
      %dma_wait3A_225 = tpu.memref_slice %arg15[%add3A_70, %dma_wait3A_224] : memref<10000x8xf32, #tpu.memory_space<vmem_shared>> -> memref<65x8xf32, #tpu.memory_space<vmem_shared>>
      %dma_wait3A_226 = arith.constant 0 : i32
      %dma_wait3A_227 = arith.constant 0 : i32
      %dma_wait3A_228 = tpu.memref_slice %arg12[%run_scoped3A_71, %dma_wait3A_226, %dma_wait3A_227] : memref<2x80x8xf32, #tpu.memory_space<vmem>> -> memref<1x65x8xf32, #tpu.memory_space<vmem>>
      %dma_wait3A_229 = tpu.memref_squeeze %dma_wait3A_228 : memref<1x65x8xf32, #tpu.memory_space<vmem>> -> memref<65x8xf32, #tpu.memory_space<vmem>>
      tpu.wait_dma2 semaphore(%run_scoped3A_205 : memref<!tpu.dma_semaphore, #tpu.memory_space<semaphore_mem>>) src(%dma_wait3A_229 : memref<65x8xf32, #tpu.memory_space<vmem>>) dst(%dma_wait3A_225 : memref<65x8xf32, #tpu.memory_space<vmem_shared>>)
      tpu.yield
    }) : () -> ()
    %barrier3A = arith.constant 0 : index
    tpu.barrier barrier_id(%barrier3A)
    %dma_start3A = arith.constant 1 : i32
    %dma_start3A_72 = arith.constant 0 : i32
    %dma_start3A_73 = arith.constant 0 : i32
    %dma_start3A_74 = tpu.memref_slice %arg13[%dma_start3A, %dma_start3A_72, %dma_start3A_73] : memref<2x80x128xf32, #tpu.memory_space<vmem>> -> memref<1x80x128xf32, #tpu.memory_space<vmem>>
    %dma_start3A_75 = tpu.memref_squeeze %dma_start3A_74 : memref<1x80x128xf32, #tpu.memory_space<vmem>> -> memref<80x128xf32, #tpu.memory_space<vmem>>
    %dma_start3A_76 = arith.constant 0 : i32
    %dma_start3A_77 = tpu.memref_slice %arg8[%dma_start3A_76] : memref<10000xi32, #tpu.memory_space<vmem>> -> memref<80xi32, #tpu.memory_space<vmem>>
    %dma_start3A_78 = arith.constant 0 : i32
    %dma_start3A_79 = arith.constant 0 : i32
    %dma_start3A_80 = tpu.memref_slice %arg14[%dma_start3A_78, %dma_start3A_79] : memref<10000x128xf32, #tpu.memory_space<vmem_shared>> -> memref<10000x128xf32, #tpu.memory_space<vmem_shared>>
    tpu.enqueue_indirect_dma source(%dma_start3A_75 : memref<80x128xf32, #tpu.memory_space<vmem>>) target(%dma_start3A_80 : memref<10000x128xf32, #tpu.memory_space<vmem_shared>>) offsets(%dma_start3A_77 : memref<80xi32, #tpu.memory_space<vmem>>) semaphore(%arg19 : memref<!tpu.dma_semaphore, #tpu.memory_space<semaphore_mem>>) {add = true}
    %dma_start3A_81 = arith.constant 1 : i32
    %dma_start3A_82 = arith.constant 0 : i32
    %dma_start3A_83 = arith.constant 0 : i32
    %dma_start3A_84 = tpu.memref_slice %arg12[%dma_start3A_81, %dma_start3A_82, %dma_start3A_83] : memref<2x80x8xf32, #tpu.memory_space<vmem>> -> memref<1x80x8xf32, #tpu.memory_space<vmem>>
    %dma_start3A_85 = tpu.memref_squeeze %dma_start3A_84 : memref<1x80x8xf32, #tpu.memory_space<vmem>> -> memref<80x8xf32, #tpu.memory_space<vmem>>
    %dma_start3A_86 = arith.constant 0 : i32
    %dma_start3A_87 = tpu.memref_slice %arg8[%dma_start3A_86] : memref<10000xi32, #tpu.memory_space<vmem>> -> memref<80xi32, #tpu.memory_space<vmem>>
    %dma_start3A_88 = arith.constant 0 : i32
    %dma_start3A_89 = arith.constant 0 : i32
    %dma_start3A_90 = tpu.memref_slice %arg15[%dma_start3A_88, %dma_start3A_89] : memref<10000x8xf32, #tpu.memory_space<vmem_shared>> -> memref<10000x8xf32, #tpu.memory_space<vmem_shared>>
    tpu.enqueue_indirect_dma source(%dma_start3A_85 : memref<80x8xf32, #tpu.memory_space<vmem>>) target(%dma_start3A_90 : memref<10000x8xf32, #tpu.memory_space<vmem_shared>>) offsets(%dma_start3A_87 : memref<80xi32, #tpu.memory_space<vmem>>) semaphore(%arg20 : memref<!tpu.dma_semaphore, #tpu.memory_space<semaphore_mem>>) {add = true}
    %dma_start3A_91 = arith.constant 0 : i32
    %dma_start3A_92 = arith.constant 0 : i32
    %dma_start3A_93 = arith.constant 0 : i32
    %dma_start3A_94 = tpu.memref_slice %arg13[%dma_start3A_91, %dma_start3A_92, %dma_start3A_93] : memref<2x80x128xf32, #tpu.memory_space<vmem>> -> memref<1x80x128xf32, #tpu.memory_space<vmem>>
    %dma_start3A_95 = tpu.memref_squeeze %dma_start3A_94 : memref<1x80x128xf32, #tpu.memory_space<vmem>> -> memref<80x128xf32, #tpu.memory_space<vmem>>
    %dma_start3A_96 = arith.constant 0 : i32
    %dma_start3A_97 = tpu.memref_slice %arg9[%dma_start3A_96] : memref<10000xi32, #tpu.memory_space<vmem>> -> memref<80xi32, #tpu.memory_space<vmem>>
    %dma_start3A_98 = arith.constant 0 : i32
    %dma_start3A_99 = arith.constant 0 : i32
    %dma_start3A_100 = tpu.memref_slice %arg2[%dma_start3A_98, %dma_start3A_99] : memref<10000x128xf32, #tpu.memory_space<hbm>> -> memref<10000x128xf32, #tpu.memory_space<hbm>>
    tpu.enqueue_indirect_dma source(%dma_start3A_100 : memref<10000x128xf32, #tpu.memory_space<hbm>>) target(%dma_start3A_95 : memref<80x128xf32, #tpu.memory_space<vmem>>) offsets(%dma_start3A_97 : memref<80xi32, #tpu.memory_space<vmem>>) semaphore(%arg16 : memref<!tpu.dma_semaphore, #tpu.memory_space<semaphore_mem>>)
    %dma_start3A_101 = arith.constant 0 : i32
    %dma_start3A_102 = tpu.memref_slice %arg8[%dma_start3A_101] : memref<10000xi32, #tpu.memory_space<vmem>> -> memref<80xi32, #tpu.memory_space<vmem>>
    %dma_start3A_103 = arith.constant 0 : i32
    %dma_start3A_104 = arith.constant 0 : i32
    %dma_start3A_105 = tpu.memref_slice %arg3[%dma_start3A_103, %dma_start3A_104] : memref<10000x8xf32, #tpu.memory_space<hbm>> -> memref<10000x8xf32, #tpu.memory_space<hbm>>
    tpu.enqueue_indirect_dma source(%dma_start3A_105 : memref<10000x8xf32, #tpu.memory_space<hbm>>) target(%arg10 : memref<80x8xf32, #tpu.memory_space<vmem>>) offsets(%dma_start3A_102 : memref<80xi32, #tpu.memory_space<vmem>>) semaphore(%arg17 : memref<!tpu.dma_semaphore, #tpu.memory_space<semaphore_mem>>)
    %dma_start3A_106 = arith.constant 0 : i32
    %dma_start3A_107 = tpu.memref_slice %arg9[%dma_start3A_106] : memref<10000xi32, #tpu.memory_space<vmem>> -> memref<80xi32, #tpu.memory_space<vmem>>
    %dma_start3A_108 = arith.constant 0 : i32
    %dma_start3A_109 = arith.constant 0 : i32
    %dma_start3A_110 = tpu.memref_slice %arg4[%dma_start3A_108, %dma_start3A_109] : memref<10000x8xf32, #tpu.memory_space<hbm>> -> memref<10000x8xf32, #tpu.memory_space<hbm>>
    tpu.enqueue_indirect_dma source(%dma_start3A_110 : memref<10000x8xf32, #tpu.memory_space<hbm>>) target(%arg11 : memref<80x8xf32, #tpu.memory_space<vmem>>) offsets(%dma_start3A_107 : memref<80xi32, #tpu.memory_space<vmem>>) semaphore(%arg18 : memref<!tpu.dma_semaphore, #tpu.memory_space<semaphore_mem>>)
    %scan3A_111 = arith.constant 0 : i32
    %scan3A_112 = arith.constant 0 : i32
    %scan3A_113 = arith.constant 125 : i32
    %scan3A_114 = arith.addi %scan3A_112, %scan3A_113 : i32
    %scan3A_115 = arith.constant 1 : i32
    scf.for %scan3A_205 = %scan3A_112 to %scan3A_114 step %scan3A_115  : i32 {
      %and3A_206 = arith.constant 1 : i32
      %and3A_207 = arith.andi %scan3A_205, %and3A_206 : i32
      %sub3A = arith.constant 1 : i32
      %sub3A_208 = arith.subi %sub3A, %and3A_207 : i32
      %add3A_209 = arith.constant 1 : i32
      %add3A_210 = arith.addi %scan3A_205, %add3A_209 : i32
      %min3A = arith.constant 124 : i32
      %min3A_211 = arith.minsi %add3A_210, %min3A : i32
      %mul3A_212 = arith.constant 80 : i32
      %mul3A_213 = arith.muli %scan3A_205, %mul3A_212 : i32
      %dma_wait3A_214 = tpu.memref_slice %arg8[%mul3A_213] : memref<10000xi32, #tpu.memory_space<vmem>> -> memref<80xi32, #tpu.memory_space<vmem>>
      %dma_wait3A_215 = arith.constant 0 : i32
      %dma_wait3A_216 = arith.constant 0 : i32
      %dma_wait3A_217 = tpu.memref_slice %arg3[%dma_wait3A_215, %dma_wait3A_216] : memref<10000x8xf32, #tpu.memory_space<hbm>> -> memref<10000x8xf32, #tpu.memory_space<hbm>>
      tpu.wait_indirect_dma semaphore(%arg17 : memref<!tpu.dma_semaphore, #tpu.memory_space<semaphore_mem>>) src(%dma_wait3A_217 : memref<10000x8xf32, #tpu.memory_space<hbm>>) dst(%arg10 : memref<80x8xf32, #tpu.memory_space<vmem>>)
      %mul3A_218 = arith.constant 80 : i32
      %mul3A_219 = arith.muli %scan3A_205, %mul3A_218 : i32
      %dma_wait3A_220 = tpu.memref_slice %arg9[%mul3A_219] : memref<10000xi32, #tpu.memory_space<vmem>> -> memref<80xi32, #tpu.memory_space<vmem>>
      %dma_wait3A_221 = arith.constant 0 : i32
      %dma_wait3A_222 = arith.constant 0 : i32
      %dma_wait3A_223 = tpu.memref_slice %arg4[%dma_wait3A_221, %dma_wait3A_222] : memref<10000x8xf32, #tpu.memory_space<hbm>> -> memref<10000x8xf32, #tpu.memory_space<hbm>>
      tpu.wait_indirect_dma semaphore(%arg18 : memref<!tpu.dma_semaphore, #tpu.memory_space<semaphore_mem>>) src(%dma_wait3A_223 : memref<10000x8xf32, #tpu.memory_space<hbm>>) dst(%arg11 : memref<80x8xf32, #tpu.memory_space<vmem>>)
      %parallel_loop3A = arith.constant 0 : i32
      %parallel_loop3A_224 = arith.constant 40 : i32
      %parallel_loop3A_225 = arith.constant 1 : i32
      scf.for %parallel_loop3A_301 = %parallel_loop3A to %parallel_loop3A_224 step %parallel_loop3A_225  : i32 {
        %parallel_loop3A_302 = arith.constant 2 : i32
        %parallel_loop3A_303 = arith.muli %parallel_loop3A_302, %parallel_loop3A_301 : i32
        %parallel_loop3A_304 = vector.broadcast %parallel_loop3A_303 : i32 to vector<16xi32>
        %parallel_loop3A_305 = arith.addi %parallel_loop3A_304, %shift_right_arithmetic3A_2 : vector<16xi32>
        %parallel_loop3A_306 = tpu.vector_load_idx %arg10[%parallel_loop3A_305, %and3A_4] : memref<80x8xf32, #tpu.memory_space<vmem>>[vector<16xi32>, vector<16xi32>], vector<16xf32>,
        %parallel_loop3A_307 = tpu.vector_load_idx %arg11[%parallel_loop3A_305, %and3A_4] : memref<80x8xf32, #tpu.memory_space<vmem>>[vector<16xi32>, vector<16xi32>], vector<16xf32>,
        %parallel_loop3A_308 = arith.addf %parallel_loop3A_306, %parallel_loop3A_307 : vector<16xf32>
        %parallel_loop3A_309 = arith.constant 0.000000e+00 : f32
        %parallel_loop3A_310 = vector.broadcast %parallel_loop3A_309 : f32 to vector<16xf32>
        %parallel_loop3A_311 = arith.cmpf ogt, %parallel_loop3A_308, %parallel_loop3A_310 : vector<16xf32>
        %parallel_loop3A_312 = arith.constant 2.000000e-01 : f32
        %parallel_loop3A_313 = vector.broadcast %parallel_loop3A_312 : f32 to vector<16xf32>
        %parallel_loop3A_314 = arith.mulf %parallel_loop3A_313, %parallel_loop3A_308 : vector<16xf32>
        %parallel_loop3A_315 = arith.select %parallel_loop3A_311, %parallel_loop3A_308, %parallel_loop3A_314 : vector<16xi1>, vector<16xf32>
        %parallel_loop3A_316 = arith.constant 0.000000e+00 : f32
        %parallel_loop3A_317 = vector.broadcast %parallel_loop3A_316 : f32 to vector<16xf32>
        %parallel_loop3A_318 = arith.subf %parallel_loop3A_317, %parallel_loop3A_315 : vector<16xf32>
        %parallel_loop3A_319 = math.exp %parallel_loop3A_318 : vector<16xf32>
        %parallel_loop3A_320 = arith.constant 0 : i32
        %parallel_loop3A_321 = arith.constant 0 : i32
        %parallel_loop3A_322 = tpu.memref_slice %arg12[%and3A_207, %parallel_loop3A_320, %parallel_loop3A_321] : memref<2x80x8xf32, #tpu.memory_space<vmem>> -> memref<1x80x8xf32, #tpu.memory_space<vmem>>
        %parallel_loop3A_323 = tpu.memref_squeeze %parallel_loop3A_322 : memref<1x80x8xf32, #tpu.memory_space<vmem>> -> memref<80x8xf32, #tpu.memory_space<vmem>>
        tpu.vector_store_idx %parallel_loop3A_323[%parallel_loop3A_305, %and3A_4], %parallel_loop3A_319 : memref<80x8xf32, #tpu.memory_space<vmem>>[vector<16xi32>, vector<16xi32>], vector<16xf32>,
      } {sc.loop_unroll_factor = 4 : i64, sc.parallel_access}
      %mul3A_226 = arith.constant 80 : i32
      %mul3A_227 = arith.muli %min3A_211, %mul3A_226 : i32
      %dma_start3A_228 = tpu.memref_slice %arg8[%mul3A_227] : memref<10000xi32, #tpu.memory_space<vmem>> -> memref<80xi32, #tpu.memory_space<vmem>>
      %dma_start3A_229 = arith.constant 0 : i32
      %dma_start3A_230 = arith.constant 0 : i32
      %dma_start3A_231 = tpu.memref_slice %arg3[%dma_start3A_229, %dma_start3A_230] : memref<10000x8xf32, #tpu.memory_space<hbm>> -> memref<10000x8xf32, #tpu.memory_space<hbm>>
      tpu.enqueue_indirect_dma source(%dma_start3A_231 : memref<10000x8xf32, #tpu.memory_space<hbm>>) target(%arg10 : memref<80x8xf32, #tpu.memory_space<vmem>>) offsets(%dma_start3A_228 : memref<80xi32, #tpu.memory_space<vmem>>) semaphore(%arg17 : memref<!tpu.dma_semaphore, #tpu.memory_space<semaphore_mem>>)
      %mul3A_232 = arith.constant 80 : i32
      %mul3A_233 = arith.muli %min3A_211, %mul3A_232 : i32
      %dma_start3A_234 = tpu.memref_slice %arg9[%mul3A_233] : memref<10000xi32, #tpu.memory_space<vmem>> -> memref<80xi32, #tpu.memory_space<vmem>>
      %dma_start3A_235 = arith.constant 0 : i32
      %dma_start3A_236 = arith.constant 0 : i32
      %dma_start3A_237 = tpu.memref_slice %arg4[%dma_start3A_235, %dma_start3A_236] : memref<10000x8xf32, #tpu.memory_space<hbm>> -> memref<10000x8xf32, #tpu.memory_space<hbm>>
      tpu.enqueue_indirect_dma source(%dma_start3A_237 : memref<10000x8xf32, #tpu.memory_space<hbm>>) target(%arg11 : memref<80x8xf32, #tpu.memory_space<vmem>>) offsets(%dma_start3A_234 : memref<80xi32, #tpu.memory_space<vmem>>) semaphore(%arg18 : memref<!tpu.dma_semaphore, #tpu.memory_space<semaphore_mem>>)
      %mul3A_238 = arith.constant 80 : i32
      %mul3A_239 = arith.muli %scan3A_205, %mul3A_238 : i32
      %dma_wait3A_240 = arith.constant 0 : i32
      %dma_wait3A_241 = arith.constant 0 : i32
      %dma_wait3A_242 = tpu.memref_slice %arg13[%and3A_207, %dma_wait3A_240, %dma_wait3A_241] : memref<2x80x128xf32, #tpu.memory_space<vmem>> -> memref<1x80x128xf32, #tpu.memory_space<vmem>>
      %dma_wait3A_243 = tpu.memref_squeeze %dma_wait3A_242 : memref<1x80x128xf32, #tpu.memory_space<vmem>> -> memref<80x128xf32, #tpu.memory_space<vmem>>
      %dma_wait3A_244 = tpu.memref_slice %arg9[%mul3A_239] : memref<10000xi32, #tpu.memory_space<vmem>> -> memref<80xi32, #tpu.memory_space<vmem>>
      %dma_wait3A_245 = arith.constant 0 : i32
      %dma_wait3A_246 = arith.constant 0 : i32
      %dma_wait3A_247 = tpu.memref_slice %arg2[%dma_wait3A_245, %dma_wait3A_246] : memref<10000x128xf32, #tpu.memory_space<hbm>> -> memref<10000x128xf32, #tpu.memory_space<hbm>>
      tpu.wait_indirect_dma semaphore(%arg16 : memref<!tpu.dma_semaphore, #tpu.memory_space<semaphore_mem>>) src(%dma_wait3A_247 : memref<10000x128xf32, #tpu.memory_space<hbm>>) dst(%dma_wait3A_243 : memref<80x128xf32, #tpu.memory_space<vmem>>)
      %mul3A_248 = arith.constant 80 : i32
      %mul3A_249 = arith.muli %scan3A_205, %mul3A_248 : i32
      %dma_wait3A_250 = arith.constant 0 : i32
      %dma_wait3A_251 = arith.constant 0 : i32
      %dma_wait3A_252 = tpu.memref_slice %arg13[%sub3A_208, %dma_wait3A_250, %dma_wait3A_251] : memref<2x80x128xf32, #tpu.memory_space<vmem>> -> memref<1x80x128xf32, #tpu.memory_space<vmem>>
      %dma_wait3A_253 = tpu.memref_squeeze %dma_wait3A_252 : memref<1x80x128xf32, #tpu.memory_space<vmem>> -> memref<80x128xf32, #tpu.memory_space<vmem>>
      %dma_wait3A_254 = tpu.memref_slice %arg8[%mul3A_249] : memref<10000xi32, #tpu.memory_space<vmem>> -> memref<80xi32, #tpu.memory_space<vmem>>
      %dma_wait3A_255 = arith.constant 0 : i32
      %dma_wait3A_256 = arith.constant 0 : i32
      %dma_wait3A_257 = tpu.memref_slice %arg14[%dma_wait3A_255, %dma_wait3A_256] : memref<10000x128xf32, #tpu.memory_space<vmem_shared>> -> memref<10000x128xf32, #tpu.memory_space<vmem_shared>>
      tpu.wait_indirect_dma semaphore(%arg19 : memref<!tpu.dma_semaphore, #tpu.memory_space<semaphore_mem>>) src(%dma_wait3A_253 : memref<80x128xf32, #tpu.memory_space<vmem>>) dst(%dma_wait3A_257 : memref<10000x128xf32, #tpu.memory_space<vmem_shared>>)
      %mul3A_258 = arith.constant 80 : i32
      %mul3A_259 = arith.muli %scan3A_205, %mul3A_258 : i32
      %dma_wait3A_260 = arith.constant 0 : i32
      %dma_wait3A_261 = arith.constant 0 : i32
      %dma_wait3A_262 = tpu.memref_slice %arg12[%sub3A_208, %dma_wait3A_260, %dma_wait3A_261] : memref<2x80x8xf32, #tpu.memory_space<vmem>> -> memref<1x80x8xf32, #tpu.memory_space<vmem>>
      %dma_wait3A_263 = tpu.memref_squeeze %dma_wait3A_262 : memref<1x80x8xf32, #tpu.memory_space<vmem>> -> memref<80x8xf32, #tpu.memory_space<vmem>>
      %dma_wait3A_264 = tpu.memref_slice %arg8[%mul3A_259] : memref<10000xi32, #tpu.memory_space<vmem>> -> memref<80xi32, #tpu.memory_space<vmem>>
      %dma_wait3A_265 = arith.constant 0 : i32
      %dma_wait3A_266 = arith.constant 0 : i32
      %dma_wait3A_267 = tpu.memref_slice %arg15[%dma_wait3A_265, %dma_wait3A_266] : memref<10000x8xf32, #tpu.memory_space<vmem_shared>> -> memref<10000x8xf32, #tpu.memory_space<vmem_shared>>
      tpu.wait_indirect_dma semaphore(%arg20 : memref<!tpu.dma_semaphore, #tpu.memory_space<semaphore_mem>>) src(%dma_wait3A_263 : memref<80x8xf32, #tpu.memory_space<vmem>>) dst(%dma_wait3A_267 : memref<10000x8xf32, #tpu.memory_space<vmem_shared>>)
      %mul3A_268 = arith.constant 80 : i32
      %mul3A_269 = arith.muli %min3A_211, %mul3A_268 : i32
      %dma_start3A_270 = arith.constant 0 : i32
      %dma_start3A_271 = arith.constant 0 : i32
      %dma_start3A_272 = tpu.memref_slice %arg13[%sub3A_208, %dma_start3A_270, %dma_start3A_271] : memref<2x80x128xf32, #tpu.memory_space<vmem>> -> memref<1x80x128xf32, #tpu.memory_space<vmem>>
      %dma_start3A_273 = tpu.memref_squeeze %dma_start3A_272 : memref<1x80x128xf32, #tpu.memory_space<vmem>> -> memref<80x128xf32, #tpu.memory_space<vmem>>
      %dma_start3A_274 = tpu.memref_slice %arg9[%mul3A_269] : memref<10000xi32, #tpu.memory_space<vmem>> -> memref<80xi32, #tpu.memory_space<vmem>>
      %dma_start3A_275 = arith.constant 0 : i32
      %dma_start3A_276 = arith.constant 0 : i32
      %dma_start3A_277 = tpu.memref_slice %arg2[%dma_start3A_275, %dma_start3A_276] : memref<10000x128xf32, #tpu.memory_space<hbm>> -> memref<10000x128xf32, #tpu.memory_space<hbm>>
      tpu.enqueue_indirect_dma source(%dma_start3A_277 : memref<10000x128xf32, #tpu.memory_space<hbm>>) target(%dma_start3A_273 : memref<80x128xf32, #tpu.memory_space<vmem>>) offsets(%dma_start3A_274 : memref<80xi32, #tpu.memory_space<vmem>>) semaphore(%arg16 : memref<!tpu.dma_semaphore, #tpu.memory_space<semaphore_mem>>)
      %parallel_loop3A_278 = arith.constant 0 : i32
      %parallel_loop3A_279 = arith.constant 80 : i32
      %parallel_loop3A_280 = arith.constant 1 : i32
      scf.for %parallel_loop3A_301 = %parallel_loop3A_278 to %parallel_loop3A_279 step %parallel_loop3A_280  : i32 {
        %parallel_loop3A_302 = arith.constant 0 : i32
        %parallel_loop3A_303 = vector.broadcast %parallel_loop3A_302 : i32 to vector<16xi32>
        %parallel_loop3A_304 = arith.muli %iota3A, %parallel_loop3A_303 : vector<16xi32>
        %parallel_loop3A_305 = vector.broadcast %parallel_loop3A_301 : i32 to vector<16xi32>
        %parallel_loop3A_306 = arith.addi %parallel_loop3A_304, %parallel_loop3A_305 : vector<16xi32>
        %parallel_loop3A_307 = arith.constant 0 : i32
        %parallel_loop3A_308 = arith.constant 0 : i32
        %parallel_loop3A_309 = tpu.memref_slice %arg12[%and3A_207, %parallel_loop3A_307, %parallel_loop3A_308] : memref<2x80x8xf32, #tpu.memory_space<vmem>> -> memref<1x80x8xf32, #tpu.memory_space<vmem>>
        %parallel_loop3A_310 = tpu.memref_squeeze %parallel_loop3A_309 : memref<1x80x8xf32, #tpu.memory_space<vmem>> -> memref<80x8xf32, #tpu.memory_space<vmem>>
        %parallel_loop3A_311 = tpu.vector_load_idx %parallel_loop3A_310[%parallel_loop3A_306, %and3A_4] : memref<80x8xf32, #tpu.memory_space<vmem>>[vector<16xi32>, vector<16xi32>], vector<16xf32>,
        %parallel_loop3A_312 = arith.index_cast %and3A_207 : i32 to index
        %parallel_loop3A_313 = arith.index_cast %parallel_loop3A_301 : i32 to index
        %parallel_loop3A_314 = arith.constant 0 : index
        %parallel_loop3A_315 = tpu.vector_load %arg13[%parallel_loop3A_312, %parallel_loop3A_313, %parallel_loop3A_314] {strides = array<i32>} : memref<2x80x128xf32, #tpu.memory_space<vmem>>, vector<16xf32>,
        %parallel_loop3A_316 = arith.mulf %parallel_loop3A_315, %parallel_loop3A_311 : vector<16xf32>
        %parallel_loop3A_317 = arith.index_cast %and3A_207 : i32 to index
        %parallel_loop3A_318 = arith.index_cast %parallel_loop3A_301 : i32 to index
        %parallel_loop3A_319 = arith.constant 0 : index
        %parallel_loop3A_320 = tpu.vector_load %arg13[%parallel_loop3A_317, %parallel_loop3A_318, %parallel_loop3A_319] {strides = array<i32>} : memref<2x80x128xf32, #tpu.memory_space<vmem>>, vector<16xf32>,
        tpu.vector_store %arg13[%parallel_loop3A_317, %parallel_loop3A_318, %parallel_loop3A_319], %parallel_loop3A_316 {strides = array<i32>} : memref<2x80x128xf32, #tpu.memory_space<vmem>>, vector<16xf32>,
        %parallel_loop3A_321 = arith.index_cast %and3A_207 : i32 to index
        %parallel_loop3A_322 = arith.index_cast %parallel_loop3A_301 : i32 to index
        %parallel_loop3A_323 = arith.constant 16 : index
        %parallel_loop3A_324 = tpu.vector_load %arg13[%parallel_loop3A_321, %parallel_loop3A_322, %parallel_loop3A_323] {strides = array<i32>} : memref<2x80x128xf32, #tpu.memory_space<vmem>>, vector<16xf32>,
        %parallel_loop3A_325 = arith.mulf %parallel_loop3A_324, %parallel_loop3A_311 : vector<16xf32>
        %parallel_loop3A_326 = arith.index_cast %and3A_207 : i32 to index
        %parallel_loop3A_327 = arith.index_cast %parallel_loop3A_301 : i32 to index
        %parallel_loop3A_328 = arith.constant 16 : index
        %parallel_loop3A_329 = tpu.vector_load %arg13[%parallel_loop3A_326, %parallel_loop3A_327, %parallel_loop3A_328] {strides = array<i32>} : memref<2x80x128xf32, #tpu.memory_space<vmem>>, vector<16xf32>,
        tpu.vector_store %arg13[%parallel_loop3A_326, %parallel_loop3A_327, %parallel_loop3A_328], %parallel_loop3A_325 {strides = array<i32>} : memref<2x80x128xf32, #tpu.memory_space<vmem>>, vector<16xf32>,
        %parallel_loop3A_330 = arith.index_cast %and3A_207 : i32 to index
        %parallel_loop3A_331 = arith.index_cast %parallel_loop3A_301 : i32 to index
        %parallel_loop3A_332 = arith.constant 32 : index
        %parallel_loop3A_333 = tpu.vector_load %arg13[%parallel_loop3A_330, %parallel_loop3A_331, %parallel_loop3A_332] {strides = array<i32>} : memref<2x80x128xf32, #tpu.memory_space<vmem>>, vector<16xf32>,
        %parallel_loop3A_334 = arith.mulf %parallel_loop3A_333, %parallel_loop3A_311 : vector<16xf32>
        %parallel_loop3A_335 = arith.index_cast %and3A_207 : i32 to index
        %parallel_loop3A_336 = arith.index_cast %parallel_loop3A_301 : i32 to index
        %parallel_loop3A_337 = arith.constant 32 : index
        %parallel_loop3A_338 = tpu.vector_load %arg13[%parallel_loop3A_335, %parallel_loop3A_336, %parallel_loop3A_337] {strides = array<i32>} : memref<2x80x128xf32, #tpu.memory_space<vmem>>, vector<16xf32>,
        tpu.vector_store %arg13[%parallel_loop3A_335, %parallel_loop3A_336, %parallel_loop3A_337], %parallel_loop3A_334 {strides = array<i32>} : memref<2x80x128xf32, #tpu.memory_space<vmem>>, vector<16xf32>,
        %parallel_loop3A_339 = arith.index_cast %and3A_207 : i32 to index
        %parallel_loop3A_340 = arith.index_cast %parallel_loop3A_301 : i32 to index
        %parallel_loop3A_341 = arith.constant 48 : index
        %parallel_loop3A_342 = tpu.vector_load %arg13[%parallel_loop3A_339, %parallel_loop3A_340, %parallel_loop3A_341] {strides = array<i32>} : memref<2x80x128xf32, #tpu.memory_space<vmem>>, vector<16xf32>,
        %parallel_loop3A_343 = arith.mulf %parallel_loop3A_342, %parallel_loop3A_311 : vector<16xf32>
        %parallel_loop3A_344 = arith.index_cast %and3A_207 : i32 to index
        %parallel_loop3A_345 = arith.index_cast %parallel_loop3A_301 : i32 to index
        %parallel_loop3A_346 = arith.constant 48 : index
        %parallel_loop3A_347 = tpu.vector_load %arg13[%parallel_loop3A_344, %parallel_loop3A_345, %parallel_loop3A_346] {strides = array<i32>} : memref<2x80x128xf32, #tpu.memory_space<vmem>>, vector<16xf32>,
        tpu.vector_store %arg13[%parallel_loop3A_344, %parallel_loop3A_345, %parallel_loop3A_346], %parallel_loop3A_343 {strides = array<i32>} : memref<2x80x128xf32, #tpu.memory_space<vmem>>, vector<16xf32>,
        %parallel_loop3A_348 = arith.index_cast %and3A_207 : i32 to index
        %parallel_loop3A_349 = arith.index_cast %parallel_loop3A_301 : i32 to index
        %parallel_loop3A_350 = arith.constant 64 : index
        %parallel_loop3A_351 = tpu.vector_load %arg13[%parallel_loop3A_348, %parallel_loop3A_349, %parallel_loop3A_350] {strides = array<i32>} : memref<2x80x128xf32, #tpu.memory_space<vmem>>, vector<16xf32>,
        %parallel_loop3A_352 = arith.mulf %parallel_loop3A_351, %parallel_loop3A_311 : vector<16xf32>
        %parallel_loop3A_353 = arith.index_cast %and3A_207 : i32 to index
        %parallel_loop3A_354 = arith.index_cast %parallel_loop3A_301 : i32 to index
        %parallel_loop3A_355 = arith.constant 64 : index
        %parallel_loop3A_356 = tpu.vector_load %arg13[%parallel_loop3A_353, %parallel_loop3A_354, %parallel_loop3A_355] {strides = array<i32>} : memref<2x80x128xf32, #tpu.memory_space<vmem>>, vector<16xf32>,
        tpu.vector_store %arg13[%parallel_loop3A_353, %parallel_loop3A_354, %parallel_loop3A_355], %parallel_loop3A_352 {strides = array<i32>} : memref<2x80x128xf32, #tpu.memory_space<vmem>>, vector<16xf32>,
        %parallel_loop3A_357 = arith.index_cast %and3A_207 : i32 to index
        %parallel_loop3A_358 = arith.index_cast %parallel_loop3A_301 : i32 to index
        %parallel_loop3A_359 = arith.constant 80 : index
        %parallel_loop3A_360 = tpu.vector_load %arg13[%parallel_loop3A_357, %parallel_loop3A_358, %parallel_loop3A_359] {strides = array<i32>} : memref<2x80x128xf32, #tpu.memory_space<vmem>>, vector<16xf32>,
        %parallel_loop3A_361 = arith.mulf %parallel_loop3A_360, %parallel_loop3A_311 : vector<16xf32>
        %parallel_loop3A_362 = arith.index_cast %and3A_207 : i32 to index
        %parallel_loop3A_363 = arith.index_cast %parallel_loop3A_301 : i32 to index
        %parallel_loop3A_364 = arith.constant 80 : index
        %parallel_loop3A_365 = tpu.vector_load %arg13[%parallel_loop3A_362, %parallel_loop3A_363, %parallel_loop3A_364] {strides = array<i32>} : memref<2x80x128xf32, #tpu.memory_space<vmem>>, vector<16xf32>,
        tpu.vector_store %arg13[%parallel_loop3A_362, %parallel_loop3A_363, %parallel_loop3A_364], %parallel_loop3A_361 {strides = array<i32>} : memref<2x80x128xf32, #tpu.memory_space<vmem>>, vector<16xf32>,
        %parallel_loop3A_366 = arith.index_cast %and3A_207 : i32 to index
        %parallel_loop3A_367 = arith.index_cast %parallel_loop3A_301 : i32 to index
        %parallel_loop3A_368 = arith.constant 96 : index
        %parallel_loop3A_369 = tpu.vector_load %arg13[%parallel_loop3A_366, %parallel_loop3A_367, %parallel_loop3A_368] {strides = array<i32>} : memref<2x80x128xf32, #tpu.memory_space<vmem>>, vector<16xf32>,
        %parallel_loop3A_370 = arith.mulf %parallel_loop3A_369, %parallel_loop3A_311 : vector<16xf32>
        %parallel_loop3A_371 = arith.index_cast %and3A_207 : i32 to index
        %parallel_loop3A_372 = arith.index_cast %parallel_loop3A_301 : i32 to index
        %parallel_loop3A_373 = arith.constant 96 : index
        %parallel_loop3A_374 = tpu.vector_load %arg13[%parallel_loop3A_371, %parallel_loop3A_372, %parallel_loop3A_373] {strides = array<i32>} : memref<2x80x128xf32, #tpu.memory_space<vmem>>, vector<16xf32>,
        tpu.vector_store %arg13[%parallel_loop3A_371, %parallel_loop3A_372, %parallel_loop3A_373], %parallel_loop3A_370 {strides = array<i32>} : memref<2x80x128xf32, #tpu.memory_space<vmem>>, vector<16xf32>,
        %parallel_loop3A_375 = arith.index_cast %and3A_207 : i32 to index
        %parallel_loop3A_376 = arith.index_cast %parallel_loop3A_301 : i32 to index
        %parallel_loop3A_377 = arith.constant 112 : index
        %parallel_loop3A_378 = tpu.vector_load %arg13[%parallel_loop3A_375, %parallel_loop3A_376, %parallel_loop3A_377] {strides = array<i32>} : memref<2x80x128xf32, #tpu.memory_space<vmem>>, vector<16xf32>,
        %parallel_loop3A_379 = arith.mulf %parallel_loop3A_378, %parallel_loop3A_311 : vector<16xf32>
        %parallel_loop3A_380 = arith.index_cast %and3A_207 : i32 to index
        %parallel_loop3A_381 = arith.index_cast %parallel_loop3A_301 : i32 to index
        %parallel_loop3A_382 = arith.constant 112 : index
        %parallel_loop3A_383 = tpu.vector_load %arg13[%parallel_loop3A_380, %parallel_loop3A_381, %parallel_loop3A_382] {strides = array<i32>} : memref<2x80x128xf32, #tpu.memory_space<vmem>>, vector<16xf32>,
        tpu.vector_store %arg13[%parallel_loop3A_380, %parallel_loop3A_381, %parallel_loop3A_382], %parallel_loop3A_379 {strides = array<i32>} : memref<2x80x128xf32, #tpu.memory_space<vmem>>, vector<16xf32>,
      } {sc.loop_unroll_factor = 2 : i64, sc.parallel_access}
      %mul3A_281 = arith.constant 80 : i32
      %mul3A_282 = arith.muli %scan3A_205, %mul3A_281 : i32
      %dma_start3A_283 = arith.constant 0 : i32
      %dma_start3A_284 = arith.constant 0 : i32
      %dma_start3A_285 = tpu.memref_slice %arg13[%and3A_207, %dma_start3A_283, %dma_start3A_284] : memref<2x80x128xf32, #tpu.memory_space<vmem>> -> memref<1x80x128xf32, #tpu.memory_space<vmem>>
      %dma_start3A_286 = tpu.memref_squeeze %dma_start3A_285 : memref<1x80x128xf32, #tpu.memory_space<vmem>> -> memref<80x128xf32, #tpu.memory_space<vmem>>
      %dma_start3A_287 = tpu.memref_slice %arg8[%mul3A_282] : memref<10000xi32, #tpu.memory_space<vmem>> -> memref<80xi32, #tpu.memory_space<vmem>>
      %dma_start3A_288 = arith.constant 0 : i32
      %dma_start3A_289 = arith.constant 0 : i32
      %dma_start3A_290 = tpu.memref_slice %arg14[%dma_start3A_288, %dma_start3A_289] : memref<10000x128xf32, #tpu.memory_space<vmem_shared>> -> memref<10000x128xf32, #tpu.memory_space<vmem_shared>>
      tpu.enqueue_indirect_dma source(%dma_start3A_286 : memref<80x128xf32, #tpu.memory_space<vmem>>) target(%dma_start3A_290 : memref<10000x128xf32, #tpu.memory_space<vmem_shared>>) offsets(%dma_start3A_287 : memref<80xi32, #tpu.memory_space<vmem>>) semaphore(%arg19 : memref<!tpu.dma_semaphore, #tpu.memory_space<semaphore_mem>>) {add = true}
      %mul3A_291 = arith.constant 80 : i32
      %mul3A_292 = arith.muli %scan3A_205, %mul3A_291 : i32
      %dma_start3A_293 = arith.constant 0 : i32
      %dma_start3A_294 = arith.constant 0 : i32
      %dma_start3A_295 = tpu.memref_slice %arg12[%and3A_207, %dma_start3A_293, %dma_start3A_294] : memref<2x80x8xf32, #tpu.memory_space<vmem>> -> memref<1x80x8xf32, #tpu.memory_space<vmem>>
      %dma_start3A_296 = tpu.memref_squeeze %dma_start3A_295 : memref<1x80x8xf32, #tpu.memory_space<vmem>> -> memref<80x8xf32, #tpu.memory_space<vmem>>
      %dma_start3A_297 = tpu.memref_slice %arg8[%mul3A_292] : memref<10000xi32, #tpu.memory_space<vmem>> -> memref<80xi32, #tpu.memory_space<vmem>>
      %dma_start3A_298 = arith.constant 0 : i32
      %dma_start3A_299 = arith.constant 0 : i32
      %dma_start3A_300 = tpu.memref_slice %arg15[%dma_start3A_298, %dma_start3A_299] : memref<10000x8xf32, #tpu.memory_space<vmem_shared>> -> memref<10000x8xf32, #tpu.memory_space<vmem_shared>>
      tpu.enqueue_indirect_dma source(%dma_start3A_296 : memref<80x8xf32, #tpu.memory_space<vmem>>) target(%dma_start3A_300 : memref<10000x8xf32, #tpu.memory_space<vmem_shared>>) offsets(%dma_start3A_297 : memref<80xi32, #tpu.memory_space<vmem>>) semaphore(%arg20 : memref<!tpu.dma_semaphore, #tpu.memory_space<semaphore_mem>>) {add = true}
    }
    %scan3A_116 = arith.constant 125 : i32
    %dma_wait3A = arith.constant 9920 : i32
    %dma_wait3A_117 = tpu.memref_slice %arg8[%dma_wait3A] : memref<10000xi32, #tpu.memory_space<vmem>> -> memref<80xi32, #tpu.memory_space<vmem>>
    %dma_wait3A_118 = arith.constant 0 : i32
    %dma_wait3A_119 = arith.constant 0 : i32
    %dma_wait3A_120 = tpu.memref_slice %arg3[%dma_wait3A_118, %dma_wait3A_119] : memref<10000x8xf32, #tpu.memory_space<hbm>> -> memref<10000x8xf32, #tpu.memory_space<hbm>>
    tpu.wait_indirect_dma semaphore(%arg17 : memref<!tpu.dma_semaphore, #tpu.memory_space<semaphore_mem>>) src(%dma_wait3A_120 : memref<10000x8xf32, #tpu.memory_space<hbm>>) dst(%arg10 : memref<80x8xf32, #tpu.memory_space<vmem>>)
    %dma_wait3A_121 = arith.constant 9920 : i32
    %dma_wait3A_122 = tpu.memref_slice %arg9[%dma_wait3A_121] : memref<10000xi32, #tpu.memory_space<vmem>> -> memref<80xi32, #tpu.memory_space<vmem>>
    %dma_wait3A_123 = arith.constant 0 : i32
    %dma_wait3A_124 = arith.constant 0 : i32
    %dma_wait3A_125 = tpu.memref_slice %arg4[%dma_wait3A_123, %dma_wait3A_124] : memref<10000x8xf32, #tpu.memory_space<hbm>> -> memref<10000x8xf32, #tpu.memory_space<hbm>>
    tpu.wait_indirect_dma semaphore(%arg18 : memref<!tpu.dma_semaphore, #tpu.memory_space<semaphore_mem>>) src(%dma_wait3A_125 : memref<10000x8xf32, #tpu.memory_space<hbm>>) dst(%arg11 : memref<80x8xf32, #tpu.memory_space<vmem>>)
    %dma_wait3A_126 = arith.constant 1 : i32
    %dma_wait3A_127 = arith.constant 0 : i32
    %dma_wait3A_128 = arith.constant 0 : i32
    %dma_wait3A_129 = tpu.memref_slice %arg13[%dma_wait3A_126, %dma_wait3A_127, %dma_wait3A_128] : memref<2x80x128xf32, #tpu.memory_space<vmem>> -> memref<1x80x128xf32, #tpu.memory_space<vmem>>
    %dma_wait3A_130 = tpu.memref_squeeze %dma_wait3A_129 : memref<1x80x128xf32, #tpu.memory_space<vmem>> -> memref<80x128xf32, #tpu.memory_space<vmem>>
    %dma_wait3A_131 = arith.constant 9920 : i32
    %dma_wait3A_132 = tpu.memref_slice %arg9[%dma_wait3A_131] : memref<10000xi32, #tpu.memory_space<vmem>> -> memref<80xi32, #tpu.memory_space<vmem>>
    %dma_wait3A_133 = arith.constant 0 : i32
    %dma_wait3A_134 = arith.constant 0 : i32
    %dma_wait3A_135 = tpu.memref_slice %arg2[%dma_wait3A_133, %dma_wait3A_134] : memref<10000x128xf32, #tpu.memory_space<hbm>> -> memref<10000x128xf32, #tpu.memory_space<hbm>>
    tpu.wait_indirect_dma semaphore(%arg16 : memref<!tpu.dma_semaphore, #tpu.memory_space<semaphore_mem>>) src(%dma_wait3A_135 : memref<10000x128xf32, #tpu.memory_space<hbm>>) dst(%dma_wait3A_130 : memref<80x128xf32, #tpu.memory_space<vmem>>)
    %dma_wait3A_136 = arith.constant 0 : i32
    %dma_wait3A_137 = arith.constant 0 : i32
    %dma_wait3A_138 = arith.constant 0 : i32
    %dma_wait3A_139 = tpu.memref_slice %arg13[%dma_wait3A_136, %dma_wait3A_137, %dma_wait3A_138] : memref<2x80x128xf32, #tpu.memory_space<vmem>> -> memref<1x80x128xf32, #tpu.memory_space<vmem>>
    %dma_wait3A_140 = tpu.memref_squeeze %dma_wait3A_139 : memref<1x80x128xf32, #tpu.memory_space<vmem>> -> memref<80x128xf32, #tpu.memory_space<vmem>>
    %dma_wait3A_141 = arith.constant 9920 : i32
    %dma_wait3A_142 = tpu.memref_slice %arg8[%dma_wait3A_141] : memref<10000xi32, #tpu.memory_space<vmem>> -> memref<80xi32, #tpu.memory_space<vmem>>
    %dma_wait3A_143 = arith.constant 0 : i32
    %dma_wait3A_144 = arith.constant 0 : i32
    %dma_wait3A_145 = tpu.memref_slice %arg14[%dma_wait3A_143, %dma_wait3A_144] : memref<10000x128xf32, #tpu.memory_space<vmem_shared>> -> memref<10000x128xf32, #tpu.memory_space<vmem_shared>>
    tpu.wait_indirect_dma semaphore(%arg19 : memref<!tpu.dma_semaphore, #tpu.memory_space<semaphore_mem>>) src(%dma_wait3A_140 : memref<80x128xf32, #tpu.memory_space<vmem>>) dst(%dma_wait3A_145 : memref<10000x128xf32, #tpu.memory_space<vmem_shared>>)
    %dma_wait3A_146 = arith.constant 0 : i32
    %dma_wait3A_147 = arith.constant 0 : i32
    %dma_wait3A_148 = arith.constant 0 : i32
    %dma_wait3A_149 = tpu.memref_slice %arg12[%dma_wait3A_146, %dma_wait3A_147, %dma_wait3A_148] : memref<2x80x8xf32, #tpu.memory_space<vmem>> -> memref<1x80x8xf32, #tpu.memory_space<vmem>>
    %dma_wait3A_150 = tpu.memref_squeeze %dma_wait3A_149 : memref<1x80x8xf32, #tpu.memory_space<vmem>> -> memref<80x8xf32, #tpu.memory_space<vmem>>
    %dma_wait3A_151 = arith.constant 9920 : i32
    %dma_wait3A_152 = tpu.memref_slice %arg8[%dma_wait3A_151] : memref<10000xi32, #tpu.memory_space<vmem>> -> memref<80xi32, #tpu.memory_space<vmem>>
    %dma_wait3A_153 = arith.constant 0 : i32
    %dma_wait3A_154 = arith.constant 0 : i32
    %dma_wait3A_155 = tpu.memref_slice %arg15[%dma_wait3A_153, %dma_wait3A_154] : memref<10000x8xf32, #tpu.memory_space<vmem_shared>> -> memref<10000x8xf32, #tpu.memory_space<vmem_shared>>
    tpu.wait_indirect_dma semaphore(%arg20 : memref<!tpu.dma_semaphore, #tpu.memory_space<semaphore_mem>>) src(%dma_wait3A_150 : memref<80x8xf32, #tpu.memory_space<vmem>>) dst(%dma_wait3A_155 : memref<10000x8xf32, #tpu.memory_space<vmem_shared>>)
    %barrier3A_156 = arith.constant 0 : index
    tpu.barrier barrier_id(%barrier3A_156)
    %add3A_157 = arith.constant 0 : i32
    %add3A_158 = arith.addi %mul3A_23, %add3A_157 : i32
    %run_scoped3A_159 = arith.constant 0 : i32
    "tpu.region"() ({
      %run_scoped3A_205 = tpu.sem_alloc : memref<!tpu.dma_semaphore, #tpu.memory_space<semaphore_mem>>
      %dma_start3A_206 = arith.constant 0 : i32
      %dma_start3A_207 = arith.constant 0 : i32
      %dma_start3A_208 = tpu.memref_slice %arg13[%run_scoped3A_159, %dma_start3A_206, %dma_start3A_207] : memref<2x80x128xf32, #tpu.memory_space<vmem>> -> memref<1x80x128xf32, #tpu.memory_space<vmem>>
      %dma_start3A_209 = tpu.memref_squeeze %dma_start3A_208 : memref<1x80x128xf32, #tpu.memory_space<vmem>> -> memref<80x128xf32, #tpu.memory_space<vmem>>
      %dma_start3A_210 = arith.constant 0 : i32
      %dma_start3A_211 = tpu.memref_slice %arg14[%add3A_158, %dma_start3A_210] : memref<10000x128xf32, #tpu.memory_space<vmem_shared>> -> memref<80x128xf32, #tpu.memory_space<vmem_shared>>
      %dma_start3A_212 = arith.constant 0 : i32
      %dma_start3A_213 = arith.constant 0 : i32
      %dma_start3A_214 = tpu.memref_slice %arg13[%run_scoped3A_159, %dma_start3A_212, %dma_start3A_213] : memref<2x80x128xf32, #tpu.memory_space<vmem>> -> memref<1x80x128xf32, #tpu.memory_space<vmem>>
      %dma_start3A_215 = tpu.memref_squeeze %dma_start3A_214 : memref<1x80x128xf32, #tpu.memory_space<vmem>> -> memref<80x128xf32, #tpu.memory_space<vmem>>
      %dma_start3A_216 = arith.constant 0 : i32
      %dma_start3A_217 = tpu.memref_slice %arg14[%add3A_158, %dma_start3A_216] : memref<10000x128xf32, #tpu.memory_space<vmem_shared>> -> memref<80x128xf32, #tpu.memory_space<vmem_shared>>
      tpu.enqueue_dma source(%dma_start3A_217 : memref<80x128xf32, #tpu.memory_space<vmem_shared>>) target(%dma_start3A_215 : memref<80x128xf32, #tpu.memory_space<vmem>>) target_semaphore(%run_scoped3A_205 : memref<!tpu.dma_semaphore, #tpu.memory_space<semaphore_mem>>)
      %dma_wait3A_218 = arith.constant 0 : i32
      %dma_wait3A_219 = arith.constant 0 : i32
      %dma_wait3A_220 = tpu.memref_slice %arg13[%run_scoped3A_159, %dma_wait3A_218, %dma_wait3A_219] : memref<2x80x128xf32, #tpu.memory_space<vmem>> -> memref<1x80x128xf32, #tpu.memory_space<vmem>>
      %dma_wait3A_221 = tpu.memref_squeeze %dma_wait3A_220 : memref<1x80x128xf32, #tpu.memory_space<vmem>> -> memref<80x128xf32, #tpu.memory_space<vmem>>
      %dma_wait3A_222 = arith.constant 0 : i32
      %dma_wait3A_223 = tpu.memref_slice %arg14[%add3A_158, %dma_wait3A_222] : memref<10000x128xf32, #tpu.memory_space<vmem_shared>> -> memref<80x128xf32, #tpu.memory_space<vmem_shared>>
      %dma_wait3A_224 = arith.constant 0 : i32
      %dma_wait3A_225 = arith.constant 0 : i32
      %dma_wait3A_226 = tpu.memref_slice %arg13[%run_scoped3A_159, %dma_wait3A_224, %dma_wait3A_225] : memref<2x80x128xf32, #tpu.memory_space<vmem>> -> memref<1x80x128xf32, #tpu.memory_space<vmem>>
      %dma_wait3A_227 = tpu.memref_squeeze %dma_wait3A_226 : memref<1x80x128xf32, #tpu.memory_space<vmem>> -> memref<80x128xf32, #tpu.memory_space<vmem>>
      %dma_wait3A_228 = arith.constant 0 : i32
      %dma_wait3A_229 = tpu.memref_slice %arg14[%add3A_158, %dma_wait3A_228] : memref<10000x128xf32, #tpu.memory_space<vmem_shared>> -> memref<80x128xf32, #tpu.memory_space<vmem_shared>>
      tpu.wait_dma2 semaphore(%run_scoped3A_205 : memref<!tpu.dma_semaphore, #tpu.memory_space<semaphore_mem>>) src(%dma_wait3A_229 : memref<80x128xf32, #tpu.memory_space<vmem_shared>>) dst(%dma_wait3A_227 : memref<80x128xf32, #tpu.memory_space<vmem>>)
      tpu.yield
    }) : () -> ()
    %run_scoped3A_160 = arith.constant 0 : i32
    "tpu.region"() ({
      %run_scoped3A_205 = tpu.sem_alloc : memref<!tpu.dma_semaphore, #tpu.memory_space<semaphore_mem>>
      %dma_start3A_206 = arith.constant 0 : i32
      %dma_start3A_207 = arith.constant 0 : i32
      %dma_start3A_208 = tpu.memref_slice %arg13[%run_scoped3A_160, %dma_start3A_206, %dma_start3A_207] : memref<2x80x128xf32, #tpu.memory_space<vmem>> -> memref<1x80x128xf32, #tpu.memory_space<vmem>>
      %dma_start3A_209 = tpu.memref_squeeze %dma_start3A_208 : memref<1x80x128xf32, #tpu.memory_space<vmem>> -> memref<80x128xf32, #tpu.memory_space<vmem>>
      %dma_start3A_210 = arith.constant 0 : i32
      %dma_start3A_211 = tpu.memref_slice %arg6[%arg0, %add3A_158, %dma_start3A_210] : memref<2x10000x128xf32, #tpu.memory_space<hbm>> -> memref<1x80x128xf32, #tpu.memory_space<hbm>>
      %dma_start3A_212 = tpu.memref_squeeze %dma_start3A_211 : memref<1x80x128xf32, #tpu.memory_space<hbm>> -> memref<80x128xf32, #tpu.memory_space<hbm>>
      %dma_start3A_213 = arith.constant 0 : i32
      %dma_start3A_214 = tpu.memref_slice %arg6[%arg0, %add3A_158, %dma_start3A_213] : memref<2x10000x128xf32, #tpu.memory_space<hbm>> -> memref<1x80x128xf32, #tpu.memory_space<hbm>>
      %dma_start3A_215 = tpu.memref_squeeze %dma_start3A_214 : memref<1x80x128xf32, #tpu.memory_space<hbm>> -> memref<80x128xf32, #tpu.memory_space<hbm>>
      %dma_start3A_216 = arith.constant 0 : i32
      %dma_start3A_217 = arith.constant 0 : i32
      %dma_start3A_218 = tpu.memref_slice %arg13[%run_scoped3A_160, %dma_start3A_216, %dma_start3A_217] : memref<2x80x128xf32, #tpu.memory_space<vmem>> -> memref<1x80x128xf32, #tpu.memory_space<vmem>>
      %dma_start3A_219 = tpu.memref_squeeze %dma_start3A_218 : memref<1x80x128xf32, #tpu.memory_space<vmem>> -> memref<80x128xf32, #tpu.memory_space<vmem>>
      tpu.enqueue_dma source(%dma_start3A_219 : memref<80x128xf32, #tpu.memory_space<vmem>>) target(%dma_start3A_215 : memref<80x128xf32, #tpu.memory_space<hbm>>) target_semaphore(%run_scoped3A_205 : memref<!tpu.dma_semaphore, #tpu.memory_space<semaphore_mem>>)
      %dma_wait3A_220 = arith.constant 0 : i32
      %dma_wait3A_221 = arith.constant 0 : i32
      %dma_wait3A_222 = tpu.memref_slice %arg13[%run_scoped3A_160, %dma_wait3A_220, %dma_wait3A_221] : memref<2x80x128xf32, #tpu.memory_space<vmem>> -> memref<1x80x128xf32, #tpu.memory_space<vmem>>
      %dma_wait3A_223 = tpu.memref_squeeze %dma_wait3A_222 : memref<1x80x128xf32, #tpu.memory_space<vmem>> -> memref<80x128xf32, #tpu.memory_space<vmem>>
      %dma_wait3A_224 = arith.constant 0 : i32
      %dma_wait3A_225 = tpu.memref_slice %arg6[%arg0, %add3A_158, %dma_wait3A_224] : memref<2x10000x128xf32, #tpu.memory_space<hbm>> -> memref<1x80x128xf32, #tpu.memory_space<hbm>>
      %dma_wait3A_226 = tpu.memref_squeeze %dma_wait3A_225 : memref<1x80x128xf32, #tpu.memory_space<hbm>> -> memref<80x128xf32, #tpu.memory_space<hbm>>
      %dma_wait3A_227 = arith.constant 0 : i32
      %dma_wait3A_228 = tpu.memref_slice %arg6[%arg0, %add3A_158, %dma_wait3A_227] : memref<2x10000x128xf32, #tpu.memory_space<hbm>> -> memref<1x80x128xf32, #tpu.memory_space<hbm>>
      %dma_wait3A_229 = tpu.memref_squeeze %dma_wait3A_228 : memref<1x80x128xf32, #tpu.memory_space<hbm>> -> memref<80x128xf32, #tpu.memory_space<hbm>>
      %dma_wait3A_230 = arith.constant 0 : i32
      %dma_wait3A_231 = arith.constant 0 : i32
      %dma_wait3A_232 = tpu.memref_slice %arg13[%run_scoped3A_160, %dma_wait3A_230, %dma_wait3A_231] : memref<2x80x128xf32, #tpu.memory_space<vmem>> -> memref<1x80x128xf32, #tpu.memory_space<vmem>>
      %dma_wait3A_233 = tpu.memref_squeeze %dma_wait3A_232 : memref<1x80x128xf32, #tpu.memory_space<vmem>> -> memref<80x128xf32, #tpu.memory_space<vmem>>
      tpu.wait_dma2 semaphore(%run_scoped3A_205 : memref<!tpu.dma_semaphore, #tpu.memory_space<semaphore_mem>>) src(%dma_wait3A_233 : memref<80x128xf32, #tpu.memory_space<vmem>>) dst(%dma_wait3A_229 : memref<80x128xf32, #tpu.memory_space<hbm>>)
      tpu.yield
    }) : () -> ()
    %run_scoped3A_161 = arith.constant 0 : i32
    "tpu.region"() ({
      %run_scoped3A_205 = tpu.sem_alloc : memref<!tpu.dma_semaphore, #tpu.memory_space<semaphore_mem>>
      %dma_start3A_206 = arith.constant 0 : i32
      %dma_start3A_207 = arith.constant 0 : i32
      %dma_start3A_208 = tpu.memref_slice %arg12[%run_scoped3A_161, %dma_start3A_206, %dma_start3A_207] : memref<2x80x8xf32, #tpu.memory_space<vmem>> -> memref<1x80x8xf32, #tpu.memory_space<vmem>>
      %dma_start3A_209 = tpu.memref_squeeze %dma_start3A_208 : memref<1x80x8xf32, #tpu.memory_space<vmem>> -> memref<80x8xf32, #tpu.memory_space<vmem>>
      %dma_start3A_210 = arith.constant 0 : i32
      %dma_start3A_211 = tpu.memref_slice %arg15[%add3A_158, %dma_start3A_210] : memref<10000x8xf32, #tpu.memory_space<vmem_shared>> -> memref<80x8xf32, #tpu.memory_space<vmem_shared>>
      %dma_start3A_212 = arith.constant 0 : i32
      %dma_start3A_213 = arith.constant 0 : i32
      %dma_start3A_214 = tpu.memref_slice %arg12[%run_scoped3A_161, %dma_start3A_212, %dma_start3A_213] : memref<2x80x8xf32, #tpu.memory_space<vmem>> -> memref<1x80x8xf32, #tpu.memory_space<vmem>>
      %dma_start3A_215 = tpu.memref_squeeze %dma_start3A_214 : memref<1x80x8xf32, #tpu.memory_space<vmem>> -> memref<80x8xf32, #tpu.memory_space<vmem>>
      %dma_start3A_216 = arith.constant 0 : i32
      %dma_start3A_217 = tpu.memref_slice %arg15[%add3A_158, %dma_start3A_216] : memref<10000x8xf32, #tpu.memory_space<vmem_shared>> -> memref<80x8xf32, #tpu.memory_space<vmem_shared>>
      tpu.enqueue_dma source(%dma_start3A_217 : memref<80x8xf32, #tpu.memory_space<vmem_shared>>) target(%dma_start3A_215 : memref<80x8xf32, #tpu.memory_space<vmem>>) target_semaphore(%run_scoped3A_205 : memref<!tpu.dma_semaphore, #tpu.memory_space<semaphore_mem>>)
      %dma_wait3A_218 = arith.constant 0 : i32
      %dma_wait3A_219 = arith.constant 0 : i32
      %dma_wait3A_220 = tpu.memref_slice %arg12[%run_scoped3A_161, %dma_wait3A_218, %dma_wait3A_219] : memref<2x80x8xf32, #tpu.memory_space<vmem>> -> memref<1x80x8xf32, #tpu.memory_space<vmem>>
      %dma_wait3A_221 = tpu.memref_squeeze %dma_wait3A_220 : memref<1x80x8xf32, #tpu.memory_space<vmem>> -> memref<80x8xf32, #tpu.memory_space<vmem>>
      %dma_wait3A_222 = arith.constant 0 : i32
      %dma_wait3A_223 = tpu.memref_slice %arg15[%add3A_158, %dma_wait3A_222] : memref<10000x8xf32, #tpu.memory_space<vmem_shared>> -> memref<80x8xf32, #tpu.memory_space<vmem_shared>>
      %dma_wait3A_224 = arith.constant 0 : i32
      %dma_wait3A_225 = arith.constant 0 : i32
      %dma_wait3A_226 = tpu.memref_slice %arg12[%run_scoped3A_161, %dma_wait3A_224, %dma_wait3A_225] : memref<2x80x8xf32, #tpu.memory_space<vmem>> -> memref<1x80x8xf32, #tpu.memory_space<vmem>>
      %dma_wait3A_227 = tpu.memref_squeeze %dma_wait3A_226 : memref<1x80x8xf32, #tpu.memory_space<vmem>> -> memref<80x8xf32, #tpu.memory_space<vmem>>
      %dma_wait3A_228 = arith.constant 0 : i32
      %dma_wait3A_229 = tpu.memref_slice %arg15[%add3A_158, %dma_wait3A_228] : memref<10000x8xf32, #tpu.memory_space<vmem_shared>> -> memref<80x8xf32, #tpu.memory_space<vmem_shared>>
      tpu.wait_dma2 semaphore(%run_scoped3A_205 : memref<!tpu.dma_semaphore, #tpu.memory_space<semaphore_mem>>) src(%dma_wait3A_229 : memref<80x8xf32, #tpu.memory_space<vmem_shared>>) dst(%dma_wait3A_227 : memref<80x8xf32, #tpu.memory_space<vmem>>)
      tpu.yield
    }) : () -> ()
    %run_scoped3A_162 = arith.constant 0 : i32
    "tpu.region"() ({
      %run_scoped3A_205 = tpu.sem_alloc : memref<!tpu.dma_semaphore, #tpu.memory_space<semaphore_mem>>
      %dma_start3A_206 = arith.constant 0 : i32
      %dma_start3A_207 = arith.constant 0 : i32
      %dma_start3A_208 = tpu.memref_slice %arg12[%run_scoped3A_162, %dma_start3A_206, %dma_start3A_207] : memref<2x80x8xf32, #tpu.memory_space<vmem>> -> memref<1x80x8xf32, #tpu.memory_space<vmem>>
      %dma_start3A_209 = tpu.memref_squeeze %dma_start3A_208 : memref<1x80x8xf32, #tpu.memory_space<vmem>> -> memref<80x8xf32, #tpu.memory_space<vmem>>
      %dma_start3A_210 = arith.constant 0 : i32
      %dma_start3A_211 = tpu.memref_slice %arg7[%arg0, %add3A_158, %dma_start3A_210] : memref<2x10000x8xf32, #tpu.memory_space<hbm>> -> memref<1x80x8xf32, #tpu.memory_space<hbm>>
      %dma_start3A_212 = tpu.memref_squeeze %dma_start3A_211 : memref<1x80x8xf32, #tpu.memory_space<hbm>> -> memref<80x8xf32, #tpu.memory_space<hbm>>
      %dma_start3A_213 = arith.constant 0 : i32
      %dma_start3A_214 = tpu.memref_slice %arg7[%arg0, %add3A_158, %dma_start3A_213] : memref<2x10000x8xf32, #tpu.memory_space<hbm>> -> memref<1x80x8xf32, #tpu.memory_space<hbm>>
      %dma_start3A_215 = tpu.memref_squeeze %dma_start3A_214 : memref<1x80x8xf32, #tpu.memory_space<hbm>> -> memref<80x8xf32, #tpu.memory_space<hbm>>
      %dma_start3A_216 = arith.constant 0 : i32
      %dma_start3A_217 = arith.constant 0 : i32
      %dma_start3A_218 = tpu.memref_slice %arg12[%run_scoped3A_162, %dma_start3A_216, %dma_start3A_217] : memref<2x80x8xf32, #tpu.memory_space<vmem>> -> memref<1x80x8xf32, #tpu.memory_space<vmem>>
      %dma_start3A_219 = tpu.memref_squeeze %dma_start3A_218 : memref<1x80x8xf32, #tpu.memory_space<vmem>> -> memref<80x8xf32, #tpu.memory_space<vmem>>
      tpu.enqueue_dma source(%dma_start3A_219 : memref<80x8xf32, #tpu.memory_space<vmem>>) target(%dma_start3A_215 : memref<80x8xf32, #tpu.memory_space<hbm>>) target_semaphore(%run_scoped3A_205 : memref<!tpu.dma_semaphore, #tpu.memory_space<semaphore_mem>>)
      %dma_wait3A_220 = arith.constant 0 : i32
      %dma_wait3A_221 = arith.constant 0 : i32
      %dma_wait3A_222 = tpu.memref_slice %arg12[%run_scoped3A_162, %dma_wait3A_220, %dma_wait3A_221] : memref<2x80x8xf32, #tpu.memory_space<vmem>> -> memref<1x80x8xf32, #tpu.memory_space<vmem>>
      %dma_wait3A_223 = tpu.memref_squeeze %dma_wait3A_222 : memref<1x80x8xf32, #tpu.memory_space<vmem>> -> memref<80x8xf32, #tpu.memory_space<vmem>>
      %dma_wait3A_224 = arith.constant 0 : i32
      %dma_wait3A_225 = tpu.memref_slice %arg7[%arg0, %add3A_158, %dma_wait3A_224] : memref<2x10000x8xf32, #tpu.memory_space<hbm>> -> memref<1x80x8xf32, #tpu.memory_space<hbm>>
      %dma_wait3A_226 = tpu.memref_squeeze %dma_wait3A_225 : memref<1x80x8xf32, #tpu.memory_space<hbm>> -> memref<80x8xf32, #tpu.memory_space<hbm>>
      %dma_wait3A_227 = arith.constant 0 : i32
      %dma_wait3A_228 = tpu.memref_slice %arg7[%arg0, %add3A_158, %dma_wait3A_227] : memref<2x10000x8xf32, #tpu.memory_space<hbm>> -> memref<1x80x8xf32, #tpu.memory_space<hbm>>
      %dma_wait3A_229 = tpu.memref_squeeze %dma_wait3A_228 : memref<1x80x8xf32, #tpu.memory_space<hbm>> -> memref<80x8xf32, #tpu.memory_space<hbm>>
      %dma_wait3A_230 = arith.constant 0 : i32
      %dma_wait3A_231 = arith.constant 0 : i32
      %dma_wait3A_232 = tpu.memref_slice %arg12[%run_scoped3A_162, %dma_wait3A_230, %dma_wait3A_231] : memref<2x80x8xf32, #tpu.memory_space<vmem>> -> memref<1x80x8xf32, #tpu.memory_space<vmem>>
      %dma_wait3A_233 = tpu.memref_squeeze %dma_wait3A_232 : memref<1x80x8xf32, #tpu.memory_space<vmem>> -> memref<80x8xf32, #tpu.memory_space<vmem>>
      tpu.wait_dma2 semaphore(%run_scoped3A_205 : memref<!tpu.dma_semaphore, #tpu.memory_space<semaphore_mem>>) src(%dma_wait3A_233 : memref<80x8xf32, #tpu.memory_space<vmem>>) dst(%dma_wait3A_229 : memref<80x8xf32, #tpu.memory_space<hbm>>)
      tpu.yield
    }) : () -> ()
    %add3A_163 = arith.constant 80 : i32
    %add3A_164 = arith.addi %mul3A_23, %add3A_163 : i32
    %run_scoped3A_165 = arith.constant 0 : i32
    "tpu.region"() ({
      %run_scoped3A_205 = tpu.sem_alloc : memref<!tpu.dma_semaphore, #tpu.memory_space<semaphore_mem>>
      %dma_start3A_206 = arith.constant 0 : i32
      %dma_start3A_207 = arith.constant 0 : i32
      %dma_start3A_208 = tpu.memref_slice %arg13[%run_scoped3A_165, %dma_start3A_206, %dma_start3A_207] : memref<2x80x128xf32, #tpu.memory_space<vmem>> -> memref<1x80x128xf32, #tpu.memory_space<vmem>>
      %dma_start3A_209 = tpu.memref_squeeze %dma_start3A_208 : memref<1x80x128xf32, #tpu.memory_space<vmem>> -> memref<80x128xf32, #tpu.memory_space<vmem>>
      %dma_start3A_210 = arith.constant 0 : i32
      %dma_start3A_211 = tpu.memref_slice %arg14[%add3A_164, %dma_start3A_210] : memref<10000x128xf32, #tpu.memory_space<vmem_shared>> -> memref<80x128xf32, #tpu.memory_space<vmem_shared>>
      %dma_start3A_212 = arith.constant 0 : i32
      %dma_start3A_213 = arith.constant 0 : i32
      %dma_start3A_214 = tpu.memref_slice %arg13[%run_scoped3A_165, %dma_start3A_212, %dma_start3A_213] : memref<2x80x128xf32, #tpu.memory_space<vmem>> -> memref<1x80x128xf32, #tpu.memory_space<vmem>>
      %dma_start3A_215 = tpu.memref_squeeze %dma_start3A_214 : memref<1x80x128xf32, #tpu.memory_space<vmem>> -> memref<80x128xf32, #tpu.memory_space<vmem>>
      %dma_start3A_216 = arith.constant 0 : i32
      %dma_start3A_217 = tpu.memref_slice %arg14[%add3A_164, %dma_start3A_216] : memref<10000x128xf32, #tpu.memory_space<vmem_shared>> -> memref<80x128xf32, #tpu.memory_space<vmem_shared>>
      tpu.enqueue_dma source(%dma_start3A_217 : memref<80x128xf32, #tpu.memory_space<vmem_shared>>) target(%dma_start3A_215 : memref<80x128xf32, #tpu.memory_space<vmem>>) target_semaphore(%run_scoped3A_205 : memref<!tpu.dma_semaphore, #tpu.memory_space<semaphore_mem>>)
      %dma_wait3A_218 = arith.constant 0 : i32
      %dma_wait3A_219 = arith.constant 0 : i32
      %dma_wait3A_220 = tpu.memref_slice %arg13[%run_scoped3A_165, %dma_wait3A_218, %dma_wait3A_219] : memref<2x80x128xf32, #tpu.memory_space<vmem>> -> memref<1x80x128xf32, #tpu.memory_space<vmem>>
      %dma_wait3A_221 = tpu.memref_squeeze %dma_wait3A_220 : memref<1x80x128xf32, #tpu.memory_space<vmem>> -> memref<80x128xf32, #tpu.memory_space<vmem>>
      %dma_wait3A_222 = arith.constant 0 : i32
      %dma_wait3A_223 = tpu.memref_slice %arg14[%add3A_164, %dma_wait3A_222] : memref<10000x128xf32, #tpu.memory_space<vmem_shared>> -> memref<80x128xf32, #tpu.memory_space<vmem_shared>>
      %dma_wait3A_224 = arith.constant 0 : i32
      %dma_wait3A_225 = arith.constant 0 : i32
      %dma_wait3A_226 = tpu.memref_slice %arg13[%run_scoped3A_165, %dma_wait3A_224, %dma_wait3A_225] : memref<2x80x128xf32, #tpu.memory_space<vmem>> -> memref<1x80x128xf32, #tpu.memory_space<vmem>>
      %dma_wait3A_227 = tpu.memref_squeeze %dma_wait3A_226 : memref<1x80x128xf32, #tpu.memory_space<vmem>> -> memref<80x128xf32, #tpu.memory_space<vmem>>
      %dma_wait3A_228 = arith.constant 0 : i32
      %dma_wait3A_229 = tpu.memref_slice %arg14[%add3A_164, %dma_wait3A_228] : memref<10000x128xf32, #tpu.memory_space<vmem_shared>> -> memref<80x128xf32, #tpu.memory_space<vmem_shared>>
      tpu.wait_dma2 semaphore(%run_scoped3A_205 : memref<!tpu.dma_semaphore, #tpu.memory_space<semaphore_mem>>) src(%dma_wait3A_229 : memref<80x128xf32, #tpu.memory_space<vmem_shared>>) dst(%dma_wait3A_227 : memref<80x128xf32, #tpu.memory_space<vmem>>)
      tpu.yield
    }) : () -> ()
    %run_scoped3A_166 = arith.constant 0 : i32
    "tpu.region"() ({
      %run_scoped3A_205 = tpu.sem_alloc : memref<!tpu.dma_semaphore, #tpu.memory_space<semaphore_mem>>
      %dma_start3A_206 = arith.constant 0 : i32
      %dma_start3A_207 = arith.constant 0 : i32
      %dma_start3A_208 = tpu.memref_slice %arg13[%run_scoped3A_166, %dma_start3A_206, %dma_start3A_207] : memref<2x80x128xf32, #tpu.memory_space<vmem>> -> memref<1x80x128xf32, #tpu.memory_space<vmem>>
      %dma_start3A_209 = tpu.memref_squeeze %dma_start3A_208 : memref<1x80x128xf32, #tpu.memory_space<vmem>> -> memref<80x128xf32, #tpu.memory_space<vmem>>
      %dma_start3A_210 = arith.constant 0 : i32
      %dma_start3A_211 = tpu.memref_slice %arg6[%arg0, %add3A_164, %dma_start3A_210] : memref<2x10000x128xf32, #tpu.memory_space<hbm>> -> memref<1x80x128xf32, #tpu.memory_space<hbm>>
      %dma_start3A_212 = tpu.memref_squeeze %dma_start3A_211 : memref<1x80x128xf32, #tpu.memory_space<hbm>> -> memref<80x128xf32, #tpu.memory_space<hbm>>
      %dma_start3A_213 = arith.constant 0 : i32
      %dma_start3A_214 = tpu.memref_slice %arg6[%arg0, %add3A_164, %dma_start3A_213] : memref<2x10000x128xf32, #tpu.memory_space<hbm>> -> memref<1x80x128xf32, #tpu.memory_space<hbm>>
      %dma_start3A_215 = tpu.memref_squeeze %dma_start3A_214 : memref<1x80x128xf32, #tpu.memory_space<hbm>> -> memref<80x128xf32, #tpu.memory_space<hbm>>
      %dma_start3A_216 = arith.constant 0 : i32
      %dma_start3A_217 = arith.constant 0 : i32
      %dma_start3A_218 = tpu.memref_slice %arg13[%run_scoped3A_166, %dma_start3A_216, %dma_start3A_217] : memref<2x80x128xf32, #tpu.memory_space<vmem>> -> memref<1x80x128xf32, #tpu.memory_space<vmem>>
      %dma_start3A_219 = tpu.memref_squeeze %dma_start3A_218 : memref<1x80x128xf32, #tpu.memory_space<vmem>> -> memref<80x128xf32, #tpu.memory_space<vmem>>
      tpu.enqueue_dma source(%dma_start3A_219 : memref<80x128xf32, #tpu.memory_space<vmem>>) target(%dma_start3A_215 : memref<80x128xf32, #tpu.memory_space<hbm>>) target_semaphore(%run_scoped3A_205 : memref<!tpu.dma_semaphore, #tpu.memory_space<semaphore_mem>>)
      %dma_wait3A_220 = arith.constant 0 : i32
      %dma_wait3A_221 = arith.constant 0 : i32
      %dma_wait3A_222 = tpu.memref_slice %arg13[%run_scoped3A_166, %dma_wait3A_220, %dma_wait3A_221] : memref<2x80x128xf32, #tpu.memory_space<vmem>> -> memref<1x80x128xf32, #tpu.memory_space<vmem>>
      %dma_wait3A_223 = tpu.memref_squeeze %dma_wait3A_222 : memref<1x80x128xf32, #tpu.memory_space<vmem>> -> memref<80x128xf32, #tpu.memory_space<vmem>>
      %dma_wait3A_224 = arith.constant 0 : i32
      %dma_wait3A_225 = tpu.memref_slice %arg6[%arg0, %add3A_164, %dma_wait3A_224] : memref<2x10000x128xf32, #tpu.memory_space<hbm>> -> memref<1x80x128xf32, #tpu.memory_space<hbm>>
      %dma_wait3A_226 = tpu.memref_squeeze %dma_wait3A_225 : memref<1x80x128xf32, #tpu.memory_space<hbm>> -> memref<80x128xf32, #tpu.memory_space<hbm>>
      %dma_wait3A_227 = arith.constant 0 : i32
      %dma_wait3A_228 = tpu.memref_slice %arg6[%arg0, %add3A_164, %dma_wait3A_227] : memref<2x10000x128xf32, #tpu.memory_space<hbm>> -> memref<1x80x128xf32, #tpu.memory_space<hbm>>
      %dma_wait3A_229 = tpu.memref_squeeze %dma_wait3A_228 : memref<1x80x128xf32, #tpu.memory_space<hbm>> -> memref<80x128xf32, #tpu.memory_space<hbm>>
      %dma_wait3A_230 = arith.constant 0 : i32
      %dma_wait3A_231 = arith.constant 0 : i32
      %dma_wait3A_232 = tpu.memref_slice %arg13[%run_scoped3A_166, %dma_wait3A_230, %dma_wait3A_231] : memref<2x80x128xf32, #tpu.memory_space<vmem>> -> memref<1x80x128xf32, #tpu.memory_space<vmem>>
      %dma_wait3A_233 = tpu.memref_squeeze %dma_wait3A_232 : memref<1x80x128xf32, #tpu.memory_space<vmem>> -> memref<80x128xf32, #tpu.memory_space<vmem>>
      tpu.wait_dma2 semaphore(%run_scoped3A_205 : memref<!tpu.dma_semaphore, #tpu.memory_space<semaphore_mem>>) src(%dma_wait3A_233 : memref<80x128xf32, #tpu.memory_space<vmem>>) dst(%dma_wait3A_229 : memref<80x128xf32, #tpu.memory_space<hbm>>)
      tpu.yield
    }) : () -> ()
    %run_scoped3A_167 = arith.constant 0 : i32
    "tpu.region"() ({
      %run_scoped3A_205 = tpu.sem_alloc : memref<!tpu.dma_semaphore, #tpu.memory_space<semaphore_mem>>
      %dma_start3A_206 = arith.constant 0 : i32
      %dma_start3A_207 = arith.constant 0 : i32
      %dma_start3A_208 = tpu.memref_slice %arg12[%run_scoped3A_167, %dma_start3A_206, %dma_start3A_207] : memref<2x80x8xf32, #tpu.memory_space<vmem>> -> memref<1x80x8xf32, #tpu.memory_space<vmem>>
      %dma_start3A_209 = tpu.memref_squeeze %dma_start3A_208 : memref<1x80x8xf32, #tpu.memory_space<vmem>> -> memref<80x8xf32, #tpu.memory_space<vmem>>
      %dma_start3A_210 = arith.constant 0 : i32
      %dma_start3A_211 = tpu.memref_slice %arg15[%add3A_164, %dma_start3A_210] : memref<10000x8xf32, #tpu.memory_space<vmem_shared>> -> memref<80x8xf32, #tpu.memory_space<vmem_shared>>
      %dma_start3A_212 = arith.constant 0 : i32
      %dma_start3A_213 = arith.constant 0 : i32
      %dma_start3A_214 = tpu.memref_slice %arg12[%run_scoped3A_167, %dma_start3A_212, %dma_start3A_213] : memref<2x80x8xf32, #tpu.memory_space<vmem>> -> memref<1x80x8xf32, #tpu.memory_space<vmem>>
      %dma_start3A_215 = tpu.memref_squeeze %dma_start3A_214 : memref<1x80x8xf32, #tpu.memory_space<vmem>> -> memref<80x8xf32, #tpu.memory_space<vmem>>
      %dma_start3A_216 = arith.constant 0 : i32
      %dma_start3A_217 = tpu.memref_slice %arg15[%add3A_164, %dma_start3A_216] : memref<10000x8xf32, #tpu.memory_space<vmem_shared>> -> memref<80x8xf32, #tpu.memory_space<vmem_shared>>
      tpu.enqueue_dma source(%dma_start3A_217 : memref<80x8xf32, #tpu.memory_space<vmem_shared>>) target(%dma_start3A_215 : memref<80x8xf32, #tpu.memory_space<vmem>>) target_semaphore(%run_scoped3A_205 : memref<!tpu.dma_semaphore, #tpu.memory_space<semaphore_mem>>)
      %dma_wait3A_218 = arith.constant 0 : i32
      %dma_wait3A_219 = arith.constant 0 : i32
      %dma_wait3A_220 = tpu.memref_slice %arg12[%run_scoped3A_167, %dma_wait3A_218, %dma_wait3A_219] : memref<2x80x8xf32, #tpu.memory_space<vmem>> -> memref<1x80x8xf32, #tpu.memory_space<vmem>>
      %dma_wait3A_221 = tpu.memref_squeeze %dma_wait3A_220 : memref<1x80x8xf32, #tpu.memory_space<vmem>> -> memref<80x8xf32, #tpu.memory_space<vmem>>
      %dma_wait3A_222 = arith.constant 0 : i32
      %dma_wait3A_223 = tpu.memref_slice %arg15[%add3A_164, %dma_wait3A_222] : memref<10000x8xf32, #tpu.memory_space<vmem_shared>> -> memref<80x8xf32, #tpu.memory_space<vmem_shared>>
      %dma_wait3A_224 = arith.constant 0 : i32
      %dma_wait3A_225 = arith.constant 0 : i32
      %dma_wait3A_226 = tpu.memref_slice %arg12[%run_scoped3A_167, %dma_wait3A_224, %dma_wait3A_225] : memref<2x80x8xf32, #tpu.memory_space<vmem>> -> memref<1x80x8xf32, #tpu.memory_space<vmem>>
      %dma_wait3A_227 = tpu.memref_squeeze %dma_wait3A_226 : memref<1x80x8xf32, #tpu.memory_space<vmem>> -> memref<80x8xf32, #tpu.memory_space<vmem>>
      %dma_wait3A_228 = arith.constant 0 : i32
      %dma_wait3A_229 = tpu.memref_slice %arg15[%add3A_164, %dma_wait3A_228] : memref<10000x8xf32, #tpu.memory_space<vmem_shared>> -> memref<80x8xf32, #tpu.memory_space<vmem_shared>>
      tpu.wait_dma2 semaphore(%run_scoped3A_205 : memref<!tpu.dma_semaphore, #tpu.memory_space<semaphore_mem>>) src(%dma_wait3A_229 : memref<80x8xf32, #tpu.memory_space<vmem_shared>>) dst(%dma_wait3A_227 : memref<80x8xf32, #tpu.memory_space<vmem>>)
      tpu.yield
    }) : () -> ()
    %run_scoped3A_168 = arith.constant 0 : i32
    "tpu.region"() ({
      %run_scoped3A_205 = tpu.sem_alloc : memref<!tpu.dma_semaphore, #tpu.memory_space<semaphore_mem>>
      %dma_start3A_206 = arith.constant 0 : i32
      %dma_start3A_207 = arith.constant 0 : i32
      %dma_start3A_208 = tpu.memref_slice %arg12[%run_scoped3A_168, %dma_start3A_206, %dma_start3A_207] : memref<2x80x8xf32, #tpu.memory_space<vmem>> -> memref<1x80x8xf32, #tpu.memory_space<vmem>>
      %dma_start3A_209 = tpu.memref_squeeze %dma_start3A_208 : memref<1x80x8xf32, #tpu.memory_space<vmem>> -> memref<80x8xf32, #tpu.memory_space<vmem>>
      %dma_start3A_210 = arith.constant 0 : i32
      %dma_start3A_211 = tpu.memref_slice %arg7[%arg0, %add3A_164, %dma_start3A_210] : memref<2x10000x8xf32, #tpu.memory_space<hbm>> -> memref<1x80x8xf32, #tpu.memory_space<hbm>>
      %dma_start3A_212 = tpu.memref_squeeze %dma_start3A_211 : memref<1x80x8xf32, #tpu.memory_space<hbm>> -> memref<80x8xf32, #tpu.memory_space<hbm>>
      %dma_start3A_213 = arith.constant 0 : i32
      %dma_start3A_214 = tpu.memref_slice %arg7[%arg0, %add3A_164, %dma_start3A_213] : memref<2x10000x8xf32, #tpu.memory_space<hbm>> -> memref<1x80x8xf32, #tpu.memory_space<hbm>>
      %dma_start3A_215 = tpu.memref_squeeze %dma_start3A_214 : memref<1x80x8xf32, #tpu.memory_space<hbm>> -> memref<80x8xf32, #tpu.memory_space<hbm>>
      %dma_start3A_216 = arith.constant 0 : i32
      %dma_start3A_217 = arith.constant 0 : i32
      %dma_start3A_218 = tpu.memref_slice %arg12[%run_scoped3A_168, %dma_start3A_216, %dma_start3A_217] : memref<2x80x8xf32, #tpu.memory_space<vmem>> -> memref<1x80x8xf32, #tpu.memory_space<vmem>>
      %dma_start3A_219 = tpu.memref_squeeze %dma_start3A_218 : memref<1x80x8xf32, #tpu.memory_space<vmem>> -> memref<80x8xf32, #tpu.memory_space<vmem>>
      tpu.enqueue_dma source(%dma_start3A_219 : memref<80x8xf32, #tpu.memory_space<vmem>>) target(%dma_start3A_215 : memref<80x8xf32, #tpu.memory_space<hbm>>) target_semaphore(%run_scoped3A_205 : memref<!tpu.dma_semaphore, #tpu.memory_space<semaphore_mem>>)
      %dma_wait3A_220 = arith.constant 0 : i32
      %dma_wait3A_221 = arith.constant 0 : i32
      %dma_wait3A_222 = tpu.memref_slice %arg12[%run_scoped3A_168, %dma_wait3A_220, %dma_wait3A_221] : memref<2x80x8xf32, #tpu.memory_space<vmem>> -> memref<1x80x8xf32, #tpu.memory_space<vmem>>
      %dma_wait3A_223 = tpu.memref_squeeze %dma_wait3A_222 : memref<1x80x8xf32, #tpu.memory_space<vmem>> -> memref<80x8xf32, #tpu.memory_space<vmem>>
      %dma_wait3A_224 = arith.constant 0 : i32
      %dma_wait3A_225 = tpu.memref_slice %arg7[%arg0, %add3A_164, %dma_wait3A_224] : memref<2x10000x8xf32, #tpu.memory_space<hbm>> -> memref<1x80x8xf32, #tpu.memory_space<hbm>>
      %dma_wait3A_226 = tpu.memref_squeeze %dma_wait3A_225 : memref<1x80x8xf32, #tpu.memory_space<hbm>> -> memref<80x8xf32, #tpu.memory_space<hbm>>
      %dma_wait3A_227 = arith.constant 0 : i32
      %dma_wait3A_228 = tpu.memref_slice %arg7[%arg0, %add3A_164, %dma_wait3A_227] : memref<2x10000x8xf32, #tpu.memory_space<hbm>> -> memref<1x80x8xf32, #tpu.memory_space<hbm>>
      %dma_wait3A_229 = tpu.memref_squeeze %dma_wait3A_228 : memref<1x80x8xf32, #tpu.memory_space<hbm>> -> memref<80x8xf32, #tpu.memory_space<hbm>>
      %dma_wait3A_230 = arith.constant 0 : i32
      %dma_wait3A_231 = arith.constant 0 : i32
      %dma_wait3A_232 = tpu.memref_slice %arg12[%run_scoped3A_168, %dma_wait3A_230, %dma_wait3A_231] : memref<2x80x8xf32, #tpu.memory_space<vmem>> -> memref<1x80x8xf32, #tpu.memory_space<vmem>>
      %dma_wait3A_233 = tpu.memref_squeeze %dma_wait3A_232 : memref<1x80x8xf32, #tpu.memory_space<vmem>> -> memref<80x8xf32, #tpu.memory_space<vmem>>
      tpu.wait_dma2 semaphore(%run_scoped3A_205 : memref<!tpu.dma_semaphore, #tpu.memory_space<semaphore_mem>>) src(%dma_wait3A_233 : memref<80x8xf32, #tpu.memory_space<vmem>>) dst(%dma_wait3A_229 : memref<80x8xf32, #tpu.memory_space<hbm>>)
      tpu.yield
    }) : () -> ()
    %add3A_169 = arith.constant 160 : i32
    %add3A_170 = arith.addi %mul3A_23, %add3A_169 : i32
    %run_scoped3A_171 = arith.constant 0 : i32
    "tpu.region"() ({
      %run_scoped3A_205 = tpu.sem_alloc : memref<!tpu.dma_semaphore, #tpu.memory_space<semaphore_mem>>
      %dma_start3A_206 = arith.constant 0 : i32
      %dma_start3A_207 = arith.constant 0 : i32
      %dma_start3A_208 = tpu.memref_slice %arg13[%run_scoped3A_171, %dma_start3A_206, %dma_start3A_207] : memref<2x80x128xf32, #tpu.memory_space<vmem>> -> memref<1x80x128xf32, #tpu.memory_space<vmem>>
      %dma_start3A_209 = tpu.memref_squeeze %dma_start3A_208 : memref<1x80x128xf32, #tpu.memory_space<vmem>> -> memref<80x128xf32, #tpu.memory_space<vmem>>
      %dma_start3A_210 = arith.constant 0 : i32
      %dma_start3A_211 = tpu.memref_slice %arg14[%add3A_170, %dma_start3A_210] : memref<10000x128xf32, #tpu.memory_space<vmem_shared>> -> memref<80x128xf32, #tpu.memory_space<vmem_shared>>
      %dma_start3A_212 = arith.constant 0 : i32
      %dma_start3A_213 = arith.constant 0 : i32
      %dma_start3A_214 = tpu.memref_slice %arg13[%run_scoped3A_171, %dma_start3A_212, %dma_start3A_213] : memref<2x80x128xf32, #tpu.memory_space<vmem>> -> memref<1x80x128xf32, #tpu.memory_space<vmem>>
      %dma_start3A_215 = tpu.memref_squeeze %dma_start3A_214 : memref<1x80x128xf32, #tpu.memory_space<vmem>> -> memref<80x128xf32, #tpu.memory_space<vmem>>
      %dma_start3A_216 = arith.constant 0 : i32
      %dma_start3A_217 = tpu.memref_slice %arg14[%add3A_170, %dma_start3A_216] : memref<10000x128xf32, #tpu.memory_space<vmem_shared>> -> memref<80x128xf32, #tpu.memory_space<vmem_shared>>
      tpu.enqueue_dma source(%dma_start3A_217 : memref<80x128xf32, #tpu.memory_space<vmem_shared>>) target(%dma_start3A_215 : memref<80x128xf32, #tpu.memory_space<vmem>>) target_semaphore(%run_scoped3A_205 : memref<!tpu.dma_semaphore, #tpu.memory_space<semaphore_mem>>)
      %dma_wait3A_218 = arith.constant 0 : i32
      %dma_wait3A_219 = arith.constant 0 : i32
      %dma_wait3A_220 = tpu.memref_slice %arg13[%run_scoped3A_171, %dma_wait3A_218, %dma_wait3A_219] : memref<2x80x128xf32, #tpu.memory_space<vmem>> -> memref<1x80x128xf32, #tpu.memory_space<vmem>>
      %dma_wait3A_221 = tpu.memref_squeeze %dma_wait3A_220 : memref<1x80x128xf32, #tpu.memory_space<vmem>> -> memref<80x128xf32, #tpu.memory_space<vmem>>
      %dma_wait3A_222 = arith.constant 0 : i32
      %dma_wait3A_223 = tpu.memref_slice %arg14[%add3A_170, %dma_wait3A_222] : memref<10000x128xf32, #tpu.memory_space<vmem_shared>> -> memref<80x128xf32, #tpu.memory_space<vmem_shared>>
      %dma_wait3A_224 = arith.constant 0 : i32
      %dma_wait3A_225 = arith.constant 0 : i32
      %dma_wait3A_226 = tpu.memref_slice %arg13[%run_scoped3A_171, %dma_wait3A_224, %dma_wait3A_225] : memref<2x80x128xf32, #tpu.memory_space<vmem>> -> memref<1x80x128xf32, #tpu.memory_space<vmem>>
      %dma_wait3A_227 = tpu.memref_squeeze %dma_wait3A_226 : memref<1x80x128xf32, #tpu.memory_space<vmem>> -> memref<80x128xf32, #tpu.memory_space<vmem>>
      %dma_wait3A_228 = arith.constant 0 : i32
      %dma_wait3A_229 = tpu.memref_slice %arg14[%add3A_170, %dma_wait3A_228] : memref<10000x128xf32, #tpu.memory_space<vmem_shared>> -> memref<80x128xf32, #tpu.memory_space<vmem_shared>>
      tpu.wait_dma2 semaphore(%run_scoped3A_205 : memref<!tpu.dma_semaphore, #tpu.memory_space<semaphore_mem>>) src(%dma_wait3A_229 : memref<80x128xf32, #tpu.memory_space<vmem_shared>>) dst(%dma_wait3A_227 : memref<80x128xf32, #tpu.memory_space<vmem>>)
      tpu.yield
    }) : () -> ()
    %run_scoped3A_172 = arith.constant 0 : i32
    "tpu.region"() ({
      %run_scoped3A_205 = tpu.sem_alloc : memref<!tpu.dma_semaphore, #tpu.memory_space<semaphore_mem>>
      %dma_start3A_206 = arith.constant 0 : i32
      %dma_start3A_207 = arith.constant 0 : i32
      %dma_start3A_208 = tpu.memref_slice %arg13[%run_scoped3A_172, %dma_start3A_206, %dma_start3A_207] : memref<2x80x128xf32, #tpu.memory_space<vmem>> -> memref<1x80x128xf32, #tpu.memory_space<vmem>>
      %dma_start3A_209 = tpu.memref_squeeze %dma_start3A_208 : memref<1x80x128xf32, #tpu.memory_space<vmem>> -> memref<80x128xf32, #tpu.memory_space<vmem>>
      %dma_start3A_210 = arith.constant 0 : i32
      %dma_start3A_211 = tpu.memref_slice %arg6[%arg0, %add3A_170, %dma_start3A_210] : memref<2x10000x128xf32, #tpu.memory_space<hbm>> -> memref<1x80x128xf32, #tpu.memory_space<hbm>>
      %dma_start3A_212 = tpu.memref_squeeze %dma_start3A_211 : memref<1x80x128xf32, #tpu.memory_space<hbm>> -> memref<80x128xf32, #tpu.memory_space<hbm>>
      %dma_start3A_213 = arith.constant 0 : i32
      %dma_start3A_214 = tpu.memref_slice %arg6[%arg0, %add3A_170, %dma_start3A_213] : memref<2x10000x128xf32, #tpu.memory_space<hbm>> -> memref<1x80x128xf32, #tpu.memory_space<hbm>>
      %dma_start3A_215 = tpu.memref_squeeze %dma_start3A_214 : memref<1x80x128xf32, #tpu.memory_space<hbm>> -> memref<80x128xf32, #tpu.memory_space<hbm>>
      %dma_start3A_216 = arith.constant 0 : i32
      %dma_start3A_217 = arith.constant 0 : i32
      %dma_start3A_218 = tpu.memref_slice %arg13[%run_scoped3A_172, %dma_start3A_216, %dma_start3A_217] : memref<2x80x128xf32, #tpu.memory_space<vmem>> -> memref<1x80x128xf32, #tpu.memory_space<vmem>>
      %dma_start3A_219 = tpu.memref_squeeze %dma_start3A_218 : memref<1x80x128xf32, #tpu.memory_space<vmem>> -> memref<80x128xf32, #tpu.memory_space<vmem>>
      tpu.enqueue_dma source(%dma_start3A_219 : memref<80x128xf32, #tpu.memory_space<vmem>>) target(%dma_start3A_215 : memref<80x128xf32, #tpu.memory_space<hbm>>) target_semaphore(%run_scoped3A_205 : memref<!tpu.dma_semaphore, #tpu.memory_space<semaphore_mem>>)
      %dma_wait3A_220 = arith.constant 0 : i32
      %dma_wait3A_221 = arith.constant 0 : i32
      %dma_wait3A_222 = tpu.memref_slice %arg13[%run_scoped3A_172, %dma_wait3A_220, %dma_wait3A_221] : memref<2x80x128xf32, #tpu.memory_space<vmem>> -> memref<1x80x128xf32, #tpu.memory_space<vmem>>
      %dma_wait3A_223 = tpu.memref_squeeze %dma_wait3A_222 : memref<1x80x128xf32, #tpu.memory_space<vmem>> -> memref<80x128xf32, #tpu.memory_space<vmem>>
      %dma_wait3A_224 = arith.constant 0 : i32
      %dma_wait3A_225 = tpu.memref_slice %arg6[%arg0, %add3A_170, %dma_wait3A_224] : memref<2x10000x128xf32, #tpu.memory_space<hbm>> -> memref<1x80x128xf32, #tpu.memory_space<hbm>>
      %dma_wait3A_226 = tpu.memref_squeeze %dma_wait3A_225 : memref<1x80x128xf32, #tpu.memory_space<hbm>> -> memref<80x128xf32, #tpu.memory_space<hbm>>
      %dma_wait3A_227 = arith.constant 0 : i32
      %dma_wait3A_228 = tpu.memref_slice %arg6[%arg0, %add3A_170, %dma_wait3A_227] : memref<2x10000x128xf32, #tpu.memory_space<hbm>> -> memref<1x80x128xf32, #tpu.memory_space<hbm>>
      %dma_wait3A_229 = tpu.memref_squeeze %dma_wait3A_228 : memref<1x80x128xf32, #tpu.memory_space<hbm>> -> memref<80x128xf32, #tpu.memory_space<hbm>>
      %dma_wait3A_230 = arith.constant 0 : i32
      %dma_wait3A_231 = arith.constant 0 : i32
      %dma_wait3A_232 = tpu.memref_slice %arg13[%run_scoped3A_172, %dma_wait3A_230, %dma_wait3A_231] : memref<2x80x128xf32, #tpu.memory_space<vmem>> -> memref<1x80x128xf32, #tpu.memory_space<vmem>>
      %dma_wait3A_233 = tpu.memref_squeeze %dma_wait3A_232 : memref<1x80x128xf32, #tpu.memory_space<vmem>> -> memref<80x128xf32, #tpu.memory_space<vmem>>
      tpu.wait_dma2 semaphore(%run_scoped3A_205 : memref<!tpu.dma_semaphore, #tpu.memory_space<semaphore_mem>>) src(%dma_wait3A_233 : memref<80x128xf32, #tpu.memory_space<vmem>>) dst(%dma_wait3A_229 : memref<80x128xf32, #tpu.memory_space<hbm>>)
      tpu.yield
    }) : () -> ()
    %run_scoped3A_173 = arith.constant 0 : i32
    "tpu.region"() ({
      %run_scoped3A_205 = tpu.sem_alloc : memref<!tpu.dma_semaphore, #tpu.memory_space<semaphore_mem>>
      %dma_start3A_206 = arith.constant 0 : i32
      %dma_start3A_207 = arith.constant 0 : i32
      %dma_start3A_208 = tpu.memref_slice %arg12[%run_scoped3A_173, %dma_start3A_206, %dma_start3A_207] : memref<2x80x8xf32, #tpu.memory_space<vmem>> -> memref<1x80x8xf32, #tpu.memory_space<vmem>>
      %dma_start3A_209 = tpu.memref_squeeze %dma_start3A_208 : memref<1x80x8xf32, #tpu.memory_space<vmem>> -> memref<80x8xf32, #tpu.memory_space<vmem>>
      %dma_start3A_210 = arith.constant 0 : i32
      %dma_start3A_211 = tpu.memref_slice %arg15[%add3A_170, %dma_start3A_210] : memref<10000x8xf32, #tpu.memory_space<vmem_shared>> -> memref<80x8xf32, #tpu.memory_space<vmem_shared>>
      %dma_start3A_212 = arith.constant 0 : i32
      %dma_start3A_213 = arith.constant 0 : i32
      %dma_start3A_214 = tpu.memref_slice %arg12[%run_scoped3A_173, %dma_start3A_212, %dma_start3A_213] : memref<2x80x8xf32, #tpu.memory_space<vmem>> -> memref<1x80x8xf32, #tpu.memory_space<vmem>>
      %dma_start3A_215 = tpu.memref_squeeze %dma_start3A_214 : memref<1x80x8xf32, #tpu.memory_space<vmem>> -> memref<80x8xf32, #tpu.memory_space<vmem>>
      %dma_start3A_216 = arith.constant 0 : i32
      %dma_start3A_217 = tpu.memref_slice %arg15[%add3A_170, %dma_start3A_216] : memref<10000x8xf32, #tpu.memory_space<vmem_shared>> -> memref<80x8xf32, #tpu.memory_space<vmem_shared>>
      tpu.enqueue_dma source(%dma_start3A_217 : memref<80x8xf32, #tpu.memory_space<vmem_shared>>) target(%dma_start3A_215 : memref<80x8xf32, #tpu.memory_space<vmem>>) target_semaphore(%run_scoped3A_205 : memref<!tpu.dma_semaphore, #tpu.memory_space<semaphore_mem>>)
      %dma_wait3A_218 = arith.constant 0 : i32
      %dma_wait3A_219 = arith.constant 0 : i32
      %dma_wait3A_220 = tpu.memref_slice %arg12[%run_scoped3A_173, %dma_wait3A_218, %dma_wait3A_219] : memref<2x80x8xf32, #tpu.memory_space<vmem>> -> memref<1x80x8xf32, #tpu.memory_space<vmem>>
      %dma_wait3A_221 = tpu.memref_squeeze %dma_wait3A_220 : memref<1x80x8xf32, #tpu.memory_space<vmem>> -> memref<80x8xf32, #tpu.memory_space<vmem>>
      %dma_wait3A_222 = arith.constant 0 : i32
      %dma_wait3A_223 = tpu.memref_slice %arg15[%add3A_170, %dma_wait3A_222] : memref<10000x8xf32, #tpu.memory_space<vmem_shared>> -> memref<80x8xf32, #tpu.memory_space<vmem_shared>>
      %dma_wait3A_224 = arith.constant 0 : i32
      %dma_wait3A_225 = arith.constant 0 : i32
      %dma_wait3A_226 = tpu.memref_slice %arg12[%run_scoped3A_173, %dma_wait3A_224, %dma_wait3A_225] : memref<2x80x8xf32, #tpu.memory_space<vmem>> -> memref<1x80x8xf32, #tpu.memory_space<vmem>>
      %dma_wait3A_227 = tpu.memref_squeeze %dma_wait3A_226 : memref<1x80x8xf32, #tpu.memory_space<vmem>> -> memref<80x8xf32, #tpu.memory_space<vmem>>
      %dma_wait3A_228 = arith.constant 0 : i32
      %dma_wait3A_229 = tpu.memref_slice %arg15[%add3A_170, %dma_wait3A_228] : memref<10000x8xf32, #tpu.memory_space<vmem_shared>> -> memref<80x8xf32, #tpu.memory_space<vmem_shared>>
      tpu.wait_dma2 semaphore(%run_scoped3A_205 : memref<!tpu.dma_semaphore, #tpu.memory_space<semaphore_mem>>) src(%dma_wait3A_229 : memref<80x8xf32, #tpu.memory_space<vmem_shared>>) dst(%dma_wait3A_227 : memref<80x8xf32, #tpu.memory_space<vmem>>)
      tpu.yield
    }) : () -> ()
    %run_scoped3A_174 = arith.constant 0 : i32
    "tpu.region"() ({
      %run_scoped3A_205 = tpu.sem_alloc : memref<!tpu.dma_semaphore, #tpu.memory_space<semaphore_mem>>
      %dma_start3A_206 = arith.constant 0 : i32
      %dma_start3A_207 = arith.constant 0 : i32
      %dma_start3A_208 = tpu.memref_slice %arg12[%run_scoped3A_174, %dma_start3A_206, %dma_start3A_207] : memref<2x80x8xf32, #tpu.memory_space<vmem>> -> memref<1x80x8xf32, #tpu.memory_space<vmem>>
      %dma_start3A_209 = tpu.memref_squeeze %dma_start3A_208 : memref<1x80x8xf32, #tpu.memory_space<vmem>> -> memref<80x8xf32, #tpu.memory_space<vmem>>
      %dma_start3A_210 = arith.constant 0 : i32
      %dma_start3A_211 = tpu.memref_slice %arg7[%arg0, %add3A_170, %dma_start3A_210] : memref<2x10000x8xf32, #tpu.memory_space<hbm>> -> memref<1x80x8xf32, #tpu.memory_space<hbm>>
      %dma_start3A_212 = tpu.memref_squeeze %dma_start3A_211 : memref<1x80x8xf32, #tpu.memory_space<hbm>> -> memref<80x8xf32, #tpu.memory_space<hbm>>
      %dma_start3A_213 = arith.constant 0 : i32
      %dma_start3A_214 = tpu.memref_slice %arg7[%arg0, %add3A_170, %dma_start3A_213] : memref<2x10000x8xf32, #tpu.memory_space<hbm>> -> memref<1x80x8xf32, #tpu.memory_space<hbm>>
      %dma_start3A_215 = tpu.memref_squeeze %dma_start3A_214 : memref<1x80x8xf32, #tpu.memory_space<hbm>> -> memref<80x8xf32, #tpu.memory_space<hbm>>
      %dma_start3A_216 = arith.constant 0 : i32
      %dma_start3A_217 = arith.constant 0 : i32
      %dma_start3A_218 = tpu.memref_slice %arg12[%run_scoped3A_174, %dma_start3A_216, %dma_start3A_217] : memref<2x80x8xf32, #tpu.memory_space<vmem>> -> memref<1x80x8xf32, #tpu.memory_space<vmem>>
      %dma_start3A_219 = tpu.memref_squeeze %dma_start3A_218 : memref<1x80x8xf32, #tpu.memory_space<vmem>> -> memref<80x8xf32, #tpu.memory_space<vmem>>
      tpu.enqueue_dma source(%dma_start3A_219 : memref<80x8xf32, #tpu.memory_space<vmem>>) target(%dma_start3A_215 : memref<80x8xf32, #tpu.memory_space<hbm>>) target_semaphore(%run_scoped3A_205 : memref<!tpu.dma_semaphore, #tpu.memory_space<semaphore_mem>>)
      %dma_wait3A_220 = arith.constant 0 : i32
      %dma_wait3A_221 = arith.constant 0 : i32
      %dma_wait3A_222 = tpu.memref_slice %arg12[%run_scoped3A_174, %dma_wait3A_220, %dma_wait3A_221] : memref<2x80x8xf32, #tpu.memory_space<vmem>> -> memref<1x80x8xf32, #tpu.memory_space<vmem>>
      %dma_wait3A_223 = tpu.memref_squeeze %dma_wait3A_222 : memref<1x80x8xf32, #tpu.memory_space<vmem>> -> memref<80x8xf32, #tpu.memory_space<vmem>>
      %dma_wait3A_224 = arith.constant 0 : i32
      %dma_wait3A_225 = tpu.memref_slice %arg7[%arg0, %add3A_170, %dma_wait3A_224] : memref<2x10000x8xf32, #tpu.memory_space<hbm>> -> memref<1x80x8xf32, #tpu.memory_space<hbm>>
      %dma_wait3A_226 = tpu.memref_squeeze %dma_wait3A_225 : memref<1x80x8xf32, #tpu.memory_space<hbm>> -> memref<80x8xf32, #tpu.memory_space<hbm>>
      %dma_wait3A_227 = arith.constant 0 : i32
      %dma_wait3A_228 = tpu.memref_slice %arg7[%arg0, %add3A_170, %dma_wait3A_227] : memref<2x10000x8xf32, #tpu.memory_space<hbm>> -> memref<1x80x8xf32, #tpu.memory_space<hbm>>
      %dma_wait3A_229 = tpu.memref_squeeze %dma_wait3A_228 : memref<1x80x8xf32, #tpu.memory_space<hbm>> -> memref<80x8xf32, #tpu.memory_space<hbm>>
      %dma_wait3A_230 = arith.constant 0 : i32
      %dma_wait3A_231 = arith.constant 0 : i32
      %dma_wait3A_232 = tpu.memref_slice %arg12[%run_scoped3A_174, %dma_wait3A_230, %dma_wait3A_231] : memref<2x80x8xf32, #tpu.memory_space<vmem>> -> memref<1x80x8xf32, #tpu.memory_space<vmem>>
      %dma_wait3A_233 = tpu.memref_squeeze %dma_wait3A_232 : memref<1x80x8xf32, #tpu.memory_space<vmem>> -> memref<80x8xf32, #tpu.memory_space<vmem>>
      tpu.wait_dma2 semaphore(%run_scoped3A_205 : memref<!tpu.dma_semaphore, #tpu.memory_space<semaphore_mem>>) src(%dma_wait3A_233 : memref<80x8xf32, #tpu.memory_space<vmem>>) dst(%dma_wait3A_229 : memref<80x8xf32, #tpu.memory_space<hbm>>)
      tpu.yield
    }) : () -> ()
    %add3A_175 = arith.constant 240 : i32
    %add3A_176 = arith.addi %mul3A_23, %add3A_175 : i32
    %run_scoped3A_177 = arith.constant 0 : i32
    "tpu.region"() ({
      %run_scoped3A_205 = tpu.sem_alloc : memref<!tpu.dma_semaphore, #tpu.memory_space<semaphore_mem>>
      %dma_start3A_206 = arith.constant 0 : i32
      %dma_start3A_207 = arith.constant 0 : i32
      %dma_start3A_208 = tpu.memref_slice %arg13[%run_scoped3A_177, %dma_start3A_206, %dma_start3A_207] : memref<2x80x128xf32, #tpu.memory_space<vmem>> -> memref<1x80x128xf32, #tpu.memory_space<vmem>>
      %dma_start3A_209 = tpu.memref_squeeze %dma_start3A_208 : memref<1x80x128xf32, #tpu.memory_space<vmem>> -> memref<80x128xf32, #tpu.memory_space<vmem>>
      %dma_start3A_210 = arith.constant 0 : i32
      %dma_start3A_211 = tpu.memref_slice %arg14[%add3A_176, %dma_start3A_210] : memref<10000x128xf32, #tpu.memory_space<vmem_shared>> -> memref<80x128xf32, #tpu.memory_space<vmem_shared>>
      %dma_start3A_212 = arith.constant 0 : i32
      %dma_start3A_213 = arith.constant 0 : i32
      %dma_start3A_214 = tpu.memref_slice %arg13[%run_scoped3A_177, %dma_start3A_212, %dma_start3A_213] : memref<2x80x128xf32, #tpu.memory_space<vmem>> -> memref<1x80x128xf32, #tpu.memory_space<vmem>>
      %dma_start3A_215 = tpu.memref_squeeze %dma_start3A_214 : memref<1x80x128xf32, #tpu.memory_space<vmem>> -> memref<80x128xf32, #tpu.memory_space<vmem>>
      %dma_start3A_216 = arith.constant 0 : i32
      %dma_start3A_217 = tpu.memref_slice %arg14[%add3A_176, %dma_start3A_216] : memref<10000x128xf32, #tpu.memory_space<vmem_shared>> -> memref<80x128xf32, #tpu.memory_space<vmem_shared>>
      tpu.enqueue_dma source(%dma_start3A_217 : memref<80x128xf32, #tpu.memory_space<vmem_shared>>) target(%dma_start3A_215 : memref<80x128xf32, #tpu.memory_space<vmem>>) target_semaphore(%run_scoped3A_205 : memref<!tpu.dma_semaphore, #tpu.memory_space<semaphore_mem>>)
      %dma_wait3A_218 = arith.constant 0 : i32
      %dma_wait3A_219 = arith.constant 0 : i32
      %dma_wait3A_220 = tpu.memref_slice %arg13[%run_scoped3A_177, %dma_wait3A_218, %dma_wait3A_219] : memref<2x80x128xf32, #tpu.memory_space<vmem>> -> memref<1x80x128xf32, #tpu.memory_space<vmem>>
      %dma_wait3A_221 = tpu.memref_squeeze %dma_wait3A_220 : memref<1x80x128xf32, #tpu.memory_space<vmem>> -> memref<80x128xf32, #tpu.memory_space<vmem>>
      %dma_wait3A_222 = arith.constant 0 : i32
      %dma_wait3A_223 = tpu.memref_slice %arg14[%add3A_176, %dma_wait3A_222] : memref<10000x128xf32, #tpu.memory_space<vmem_shared>> -> memref<80x128xf32, #tpu.memory_space<vmem_shared>>
      %dma_wait3A_224 = arith.constant 0 : i32
      %dma_wait3A_225 = arith.constant 0 : i32
      %dma_wait3A_226 = tpu.memref_slice %arg13[%run_scoped3A_177, %dma_wait3A_224, %dma_wait3A_225] : memref<2x80x128xf32, #tpu.memory_space<vmem>> -> memref<1x80x128xf32, #tpu.memory_space<vmem>>
      %dma_wait3A_227 = tpu.memref_squeeze %dma_wait3A_226 : memref<1x80x128xf32, #tpu.memory_space<vmem>> -> memref<80x128xf32, #tpu.memory_space<vmem>>
      %dma_wait3A_228 = arith.constant 0 : i32
      %dma_wait3A_229 = tpu.memref_slice %arg14[%add3A_176, %dma_wait3A_228] : memref<10000x128xf32, #tpu.memory_space<vmem_shared>> -> memref<80x128xf32, #tpu.memory_space<vmem_shared>>
      tpu.wait_dma2 semaphore(%run_scoped3A_205 : memref<!tpu.dma_semaphore, #tpu.memory_space<semaphore_mem>>) src(%dma_wait3A_229 : memref<80x128xf32, #tpu.memory_space<vmem_shared>>) dst(%dma_wait3A_227 : memref<80x128xf32, #tpu.memory_space<vmem>>)
      tpu.yield
    }) : () -> ()
    %run_scoped3A_178 = arith.constant 0 : i32
    "tpu.region"() ({
      %run_scoped3A_205 = tpu.sem_alloc : memref<!tpu.dma_semaphore, #tpu.memory_space<semaphore_mem>>
      %dma_start3A_206 = arith.constant 0 : i32
      %dma_start3A_207 = arith.constant 0 : i32
      %dma_start3A_208 = tpu.memref_slice %arg13[%run_scoped3A_178, %dma_start3A_206, %dma_start3A_207] : memref<2x80x128xf32, #tpu.memory_space<vmem>> -> memref<1x80x128xf32, #tpu.memory_space<vmem>>
      %dma_start3A_209 = tpu.memref_squeeze %dma_start3A_208 : memref<1x80x128xf32, #tpu.memory_space<vmem>> -> memref<80x128xf32, #tpu.memory_space<vmem>>
      %dma_start3A_210 = arith.constant 0 : i32
      %dma_start3A_211 = tpu.memref_slice %arg6[%arg0, %add3A_176, %dma_start3A_210] : memref<2x10000x128xf32, #tpu.memory_space<hbm>> -> memref<1x80x128xf32, #tpu.memory_space<hbm>>
      %dma_start3A_212 = tpu.memref_squeeze %dma_start3A_211 : memref<1x80x128xf32, #tpu.memory_space<hbm>> -> memref<80x128xf32, #tpu.memory_space<hbm>>
      %dma_start3A_213 = arith.constant 0 : i32
      %dma_start3A_214 = tpu.memref_slice %arg6[%arg0, %add3A_176, %dma_start3A_213] : memref<2x10000x128xf32, #tpu.memory_space<hbm>> -> memref<1x80x128xf32, #tpu.memory_space<hbm>>
      %dma_start3A_215 = tpu.memref_squeeze %dma_start3A_214 : memref<1x80x128xf32, #tpu.memory_space<hbm>> -> memref<80x128xf32, #tpu.memory_space<hbm>>
      %dma_start3A_216 = arith.constant 0 : i32
      %dma_start3A_217 = arith.constant 0 : i32
      %dma_start3A_218 = tpu.memref_slice %arg13[%run_scoped3A_178, %dma_start3A_216, %dma_start3A_217] : memref<2x80x128xf32, #tpu.memory_space<vmem>> -> memref<1x80x128xf32, #tpu.memory_space<vmem>>
      %dma_start3A_219 = tpu.memref_squeeze %dma_start3A_218 : memref<1x80x128xf32, #tpu.memory_space<vmem>> -> memref<80x128xf32, #tpu.memory_space<vmem>>
      tpu.enqueue_dma source(%dma_start3A_219 : memref<80x128xf32, #tpu.memory_space<vmem>>) target(%dma_start3A_215 : memref<80x128xf32, #tpu.memory_space<hbm>>) target_semaphore(%run_scoped3A_205 : memref<!tpu.dma_semaphore, #tpu.memory_space<semaphore_mem>>)
      %dma_wait3A_220 = arith.constant 0 : i32
      %dma_wait3A_221 = arith.constant 0 : i32
      %dma_wait3A_222 = tpu.memref_slice %arg13[%run_scoped3A_178, %dma_wait3A_220, %dma_wait3A_221] : memref<2x80x128xf32, #tpu.memory_space<vmem>> -> memref<1x80x128xf32, #tpu.memory_space<vmem>>
      %dma_wait3A_223 = tpu.memref_squeeze %dma_wait3A_222 : memref<1x80x128xf32, #tpu.memory_space<vmem>> -> memref<80x128xf32, #tpu.memory_space<vmem>>
      %dma_wait3A_224 = arith.constant 0 : i32
      %dma_wait3A_225 = tpu.memref_slice %arg6[%arg0, %add3A_176, %dma_wait3A_224] : memref<2x10000x128xf32, #tpu.memory_space<hbm>> -> memref<1x80x128xf32, #tpu.memory_space<hbm>>
      %dma_wait3A_226 = tpu.memref_squeeze %dma_wait3A_225 : memref<1x80x128xf32, #tpu.memory_space<hbm>> -> memref<80x128xf32, #tpu.memory_space<hbm>>
      %dma_wait3A_227 = arith.constant 0 : i32
      %dma_wait3A_228 = tpu.memref_slice %arg6[%arg0, %add3A_176, %dma_wait3A_227] : memref<2x10000x128xf32, #tpu.memory_space<hbm>> -> memref<1x80x128xf32, #tpu.memory_space<hbm>>
      %dma_wait3A_229 = tpu.memref_squeeze %dma_wait3A_228 : memref<1x80x128xf32, #tpu.memory_space<hbm>> -> memref<80x128xf32, #tpu.memory_space<hbm>>
      %dma_wait3A_230 = arith.constant 0 : i32
      %dma_wait3A_231 = arith.constant 0 : i32
      %dma_wait3A_232 = tpu.memref_slice %arg13[%run_scoped3A_178, %dma_wait3A_230, %dma_wait3A_231] : memref<2x80x128xf32, #tpu.memory_space<vmem>> -> memref<1x80x128xf32, #tpu.memory_space<vmem>>
      %dma_wait3A_233 = tpu.memref_squeeze %dma_wait3A_232 : memref<1x80x128xf32, #tpu.memory_space<vmem>> -> memref<80x128xf32, #tpu.memory_space<vmem>>
      tpu.wait_dma2 semaphore(%run_scoped3A_205 : memref<!tpu.dma_semaphore, #tpu.memory_space<semaphore_mem>>) src(%dma_wait3A_233 : memref<80x128xf32, #tpu.memory_space<vmem>>) dst(%dma_wait3A_229 : memref<80x128xf32, #tpu.memory_space<hbm>>)
      tpu.yield
    }) : () -> ()
    %run_scoped3A_179 = arith.constant 0 : i32
    "tpu.region"() ({
      %run_scoped3A_205 = tpu.sem_alloc : memref<!tpu.dma_semaphore, #tpu.memory_space<semaphore_mem>>
      %dma_start3A_206 = arith.constant 0 : i32
      %dma_start3A_207 = arith.constant 0 : i32
      %dma_start3A_208 = tpu.memref_slice %arg12[%run_scoped3A_179, %dma_start3A_206, %dma_start3A_207] : memref<2x80x8xf32, #tpu.memory_space<vmem>> -> memref<1x80x8xf32, #tpu.memory_space<vmem>>
      %dma_start3A_209 = tpu.memref_squeeze %dma_start3A_208 : memref<1x80x8xf32, #tpu.memory_space<vmem>> -> memref<80x8xf32, #tpu.memory_space<vmem>>
      %dma_start3A_210 = arith.constant 0 : i32
      %dma_start3A_211 = tpu.memref_slice %arg15[%add3A_176, %dma_start3A_210] : memref<10000x8xf32, #tpu.memory_space<vmem_shared>> -> memref<80x8xf32, #tpu.memory_space<vmem_shared>>
      %dma_start3A_212 = arith.constant 0 : i32
      %dma_start3A_213 = arith.constant 0 : i32
      %dma_start3A_214 = tpu.memref_slice %arg12[%run_scoped3A_179, %dma_start3A_212, %dma_start3A_213] : memref<2x80x8xf32, #tpu.memory_space<vmem>> -> memref<1x80x8xf32, #tpu.memory_space<vmem>>
      %dma_start3A_215 = tpu.memref_squeeze %dma_start3A_214 : memref<1x80x8xf32, #tpu.memory_space<vmem>> -> memref<80x8xf32, #tpu.memory_space<vmem>>
      %dma_start3A_216 = arith.constant 0 : i32
      %dma_start3A_217 = tpu.memref_slice %arg15[%add3A_176, %dma_start3A_216] : memref<10000x8xf32, #tpu.memory_space<vmem_shared>> -> memref<80x8xf32, #tpu.memory_space<vmem_shared>>
      tpu.enqueue_dma source(%dma_start3A_217 : memref<80x8xf32, #tpu.memory_space<vmem_shared>>) target(%dma_start3A_215 : memref<80x8xf32, #tpu.memory_space<vmem>>) target_semaphore(%run_scoped3A_205 : memref<!tpu.dma_semaphore, #tpu.memory_space<semaphore_mem>>)
      %dma_wait3A_218 = arith.constant 0 : i32
      %dma_wait3A_219 = arith.constant 0 : i32
      %dma_wait3A_220 = tpu.memref_slice %arg12[%run_scoped3A_179, %dma_wait3A_218, %dma_wait3A_219] : memref<2x80x8xf32, #tpu.memory_space<vmem>> -> memref<1x80x8xf32, #tpu.memory_space<vmem>>
      %dma_wait3A_221 = tpu.memref_squeeze %dma_wait3A_220 : memref<1x80x8xf32, #tpu.memory_space<vmem>> -> memref<80x8xf32, #tpu.memory_space<vmem>>
      %dma_wait3A_222 = arith.constant 0 : i32
      %dma_wait3A_223 = tpu.memref_slice %arg15[%add3A_176, %dma_wait3A_222] : memref<10000x8xf32, #tpu.memory_space<vmem_shared>> -> memref<80x8xf32, #tpu.memory_space<vmem_shared>>
      %dma_wait3A_224 = arith.constant 0 : i32
      %dma_wait3A_225 = arith.constant 0 : i32
      %dma_wait3A_226 = tpu.memref_slice %arg12[%run_scoped3A_179, %dma_wait3A_224, %dma_wait3A_225] : memref<2x80x8xf32, #tpu.memory_space<vmem>> -> memref<1x80x8xf32, #tpu.memory_space<vmem>>
      %dma_wait3A_227 = tpu.memref_squeeze %dma_wait3A_226 : memref<1x80x8xf32, #tpu.memory_space<vmem>> -> memref<80x8xf32, #tpu.memory_space<vmem>>
      %dma_wait3A_228 = arith.constant 0 : i32
      %dma_wait3A_229 = tpu.memref_slice %arg15[%add3A_176, %dma_wait3A_228] : memref<10000x8xf32, #tpu.memory_space<vmem_shared>> -> memref<80x8xf32, #tpu.memory_space<vmem_shared>>
      tpu.wait_dma2 semaphore(%run_scoped3A_205 : memref<!tpu.dma_semaphore, #tpu.memory_space<semaphore_mem>>) src(%dma_wait3A_229 : memref<80x8xf32, #tpu.memory_space<vmem_shared>>) dst(%dma_wait3A_227 : memref<80x8xf32, #tpu.memory_space<vmem>>)
      tpu.yield
    }) : () -> ()
    %run_scoped3A_180 = arith.constant 0 : i32
    "tpu.region"() ({
      %run_scoped3A_205 = tpu.sem_alloc : memref<!tpu.dma_semaphore, #tpu.memory_space<semaphore_mem>>
      %dma_start3A_206 = arith.constant 0 : i32
      %dma_start3A_207 = arith.constant 0 : i32
      %dma_start3A_208 = tpu.memref_slice %arg12[%run_scoped3A_180, %dma_start3A_206, %dma_start3A_207] : memref<2x80x8xf32, #tpu.memory_space<vmem>> -> memref<1x80x8xf32, #tpu.memory_space<vmem>>
      %dma_start3A_209 = tpu.memref_squeeze %dma_start3A_208 : memref<1x80x8xf32, #tpu.memory_space<vmem>> -> memref<80x8xf32, #tpu.memory_space<vmem>>
      %dma_start3A_210 = arith.constant 0 : i32
      %dma_start3A_211 = tpu.memref_slice %arg7[%arg0, %add3A_176, %dma_start3A_210] : memref<2x10000x8xf32, #tpu.memory_space<hbm>> -> memref<1x80x8xf32, #tpu.memory_space<hbm>>
      %dma_start3A_212 = tpu.memref_squeeze %dma_start3A_211 : memref<1x80x8xf32, #tpu.memory_space<hbm>> -> memref<80x8xf32, #tpu.memory_space<hbm>>
      %dma_start3A_213 = arith.constant 0 : i32
      %dma_start3A_214 = tpu.memref_slice %arg7[%arg0, %add3A_176, %dma_start3A_213] : memref<2x10000x8xf32, #tpu.memory_space<hbm>> -> memref<1x80x8xf32, #tpu.memory_space<hbm>>
      %dma_start3A_215 = tpu.memref_squeeze %dma_start3A_214 : memref<1x80x8xf32, #tpu.memory_space<hbm>> -> memref<80x8xf32, #tpu.memory_space<hbm>>
      %dma_start3A_216 = arith.constant 0 : i32
      %dma_start3A_217 = arith.constant 0 : i32
      %dma_start3A_218 = tpu.memref_slice %arg12[%run_scoped3A_180, %dma_start3A_216, %dma_start3A_217] : memref<2x80x8xf32, #tpu.memory_space<vmem>> -> memref<1x80x8xf32, #tpu.memory_space<vmem>>
      %dma_start3A_219 = tpu.memref_squeeze %dma_start3A_218 : memref<1x80x8xf32, #tpu.memory_space<vmem>> -> memref<80x8xf32, #tpu.memory_space<vmem>>
      tpu.enqueue_dma source(%dma_start3A_219 : memref<80x8xf32, #tpu.memory_space<vmem>>) target(%dma_start3A_215 : memref<80x8xf32, #tpu.memory_space<hbm>>) target_semaphore(%run_scoped3A_205 : memref<!tpu.dma_semaphore, #tpu.memory_space<semaphore_mem>>)
      %dma_wait3A_220 = arith.constant 0 : i32
      %dma_wait3A_221 = arith.constant 0 : i32
      %dma_wait3A_222 = tpu.memref_slice %arg12[%run_scoped3A_180, %dma_wait3A_220, %dma_wait3A_221] : memref<2x80x8xf32, #tpu.memory_space<vmem>> -> memref<1x80x8xf32, #tpu.memory_space<vmem>>
      %dma_wait3A_223 = tpu.memref_squeeze %dma_wait3A_222 : memref<1x80x8xf32, #tpu.memory_space<vmem>> -> memref<80x8xf32, #tpu.memory_space<vmem>>
      %dma_wait3A_224 = arith.constant 0 : i32
      %dma_wait3A_225 = tpu.memref_slice %arg7[%arg0, %add3A_176, %dma_wait3A_224] : memref<2x10000x8xf32, #tpu.memory_space<hbm>> -> memref<1x80x8xf32, #tpu.memory_space<hbm>>
      %dma_wait3A_226 = tpu.memref_squeeze %dma_wait3A_225 : memref<1x80x8xf32, #tpu.memory_space<hbm>> -> memref<80x8xf32, #tpu.memory_space<hbm>>
      %dma_wait3A_227 = arith.constant 0 : i32
      %dma_wait3A_228 = tpu.memref_slice %arg7[%arg0, %add3A_176, %dma_wait3A_227] : memref<2x10000x8xf32, #tpu.memory_space<hbm>> -> memref<1x80x8xf32, #tpu.memory_space<hbm>>
      %dma_wait3A_229 = tpu.memref_squeeze %dma_wait3A_228 : memref<1x80x8xf32, #tpu.memory_space<hbm>> -> memref<80x8xf32, #tpu.memory_space<hbm>>
      %dma_wait3A_230 = arith.constant 0 : i32
      %dma_wait3A_231 = arith.constant 0 : i32
      %dma_wait3A_232 = tpu.memref_slice %arg12[%run_scoped3A_180, %dma_wait3A_230, %dma_wait3A_231] : memref<2x80x8xf32, #tpu.memory_space<vmem>> -> memref<1x80x8xf32, #tpu.memory_space<vmem>>
      %dma_wait3A_233 = tpu.memref_squeeze %dma_wait3A_232 : memref<1x80x8xf32, #tpu.memory_space<vmem>> -> memref<80x8xf32, #tpu.memory_space<vmem>>
      tpu.wait_dma2 semaphore(%run_scoped3A_205 : memref<!tpu.dma_semaphore, #tpu.memory_space<semaphore_mem>>) src(%dma_wait3A_233 : memref<80x8xf32, #tpu.memory_space<vmem>>) dst(%dma_wait3A_229 : memref<80x8xf32, #tpu.memory_space<hbm>>)
      tpu.yield
    }) : () -> ()
    %add3A_181 = arith.constant 320 : i32
    %add3A_182 = arith.addi %mul3A_23, %add3A_181 : i32
    %run_scoped3A_183 = arith.constant 0 : i32
    "tpu.region"() ({
      %run_scoped3A_205 = tpu.sem_alloc : memref<!tpu.dma_semaphore, #tpu.memory_space<semaphore_mem>>
      %dma_start3A_206 = arith.constant 0 : i32
      %dma_start3A_207 = arith.constant 0 : i32
      %dma_start3A_208 = tpu.memref_slice %arg13[%run_scoped3A_183, %dma_start3A_206, %dma_start3A_207] : memref<2x80x128xf32, #tpu.memory_space<vmem>> -> memref<1x80x128xf32, #tpu.memory_space<vmem>>
      %dma_start3A_209 = tpu.memref_squeeze %dma_start3A_208 : memref<1x80x128xf32, #tpu.memory_space<vmem>> -> memref<80x128xf32, #tpu.memory_space<vmem>>
      %dma_start3A_210 = arith.constant 0 : i32
      %dma_start3A_211 = tpu.memref_slice %arg14[%add3A_182, %dma_start3A_210] : memref<10000x128xf32, #tpu.memory_space<vmem_shared>> -> memref<80x128xf32, #tpu.memory_space<vmem_shared>>
      %dma_start3A_212 = arith.constant 0 : i32
      %dma_start3A_213 = arith.constant 0 : i32
      %dma_start3A_214 = tpu.memref_slice %arg13[%run_scoped3A_183, %dma_start3A_212, %dma_start3A_213] : memref<2x80x128xf32, #tpu.memory_space<vmem>> -> memref<1x80x128xf32, #tpu.memory_space<vmem>>
      %dma_start3A_215 = tpu.memref_squeeze %dma_start3A_214 : memref<1x80x128xf32, #tpu.memory_space<vmem>> -> memref<80x128xf32, #tpu.memory_space<vmem>>
      %dma_start3A_216 = arith.constant 0 : i32
      %dma_start3A_217 = tpu.memref_slice %arg14[%add3A_182, %dma_start3A_216] : memref<10000x128xf32, #tpu.memory_space<vmem_shared>> -> memref<80x128xf32, #tpu.memory_space<vmem_shared>>
      tpu.enqueue_dma source(%dma_start3A_217 : memref<80x128xf32, #tpu.memory_space<vmem_shared>>) target(%dma_start3A_215 : memref<80x128xf32, #tpu.memory_space<vmem>>) target_semaphore(%run_scoped3A_205 : memref<!tpu.dma_semaphore, #tpu.memory_space<semaphore_mem>>)
      %dma_wait3A_218 = arith.constant 0 : i32
      %dma_wait3A_219 = arith.constant 0 : i32
      %dma_wait3A_220 = tpu.memref_slice %arg13[%run_scoped3A_183, %dma_wait3A_218, %dma_wait3A_219] : memref<2x80x128xf32, #tpu.memory_space<vmem>> -> memref<1x80x128xf32, #tpu.memory_space<vmem>>
      %dma_wait3A_221 = tpu.memref_squeeze %dma_wait3A_220 : memref<1x80x128xf32, #tpu.memory_space<vmem>> -> memref<80x128xf32, #tpu.memory_space<vmem>>
      %dma_wait3A_222 = arith.constant 0 : i32
      %dma_wait3A_223 = tpu.memref_slice %arg14[%add3A_182, %dma_wait3A_222] : memref<10000x128xf32, #tpu.memory_space<vmem_shared>> -> memref<80x128xf32, #tpu.memory_space<vmem_shared>>
      %dma_wait3A_224 = arith.constant 0 : i32
      %dma_wait3A_225 = arith.constant 0 : i32
      %dma_wait3A_226 = tpu.memref_slice %arg13[%run_scoped3A_183, %dma_wait3A_224, %dma_wait3A_225] : memref<2x80x128xf32, #tpu.memory_space<vmem>> -> memref<1x80x128xf32, #tpu.memory_space<vmem>>
      %dma_wait3A_227 = tpu.memref_squeeze %dma_wait3A_226 : memref<1x80x128xf32, #tpu.memory_space<vmem>> -> memref<80x128xf32, #tpu.memory_space<vmem>>
      %dma_wait3A_228 = arith.constant 0 : i32
      %dma_wait3A_229 = tpu.memref_slice %arg14[%add3A_182, %dma_wait3A_228] : memref<10000x128xf32, #tpu.memory_space<vmem_shared>> -> memref<80x128xf32, #tpu.memory_space<vmem_shared>>
      tpu.wait_dma2 semaphore(%run_scoped3A_205 : memref<!tpu.dma_semaphore, #tpu.memory_space<semaphore_mem>>) src(%dma_wait3A_229 : memref<80x128xf32, #tpu.memory_space<vmem_shared>>) dst(%dma_wait3A_227 : memref<80x128xf32, #tpu.memory_space<vmem>>)
      tpu.yield
    }) : () -> ()
    %run_scoped3A_184 = arith.constant 0 : i32
    "tpu.region"() ({
      %run_scoped3A_205 = tpu.sem_alloc : memref<!tpu.dma_semaphore, #tpu.memory_space<semaphore_mem>>
      %dma_start3A_206 = arith.constant 0 : i32
      %dma_start3A_207 = arith.constant 0 : i32
      %dma_start3A_208 = tpu.memref_slice %arg13[%run_scoped3A_184, %dma_start3A_206, %dma_start3A_207] : memref<2x80x128xf32, #tpu.memory_space<vmem>> -> memref<1x80x128xf32, #tpu.memory_space<vmem>>
      %dma_start3A_209 = tpu.memref_squeeze %dma_start3A_208 : memref<1x80x128xf32, #tpu.memory_space<vmem>> -> memref<80x128xf32, #tpu.memory_space<vmem>>
      %dma_start3A_210 = arith.constant 0 : i32
      %dma_start3A_211 = tpu.memref_slice %arg6[%arg0, %add3A_182, %dma_start3A_210] : memref<2x10000x128xf32, #tpu.memory_space<hbm>> -> memref<1x80x128xf32, #tpu.memory_space<hbm>>
      %dma_start3A_212 = tpu.memref_squeeze %dma_start3A_211 : memref<1x80x128xf32, #tpu.memory_space<hbm>> -> memref<80x128xf32, #tpu.memory_space<hbm>>
      %dma_start3A_213 = arith.constant 0 : i32
      %dma_start3A_214 = tpu.memref_slice %arg6[%arg0, %add3A_182, %dma_start3A_213] : memref<2x10000x128xf32, #tpu.memory_space<hbm>> -> memref<1x80x128xf32, #tpu.memory_space<hbm>>
      %dma_start3A_215 = tpu.memref_squeeze %dma_start3A_214 : memref<1x80x128xf32, #tpu.memory_space<hbm>> -> memref<80x128xf32, #tpu.memory_space<hbm>>
      %dma_start3A_216 = arith.constant 0 : i32
      %dma_start3A_217 = arith.constant 0 : i32
      %dma_start3A_218 = tpu.memref_slice %arg13[%run_scoped3A_184, %dma_start3A_216, %dma_start3A_217] : memref<2x80x128xf32, #tpu.memory_space<vmem>> -> memref<1x80x128xf32, #tpu.memory_space<vmem>>
      %dma_start3A_219 = tpu.memref_squeeze %dma_start3A_218 : memref<1x80x128xf32, #tpu.memory_space<vmem>> -> memref<80x128xf32, #tpu.memory_space<vmem>>
      tpu.enqueue_dma source(%dma_start3A_219 : memref<80x128xf32, #tpu.memory_space<vmem>>) target(%dma_start3A_215 : memref<80x128xf32, #tpu.memory_space<hbm>>) target_semaphore(%run_scoped3A_205 : memref<!tpu.dma_semaphore, #tpu.memory_space<semaphore_mem>>)
      %dma_wait3A_220 = arith.constant 0 : i32
      %dma_wait3A_221 = arith.constant 0 : i32
      %dma_wait3A_222 = tpu.memref_slice %arg13[%run_scoped3A_184, %dma_wait3A_220, %dma_wait3A_221] : memref<2x80x128xf32, #tpu.memory_space<vmem>> -> memref<1x80x128xf32, #tpu.memory_space<vmem>>
      %dma_wait3A_223 = tpu.memref_squeeze %dma_wait3A_222 : memref<1x80x128xf32, #tpu.memory_space<vmem>> -> memref<80x128xf32, #tpu.memory_space<vmem>>
      %dma_wait3A_224 = arith.constant 0 : i32
      %dma_wait3A_225 = tpu.memref_slice %arg6[%arg0, %add3A_182, %dma_wait3A_224] : memref<2x10000x128xf32, #tpu.memory_space<hbm>> -> memref<1x80x128xf32, #tpu.memory_space<hbm>>
      %dma_wait3A_226 = tpu.memref_squeeze %dma_wait3A_225 : memref<1x80x128xf32, #tpu.memory_space<hbm>> -> memref<80x128xf32, #tpu.memory_space<hbm>>
      %dma_wait3A_227 = arith.constant 0 : i32
      %dma_wait3A_228 = tpu.memref_slice %arg6[%arg0, %add3A_182, %dma_wait3A_227] : memref<2x10000x128xf32, #tpu.memory_space<hbm>> -> memref<1x80x128xf32, #tpu.memory_space<hbm>>
      %dma_wait3A_229 = tpu.memref_squeeze %dma_wait3A_228 : memref<1x80x128xf32, #tpu.memory_space<hbm>> -> memref<80x128xf32, #tpu.memory_space<hbm>>
      %dma_wait3A_230 = arith.constant 0 : i32
      %dma_wait3A_231 = arith.constant 0 : i32
      %dma_wait3A_232 = tpu.memref_slice %arg13[%run_scoped3A_184, %dma_wait3A_230, %dma_wait3A_231] : memref<2x80x128xf32, #tpu.memory_space<vmem>> -> memref<1x80x128xf32, #tpu.memory_space<vmem>>
      %dma_wait3A_233 = tpu.memref_squeeze %dma_wait3A_232 : memref<1x80x128xf32, #tpu.memory_space<vmem>> -> memref<80x128xf32, #tpu.memory_space<vmem>>
      tpu.wait_dma2 semaphore(%run_scoped3A_205 : memref<!tpu.dma_semaphore, #tpu.memory_space<semaphore_mem>>) src(%dma_wait3A_233 : memref<80x128xf32, #tpu.memory_space<vmem>>) dst(%dma_wait3A_229 : memref<80x128xf32, #tpu.memory_space<hbm>>)
      tpu.yield
    }) : () -> ()
    %run_scoped3A_185 = arith.constant 0 : i32
    "tpu.region"() ({
      %run_scoped3A_205 = tpu.sem_alloc : memref<!tpu.dma_semaphore, #tpu.memory_space<semaphore_mem>>
      %dma_start3A_206 = arith.constant 0 : i32
      %dma_start3A_207 = arith.constant 0 : i32
      %dma_start3A_208 = tpu.memref_slice %arg12[%run_scoped3A_185, %dma_start3A_206, %dma_start3A_207] : memref<2x80x8xf32, #tpu.memory_space<vmem>> -> memref<1x80x8xf32, #tpu.memory_space<vmem>>
      %dma_start3A_209 = tpu.memref_squeeze %dma_start3A_208 : memref<1x80x8xf32, #tpu.memory_space<vmem>> -> memref<80x8xf32, #tpu.memory_space<vmem>>
      %dma_start3A_210 = arith.constant 0 : i32
      %dma_start3A_211 = tpu.memref_slice %arg15[%add3A_182, %dma_start3A_210] : memref<10000x8xf32, #tpu.memory_space<vmem_shared>> -> memref<80x8xf32, #tpu.memory_space<vmem_shared>>
      %dma_start3A_212 = arith.constant 0 : i32
      %dma_start3A_213 = arith.constant 0 : i32
      %dma_start3A_214 = tpu.memref_slice %arg12[%run_scoped3A_185, %dma_start3A_212, %dma_start3A_213] : memref<2x80x8xf32, #tpu.memory_space<vmem>> -> memref<1x80x8xf32, #tpu.memory_space<vmem>>
      %dma_start3A_215 = tpu.memref_squeeze %dma_start3A_214 : memref<1x80x8xf32, #tpu.memory_space<vmem>> -> memref<80x8xf32, #tpu.memory_space<vmem>>
      %dma_start3A_216 = arith.constant 0 : i32
      %dma_start3A_217 = tpu.memref_slice %arg15[%add3A_182, %dma_start3A_216] : memref<10000x8xf32, #tpu.memory_space<vmem_shared>> -> memref<80x8xf32, #tpu.memory_space<vmem_shared>>
      tpu.enqueue_dma source(%dma_start3A_217 : memref<80x8xf32, #tpu.memory_space<vmem_shared>>) target(%dma_start3A_215 : memref<80x8xf32, #tpu.memory_space<vmem>>) target_semaphore(%run_scoped3A_205 : memref<!tpu.dma_semaphore, #tpu.memory_space<semaphore_mem>>)
      %dma_wait3A_218 = arith.constant 0 : i32
      %dma_wait3A_219 = arith.constant 0 : i32
      %dma_wait3A_220 = tpu.memref_slice %arg12[%run_scoped3A_185, %dma_wait3A_218, %dma_wait3A_219] : memref<2x80x8xf32, #tpu.memory_space<vmem>> -> memref<1x80x8xf32, #tpu.memory_space<vmem>>
      %dma_wait3A_221 = tpu.memref_squeeze %dma_wait3A_220 : memref<1x80x8xf32, #tpu.memory_space<vmem>> -> memref<80x8xf32, #tpu.memory_space<vmem>>
      %dma_wait3A_222 = arith.constant 0 : i32
      %dma_wait3A_223 = tpu.memref_slice %arg15[%add3A_182, %dma_wait3A_222] : memref<10000x8xf32, #tpu.memory_space<vmem_shared>> -> memref<80x8xf32, #tpu.memory_space<vmem_shared>>
      %dma_wait3A_224 = arith.constant 0 : i32
      %dma_wait3A_225 = arith.constant 0 : i32
      %dma_wait3A_226 = tpu.memref_slice %arg12[%run_scoped3A_185, %dma_wait3A_224, %dma_wait3A_225] : memref<2x80x8xf32, #tpu.memory_space<vmem>> -> memref<1x80x8xf32, #tpu.memory_space<vmem>>
      %dma_wait3A_227 = tpu.memref_squeeze %dma_wait3A_226 : memref<1x80x8xf32, #tpu.memory_space<vmem>> -> memref<80x8xf32, #tpu.memory_space<vmem>>
      %dma_wait3A_228 = arith.constant 0 : i32
      %dma_wait3A_229 = tpu.memref_slice %arg15[%add3A_182, %dma_wait3A_228] : memref<10000x8xf32, #tpu.memory_space<vmem_shared>> -> memref<80x8xf32, #tpu.memory_space<vmem_shared>>
      tpu.wait_dma2 semaphore(%run_scoped3A_205 : memref<!tpu.dma_semaphore, #tpu.memory_space<semaphore_mem>>) src(%dma_wait3A_229 : memref<80x8xf32, #tpu.memory_space<vmem_shared>>) dst(%dma_wait3A_227 : memref<80x8xf32, #tpu.memory_space<vmem>>)
      tpu.yield
    }) : () -> ()
    %run_scoped3A_186 = arith.constant 0 : i32
    "tpu.region"() ({
      %run_scoped3A_205 = tpu.sem_alloc : memref<!tpu.dma_semaphore, #tpu.memory_space<semaphore_mem>>
      %dma_start3A_206 = arith.constant 0 : i32
      %dma_start3A_207 = arith.constant 0 : i32
      %dma_start3A_208 = tpu.memref_slice %arg12[%run_scoped3A_186, %dma_start3A_206, %dma_start3A_207] : memref<2x80x8xf32, #tpu.memory_space<vmem>> -> memref<1x80x8xf32, #tpu.memory_space<vmem>>
      %dma_start3A_209 = tpu.memref_squeeze %dma_start3A_208 : memref<1x80x8xf32, #tpu.memory_space<vmem>> -> memref<80x8xf32, #tpu.memory_space<vmem>>
      %dma_start3A_210 = arith.constant 0 : i32
      %dma_start3A_211 = tpu.memref_slice %arg7[%arg0, %add3A_182, %dma_start3A_210] : memref<2x10000x8xf32, #tpu.memory_space<hbm>> -> memref<1x80x8xf32, #tpu.memory_space<hbm>>
      %dma_start3A_212 = tpu.memref_squeeze %dma_start3A_211 : memref<1x80x8xf32, #tpu.memory_space<hbm>> -> memref<80x8xf32, #tpu.memory_space<hbm>>
      %dma_start3A_213 = arith.constant 0 : i32
      %dma_start3A_214 = tpu.memref_slice %arg7[%arg0, %add3A_182, %dma_start3A_213] : memref<2x10000x8xf32, #tpu.memory_space<hbm>> -> memref<1x80x8xf32, #tpu.memory_space<hbm>>
      %dma_start3A_215 = tpu.memref_squeeze %dma_start3A_214 : memref<1x80x8xf32, #tpu.memory_space<hbm>> -> memref<80x8xf32, #tpu.memory_space<hbm>>
      %dma_start3A_216 = arith.constant 0 : i32
      %dma_start3A_217 = arith.constant 0 : i32
      %dma_start3A_218 = tpu.memref_slice %arg12[%run_scoped3A_186, %dma_start3A_216, %dma_start3A_217] : memref<2x80x8xf32, #tpu.memory_space<vmem>> -> memref<1x80x8xf32, #tpu.memory_space<vmem>>
      %dma_start3A_219 = tpu.memref_squeeze %dma_start3A_218 : memref<1x80x8xf32, #tpu.memory_space<vmem>> -> memref<80x8xf32, #tpu.memory_space<vmem>>
      tpu.enqueue_dma source(%dma_start3A_219 : memref<80x8xf32, #tpu.memory_space<vmem>>) target(%dma_start3A_215 : memref<80x8xf32, #tpu.memory_space<hbm>>) target_semaphore(%run_scoped3A_205 : memref<!tpu.dma_semaphore, #tpu.memory_space<semaphore_mem>>)
      %dma_wait3A_220 = arith.constant 0 : i32
      %dma_wait3A_221 = arith.constant 0 : i32
      %dma_wait3A_222 = tpu.memref_slice %arg12[%run_scoped3A_186, %dma_wait3A_220, %dma_wait3A_221] : memref<2x80x8xf32, #tpu.memory_space<vmem>> -> memref<1x80x8xf32, #tpu.memory_space<vmem>>
      %dma_wait3A_223 = tpu.memref_squeeze %dma_wait3A_222 : memref<1x80x8xf32, #tpu.memory_space<vmem>> -> memref<80x8xf32, #tpu.memory_space<vmem>>
      %dma_wait3A_224 = arith.constant 0 : i32
      %dma_wait3A_225 = tpu.memref_slice %arg7[%arg0, %add3A_182, %dma_wait3A_224] : memref<2x10000x8xf32, #tpu.memory_space<hbm>> -> memref<1x80x8xf32, #tpu.memory_space<hbm>>
      %dma_wait3A_226 = tpu.memref_squeeze %dma_wait3A_225 : memref<1x80x8xf32, #tpu.memory_space<hbm>> -> memref<80x8xf32, #tpu.memory_space<hbm>>
      %dma_wait3A_227 = arith.constant 0 : i32
      %dma_wait3A_228 = tpu.memref_slice %arg7[%arg0, %add3A_182, %dma_wait3A_227] : memref<2x10000x8xf32, #tpu.memory_space<hbm>> -> memref<1x80x8xf32, #tpu.memory_space<hbm>>
      %dma_wait3A_229 = tpu.memref_squeeze %dma_wait3A_228 : memref<1x80x8xf32, #tpu.memory_space<hbm>> -> memref<80x8xf32, #tpu.memory_space<hbm>>
      %dma_wait3A_230 = arith.constant 0 : i32
      %dma_wait3A_231 = arith.constant 0 : i32
      %dma_wait3A_232 = tpu.memref_slice %arg12[%run_scoped3A_186, %dma_wait3A_230, %dma_wait3A_231] : memref<2x80x8xf32, #tpu.memory_space<vmem>> -> memref<1x80x8xf32, #tpu.memory_space<vmem>>
      %dma_wait3A_233 = tpu.memref_squeeze %dma_wait3A_232 : memref<1x80x8xf32, #tpu.memory_space<vmem>> -> memref<80x8xf32, #tpu.memory_space<vmem>>
      tpu.wait_dma2 semaphore(%run_scoped3A_205 : memref<!tpu.dma_semaphore, #tpu.memory_space<semaphore_mem>>) src(%dma_wait3A_233 : memref<80x8xf32, #tpu.memory_space<vmem>>) dst(%dma_wait3A_229 : memref<80x8xf32, #tpu.memory_space<hbm>>)
      tpu.yield
    }) : () -> ()
    %add3A_187 = arith.constant 400 : i32
    %add3A_188 = arith.addi %mul3A_23, %add3A_187 : i32
    %run_scoped3A_189 = arith.constant 0 : i32
    "tpu.region"() ({
      %run_scoped3A_205 = tpu.sem_alloc : memref<!tpu.dma_semaphore, #tpu.memory_space<semaphore_mem>>
      %dma_start3A_206 = arith.constant 0 : i32
      %dma_start3A_207 = arith.constant 0 : i32
      %dma_start3A_208 = tpu.memref_slice %arg13[%run_scoped3A_189, %dma_start3A_206, %dma_start3A_207] : memref<2x80x128xf32, #tpu.memory_space<vmem>> -> memref<1x80x128xf32, #tpu.memory_space<vmem>>
      %dma_start3A_209 = tpu.memref_squeeze %dma_start3A_208 : memref<1x80x128xf32, #tpu.memory_space<vmem>> -> memref<80x128xf32, #tpu.memory_space<vmem>>
      %dma_start3A_210 = arith.constant 0 : i32
      %dma_start3A_211 = tpu.memref_slice %arg14[%add3A_188, %dma_start3A_210] : memref<10000x128xf32, #tpu.memory_space<vmem_shared>> -> memref<80x128xf32, #tpu.memory_space<vmem_shared>>
      %dma_start3A_212 = arith.constant 0 : i32
      %dma_start3A_213 = arith.constant 0 : i32
      %dma_start3A_214 = tpu.memref_slice %arg13[%run_scoped3A_189, %dma_start3A_212, %dma_start3A_213] : memref<2x80x128xf32, #tpu.memory_space<vmem>> -> memref<1x80x128xf32, #tpu.memory_space<vmem>>
      %dma_start3A_215 = tpu.memref_squeeze %dma_start3A_214 : memref<1x80x128xf32, #tpu.memory_space<vmem>> -> memref<80x128xf32, #tpu.memory_space<vmem>>
      %dma_start3A_216 = arith.constant 0 : i32
      %dma_start3A_217 = tpu.memref_slice %arg14[%add3A_188, %dma_start3A_216] : memref<10000x128xf32, #tpu.memory_space<vmem_shared>> -> memref<80x128xf32, #tpu.memory_space<vmem_shared>>
      tpu.enqueue_dma source(%dma_start3A_217 : memref<80x128xf32, #tpu.memory_space<vmem_shared>>) target(%dma_start3A_215 : memref<80x128xf32, #tpu.memory_space<vmem>>) target_semaphore(%run_scoped3A_205 : memref<!tpu.dma_semaphore, #tpu.memory_space<semaphore_mem>>)
      %dma_wait3A_218 = arith.constant 0 : i32
      %dma_wait3A_219 = arith.constant 0 : i32
      %dma_wait3A_220 = tpu.memref_slice %arg13[%run_scoped3A_189, %dma_wait3A_218, %dma_wait3A_219] : memref<2x80x128xf32, #tpu.memory_space<vmem>> -> memref<1x80x128xf32, #tpu.memory_space<vmem>>
      %dma_wait3A_221 = tpu.memref_squeeze %dma_wait3A_220 : memref<1x80x128xf32, #tpu.memory_space<vmem>> -> memref<80x128xf32, #tpu.memory_space<vmem>>
      %dma_wait3A_222 = arith.constant 0 : i32
      %dma_wait3A_223 = tpu.memref_slice %arg14[%add3A_188, %dma_wait3A_222] : memref<10000x128xf32, #tpu.memory_space<vmem_shared>> -> memref<80x128xf32, #tpu.memory_space<vmem_shared>>
      %dma_wait3A_224 = arith.constant 0 : i32
      %dma_wait3A_225 = arith.constant 0 : i32
      %dma_wait3A_226 = tpu.memref_slice %arg13[%run_scoped3A_189, %dma_wait3A_224, %dma_wait3A_225] : memref<2x80x128xf32, #tpu.memory_space<vmem>> -> memref<1x80x128xf32, #tpu.memory_space<vmem>>
      %dma_wait3A_227 = tpu.memref_squeeze %dma_wait3A_226 : memref<1x80x128xf32, #tpu.memory_space<vmem>> -> memref<80x128xf32, #tpu.memory_space<vmem>>
      %dma_wait3A_228 = arith.constant 0 : i32
      %dma_wait3A_229 = tpu.memref_slice %arg14[%add3A_188, %dma_wait3A_228] : memref<10000x128xf32, #tpu.memory_space<vmem_shared>> -> memref<80x128xf32, #tpu.memory_space<vmem_shared>>
      tpu.wait_dma2 semaphore(%run_scoped3A_205 : memref<!tpu.dma_semaphore, #tpu.memory_space<semaphore_mem>>) src(%dma_wait3A_229 : memref<80x128xf32, #tpu.memory_space<vmem_shared>>) dst(%dma_wait3A_227 : memref<80x128xf32, #tpu.memory_space<vmem>>)
      tpu.yield
    }) : () -> ()
    %run_scoped3A_190 = arith.constant 0 : i32
    "tpu.region"() ({
      %run_scoped3A_205 = tpu.sem_alloc : memref<!tpu.dma_semaphore, #tpu.memory_space<semaphore_mem>>
      %dma_start3A_206 = arith.constant 0 : i32
      %dma_start3A_207 = arith.constant 0 : i32
      %dma_start3A_208 = tpu.memref_slice %arg13[%run_scoped3A_190, %dma_start3A_206, %dma_start3A_207] : memref<2x80x128xf32, #tpu.memory_space<vmem>> -> memref<1x80x128xf32, #tpu.memory_space<vmem>>
      %dma_start3A_209 = tpu.memref_squeeze %dma_start3A_208 : memref<1x80x128xf32, #tpu.memory_space<vmem>> -> memref<80x128xf32, #tpu.memory_space<vmem>>
      %dma_start3A_210 = arith.constant 0 : i32
      %dma_start3A_211 = tpu.memref_slice %arg6[%arg0, %add3A_188, %dma_start3A_210] : memref<2x10000x128xf32, #tpu.memory_space<hbm>> -> memref<1x80x128xf32, #tpu.memory_space<hbm>>
      %dma_start3A_212 = tpu.memref_squeeze %dma_start3A_211 : memref<1x80x128xf32, #tpu.memory_space<hbm>> -> memref<80x128xf32, #tpu.memory_space<hbm>>
      %dma_start3A_213 = arith.constant 0 : i32
      %dma_start3A_214 = tpu.memref_slice %arg6[%arg0, %add3A_188, %dma_start3A_213] : memref<2x10000x128xf32, #tpu.memory_space<hbm>> -> memref<1x80x128xf32, #tpu.memory_space<hbm>>
      %dma_start3A_215 = tpu.memref_squeeze %dma_start3A_214 : memref<1x80x128xf32, #tpu.memory_space<hbm>> -> memref<80x128xf32, #tpu.memory_space<hbm>>
      %dma_start3A_216 = arith.constant 0 : i32
      %dma_start3A_217 = arith.constant 0 : i32
      %dma_start3A_218 = tpu.memref_slice %arg13[%run_scoped3A_190, %dma_start3A_216, %dma_start3A_217] : memref<2x80x128xf32, #tpu.memory_space<vmem>> -> memref<1x80x128xf32, #tpu.memory_space<vmem>>
      %dma_start3A_219 = tpu.memref_squeeze %dma_start3A_218 : memref<1x80x128xf32, #tpu.memory_space<vmem>> -> memref<80x128xf32, #tpu.memory_space<vmem>>
      tpu.enqueue_dma source(%dma_start3A_219 : memref<80x128xf32, #tpu.memory_space<vmem>>) target(%dma_start3A_215 : memref<80x128xf32, #tpu.memory_space<hbm>>) target_semaphore(%run_scoped3A_205 : memref<!tpu.dma_semaphore, #tpu.memory_space<semaphore_mem>>)
      %dma_wait3A_220 = arith.constant 0 : i32
      %dma_wait3A_221 = arith.constant 0 : i32
      %dma_wait3A_222 = tpu.memref_slice %arg13[%run_scoped3A_190, %dma_wait3A_220, %dma_wait3A_221] : memref<2x80x128xf32, #tpu.memory_space<vmem>> -> memref<1x80x128xf32, #tpu.memory_space<vmem>>
      %dma_wait3A_223 = tpu.memref_squeeze %dma_wait3A_222 : memref<1x80x128xf32, #tpu.memory_space<vmem>> -> memref<80x128xf32, #tpu.memory_space<vmem>>
      %dma_wait3A_224 = arith.constant 0 : i32
      %dma_wait3A_225 = tpu.memref_slice %arg6[%arg0, %add3A_188, %dma_wait3A_224] : memref<2x10000x128xf32, #tpu.memory_space<hbm>> -> memref<1x80x128xf32, #tpu.memory_space<hbm>>
      %dma_wait3A_226 = tpu.memref_squeeze %dma_wait3A_225 : memref<1x80x128xf32, #tpu.memory_space<hbm>> -> memref<80x128xf32, #tpu.memory_space<hbm>>
      %dma_wait3A_227 = arith.constant 0 : i32
      %dma_wait3A_228 = tpu.memref_slice %arg6[%arg0, %add3A_188, %dma_wait3A_227] : memref<2x10000x128xf32, #tpu.memory_space<hbm>> -> memref<1x80x128xf32, #tpu.memory_space<hbm>>
      %dma_wait3A_229 = tpu.memref_squeeze %dma_wait3A_228 : memref<1x80x128xf32, #tpu.memory_space<hbm>> -> memref<80x128xf32, #tpu.memory_space<hbm>>
      %dma_wait3A_230 = arith.constant 0 : i32
      %dma_wait3A_231 = arith.constant 0 : i32
      %dma_wait3A_232 = tpu.memref_slice %arg13[%run_scoped3A_190, %dma_wait3A_230, %dma_wait3A_231] : memref<2x80x128xf32, #tpu.memory_space<vmem>> -> memref<1x80x128xf32, #tpu.memory_space<vmem>>
      %dma_wait3A_233 = tpu.memref_squeeze %dma_wait3A_232 : memref<1x80x128xf32, #tpu.memory_space<vmem>> -> memref<80x128xf32, #tpu.memory_space<vmem>>
      tpu.wait_dma2 semaphore(%run_scoped3A_205 : memref<!tpu.dma_semaphore, #tpu.memory_space<semaphore_mem>>) src(%dma_wait3A_233 : memref<80x128xf32, #tpu.memory_space<vmem>>) dst(%dma_wait3A_229 : memref<80x128xf32, #tpu.memory_space<hbm>>)
      tpu.yield
    }) : () -> ()
    %run_scoped3A_191 = arith.constant 0 : i32
    "tpu.region"() ({
      %run_scoped3A_205 = tpu.sem_alloc : memref<!tpu.dma_semaphore, #tpu.memory_space<semaphore_mem>>
      %dma_start3A_206 = arith.constant 0 : i32
      %dma_start3A_207 = arith.constant 0 : i32
      %dma_start3A_208 = tpu.memref_slice %arg12[%run_scoped3A_191, %dma_start3A_206, %dma_start3A_207] : memref<2x80x8xf32, #tpu.memory_space<vmem>> -> memref<1x80x8xf32, #tpu.memory_space<vmem>>
      %dma_start3A_209 = tpu.memref_squeeze %dma_start3A_208 : memref<1x80x8xf32, #tpu.memory_space<vmem>> -> memref<80x8xf32, #tpu.memory_space<vmem>>
      %dma_start3A_210 = arith.constant 0 : i32
      %dma_start3A_211 = tpu.memref_slice %arg15[%add3A_188, %dma_start3A_210] : memref<10000x8xf32, #tpu.memory_space<vmem_shared>> -> memref<80x8xf32, #tpu.memory_space<vmem_shared>>
      %dma_start3A_212 = arith.constant 0 : i32
      %dma_start3A_213 = arith.constant 0 : i32
      %dma_start3A_214 = tpu.memref_slice %arg12[%run_scoped3A_191, %dma_start3A_212, %dma_start3A_213] : memref<2x80x8xf32, #tpu.memory_space<vmem>> -> memref<1x80x8xf32, #tpu.memory_space<vmem>>
      %dma_start3A_215 = tpu.memref_squeeze %dma_start3A_214 : memref<1x80x8xf32, #tpu.memory_space<vmem>> -> memref<80x8xf32, #tpu.memory_space<vmem>>
      %dma_start3A_216 = arith.constant 0 : i32
      %dma_start3A_217 = tpu.memref_slice %arg15[%add3A_188, %dma_start3A_216] : memref<10000x8xf32, #tpu.memory_space<vmem_shared>> -> memref<80x8xf32, #tpu.memory_space<vmem_shared>>
      tpu.enqueue_dma source(%dma_start3A_217 : memref<80x8xf32, #tpu.memory_space<vmem_shared>>) target(%dma_start3A_215 : memref<80x8xf32, #tpu.memory_space<vmem>>) target_semaphore(%run_scoped3A_205 : memref<!tpu.dma_semaphore, #tpu.memory_space<semaphore_mem>>)
      %dma_wait3A_218 = arith.constant 0 : i32
      %dma_wait3A_219 = arith.constant 0 : i32
      %dma_wait3A_220 = tpu.memref_slice %arg12[%run_scoped3A_191, %dma_wait3A_218, %dma_wait3A_219] : memref<2x80x8xf32, #tpu.memory_space<vmem>> -> memref<1x80x8xf32, #tpu.memory_space<vmem>>
      %dma_wait3A_221 = tpu.memref_squeeze %dma_wait3A_220 : memref<1x80x8xf32, #tpu.memory_space<vmem>> -> memref<80x8xf32, #tpu.memory_space<vmem>>
      %dma_wait3A_222 = arith.constant 0 : i32
      %dma_wait3A_223 = tpu.memref_slice %arg15[%add3A_188, %dma_wait3A_222] : memref<10000x8xf32, #tpu.memory_space<vmem_shared>> -> memref<80x8xf32, #tpu.memory_space<vmem_shared>>
      %dma_wait3A_224 = arith.constant 0 : i32
      %dma_wait3A_225 = arith.constant 0 : i32
      %dma_wait3A_226 = tpu.memref_slice %arg12[%run_scoped3A_191, %dma_wait3A_224, %dma_wait3A_225] : memref<2x80x8xf32, #tpu.memory_space<vmem>> -> memref<1x80x8xf32, #tpu.memory_space<vmem>>
      %dma_wait3A_227 = tpu.memref_squeeze %dma_wait3A_226 : memref<1x80x8xf32, #tpu.memory_space<vmem>> -> memref<80x8xf32, #tpu.memory_space<vmem>>
      %dma_wait3A_228 = arith.constant 0 : i32
      %dma_wait3A_229 = tpu.memref_slice %arg15[%add3A_188, %dma_wait3A_228] : memref<10000x8xf32, #tpu.memory_space<vmem_shared>> -> memref<80x8xf32, #tpu.memory_space<vmem_shared>>
      tpu.wait_dma2 semaphore(%run_scoped3A_205 : memref<!tpu.dma_semaphore, #tpu.memory_space<semaphore_mem>>) src(%dma_wait3A_229 : memref<80x8xf32, #tpu.memory_space<vmem_shared>>) dst(%dma_wait3A_227 : memref<80x8xf32, #tpu.memory_space<vmem>>)
      tpu.yield
    }) : () -> ()
    %run_scoped3A_192 = arith.constant 0 : i32
    "tpu.region"() ({
      %run_scoped3A_205 = tpu.sem_alloc : memref<!tpu.dma_semaphore, #tpu.memory_space<semaphore_mem>>
      %dma_start3A_206 = arith.constant 0 : i32
      %dma_start3A_207 = arith.constant 0 : i32
      %dma_start3A_208 = tpu.memref_slice %arg12[%run_scoped3A_192, %dma_start3A_206, %dma_start3A_207] : memref<2x80x8xf32, #tpu.memory_space<vmem>> -> memref<1x80x8xf32, #tpu.memory_space<vmem>>
      %dma_start3A_209 = tpu.memref_squeeze %dma_start3A_208 : memref<1x80x8xf32, #tpu.memory_space<vmem>> -> memref<80x8xf32, #tpu.memory_space<vmem>>
      %dma_start3A_210 = arith.constant 0 : i32
      %dma_start3A_211 = tpu.memref_slice %arg7[%arg0, %add3A_188, %dma_start3A_210] : memref<2x10000x8xf32, #tpu.memory_space<hbm>> -> memref<1x80x8xf32, #tpu.memory_space<hbm>>
      %dma_start3A_212 = tpu.memref_squeeze %dma_start3A_211 : memref<1x80x8xf32, #tpu.memory_space<hbm>> -> memref<80x8xf32, #tpu.memory_space<hbm>>
      %dma_start3A_213 = arith.constant 0 : i32
      %dma_start3A_214 = tpu.memref_slice %arg7[%arg0, %add3A_188, %dma_start3A_213] : memref<2x10000x8xf32, #tpu.memory_space<hbm>> -> memref<1x80x8xf32, #tpu.memory_space<hbm>>
      %dma_start3A_215 = tpu.memref_squeeze %dma_start3A_214 : memref<1x80x8xf32, #tpu.memory_space<hbm>> -> memref<80x8xf32, #tpu.memory_space<hbm>>
      %dma_start3A_216 = arith.constant 0 : i32
      %dma_start3A_217 = arith.constant 0 : i32
      %dma_start3A_218 = tpu.memref_slice %arg12[%run_scoped3A_192, %dma_start3A_216, %dma_start3A_217] : memref<2x80x8xf32, #tpu.memory_space<vmem>> -> memref<1x80x8xf32, #tpu.memory_space<vmem>>
      %dma_start3A_219 = tpu.memref_squeeze %dma_start3A_218 : memref<1x80x8xf32, #tpu.memory_space<vmem>> -> memref<80x8xf32, #tpu.memory_space<vmem>>
      tpu.enqueue_dma source(%dma_start3A_219 : memref<80x8xf32, #tpu.memory_space<vmem>>) target(%dma_start3A_215 : memref<80x8xf32, #tpu.memory_space<hbm>>) target_semaphore(%run_scoped3A_205 : memref<!tpu.dma_semaphore, #tpu.memory_space<semaphore_mem>>)
      %dma_wait3A_220 = arith.constant 0 : i32
      %dma_wait3A_221 = arith.constant 0 : i32
      %dma_wait3A_222 = tpu.memref_slice %arg12[%run_scoped3A_192, %dma_wait3A_220, %dma_wait3A_221] : memref<2x80x8xf32, #tpu.memory_space<vmem>> -> memref<1x80x8xf32, #tpu.memory_space<vmem>>
      %dma_wait3A_223 = tpu.memref_squeeze %dma_wait3A_222 : memref<1x80x8xf32, #tpu.memory_space<vmem>> -> memref<80x8xf32, #tpu.memory_space<vmem>>
      %dma_wait3A_224 = arith.constant 0 : i32
      %dma_wait3A_225 = tpu.memref_slice %arg7[%arg0, %add3A_188, %dma_wait3A_224] : memref<2x10000x8xf32, #tpu.memory_space<hbm>> -> memref<1x80x8xf32, #tpu.memory_space<hbm>>
      %dma_wait3A_226 = tpu.memref_squeeze %dma_wait3A_225 : memref<1x80x8xf32, #tpu.memory_space<hbm>> -> memref<80x8xf32, #tpu.memory_space<hbm>>
      %dma_wait3A_227 = arith.constant 0 : i32
      %dma_wait3A_228 = tpu.memref_slice %arg7[%arg0, %add3A_188, %dma_wait3A_227] : memref<2x10000x8xf32, #tpu.memory_space<hbm>> -> memref<1x80x8xf32, #tpu.memory_space<hbm>>
      %dma_wait3A_229 = tpu.memref_squeeze %dma_wait3A_228 : memref<1x80x8xf32, #tpu.memory_space<hbm>> -> memref<80x8xf32, #tpu.memory_space<hbm>>
      %dma_wait3A_230 = arith.constant 0 : i32
      %dma_wait3A_231 = arith.constant 0 : i32
      %dma_wait3A_232 = tpu.memref_slice %arg12[%run_scoped3A_192, %dma_wait3A_230, %dma_wait3A_231] : memref<2x80x8xf32, #tpu.memory_space<vmem>> -> memref<1x80x8xf32, #tpu.memory_space<vmem>>
      %dma_wait3A_233 = tpu.memref_squeeze %dma_wait3A_232 : memref<1x80x8xf32, #tpu.memory_space<vmem>> -> memref<80x8xf32, #tpu.memory_space<vmem>>
      tpu.wait_dma2 semaphore(%run_scoped3A_205 : memref<!tpu.dma_semaphore, #tpu.memory_space<semaphore_mem>>) src(%dma_wait3A_233 : memref<80x8xf32, #tpu.memory_space<vmem>>) dst(%dma_wait3A_229 : memref<80x8xf32, #tpu.memory_space<hbm>>)
      tpu.yield
    }) : () -> ()
    %add3A_193 = arith.constant 480 : i32
    %add3A_194 = arith.addi %mul3A_23, %add3A_193 : i32
    %run_scoped3A_195 = arith.constant 0 : i32
    "tpu.region"() ({
      %run_scoped3A_205 = tpu.sem_alloc : memref<!tpu.dma_semaphore, #tpu.memory_space<semaphore_mem>>
      %dma_start3A_206 = arith.constant 0 : i32
      %dma_start3A_207 = arith.constant 0 : i32
      %dma_start3A_208 = tpu.memref_slice %arg13[%run_scoped3A_195, %dma_start3A_206, %dma_start3A_207] : memref<2x80x128xf32, #tpu.memory_space<vmem>> -> memref<1x80x128xf32, #tpu.memory_space<vmem>>
      %dma_start3A_209 = tpu.memref_squeeze %dma_start3A_208 : memref<1x80x128xf32, #tpu.memory_space<vmem>> -> memref<80x128xf32, #tpu.memory_space<vmem>>
      %dma_start3A_210 = arith.constant 0 : i32
      %dma_start3A_211 = tpu.memref_slice %arg14[%add3A_194, %dma_start3A_210] : memref<10000x128xf32, #tpu.memory_space<vmem_shared>> -> memref<80x128xf32, #tpu.memory_space<vmem_shared>>
      %dma_start3A_212 = arith.constant 0 : i32
      %dma_start3A_213 = arith.constant 0 : i32
      %dma_start3A_214 = tpu.memref_slice %arg13[%run_scoped3A_195, %dma_start3A_212, %dma_start3A_213] : memref<2x80x128xf32, #tpu.memory_space<vmem>> -> memref<1x80x128xf32, #tpu.memory_space<vmem>>
      %dma_start3A_215 = tpu.memref_squeeze %dma_start3A_214 : memref<1x80x128xf32, #tpu.memory_space<vmem>> -> memref<80x128xf32, #tpu.memory_space<vmem>>
      %dma_start3A_216 = arith.constant 0 : i32
      %dma_start3A_217 = tpu.memref_slice %arg14[%add3A_194, %dma_start3A_216] : memref<10000x128xf32, #tpu.memory_space<vmem_shared>> -> memref<80x128xf32, #tpu.memory_space<vmem_shared>>
      tpu.enqueue_dma source(%dma_start3A_217 : memref<80x128xf32, #tpu.memory_space<vmem_shared>>) target(%dma_start3A_215 : memref<80x128xf32, #tpu.memory_space<vmem>>) target_semaphore(%run_scoped3A_205 : memref<!tpu.dma_semaphore, #tpu.memory_space<semaphore_mem>>)
      %dma_wait3A_218 = arith.constant 0 : i32
      %dma_wait3A_219 = arith.constant 0 : i32
      %dma_wait3A_220 = tpu.memref_slice %arg13[%run_scoped3A_195, %dma_wait3A_218, %dma_wait3A_219] : memref<2x80x128xf32, #tpu.memory_space<vmem>> -> memref<1x80x128xf32, #tpu.memory_space<vmem>>
      %dma_wait3A_221 = tpu.memref_squeeze %dma_wait3A_220 : memref<1x80x128xf32, #tpu.memory_space<vmem>> -> memref<80x128xf32, #tpu.memory_space<vmem>>
      %dma_wait3A_222 = arith.constant 0 : i32
      %dma_wait3A_223 = tpu.memref_slice %arg14[%add3A_194, %dma_wait3A_222] : memref<10000x128xf32, #tpu.memory_space<vmem_shared>> -> memref<80x128xf32, #tpu.memory_space<vmem_shared>>
      %dma_wait3A_224 = arith.constant 0 : i32
      %dma_wait3A_225 = arith.constant 0 : i32
      %dma_wait3A_226 = tpu.memref_slice %arg13[%run_scoped3A_195, %dma_wait3A_224, %dma_wait3A_225] : memref<2x80x128xf32, #tpu.memory_space<vmem>> -> memref<1x80x128xf32, #tpu.memory_space<vmem>>
      %dma_wait3A_227 = tpu.memref_squeeze %dma_wait3A_226 : memref<1x80x128xf32, #tpu.memory_space<vmem>> -> memref<80x128xf32, #tpu.memory_space<vmem>>
      %dma_wait3A_228 = arith.constant 0 : i32
      %dma_wait3A_229 = tpu.memref_slice %arg14[%add3A_194, %dma_wait3A_228] : memref<10000x128xf32, #tpu.memory_space<vmem_shared>> -> memref<80x128xf32, #tpu.memory_space<vmem_shared>>
      tpu.wait_dma2 semaphore(%run_scoped3A_205 : memref<!tpu.dma_semaphore, #tpu.memory_space<semaphore_mem>>) src(%dma_wait3A_229 : memref<80x128xf32, #tpu.memory_space<vmem_shared>>) dst(%dma_wait3A_227 : memref<80x128xf32, #tpu.memory_space<vmem>>)
      tpu.yield
    }) : () -> ()
    %run_scoped3A_196 = arith.constant 0 : i32
    "tpu.region"() ({
      %run_scoped3A_205 = tpu.sem_alloc : memref<!tpu.dma_semaphore, #tpu.memory_space<semaphore_mem>>
      %dma_start3A_206 = arith.constant 0 : i32
      %dma_start3A_207 = arith.constant 0 : i32
      %dma_start3A_208 = tpu.memref_slice %arg13[%run_scoped3A_196, %dma_start3A_206, %dma_start3A_207] : memref<2x80x128xf32, #tpu.memory_space<vmem>> -> memref<1x80x128xf32, #tpu.memory_space<vmem>>
      %dma_start3A_209 = tpu.memref_squeeze %dma_start3A_208 : memref<1x80x128xf32, #tpu.memory_space<vmem>> -> memref<80x128xf32, #tpu.memory_space<vmem>>
      %dma_start3A_210 = arith.constant 0 : i32
      %dma_start3A_211 = tpu.memref_slice %arg6[%arg0, %add3A_194, %dma_start3A_210] : memref<2x10000x128xf32, #tpu.memory_space<hbm>> -> memref<1x80x128xf32, #tpu.memory_space<hbm>>
      %dma_start3A_212 = tpu.memref_squeeze %dma_start3A_211 : memref<1x80x128xf32, #tpu.memory_space<hbm>> -> memref<80x128xf32, #tpu.memory_space<hbm>>
      %dma_start3A_213 = arith.constant 0 : i32
      %dma_start3A_214 = tpu.memref_slice %arg6[%arg0, %add3A_194, %dma_start3A_213] : memref<2x10000x128xf32, #tpu.memory_space<hbm>> -> memref<1x80x128xf32, #tpu.memory_space<hbm>>
      %dma_start3A_215 = tpu.memref_squeeze %dma_start3A_214 : memref<1x80x128xf32, #tpu.memory_space<hbm>> -> memref<80x128xf32, #tpu.memory_space<hbm>>
      %dma_start3A_216 = arith.constant 0 : i32
      %dma_start3A_217 = arith.constant 0 : i32
      %dma_start3A_218 = tpu.memref_slice %arg13[%run_scoped3A_196, %dma_start3A_216, %dma_start3A_217] : memref<2x80x128xf32, #tpu.memory_space<vmem>> -> memref<1x80x128xf32, #tpu.memory_space<vmem>>
      %dma_start3A_219 = tpu.memref_squeeze %dma_start3A_218 : memref<1x80x128xf32, #tpu.memory_space<vmem>> -> memref<80x128xf32, #tpu.memory_space<vmem>>
      tpu.enqueue_dma source(%dma_start3A_219 : memref<80x128xf32, #tpu.memory_space<vmem>>) target(%dma_start3A_215 : memref<80x128xf32, #tpu.memory_space<hbm>>) target_semaphore(%run_scoped3A_205 : memref<!tpu.dma_semaphore, #tpu.memory_space<semaphore_mem>>)
      %dma_wait3A_220 = arith.constant 0 : i32
      %dma_wait3A_221 = arith.constant 0 : i32
      %dma_wait3A_222 = tpu.memref_slice %arg13[%run_scoped3A_196, %dma_wait3A_220, %dma_wait3A_221] : memref<2x80x128xf32, #tpu.memory_space<vmem>> -> memref<1x80x128xf32, #tpu.memory_space<vmem>>
      %dma_wait3A_223 = tpu.memref_squeeze %dma_wait3A_222 : memref<1x80x128xf32, #tpu.memory_space<vmem>> -> memref<80x128xf32, #tpu.memory_space<vmem>>
      %dma_wait3A_224 = arith.constant 0 : i32
      %dma_wait3A_225 = tpu.memref_slice %arg6[%arg0, %add3A_194, %dma_wait3A_224] : memref<2x10000x128xf32, #tpu.memory_space<hbm>> -> memref<1x80x128xf32, #tpu.memory_space<hbm>>
      %dma_wait3A_226 = tpu.memref_squeeze %dma_wait3A_225 : memref<1x80x128xf32, #tpu.memory_space<hbm>> -> memref<80x128xf32, #tpu.memory_space<hbm>>
      %dma_wait3A_227 = arith.constant 0 : i32
      %dma_wait3A_228 = tpu.memref_slice %arg6[%arg0, %add3A_194, %dma_wait3A_227] : memref<2x10000x128xf32, #tpu.memory_space<hbm>> -> memref<1x80x128xf32, #tpu.memory_space<hbm>>
      %dma_wait3A_229 = tpu.memref_squeeze %dma_wait3A_228 : memref<1x80x128xf32, #tpu.memory_space<hbm>> -> memref<80x128xf32, #tpu.memory_space<hbm>>
      %dma_wait3A_230 = arith.constant 0 : i32
      %dma_wait3A_231 = arith.constant 0 : i32
      %dma_wait3A_232 = tpu.memref_slice %arg13[%run_scoped3A_196, %dma_wait3A_230, %dma_wait3A_231] : memref<2x80x128xf32, #tpu.memory_space<vmem>> -> memref<1x80x128xf32, #tpu.memory_space<vmem>>
      %dma_wait3A_233 = tpu.memref_squeeze %dma_wait3A_232 : memref<1x80x128xf32, #tpu.memory_space<vmem>> -> memref<80x128xf32, #tpu.memory_space<vmem>>
      tpu.wait_dma2 semaphore(%run_scoped3A_205 : memref<!tpu.dma_semaphore, #tpu.memory_space<semaphore_mem>>) src(%dma_wait3A_233 : memref<80x128xf32, #tpu.memory_space<vmem>>) dst(%dma_wait3A_229 : memref<80x128xf32, #tpu.memory_space<hbm>>)
      tpu.yield
    }) : () -> ()
    %run_scoped3A_197 = arith.constant 0 : i32
    "tpu.region"() ({
      %run_scoped3A_205 = tpu.sem_alloc : memref<!tpu.dma_semaphore, #tpu.memory_space<semaphore_mem>>
      %dma_start3A_206 = arith.constant 0 : i32
      %dma_start3A_207 = arith.constant 0 : i32
      %dma_start3A_208 = tpu.memref_slice %arg12[%run_scoped3A_197, %dma_start3A_206, %dma_start3A_207] : memref<2x80x8xf32, #tpu.memory_space<vmem>> -> memref<1x80x8xf32, #tpu.memory_space<vmem>>
      %dma_start3A_209 = tpu.memref_squeeze %dma_start3A_208 : memref<1x80x8xf32, #tpu.memory_space<vmem>> -> memref<80x8xf32, #tpu.memory_space<vmem>>
      %dma_start3A_210 = arith.constant 0 : i32
      %dma_start3A_211 = tpu.memref_slice %arg15[%add3A_194, %dma_start3A_210] : memref<10000x8xf32, #tpu.memory_space<vmem_shared>> -> memref<80x8xf32, #tpu.memory_space<vmem_shared>>
      %dma_start3A_212 = arith.constant 0 : i32
      %dma_start3A_213 = arith.constant 0 : i32
      %dma_start3A_214 = tpu.memref_slice %arg12[%run_scoped3A_197, %dma_start3A_212, %dma_start3A_213] : memref<2x80x8xf32, #tpu.memory_space<vmem>> -> memref<1x80x8xf32, #tpu.memory_space<vmem>>
      %dma_start3A_215 = tpu.memref_squeeze %dma_start3A_214 : memref<1x80x8xf32, #tpu.memory_space<vmem>> -> memref<80x8xf32, #tpu.memory_space<vmem>>
      %dma_start3A_216 = arith.constant 0 : i32
      %dma_start3A_217 = tpu.memref_slice %arg15[%add3A_194, %dma_start3A_216] : memref<10000x8xf32, #tpu.memory_space<vmem_shared>> -> memref<80x8xf32, #tpu.memory_space<vmem_shared>>
      tpu.enqueue_dma source(%dma_start3A_217 : memref<80x8xf32, #tpu.memory_space<vmem_shared>>) target(%dma_start3A_215 : memref<80x8xf32, #tpu.memory_space<vmem>>) target_semaphore(%run_scoped3A_205 : memref<!tpu.dma_semaphore, #tpu.memory_space<semaphore_mem>>)
      %dma_wait3A_218 = arith.constant 0 : i32
      %dma_wait3A_219 = arith.constant 0 : i32
      %dma_wait3A_220 = tpu.memref_slice %arg12[%run_scoped3A_197, %dma_wait3A_218, %dma_wait3A_219] : memref<2x80x8xf32, #tpu.memory_space<vmem>> -> memref<1x80x8xf32, #tpu.memory_space<vmem>>
      %dma_wait3A_221 = tpu.memref_squeeze %dma_wait3A_220 : memref<1x80x8xf32, #tpu.memory_space<vmem>> -> memref<80x8xf32, #tpu.memory_space<vmem>>
      %dma_wait3A_222 = arith.constant 0 : i32
      %dma_wait3A_223 = tpu.memref_slice %arg15[%add3A_194, %dma_wait3A_222] : memref<10000x8xf32, #tpu.memory_space<vmem_shared>> -> memref<80x8xf32, #tpu.memory_space<vmem_shared>>
      %dma_wait3A_224 = arith.constant 0 : i32
      %dma_wait3A_225 = arith.constant 0 : i32
      %dma_wait3A_226 = tpu.memref_slice %arg12[%run_scoped3A_197, %dma_wait3A_224, %dma_wait3A_225] : memref<2x80x8xf32, #tpu.memory_space<vmem>> -> memref<1x80x8xf32, #tpu.memory_space<vmem>>
      %dma_wait3A_227 = tpu.memref_squeeze %dma_wait3A_226 : memref<1x80x8xf32, #tpu.memory_space<vmem>> -> memref<80x8xf32, #tpu.memory_space<vmem>>
      %dma_wait3A_228 = arith.constant 0 : i32
      %dma_wait3A_229 = tpu.memref_slice %arg15[%add3A_194, %dma_wait3A_228] : memref<10000x8xf32, #tpu.memory_space<vmem_shared>> -> memref<80x8xf32, #tpu.memory_space<vmem_shared>>
      tpu.wait_dma2 semaphore(%run_scoped3A_205 : memref<!tpu.dma_semaphore, #tpu.memory_space<semaphore_mem>>) src(%dma_wait3A_229 : memref<80x8xf32, #tpu.memory_space<vmem_shared>>) dst(%dma_wait3A_227 : memref<80x8xf32, #tpu.memory_space<vmem>>)
      tpu.yield
    }) : () -> ()
    %run_scoped3A_198 = arith.constant 0 : i32
    "tpu.region"() ({
      %run_scoped3A_205 = tpu.sem_alloc : memref<!tpu.dma_semaphore, #tpu.memory_space<semaphore_mem>>
      %dma_start3A_206 = arith.constant 0 : i32
      %dma_start3A_207 = arith.constant 0 : i32
      %dma_start3A_208 = tpu.memref_slice %arg12[%run_scoped3A_198, %dma_start3A_206, %dma_start3A_207] : memref<2x80x8xf32, #tpu.memory_space<vmem>> -> memref<1x80x8xf32, #tpu.memory_space<vmem>>
      %dma_start3A_209 = tpu.memref_squeeze %dma_start3A_208 : memref<1x80x8xf32, #tpu.memory_space<vmem>> -> memref<80x8xf32, #tpu.memory_space<vmem>>
      %dma_start3A_210 = arith.constant 0 : i32
      %dma_start3A_211 = tpu.memref_slice %arg7[%arg0, %add3A_194, %dma_start3A_210] : memref<2x10000x8xf32, #tpu.memory_space<hbm>> -> memref<1x80x8xf32, #tpu.memory_space<hbm>>
      %dma_start3A_212 = tpu.memref_squeeze %dma_start3A_211 : memref<1x80x8xf32, #tpu.memory_space<hbm>> -> memref<80x8xf32, #tpu.memory_space<hbm>>
      %dma_start3A_213 = arith.constant 0 : i32
      %dma_start3A_214 = tpu.memref_slice %arg7[%arg0, %add3A_194, %dma_start3A_213] : memref<2x10000x8xf32, #tpu.memory_space<hbm>> -> memref<1x80x8xf32, #tpu.memory_space<hbm>>
      %dma_start3A_215 = tpu.memref_squeeze %dma_start3A_214 : memref<1x80x8xf32, #tpu.memory_space<hbm>> -> memref<80x8xf32, #tpu.memory_space<hbm>>
      %dma_start3A_216 = arith.constant 0 : i32
      %dma_start3A_217 = arith.constant 0 : i32
      %dma_start3A_218 = tpu.memref_slice %arg12[%run_scoped3A_198, %dma_start3A_216, %dma_start3A_217] : memref<2x80x8xf32, #tpu.memory_space<vmem>> -> memref<1x80x8xf32, #tpu.memory_space<vmem>>
      %dma_start3A_219 = tpu.memref_squeeze %dma_start3A_218 : memref<1x80x8xf32, #tpu.memory_space<vmem>> -> memref<80x8xf32, #tpu.memory_space<vmem>>
      tpu.enqueue_dma source(%dma_start3A_219 : memref<80x8xf32, #tpu.memory_space<vmem>>) target(%dma_start3A_215 : memref<80x8xf32, #tpu.memory_space<hbm>>) target_semaphore(%run_scoped3A_205 : memref<!tpu.dma_semaphore, #tpu.memory_space<semaphore_mem>>)
      %dma_wait3A_220 = arith.constant 0 : i32
      %dma_wait3A_221 = arith.constant 0 : i32
      %dma_wait3A_222 = tpu.memref_slice %arg12[%run_scoped3A_198, %dma_wait3A_220, %dma_wait3A_221] : memref<2x80x8xf32, #tpu.memory_space<vmem>> -> memref<1x80x8xf32, #tpu.memory_space<vmem>>
      %dma_wait3A_223 = tpu.memref_squeeze %dma_wait3A_222 : memref<1x80x8xf32, #tpu.memory_space<vmem>> -> memref<80x8xf32, #tpu.memory_space<vmem>>
      %dma_wait3A_224 = arith.constant 0 : i32
      %dma_wait3A_225 = tpu.memref_slice %arg7[%arg0, %add3A_194, %dma_wait3A_224] : memref<2x10000x8xf32, #tpu.memory_space<hbm>> -> memref<1x80x8xf32, #tpu.memory_space<hbm>>
      %dma_wait3A_226 = tpu.memref_squeeze %dma_wait3A_225 : memref<1x80x8xf32, #tpu.memory_space<hbm>> -> memref<80x8xf32, #tpu.memory_space<hbm>>
      %dma_wait3A_227 = arith.constant 0 : i32
      %dma_wait3A_228 = tpu.memref_slice %arg7[%arg0, %add3A_194, %dma_wait3A_227] : memref<2x10000x8xf32, #tpu.memory_space<hbm>> -> memref<1x80x8xf32, #tpu.memory_space<hbm>>
      %dma_wait3A_229 = tpu.memref_squeeze %dma_wait3A_228 : memref<1x80x8xf32, #tpu.memory_space<hbm>> -> memref<80x8xf32, #tpu.memory_space<hbm>>
      %dma_wait3A_230 = arith.constant 0 : i32
      %dma_wait3A_231 = arith.constant 0 : i32
      %dma_wait3A_232 = tpu.memref_slice %arg12[%run_scoped3A_198, %dma_wait3A_230, %dma_wait3A_231] : memref<2x80x8xf32, #tpu.memory_space<vmem>> -> memref<1x80x8xf32, #tpu.memory_space<vmem>>
      %dma_wait3A_233 = tpu.memref_squeeze %dma_wait3A_232 : memref<1x80x8xf32, #tpu.memory_space<vmem>> -> memref<80x8xf32, #tpu.memory_space<vmem>>
      tpu.wait_dma2 semaphore(%run_scoped3A_205 : memref<!tpu.dma_semaphore, #tpu.memory_space<semaphore_mem>>) src(%dma_wait3A_233 : memref<80x8xf32, #tpu.memory_space<vmem>>) dst(%dma_wait3A_229 : memref<80x8xf32, #tpu.memory_space<hbm>>)
      tpu.yield
    }) : () -> ()
    %add3A_199 = arith.constant 560 : i32
    %add3A_200 = arith.addi %mul3A_23, %add3A_199 : i32
    %run_scoped3A_201 = arith.constant 0 : i32
    "tpu.region"() ({
      %run_scoped3A_205 = tpu.sem_alloc : memref<!tpu.dma_semaphore, #tpu.memory_space<semaphore_mem>>
      %dma_start3A_206 = arith.constant 0 : i32
      %dma_start3A_207 = arith.constant 0 : i32
      %dma_start3A_208 = tpu.memref_slice %arg13[%run_scoped3A_201, %dma_start3A_206, %dma_start3A_207] : memref<2x80x128xf32, #tpu.memory_space<vmem>> -> memref<1x65x128xf32, #tpu.memory_space<vmem>>
      %dma_start3A_209 = tpu.memref_squeeze %dma_start3A_208 : memref<1x65x128xf32, #tpu.memory_space<vmem>> -> memref<65x128xf32, #tpu.memory_space<vmem>>
      %dma_start3A_210 = arith.constant 0 : i32
      %dma_start3A_211 = tpu.memref_slice %arg14[%add3A_200, %dma_start3A_210] : memref<10000x128xf32, #tpu.memory_space<vmem_shared>> -> memref<65x128xf32, #tpu.memory_space<vmem_shared>>
      %dma_start3A_212 = arith.constant 0 : i32
      %dma_start3A_213 = arith.constant 0 : i32
      %dma_start3A_214 = tpu.memref_slice %arg13[%run_scoped3A_201, %dma_start3A_212, %dma_start3A_213] : memref<2x80x128xf32, #tpu.memory_space<vmem>> -> memref<1x65x128xf32, #tpu.memory_space<vmem>>
      %dma_start3A_215 = tpu.memref_squeeze %dma_start3A_214 : memref<1x65x128xf32, #tpu.memory_space<vmem>> -> memref<65x128xf32, #tpu.memory_space<vmem>>
      %dma_start3A_216 = arith.constant 0 : i32
      %dma_start3A_217 = tpu.memref_slice %arg14[%add3A_200, %dma_start3A_216] : memref<10000x128xf32, #tpu.memory_space<vmem_shared>> -> memref<65x128xf32, #tpu.memory_space<vmem_shared>>
      tpu.enqueue_dma source(%dma_start3A_217 : memref<65x128xf32, #tpu.memory_space<vmem_shared>>) target(%dma_start3A_215 : memref<65x128xf32, #tpu.memory_space<vmem>>) target_semaphore(%run_scoped3A_205 : memref<!tpu.dma_semaphore, #tpu.memory_space<semaphore_mem>>)
      %dma_wait3A_218 = arith.constant 0 : i32
      %dma_wait3A_219 = arith.constant 0 : i32
      %dma_wait3A_220 = tpu.memref_slice %arg13[%run_scoped3A_201, %dma_wait3A_218, %dma_wait3A_219] : memref<2x80x128xf32, #tpu.memory_space<vmem>> -> memref<1x65x128xf32, #tpu.memory_space<vmem>>
      %dma_wait3A_221 = tpu.memref_squeeze %dma_wait3A_220 : memref<1x65x128xf32, #tpu.memory_space<vmem>> -> memref<65x128xf32, #tpu.memory_space<vmem>>
      %dma_wait3A_222 = arith.constant 0 : i32
      %dma_wait3A_223 = tpu.memref_slice %arg14[%add3A_200, %dma_wait3A_222] : memref<10000x128xf32, #tpu.memory_space<vmem_shared>> -> memref<65x128xf32, #tpu.memory_space<vmem_shared>>
      %dma_wait3A_224 = arith.constant 0 : i32
      %dma_wait3A_225 = arith.constant 0 : i32
      %dma_wait3A_226 = tpu.memref_slice %arg13[%run_scoped3A_201, %dma_wait3A_224, %dma_wait3A_225] : memref<2x80x128xf32, #tpu.memory_space<vmem>> -> memref<1x65x128xf32, #tpu.memory_space<vmem>>
      %dma_wait3A_227 = tpu.memref_squeeze %dma_wait3A_226 : memref<1x65x128xf32, #tpu.memory_space<vmem>> -> memref<65x128xf32, #tpu.memory_space<vmem>>
      %dma_wait3A_228 = arith.constant 0 : i32
      %dma_wait3A_229 = tpu.memref_slice %arg14[%add3A_200, %dma_wait3A_228] : memref<10000x128xf32, #tpu.memory_space<vmem_shared>> -> memref<65x128xf32, #tpu.memory_space<vmem_shared>>
      tpu.wait_dma2 semaphore(%run_scoped3A_205 : memref<!tpu.dma_semaphore, #tpu.memory_space<semaphore_mem>>) src(%dma_wait3A_229 : memref<65x128xf32, #tpu.memory_space<vmem_shared>>) dst(%dma_wait3A_227 : memref<65x128xf32, #tpu.memory_space<vmem>>)
      tpu.yield
    }) : () -> ()
    %run_scoped3A_202 = arith.constant 0 : i32
    "tpu.region"() ({
      %run_scoped3A_205 = tpu.sem_alloc : memref<!tpu.dma_semaphore, #tpu.memory_space<semaphore_mem>>
      %dma_start3A_206 = arith.constant 0 : i32
      %dma_start3A_207 = arith.constant 0 : i32
      %dma_start3A_208 = tpu.memref_slice %arg13[%run_scoped3A_202, %dma_start3A_206, %dma_start3A_207] : memref<2x80x128xf32, #tpu.memory_space<vmem>> -> memref<1x65x128xf32, #tpu.memory_space<vmem>>
      %dma_start3A_209 = tpu.memref_squeeze %dma_start3A_208 : memref<1x65x128xf32, #tpu.memory_space<vmem>> -> memref<65x128xf32, #tpu.memory_space<vmem>>
      %dma_start3A_210 = arith.constant 0 : i32
      %dma_start3A_211 = tpu.memref_slice %arg6[%arg0, %add3A_200, %dma_start3A_210] : memref<2x10000x128xf32, #tpu.memory_space<hbm>> -> memref<1x65x128xf32, #tpu.memory_space<hbm>>
      %dma_start3A_212 = tpu.memref_squeeze %dma_start3A_211 : memref<1x65x128xf32, #tpu.memory_space<hbm>> -> memref<65x128xf32, #tpu.memory_space<hbm>>
      %dma_start3A_213 = arith.constant 0 : i32
      %dma_start3A_214 = tpu.memref_slice %arg6[%arg0, %add3A_200, %dma_start3A_213] : memref<2x10000x128xf32, #tpu.memory_space<hbm>> -> memref<1x65x128xf32, #tpu.memory_space<hbm>>
      %dma_start3A_215 = tpu.memref_squeeze %dma_start3A_214 : memref<1x65x128xf32, #tpu.memory_space<hbm>> -> memref<65x128xf32, #tpu.memory_space<hbm>>
      %dma_start3A_216 = arith.constant 0 : i32
      %dma_start3A_217 = arith.constant 0 : i32
      %dma_start3A_218 = tpu.memref_slice %arg13[%run_scoped3A_202, %dma_start3A_216, %dma_start3A_217] : memref<2x80x128xf32, #tpu.memory_space<vmem>> -> memref<1x65x128xf32, #tpu.memory_space<vmem>>
      %dma_start3A_219 = tpu.memref_squeeze %dma_start3A_218 : memref<1x65x128xf32, #tpu.memory_space<vmem>> -> memref<65x128xf32, #tpu.memory_space<vmem>>
      tpu.enqueue_dma source(%dma_start3A_219 : memref<65x128xf32, #tpu.memory_space<vmem>>) target(%dma_start3A_215 : memref<65x128xf32, #tpu.memory_space<hbm>>) target_semaphore(%run_scoped3A_205 : memref<!tpu.dma_semaphore, #tpu.memory_space<semaphore_mem>>)
      %dma_wait3A_220 = arith.constant 0 : i32
      %dma_wait3A_221 = arith.constant 0 : i32
      %dma_wait3A_222 = tpu.memref_slice %arg13[%run_scoped3A_202, %dma_wait3A_220, %dma_wait3A_221] : memref<2x80x128xf32, #tpu.memory_space<vmem>> -> memref<1x65x128xf32, #tpu.memory_space<vmem>>
      %dma_wait3A_223 = tpu.memref_squeeze %dma_wait3A_222 : memref<1x65x128xf32, #tpu.memory_space<vmem>> -> memref<65x128xf32, #tpu.memory_space<vmem>>
      %dma_wait3A_224 = arith.constant 0 : i32
      %dma_wait3A_225 = tpu.memref_slice %arg6[%arg0, %add3A_200, %dma_wait3A_224] : memref<2x10000x128xf32, #tpu.memory_space<hbm>> -> memref<1x65x128xf32, #tpu.memory_space<hbm>>
      %dma_wait3A_226 = tpu.memref_squeeze %dma_wait3A_225 : memref<1x65x128xf32, #tpu.memory_space<hbm>> -> memref<65x128xf32, #tpu.memory_space<hbm>>
      %dma_wait3A_227 = arith.constant 0 : i32
      %dma_wait3A_228 = tpu.memref_slice %arg6[%arg0, %add3A_200, %dma_wait3A_227] : memref<2x10000x128xf32, #tpu.memory_space<hbm>> -> memref<1x65x128xf32, #tpu.memory_space<hbm>>
      %dma_wait3A_229 = tpu.memref_squeeze %dma_wait3A_228 : memref<1x65x128xf32, #tpu.memory_space<hbm>> -> memref<65x128xf32, #tpu.memory_space<hbm>>
      %dma_wait3A_230 = arith.constant 0 : i32
      %dma_wait3A_231 = arith.constant 0 : i32
      %dma_wait3A_232 = tpu.memref_slice %arg13[%run_scoped3A_202, %dma_wait3A_230, %dma_wait3A_231] : memref<2x80x128xf32, #tpu.memory_space<vmem>> -> memref<1x65x128xf32, #tpu.memory_space<vmem>>
      %dma_wait3A_233 = tpu.memref_squeeze %dma_wait3A_232 : memref<1x65x128xf32, #tpu.memory_space<vmem>> -> memref<65x128xf32, #tpu.memory_space<vmem>>
      tpu.wait_dma2 semaphore(%run_scoped3A_205 : memref<!tpu.dma_semaphore, #tpu.memory_space<semaphore_mem>>) src(%dma_wait3A_233 : memref<65x128xf32, #tpu.memory_space<vmem>>) dst(%dma_wait3A_229 : memref<65x128xf32, #tpu.memory_space<hbm>>)
      tpu.yield
    }) : () -> ()
    %run_scoped3A_203 = arith.constant 0 : i32
    "tpu.region"() ({
      %run_scoped3A_205 = tpu.sem_alloc : memref<!tpu.dma_semaphore, #tpu.memory_space<semaphore_mem>>
      %dma_start3A_206 = arith.constant 0 : i32
      %dma_start3A_207 = arith.constant 0 : i32
      %dma_start3A_208 = tpu.memref_slice %arg12[%run_scoped3A_203, %dma_start3A_206, %dma_start3A_207] : memref<2x80x8xf32, #tpu.memory_space<vmem>> -> memref<1x65x8xf32, #tpu.memory_space<vmem>>
      %dma_start3A_209 = tpu.memref_squeeze %dma_start3A_208 : memref<1x65x8xf32, #tpu.memory_space<vmem>> -> memref<65x8xf32, #tpu.memory_space<vmem>>
      %dma_start3A_210 = arith.constant 0 : i32
      %dma_start3A_211 = tpu.memref_slice %arg15[%add3A_200, %dma_start3A_210] : memref<10000x8xf32, #tpu.memory_space<vmem_shared>> -> memref<65x8xf32, #tpu.memory_space<vmem_shared>>
      %dma_start3A_212 = arith.constant 0 : i32
      %dma_start3A_213 = arith.constant 0 : i32
      %dma_start3A_214 = tpu.memref_slice %arg12[%run_scoped3A_203, %dma_start3A_212, %dma_start3A_213] : memref<2x80x8xf32, #tpu.memory_space<vmem>> -> memref<1x65x8xf32, #tpu.memory_space<vmem>>
      %dma_start3A_215 = tpu.memref_squeeze %dma_start3A_214 : memref<1x65x8xf32, #tpu.memory_space<vmem>> -> memref<65x8xf32, #tpu.memory_space<vmem>>
      %dma_start3A_216 = arith.constant 0 : i32
      %dma_start3A_217 = tpu.memref_slice %arg15[%add3A_200, %dma_start3A_216] : memref<10000x8xf32, #tpu.memory_space<vmem_shared>> -> memref<65x8xf32, #tpu.memory_space<vmem_shared>>
      tpu.enqueue_dma source(%dma_start3A_217 : memref<65x8xf32, #tpu.memory_space<vmem_shared>>) target(%dma_start3A_215 : memref<65x8xf32, #tpu.memory_space<vmem>>) target_semaphore(%run_scoped3A_205 : memref<!tpu.dma_semaphore, #tpu.memory_space<semaphore_mem>>)
      %dma_wait3A_218 = arith.constant 0 : i32
      %dma_wait3A_219 = arith.constant 0 : i32
      %dma_wait3A_220 = tpu.memref_slice %arg12[%run_scoped3A_203, %dma_wait3A_218, %dma_wait3A_219] : memref<2x80x8xf32, #tpu.memory_space<vmem>> -> memref<1x65x8xf32, #tpu.memory_space<vmem>>
      %dma_wait3A_221 = tpu.memref_squeeze %dma_wait3A_220 : memref<1x65x8xf32, #tpu.memory_space<vmem>> -> memref<65x8xf32, #tpu.memory_space<vmem>>
      %dma_wait3A_222 = arith.constant 0 : i32
      %dma_wait3A_223 = tpu.memref_slice %arg15[%add3A_200, %dma_wait3A_222] : memref<10000x8xf32, #tpu.memory_space<vmem_shared>> -> memref<65x8xf32, #tpu.memory_space<vmem_shared>>
      %dma_wait3A_224 = arith.constant 0 : i32
      %dma_wait3A_225 = arith.constant 0 : i32
      %dma_wait3A_226 = tpu.memref_slice %arg12[%run_scoped3A_203, %dma_wait3A_224, %dma_wait3A_225] : memref<2x80x8xf32, #tpu.memory_space<vmem>> -> memref<1x65x8xf32, #tpu.memory_space<vmem>>
      %dma_wait3A_227 = tpu.memref_squeeze %dma_wait3A_226 : memref<1x65x8xf32, #tpu.memory_space<vmem>> -> memref<65x8xf32, #tpu.memory_space<vmem>>
      %dma_wait3A_228 = arith.constant 0 : i32
      %dma_wait3A_229 = tpu.memref_slice %arg15[%add3A_200, %dma_wait3A_228] : memref<10000x8xf32, #tpu.memory_space<vmem_shared>> -> memref<65x8xf32, #tpu.memory_space<vmem_shared>>
      tpu.wait_dma2 semaphore(%run_scoped3A_205 : memref<!tpu.dma_semaphore, #tpu.memory_space<semaphore_mem>>) src(%dma_wait3A_229 : memref<65x8xf32, #tpu.memory_space<vmem_shared>>) dst(%dma_wait3A_227 : memref<65x8xf32, #tpu.memory_space<vmem>>)
      tpu.yield
    }) : () -> ()
    %run_scoped3A_204 = arith.constant 0 : i32
    "tpu.region"() ({
      %run_scoped3A_205 = tpu.sem_alloc : memref<!tpu.dma_semaphore, #tpu.memory_space<semaphore_mem>>
      %dma_start3A_206 = arith.constant 0 : i32
      %dma_start3A_207 = arith.constant 0 : i32
      %dma_start3A_208 = tpu.memref_slice %arg12[%run_scoped3A_204, %dma_start3A_206, %dma_start3A_207] : memref<2x80x8xf32, #tpu.memory_space<vmem>> -> memref<1x65x8xf32, #tpu.memory_space<vmem>>
      %dma_start3A_209 = tpu.memref_squeeze %dma_start3A_208 : memref<1x65x8xf32, #tpu.memory_space<vmem>> -> memref<65x8xf32, #tpu.memory_space<vmem>>
      %dma_start3A_210 = arith.constant 0 : i32
      %dma_start3A_211 = tpu.memref_slice %arg7[%arg0, %add3A_200, %dma_start3A_210] : memref<2x10000x8xf32, #tpu.memory_space<hbm>> -> memref<1x65x8xf32, #tpu.memory_space<hbm>>
      %dma_start3A_212 = tpu.memref_squeeze %dma_start3A_211 : memref<1x65x8xf32, #tpu.memory_space<hbm>> -> memref<65x8xf32, #tpu.memory_space<hbm>>
      %dma_start3A_213 = arith.constant 0 : i32
      %dma_start3A_214 = tpu.memref_slice %arg7[%arg0, %add3A_200, %dma_start3A_213] : memref<2x10000x8xf32, #tpu.memory_space<hbm>> -> memref<1x65x8xf32, #tpu.memory_space<hbm>>
      %dma_start3A_215 = tpu.memref_squeeze %dma_start3A_214 : memref<1x65x8xf32, #tpu.memory_space<hbm>> -> memref<65x8xf32, #tpu.memory_space<hbm>>
      %dma_start3A_216 = arith.constant 0 : i32
      %dma_start3A_217 = arith.constant 0 : i32
      %dma_start3A_218 = tpu.memref_slice %arg12[%run_scoped3A_204, %dma_start3A_216, %dma_start3A_217] : memref<2x80x8xf32, #tpu.memory_space<vmem>> -> memref<1x65x8xf32, #tpu.memory_space<vmem>>
      %dma_start3A_219 = tpu.memref_squeeze %dma_start3A_218 : memref<1x65x8xf32, #tpu.memory_space<vmem>> -> memref<65x8xf32, #tpu.memory_space<vmem>>
      tpu.enqueue_dma source(%dma_start3A_219 : memref<65x8xf32, #tpu.memory_space<vmem>>) target(%dma_start3A_215 : memref<65x8xf32, #tpu.memory_space<hbm>>) target_semaphore(%run_scoped3A_205 : memref<!tpu.dma_semaphore, #tpu.memory_space<semaphore_mem>>)
      %dma_wait3A_220 = arith.constant 0 : i32
      %dma_wait3A_221 = arith.constant 0 : i32
      %dma_wait3A_222 = tpu.memref_slice %arg12[%run_scoped3A_204, %dma_wait3A_220, %dma_wait3A_221] : memref<2x80x8xf32, #tpu.memory_space<vmem>> -> memref<1x65x8xf32, #tpu.memory_space<vmem>>
      %dma_wait3A_223 = tpu.memref_squeeze %dma_wait3A_222 : memref<1x65x8xf32, #tpu.memory_space<vmem>> -> memref<65x8xf32, #tpu.memory_space<vmem>>
      %dma_wait3A_224 = arith.constant 0 : i32
      %dma_wait3A_225 = tpu.memref_slice %arg7[%arg0, %add3A_200, %dma_wait3A_224] : memref<2x10000x8xf32, #tpu.memory_space<hbm>> -> memref<1x65x8xf32, #tpu.memory_space<hbm>>
      %dma_wait3A_226 = tpu.memref_squeeze %dma_wait3A_225 : memref<1x65x8xf32, #tpu.memory_space<hbm>> -> memref<65x8xf32, #tpu.memory_space<hbm>>
      %dma_wait3A_227 = arith.constant 0 : i32
      %dma_wait3A_228 = tpu.memref_slice %arg7[%arg0, %add3A_200, %dma_wait3A_227] : memref<2x10000x8xf32, #tpu.memory_space<hbm>> -> memref<1x65x8xf32, #tpu.memory_space<hbm>>
      %dma_wait3A_229 = tpu.memref_squeeze %dma_wait3A_228 : memref<1x65x8xf32, #tpu.memory_space<hbm>> -> memref<65x8xf32, #tpu.memory_space<hbm>>
      %dma_wait3A_230 = arith.constant 0 : i32
      %dma_wait3A_231 = arith.constant 0 : i32
      %dma_wait3A_232 = tpu.memref_slice %arg12[%run_scoped3A_204, %dma_wait3A_230, %dma_wait3A_231] : memref<2x80x8xf32, #tpu.memory_space<vmem>> -> memref<1x65x8xf32, #tpu.memory_space<vmem>>
      %dma_wait3A_233 = tpu.memref_squeeze %dma_wait3A_232 : memref<1x65x8xf32, #tpu.memory_space<vmem>> -> memref<65x8xf32, #tpu.memory_space<vmem>>
      tpu.wait_dma2 semaphore(%run_scoped3A_205 : memref<!tpu.dma_semaphore, #tpu.memory_space<semaphore_mem>>) src(%dma_wait3A_233 : memref<65x8xf32, #tpu.memory_space<vmem>>) dst(%dma_wait3A_229 : memref<65x8xf32, #tpu.memory_space<hbm>>)
      tpu.yield
    }) : () -> ()
    return
  }
}

module attributes {stable_mosaic.version = 14 : i64} {
  func.func @_dense_body(%arg0: i32, %arg1: memref<1000x128xf32, #tpu.memory_space<vmem>>, %arg2: memref<128x128xf32, #tpu.memory_space<vmem>>, %arg3: memref<8x128x16xf32, #tpu.memory_space<vmem>>, %arg4: memref<8x32x1xf32, #tpu.memory_space<vmem>>, %arg5: memref<1000x128xf32, #tpu.memory_space<vmem>>, %arg6: memref<1000x8xf32, #tpu.memory_space<vmem>>, %arg7: memref<1000x8xf32, #tpu.memory_space<vmem>>) attributes {dimension_semantics = [#tpu.dimension_semantics<arbitrary>], iteration_bounds = array<i64: 10>, scalar_prefetch = 0 : i64, scratch_operands = 0 : i64, tpu.core_type = #tpu.core_type<tc>, window_params = [{transform_indices = @transform_0, window_bounds = array<i64: 1000, 128>}, {pipeline_mode = #tpu.pipeline_mode<synchronous>, transform_indices = @transform_1, window_bounds = array<i64: 128, 128>}, {pipeline_mode = #tpu.pipeline_mode<synchronous>, transform_indices = @transform_2, window_bounds = array<i64: 8, 128, 16>}, {pipeline_mode = #tpu.pipeline_mode<synchronous>, transform_indices = @transform_3, window_bounds = array<i64: 8, 32, 1>}, {transform_indices = @transform_4, window_bounds = array<i64: 1000, 128>}, {transform_indices = @transform_5, window_bounds = array<i64: 1000, 8>}, {transform_indices = @transform_6, window_bounds = array<i64: 1000, 8>}]} {
    %get3A = arith.constant 0 : index
    %get3A_0 = arith.constant 0 : index
    %get3A_1 = vector.load %arg1[%get3A, %get3A_0] : memref<1000x128xf32, #tpu.memory_space<vmem>>, vector<1000x128xf32>
    %get3A_2 = arith.constant 0 : index
    %get3A_3 = arith.constant 0 : index
    %get3A_4 = vector.load %arg2[%get3A_2, %get3A_3] : memref<128x128xf32, #tpu.memory_space<vmem>>, vector<128x128xf32>
    %dot_general3A = arith.constant dense<0.000000e+00> : vector<1000x128xf32>
    %dot_general3A_5 = tpu.matmul %get3A_1, %get3A_4, %dot_general3A {dimension_numbers = #tpu.dot_dimension_numbers<[1], [0], [0], [1], [0, 0, 1, 1], [], []>, transpose_lhs_hint = false} : vector<1000x128xf32>, vector<128x128xf32>, vector<1000x128xf32> -> vector<1000x128xf32>
    %swap3A = arith.constant 0 : index
    %swap3A_6 = arith.constant 0 : index
    %swap3A_7 = vector.load %arg5[%swap3A, %swap3A_6] : memref<1000x128xf32, #tpu.memory_space<vmem>>, vector<1000x128xf32>
    tpu.vector_store %arg5[%swap3A, %swap3A_6], %dot_general3A_5 {strides = array<i32>} : memref<1000x128xf32, #tpu.memory_space<vmem>>, vector<1000x128xf32>,
    %get3A_8 = arith.constant 0 : index
    %get3A_9 = arith.constant 0 : index
    %get3A_10 = arith.constant 0 : index
    %get3A_11 = vector.load %arg3[%get3A_8, %get3A_9, %get3A_10] : memref<8x128x16xf32, #tpu.memory_space<vmem>>, vector<1x128x16xf32>
    %get3A_12 = vector.shape_cast %get3A_11 : vector<1x128x16xf32> to vector<128x16xf32>
    %get3A_13 = arith.constant 0 : index
    %get3A_14 = arith.constant 0 : index
    %get3A_15 = arith.constant 0 : index
    %get3A_16 = vector.load %arg4[%get3A_13, %get3A_14, %get3A_15] : memref<8x32x1xf32, #tpu.memory_space<vmem>>, vector<1x16x1xf32>
    %get3A_17 = vector.shape_cast %get3A_16 : vector<1x16x1xf32> to vector<16x1xf32>
    %dot_general3A_18 = arith.constant dense<0.000000e+00> : vector<128x1xf32>
    %dot_general3A_19 = tpu.matmul %get3A_12, %get3A_17, %dot_general3A_18 {dimension_numbers = #tpu.dot_dimension_numbers<[1], [0], [0], [1], [0, 0, 1, 1], [], []>, transpose_lhs_hint = false} : vector<128x16xf32>, vector<16x1xf32>, vector<128x1xf32> -> vector<128x1xf32>
    %get3A_20 = arith.constant 1 : index
    %get3A_21 = arith.constant 0 : index
    %get3A_22 = arith.constant 0 : index
    %get3A_23 = vector.load %arg3[%get3A_20, %get3A_21, %get3A_22] : memref<8x128x16xf32, #tpu.memory_space<vmem>>, vector<1x128x16xf32>
    %get3A_24 = vector.shape_cast %get3A_23 : vector<1x128x16xf32> to vector<128x16xf32>
    %get3A_25 = arith.constant 1 : index
    %get3A_26 = arith.constant 0 : index
    %get3A_27 = arith.constant 0 : index
    %get3A_28 = vector.load %arg4[%get3A_25, %get3A_26, %get3A_27] : memref<8x32x1xf32, #tpu.memory_space<vmem>>, vector<1x16x1xf32>
    %get3A_29 = vector.shape_cast %get3A_28 : vector<1x16x1xf32> to vector<16x1xf32>
    %dot_general3A_30 = arith.constant dense<0.000000e+00> : vector<128x1xf32>
    %dot_general3A_31 = tpu.matmul %get3A_24, %get3A_29, %dot_general3A_30 {dimension_numbers = #tpu.dot_dimension_numbers<[1], [0], [0], [1], [0, 0, 1, 1], [], []>, transpose_lhs_hint = false} : vector<128x16xf32>, vector<16x1xf32>, vector<128x1xf32> -> vector<128x1xf32>
    %get3A_32 = arith.constant 2 : index
    %get3A_33 = arith.constant 0 : index
    %get3A_34 = arith.constant 0 : index
    %get3A_35 = vector.load %arg3[%get3A_32, %get3A_33, %get3A_34] : memref<8x128x16xf32, #tpu.memory_space<vmem>>, vector<1x128x16xf32>
    %get3A_36 = vector.shape_cast %get3A_35 : vector<1x128x16xf32> to vector<128x16xf32>
    %get3A_37 = arith.constant 2 : index
    %get3A_38 = arith.constant 0 : index
    %get3A_39 = arith.constant 0 : index
    %get3A_40 = vector.load %arg4[%get3A_37, %get3A_38, %get3A_39] : memref<8x32x1xf32, #tpu.memory_space<vmem>>, vector<1x16x1xf32>
    %get3A_41 = vector.shape_cast %get3A_40 : vector<1x16x1xf32> to vector<16x1xf32>
    %dot_general3A_42 = arith.constant dense<0.000000e+00> : vector<128x1xf32>
    %dot_general3A_43 = tpu.matmul %get3A_36, %get3A_41, %dot_general3A_42 {dimension_numbers = #tpu.dot_dimension_numbers<[1], [0], [0], [1], [0, 0, 1, 1], [], []>, transpose_lhs_hint = false} : vector<128x16xf32>, vector<16x1xf32>, vector<128x1xf32> -> vector<128x1xf32>
    %get3A_44 = arith.constant 3 : index
    %get3A_45 = arith.constant 0 : index
    %get3A_46 = arith.constant 0 : index
    %get3A_47 = vector.load %arg3[%get3A_44, %get3A_45, %get3A_46] : memref<8x128x16xf32, #tpu.memory_space<vmem>>, vector<1x128x16xf32>
    %get3A_48 = vector.shape_cast %get3A_47 : vector<1x128x16xf32> to vector<128x16xf32>
    %get3A_49 = arith.constant 3 : index
    %get3A_50 = arith.constant 0 : index
    %get3A_51 = arith.constant 0 : index
    %get3A_52 = vector.load %arg4[%get3A_49, %get3A_50, %get3A_51] : memref<8x32x1xf32, #tpu.memory_space<vmem>>, vector<1x16x1xf32>
    %get3A_53 = vector.shape_cast %get3A_52 : vector<1x16x1xf32> to vector<16x1xf32>
    %dot_general3A_54 = arith.constant dense<0.000000e+00> : vector<128x1xf32>
    %dot_general3A_55 = tpu.matmul %get3A_48, %get3A_53, %dot_general3A_54 {dimension_numbers = #tpu.dot_dimension_numbers<[1], [0], [0], [1], [0, 0, 1, 1], [], []>, transpose_lhs_hint = false} : vector<128x16xf32>, vector<16x1xf32>, vector<128x1xf32> -> vector<128x1xf32>
    %get3A_56 = arith.constant 4 : index
    %get3A_57 = arith.constant 0 : index
    %get3A_58 = arith.constant 0 : index
    %get3A_59 = vector.load %arg3[%get3A_56, %get3A_57, %get3A_58] : memref<8x128x16xf32, #tpu.memory_space<vmem>>, vector<1x128x16xf32>
    %get3A_60 = vector.shape_cast %get3A_59 : vector<1x128x16xf32> to vector<128x16xf32>
    %get3A_61 = arith.constant 4 : index
    %get3A_62 = arith.constant 0 : index
    %get3A_63 = arith.constant 0 : index
    %get3A_64 = vector.load %arg4[%get3A_61, %get3A_62, %get3A_63] : memref<8x32x1xf32, #tpu.memory_space<vmem>>, vector<1x16x1xf32>
    %get3A_65 = vector.shape_cast %get3A_64 : vector<1x16x1xf32> to vector<16x1xf32>
    %dot_general3A_66 = arith.constant dense<0.000000e+00> : vector<128x1xf32>
    %dot_general3A_67 = tpu.matmul %get3A_60, %get3A_65, %dot_general3A_66 {dimension_numbers = #tpu.dot_dimension_numbers<[1], [0], [0], [1], [0, 0, 1, 1], [], []>, transpose_lhs_hint = false} : vector<128x16xf32>, vector<16x1xf32>, vector<128x1xf32> -> vector<128x1xf32>
    %get3A_68 = arith.constant 5 : index
    %get3A_69 = arith.constant 0 : index
    %get3A_70 = arith.constant 0 : index
    %get3A_71 = vector.load %arg3[%get3A_68, %get3A_69, %get3A_70] : memref<8x128x16xf32, #tpu.memory_space<vmem>>, vector<1x128x16xf32>
    %get3A_72 = vector.shape_cast %get3A_71 : vector<1x128x16xf32> to vector<128x16xf32>
    %get3A_73 = arith.constant 5 : index
    %get3A_74 = arith.constant 0 : index
    %get3A_75 = arith.constant 0 : index
    %get3A_76 = vector.load %arg4[%get3A_73, %get3A_74, %get3A_75] : memref<8x32x1xf32, #tpu.memory_space<vmem>>, vector<1x16x1xf32>
    %get3A_77 = vector.shape_cast %get3A_76 : vector<1x16x1xf32> to vector<16x1xf32>
    %dot_general3A_78 = arith.constant dense<0.000000e+00> : vector<128x1xf32>
    %dot_general3A_79 = tpu.matmul %get3A_72, %get3A_77, %dot_general3A_78 {dimension_numbers = #tpu.dot_dimension_numbers<[1], [0], [0], [1], [0, 0, 1, 1], [], []>, transpose_lhs_hint = false} : vector<128x16xf32>, vector<16x1xf32>, vector<128x1xf32> -> vector<128x1xf32>
    %get3A_80 = arith.constant 6 : index
    %get3A_81 = arith.constant 0 : index
    %get3A_82 = arith.constant 0 : index
    %get3A_83 = vector.load %arg3[%get3A_80, %get3A_81, %get3A_82] : memref<8x128x16xf32, #tpu.memory_space<vmem>>, vector<1x128x16xf32>
    %get3A_84 = vector.shape_cast %get3A_83 : vector<1x128x16xf32> to vector<128x16xf32>
    %get3A_85 = arith.constant 6 : index
    %get3A_86 = arith.constant 0 : index
    %get3A_87 = arith.constant 0 : index
    %get3A_88 = vector.load %arg4[%get3A_85, %get3A_86, %get3A_87] : memref<8x32x1xf32, #tpu.memory_space<vmem>>, vector<1x16x1xf32>
    %get3A_89 = vector.shape_cast %get3A_88 : vector<1x16x1xf32> to vector<16x1xf32>
    %dot_general3A_90 = arith.constant dense<0.000000e+00> : vector<128x1xf32>
    %dot_general3A_91 = tpu.matmul %get3A_84, %get3A_89, %dot_general3A_90 {dimension_numbers = #tpu.dot_dimension_numbers<[1], [0], [0], [1], [0, 0, 1, 1], [], []>, transpose_lhs_hint = false} : vector<128x16xf32>, vector<16x1xf32>, vector<128x1xf32> -> vector<128x1xf32>
    %get3A_92 = arith.constant 7 : index
    %get3A_93 = arith.constant 0 : index
    %get3A_94 = arith.constant 0 : index
    %get3A_95 = vector.load %arg3[%get3A_92, %get3A_93, %get3A_94] : memref<8x128x16xf32, #tpu.memory_space<vmem>>, vector<1x128x16xf32>
    %get3A_96 = vector.shape_cast %get3A_95 : vector<1x128x16xf32> to vector<128x16xf32>
    %get3A_97 = arith.constant 7 : index
    %get3A_98 = arith.constant 0 : index
    %get3A_99 = arith.constant 0 : index
    %get3A_100 = vector.load %arg4[%get3A_97, %get3A_98, %get3A_99] : memref<8x32x1xf32, #tpu.memory_space<vmem>>, vector<1x16x1xf32>
    %get3A_101 = vector.shape_cast %get3A_100 : vector<1x16x1xf32> to vector<16x1xf32>
    %dot_general3A_102 = arith.constant dense<0.000000e+00> : vector<128x1xf32>
    %dot_general3A_103 = tpu.matmul %get3A_96, %get3A_101, %dot_general3A_102 {dimension_numbers = #tpu.dot_dimension_numbers<[1], [0], [0], [1], [0, 0, 1, 1], [], []>, transpose_lhs_hint = false} : vector<128x16xf32>, vector<16x1xf32>, vector<128x1xf32> -> vector<128x1xf32>
    %get3A_104 = arith.constant 0 : index
    %get3A_105 = arith.constant 0 : index
    %get3A_106 = arith.constant 0 : index
    %get3A_107 = vector.load %arg3[%get3A_104, %get3A_105, %get3A_106] : memref<8x128x16xf32, #tpu.memory_space<vmem>>, vector<1x128x16xf32>
    %get3A_108 = vector.shape_cast %get3A_107 : vector<1x128x16xf32> to vector<128x16xf32>
    %get3A_109 = arith.constant 0 : index
    %get3A_110 = arith.constant 16 : index
    %get3A_111 = arith.constant 0 : index
    %get3A_112 = vector.load %arg4[%get3A_109, %get3A_110, %get3A_111] : memref<8x32x1xf32, #tpu.memory_space<vmem>>, vector<1x16x1xf32>
    %get3A_113 = vector.shape_cast %get3A_112 : vector<1x16x1xf32> to vector<16x1xf32>
    %dot_general3A_114 = arith.constant dense<0.000000e+00> : vector<128x1xf32>
    %dot_general3A_115 = tpu.matmul %get3A_108, %get3A_113, %dot_general3A_114 {dimension_numbers = #tpu.dot_dimension_numbers<[1], [0], [0], [1], [0, 0, 1, 1], [], []>, transpose_lhs_hint = false} : vector<128x16xf32>, vector<16x1xf32>, vector<128x1xf32> -> vector<128x1xf32>
    %get3A_116 = arith.constant 1 : index
    %get3A_117 = arith.constant 0 : index
    %get3A_118 = arith.constant 0 : index
    %get3A_119 = vector.load %arg3[%get3A_116, %get3A_117, %get3A_118] : memref<8x128x16xf32, #tpu.memory_space<vmem>>, vector<1x128x16xf32>
    %get3A_120 = vector.shape_cast %get3A_119 : vector<1x128x16xf32> to vector<128x16xf32>
    %get3A_121 = arith.constant 1 : index
    %get3A_122 = arith.constant 16 : index
    %get3A_123 = arith.constant 0 : index
    %get3A_124 = vector.load %arg4[%get3A_121, %get3A_122, %get3A_123] : memref<8x32x1xf32, #tpu.memory_space<vmem>>, vector<1x16x1xf32>
    %get3A_125 = vector.shape_cast %get3A_124 : vector<1x16x1xf32> to vector<16x1xf32>
    %dot_general3A_126 = arith.constant dense<0.000000e+00> : vector<128x1xf32>
    %dot_general3A_127 = tpu.matmul %get3A_120, %get3A_125, %dot_general3A_126 {dimension_numbers = #tpu.dot_dimension_numbers<[1], [0], [0], [1], [0, 0, 1, 1], [], []>, transpose_lhs_hint = false} : vector<128x16xf32>, vector<16x1xf32>, vector<128x1xf32> -> vector<128x1xf32>
    %get3A_128 = arith.constant 2 : index
    %get3A_129 = arith.constant 0 : index
    %get3A_130 = arith.constant 0 : index
    %get3A_131 = vector.load %arg3[%get3A_128, %get3A_129, %get3A_130] : memref<8x128x16xf32, #tpu.memory_space<vmem>>, vector<1x128x16xf32>
    %get3A_132 = vector.shape_cast %get3A_131 : vector<1x128x16xf32> to vector<128x16xf32>
    %get3A_133 = arith.constant 2 : index
    %get3A_134 = arith.constant 16 : index
    %get3A_135 = arith.constant 0 : index
    %get3A_136 = vector.load %arg4[%get3A_133, %get3A_134, %get3A_135] : memref<8x32x1xf32, #tpu.memory_space<vmem>>, vector<1x16x1xf32>
    %get3A_137 = vector.shape_cast %get3A_136 : vector<1x16x1xf32> to vector<16x1xf32>
    %dot_general3A_138 = arith.constant dense<0.000000e+00> : vector<128x1xf32>
    %dot_general3A_139 = tpu.matmul %get3A_132, %get3A_137, %dot_general3A_138 {dimension_numbers = #tpu.dot_dimension_numbers<[1], [0], [0], [1], [0, 0, 1, 1], [], []>, transpose_lhs_hint = false} : vector<128x16xf32>, vector<16x1xf32>, vector<128x1xf32> -> vector<128x1xf32>
    %get3A_140 = arith.constant 3 : index
    %get3A_141 = arith.constant 0 : index
    %get3A_142 = arith.constant 0 : index
    %get3A_143 = vector.load %arg3[%get3A_140, %get3A_141, %get3A_142] : memref<8x128x16xf32, #tpu.memory_space<vmem>>, vector<1x128x16xf32>
    %get3A_144 = vector.shape_cast %get3A_143 : vector<1x128x16xf32> to vector<128x16xf32>
    %get3A_145 = arith.constant 3 : index
    %get3A_146 = arith.constant 16 : index
    %get3A_147 = arith.constant 0 : index
    %get3A_148 = vector.load %arg4[%get3A_145, %get3A_146, %get3A_147] : memref<8x32x1xf32, #tpu.memory_space<vmem>>, vector<1x16x1xf32>
    %get3A_149 = vector.shape_cast %get3A_148 : vector<1x16x1xf32> to vector<16x1xf32>
    %dot_general3A_150 = arith.constant dense<0.000000e+00> : vector<128x1xf32>
    %dot_general3A_151 = tpu.matmul %get3A_144, %get3A_149, %dot_general3A_150 {dimension_numbers = #tpu.dot_dimension_numbers<[1], [0], [0], [1], [0, 0, 1, 1], [], []>, transpose_lhs_hint = false} : vector<128x16xf32>, vector<16x1xf32>, vector<128x1xf32> -> vector<128x1xf32>
    %get3A_152 = arith.constant 4 : index
    %get3A_153 = arith.constant 0 : index
    %get3A_154 = arith.constant 0 : index
    %get3A_155 = vector.load %arg3[%get3A_152, %get3A_153, %get3A_154] : memref<8x128x16xf32, #tpu.memory_space<vmem>>, vector<1x128x16xf32>
    %get3A_156 = vector.shape_cast %get3A_155 : vector<1x128x16xf32> to vector<128x16xf32>
    %get3A_157 = arith.constant 4 : index
    %get3A_158 = arith.constant 16 : index
    %get3A_159 = arith.constant 0 : index
    %get3A_160 = vector.load %arg4[%get3A_157, %get3A_158, %get3A_159] : memref<8x32x1xf32, #tpu.memory_space<vmem>>, vector<1x16x1xf32>
    %get3A_161 = vector.shape_cast %get3A_160 : vector<1x16x1xf32> to vector<16x1xf32>
    %dot_general3A_162 = arith.constant dense<0.000000e+00> : vector<128x1xf32>
    %dot_general3A_163 = tpu.matmul %get3A_156, %get3A_161, %dot_general3A_162 {dimension_numbers = #tpu.dot_dimension_numbers<[1], [0], [0], [1], [0, 0, 1, 1], [], []>, transpose_lhs_hint = false} : vector<128x16xf32>, vector<16x1xf32>, vector<128x1xf32> -> vector<128x1xf32>
    %get3A_164 = arith.constant 5 : index
    %get3A_165 = arith.constant 0 : index
    %get3A_166 = arith.constant 0 : index
    %get3A_167 = vector.load %arg3[%get3A_164, %get3A_165, %get3A_166] : memref<8x128x16xf32, #tpu.memory_space<vmem>>, vector<1x128x16xf32>
    %get3A_168 = vector.shape_cast %get3A_167 : vector<1x128x16xf32> to vector<128x16xf32>
    %get3A_169 = arith.constant 5 : index
    %get3A_170 = arith.constant 16 : index
    %get3A_171 = arith.constant 0 : index
    %get3A_172 = vector.load %arg4[%get3A_169, %get3A_170, %get3A_171] : memref<8x32x1xf32, #tpu.memory_space<vmem>>, vector<1x16x1xf32>
    %get3A_173 = vector.shape_cast %get3A_172 : vector<1x16x1xf32> to vector<16x1xf32>
    %dot_general3A_174 = arith.constant dense<0.000000e+00> : vector<128x1xf32>
    %dot_general3A_175 = tpu.matmul %get3A_168, %get3A_173, %dot_general3A_174 {dimension_numbers = #tpu.dot_dimension_numbers<[1], [0], [0], [1], [0, 0, 1, 1], [], []>, transpose_lhs_hint = false} : vector<128x16xf32>, vector<16x1xf32>, vector<128x1xf32> -> vector<128x1xf32>
    %get3A_176 = arith.constant 6 : index
    %get3A_177 = arith.constant 0 : index
    %get3A_178 = arith.constant 0 : index
    %get3A_179 = vector.load %arg3[%get3A_176, %get3A_177, %get3A_178] : memref<8x128x16xf32, #tpu.memory_space<vmem>>, vector<1x128x16xf32>
    %get3A_180 = vector.shape_cast %get3A_179 : vector<1x128x16xf32> to vector<128x16xf32>
    %get3A_181 = arith.constant 6 : index
    %get3A_182 = arith.constant 16 : index
    %get3A_183 = arith.constant 0 : index
    %get3A_184 = vector.load %arg4[%get3A_181, %get3A_182, %get3A_183] : memref<8x32x1xf32, #tpu.memory_space<vmem>>, vector<1x16x1xf32>
    %get3A_185 = vector.shape_cast %get3A_184 : vector<1x16x1xf32> to vector<16x1xf32>
    %dot_general3A_186 = arith.constant dense<0.000000e+00> : vector<128x1xf32>
    %dot_general3A_187 = tpu.matmul %get3A_180, %get3A_185, %dot_general3A_186 {dimension_numbers = #tpu.dot_dimension_numbers<[1], [0], [0], [1], [0, 0, 1, 1], [], []>, transpose_lhs_hint = false} : vector<128x16xf32>, vector<16x1xf32>, vector<128x1xf32> -> vector<128x1xf32>
    %get3A_188 = arith.constant 7 : index
    %get3A_189 = arith.constant 0 : index
    %get3A_190 = arith.constant 0 : index
    %get3A_191 = vector.load %arg3[%get3A_188, %get3A_189, %get3A_190] : memref<8x128x16xf32, #tpu.memory_space<vmem>>, vector<1x128x16xf32>
    %get3A_192 = vector.shape_cast %get3A_191 : vector<1x128x16xf32> to vector<128x16xf32>
    %get3A_193 = arith.constant 7 : index
    %get3A_194 = arith.constant 16 : index
    %get3A_195 = arith.constant 0 : index
    %get3A_196 = vector.load %arg4[%get3A_193, %get3A_194, %get3A_195] : memref<8x32x1xf32, #tpu.memory_space<vmem>>, vector<1x16x1xf32>
    %get3A_197 = vector.shape_cast %get3A_196 : vector<1x16x1xf32> to vector<16x1xf32>
    %dot_general3A_198 = arith.constant dense<0.000000e+00> : vector<128x1xf32>
    %dot_general3A_199 = tpu.matmul %get3A_192, %get3A_197, %dot_general3A_198 {dimension_numbers = #tpu.dot_dimension_numbers<[1], [0], [0], [1], [0, 0, 1, 1], [], []>, transpose_lhs_hint = false} : vector<128x16xf32>, vector<16x1xf32>, vector<128x1xf32> -> vector<128x1xf32>
    %concatenate3A = tpu.concatenate %dot_general3A_19, %dot_general3A_31, %dot_general3A_43, %dot_general3A_55, %dot_general3A_67, %dot_general3A_79, %dot_general3A_91, %dot_general3A_103, %dot_general3A_115, %dot_general3A_127, %dot_general3A_139, %dot_general3A_151, %dot_general3A_163, %dot_general3A_175, %dot_general3A_187, %dot_general3A_199 in 1 : vector<128x1xf32>, vector<128x1xf32>, vector<128x1xf32>, vector<128x1xf32>, vector<128x1xf32>, vector<128x1xf32>, vector<128x1xf32>, vector<128x1xf32>, vector<128x1xf32>, vector<128x1xf32>, vector<128x1xf32>, vector<128x1xf32>, vector<128x1xf32>, vector<128x1xf32>, vector<128x1xf32>, vector<128x1xf32> -> vector<128x16xf32>
    %dot_general3A_200 = arith.constant dense<0.000000e+00> : vector<1000x16xf32>
    %dot_general3A_201 = tpu.matmul %get3A_1, %concatenate3A, %dot_general3A_200 {dimension_numbers = #tpu.dot_dimension_numbers<[1], [0], [0], [1], [0, 0, 1, 1], [], []>, transpose_lhs_hint = false} : vector<1000x128xf32>, vector<128x16xf32>, vector<1000x16xf32> -> vector<1000x16xf32>
    %slice3A = vector.extract_strided_slice %dot_general3A_201 {offsets = [0, 0], sizes = [1000, 8], strides = [1, 1]} : vector<1000x16xf32> to vector<1000x8xf32>
    %swap3A_202 = arith.constant 0 : index
    %swap3A_203 = arith.constant 0 : index
    %swap3A_204 = vector.load %arg6[%swap3A_202, %swap3A_203] : memref<1000x8xf32, #tpu.memory_space<vmem>>, vector<1000x8xf32>
    tpu.vector_store %arg6[%swap3A_202, %swap3A_203], %slice3A {strides = array<i32>} : memref<1000x8xf32, #tpu.memory_space<vmem>>, vector<1000x8xf32>,
    %slice3A_205 = vector.extract_strided_slice %dot_general3A_201 {offsets = [0, 8], sizes = [1000, 8], strides = [1, 1]} : vector<1000x16xf32> to vector<1000x8xf32>
    %swap3A_206 = arith.constant 0 : index
    %swap3A_207 = arith.constant 0 : index
    %swap3A_208 = vector.load %arg7[%swap3A_206, %swap3A_207] : memref<1000x8xf32, #tpu.memory_space<vmem>>, vector<1000x8xf32>
    tpu.vector_store %arg7[%swap3A_206, %swap3A_207], %slice3A_205 {strides = array<i32>} : memref<1000x8xf32, #tpu.memory_space<vmem>>, vector<1000x8xf32>,
    return
  }
  func.func @transform_0(%arg0: i32) -> (i32, i32) {
    %c0_i32 = arith.constant 0 : i32
    %c0_i32_0 = arith.constant 0 : i32
    return %arg0, %c0_i32 : i32, i32
  }
  func.func @transform_1(%arg0: i32) -> (i32, i32) {
    %c0_i32 = arith.constant 0 : i32
    %c0_i32_0 = arith.constant 0 : i32
    %c0_i32_1 = arith.constant 0 : i32
    return %c0_i32, %c0_i32_0 : i32, i32
  }
  func.func @transform_2(%arg0: i32) -> (i32, i32, i32) {
    %c0_i32 = arith.constant 0 : i32
    %c0_i32_0 = arith.constant 0 : i32
    %c0_i32_1 = arith.constant 0 : i32
    %c0_i32_2 = arith.constant 0 : i32
    return %c0_i32, %c0_i32_0, %c0_i32_1 : i32, i32, i32
  }
  func.func @transform_3(%arg0: i32) -> (i32, i32, i32) {
    %c0_i32 = arith.constant 0 : i32
    %c0_i32_0 = arith.constant 0 : i32
    %c0_i32_1 = arith.constant 0 : i32
    %c0_i32_2 = arith.constant 0 : i32
    return %c0_i32, %c0_i32_0, %c0_i32_1 : i32, i32, i32
  }
  func.func @transform_4(%arg0: i32) -> (i32, i32) {
    %c0_i32 = arith.constant 0 : i32
    %c0_i32_0 = arith.constant 0 : i32
    return %arg0, %c0_i32 : i32, i32
  }
  func.func @transform_5(%arg0: i32) -> (i32, i32) {
    %c0_i32 = arith.constant 0 : i32
    %c0_i32_0 = arith.constant 0 : i32
    return %arg0, %c0_i32 : i32, i32
  }
  func.func @transform_6(%arg0: i32) -> (i32, i32) {
    %c0_i32 = arith.constant 0 : i32
    %c0_i32_0 = arith.constant 0 : i32
    return %arg0, %c0_i32 : i32, i32
  }
}

module attributes {stable_mosaic.version = 14 : i64} {
  func.func @_norm_body(%arg0: i32, %arg1: memref<2x1000x128xf32, #tpu.memory_space<vmem>>, %arg2: memref<2x1000x8xf32, #tpu.memory_space<vmem>>, %arg3: memref<128x128xf32, #tpu.memory_space<vmem>>, %arg4: memref<8x128xf32, #tpu.memory_space<vmem>>, %arg5: memref<1000x128xf32, #tpu.memory_space<vmem>>) attributes {dimension_semantics = [#tpu.dimension_semantics<arbitrary>], iteration_bounds = array<i64: 10>, scalar_prefetch = 0 : i64, scratch_operands = 0 : i64, tpu.core_type = #tpu.core_type<tc>, window_params = [{transform_indices = @transform_0, window_bounds = array<i64: 2, 1000, 128>}, {transform_indices = @transform_1, window_bounds = array<i64: 2, 1000, 8>}, {pipeline_mode = #tpu.pipeline_mode<synchronous>, transform_indices = @transform_2, window_bounds = array<i64: 128, 128>}, {pipeline_mode = #tpu.pipeline_mode<synchronous>, transform_indices = @transform_3, window_bounds = array<i64: 8, 128>}, {transform_indices = @transform_4, window_bounds = array<i64: 1000, 128>}]} {
    %get3A = arith.constant 0 : index
    %get3A_0 = arith.constant 0 : index
    %get3A_1 = arith.constant 0 : index
    %get3A_2 = vector.load %arg1[%get3A, %get3A_0, %get3A_1] : memref<2x1000x128xf32, #tpu.memory_space<vmem>>, vector<1x1000x128xf32>
    %get3A_3 = vector.shape_cast %get3A_2 : vector<1x1000x128xf32> to vector<1000x128xf32>
    %get3A_4 = arith.constant 1 : index
    %get3A_5 = arith.constant 0 : index
    %get3A_6 = arith.constant 0 : index
    %get3A_7 = vector.load %arg1[%get3A_4, %get3A_5, %get3A_6] : memref<2x1000x128xf32, #tpu.memory_space<vmem>>, vector<1x1000x128xf32>
    %get3A_8 = vector.shape_cast %get3A_7 : vector<1x1000x128xf32> to vector<1000x128xf32>
    %add3A = arith.addf %get3A_3, %get3A_8 : vector<1000x128xf32>
    %get3A_9 = arith.constant 0 : index
    %get3A_10 = arith.constant 0 : index
    %get3A_11 = arith.constant 0 : index
    %get3A_12 = vector.load %arg2[%get3A_9, %get3A_10, %get3A_11] : memref<2x1000x8xf32, #tpu.memory_space<vmem>>, vector<1x1000x8xf32>
    %get3A_13 = vector.shape_cast %get3A_12 : vector<1x1000x8xf32> to vector<1000x8xf32>
    %get3A_14 = arith.constant 1 : index
    %get3A_15 = arith.constant 0 : index
    %get3A_16 = arith.constant 0 : index
    %get3A_17 = vector.load %arg2[%get3A_14, %get3A_15, %get3A_16] : memref<2x1000x8xf32, #tpu.memory_space<vmem>>, vector<1x1000x8xf32>
    %get3A_18 = vector.shape_cast %get3A_17 : vector<1x1000x8xf32> to vector<1000x8xf32>
    %add3A_19 = arith.addf %get3A_13, %get3A_18 : vector<1000x8xf32>
    %add3A_20 = arith.constant 1.000000e-10 : f32
    %add3A_21 = vector.broadcast %add3A_20 : f32 to vector<1000x8xf32>
    %add3A_22 = arith.addf %add3A_19, %add3A_21 : vector<1000x8xf32>
    %div3A = arith.constant 1.000000e+00 : f32
    %div3A_23 = vector.broadcast %div3A : f32 to vector<1000x8xf32>
    %div3A_24 = arith.divf %div3A_23, %add3A_22 : vector<1000x8xf32>
    %get3A_25 = arith.constant 0 : index
    %get3A_26 = arith.constant 0 : index
    %get3A_27 = vector.load %arg4[%get3A_25, %get3A_26] : memref<8x128xf32, #tpu.memory_space<vmem>>, vector<8x128xf32>
    %dot_general3A = arith.constant dense<0.000000e+00> : vector<1000x128xf32>
    %dot_general3A_28 = tpu.matmul %div3A_24, %get3A_27, %dot_general3A {dimension_numbers = #tpu.dot_dimension_numbers<[1], [0], [0], [1], [0, 0, 1, 1], [], []>, transpose_lhs_hint = false} : vector<1000x8xf32>, vector<8x128xf32>, vector<1000x128xf32> -> vector<1000x128xf32>
    %mul3A = arith.mulf %add3A, %dot_general3A_28 : vector<1000x128xf32>
    %get3A_29 = arith.constant 0 : index
    %get3A_30 = arith.constant 0 : index
    %get3A_31 = vector.load %arg3[%get3A_29, %get3A_30] : memref<128x128xf32, #tpu.memory_space<vmem>>, vector<128x128xf32>
    %dot_general3A_32 = arith.constant dense<0.000000e+00> : vector<1000x128xf32>
    %dot_general3A_33 = tpu.matmul %mul3A, %get3A_31, %dot_general3A_32 {dimension_numbers = #tpu.dot_dimension_numbers<[1], [0], [0], [1], [0, 0, 1, 1], [], []>, transpose_lhs_hint = false} : vector<1000x128xf32>, vector<128x128xf32>, vector<1000x128xf32> -> vector<1000x128xf32>
    %swap3A = arith.constant 0 : index
    %swap3A_34 = arith.constant 0 : index
    %swap3A_35 = vector.load %arg5[%swap3A, %swap3A_34] : memref<1000x128xf32, #tpu.memory_space<vmem>>, vector<1000x128xf32>
    tpu.vector_store %arg5[%swap3A, %swap3A_34], %dot_general3A_33 {strides = array<i32>} : memref<1000x128xf32, #tpu.memory_space<vmem>>, vector<1000x128xf32>,
    return
  }
  func.func @transform_0(%arg0: i32) -> (i32, i32, i32) {
    %c0_i32 = arith.constant 0 : i32
    %c0_i32_0 = arith.constant 0 : i32
    %c0_i32_1 = arith.constant 0 : i32
    return %c0_i32, %arg0, %c0_i32_0 : i32, i32, i32
  }
  func.func @transform_1(%arg0: i32) -> (i32, i32, i32) {
    %c0_i32 = arith.constant 0 : i32
    %c0_i32_0 = arith.constant 0 : i32
    %c0_i32_1 = arith.constant 0 : i32
    return %c0_i32, %arg0, %c0_i32_0 : i32, i32, i32
  }
  func.func @transform_2(%arg0: i32) -> (i32, i32) {
    %c0_i32 = arith.constant 0 : i32
    %c0_i32_0 = arith.constant 0 : i32
    %c0_i32_1 = arith.constant 0 : i32
    return %c0_i32, %c0_i32_0 : i32, i32
  }
  func.func @transform_3(%arg0: i32) -> (i32, i32) {
    %c0_i32 = arith.constant 0 : i32
    %c0_i32_0 = arith.constant 0 : i32
    %c0_i32_1 = arith.constant 0 : i32
    return %c0_i32, %c0_i32_0 : i32, i32
  }
  func.func @transform_4(%arg0: i32) -> (i32, i32) {
    %c0_i32 = arith.constant 0 : i32
    %c0_i32_0 = arith.constant 0 : i32
    return %arg0, %c0_i32 : i32, i32
  }
}

</mosaic_0001>

<sc_bundles>
// kernel: kernel.5.cloned.1.call-start
scs
__scs_entry_jumppad:
0x0: {  	(pc) =	sbr.rel $0x88, $3  }
0x1: {  	(tag) =	ssettag $0x0;
	lr =	simm.s32 $0x1  }
0x2: {  	[smem:$0x3F9D] =	sst lr;
	_ =	strace $0xD0000000  }
0x3: {  	_ = 	snop  }
0x4: {  	_ = 	snop  }
0x5: {  	_ = 	snop  }
0x6: {  	_ = 	snop  }
0x7: {  	_ = 	snop  }
__scs_overlays_trampoline_lowered:
0x8: {  	[smem:$0x3FAC] =	sst s0  }
0x9: {  	[smem:$0x3FAD] =	sst s1  }
0xa: {  	[smem:$0x3FAE] =	sst s2  }
0xb: {  	[smem:$0x3FAF] =	sst s3  }
0xc: {  	[smem:$0x3FB0] =	sst s4  }
0xd: {  	[smem:$0x3FB1] =	sst s5  }
0xe: {  	[smem:$0x3FB2] =	sst s6  }
0xf: {  	[smem:$0x3FB3] =	sst s7  }
0x10: {  	[smem:$0x3FB4] =	sst s8  }
0x11: {  	[smem:$0x3FB5] =	sst s9;
	s0 =	simm.s32 @!p0 $0x0  }
0x12: {  	s1 =	sld [smem:$0x3F9B];
	s0 =	simm.s32 @p0 $0x1  }
0x13: {  	[smem:$0x3FB6] =	sst s0;
	s0 =	simm.s32 @!p1 $0x0  }
0x14: {  	s2 =	sld [smem:$0x3F9A];
	s0 =	simm.s32 @p1 $0x1  }
0x15: {  	[smem:$0x3FB7] =	sst s0;
	s0 =	simm.s32 @!p2 $0x0  }
0x16: {  	s3 =	sld [smem:$0x3FDB];
	s0 =	simm.s32 @p2 $0x1  }
0x17: {  	s4 =	simm.s32 $0x1BF5;
	[smem:$0x3FB9] =	sst s0  }
0x18: {  	s0 =	sld [smem:$0x3F9C];
	_ =	swait.ge [sflag:s4], $0x0  }
0x19: {  	s7 =	sld [smem:$0x3F9D]  }
0x1a: {  	s8 =	sadd.s32 $0xFFFFE003, lr  }
0x1b: {  	s9 =	sadd.s32 $0xFFFFFEF7, lr;
	s5 =	simm.s32 $0xFFFFFFFF;
	p2 =	slt.u32 s8, $0xFFFFF086  }
0x1c: {  	p1 =	slt.u32 s9, $0xF7A;
	s5 =	simm.s32 @!p2 $0x0  }
0x1d: {  	s5 =	simm.s32 @p1 $0x1;
	p0 =	seq.s32 s7, s2  }
0x1e: {  	s7 =	smul.u32 @!p0 $0xF7A, s2;
	p2 =	seq.s32 @!p0 s5, $0x0  }
0x1f: {  	s9 =	smul.u32 $0xF7A, s1;
	s8 =	simm.s32 @!p0 $0x1BF5;
	p2 =	por !p2, p0  }
0x20: {  	[sflag:s8] =	ssyncset.s32 @!p0 $0xFFFFF086;
	s6 =	sadd.s32 @!p0 s3, s7;
	s7 =	simm.s32 @!p0 $0x108  }
0x21: {  	s3 =	sadd.s32 s3, s9;
	s6 =	sadd.s32 @!p0 $0x88, s6;
	s7 =	simm.s32 @p2 $0x1082  }
0x22: {  	[simem:s7], [sflag:s8] =	dma.local @!p0 [hbm:s6], $0xF7A  }
0x23: {  	s9 =	sor.u32 $0xD0000000, s2;
	s6 =	simm.s32 $0x108;
	_ =	swait.ge @!p0 [sflag:s8], $0x0  }
0x24: {  	s3 =	sadd.s32 $0x88, s3;
	s6 =	simm.s32 @!p1 $0x1082;
	[sflag:s4] =	ssyncset.s32 $0xFFFFF086  }
0x25: {  	[simem:s6], [sflag:s4] =	dma.local [hbm:s3], $0xF7A  }
0x26: {  	[smem:$0x3F9D] =	sst s1;
	(tag) =	ssettag s2;
	_ =	strace s9  }
0x27: {  	s1 =	sld [smem:$0x3FAD]  }
0x28: {  	s2 =	sld [smem:$0x3FAE]  }
0x29: {  	s4 =	sld [smem:$0x3FB0]  }
0x2a: {  	p0 =	seq.s32 s5, $0x0;
	s5 =	sld [smem:$0x3FB1]  }
0x2b: {  	s6 =	sld [smem:$0x3FB2]  }
0x2c: {  	s7 =	sld [smem:$0x3FB3]  }
0x2d: {  	s3 =	simm.s32 $0x108;
	s8 =	sld [smem:$0x3FB4]  }
0x2e: {  	s3 =	simm.s32 @!p0 $0x1082;
	s9 =	sld [smem:$0x3FB5]  }
0x2f: {  	lr =	sadd.s32 s0, s3;
	s0 =	sld [smem:$0x3FAC]  }
0x30: {  	s3 =	sld [smem:$0x3FAF]  }
0x31: {  	[smem:$0x3FB8] =	sst s10  }
0x32: {  	s10 =	sld [smem:$0x3FB6];
	_ =	sdelay $0x3  }
0x33: {  	p0 =	seq.s32 s10, $0x1;
	s10 =	sld [smem:$0x3FB8];
	_ =	sdelay $0x3  }
0x34: {  	[smem:$0x3FB8] =	sst s10  }
0x35: {  	s10 =	sld [smem:$0x3FB7];
	_ =	sdelay $0x3  }
0x36: {  	p1 =	seq.s32 s10, $0x1;
	s10 =	sld [smem:$0x3FB8];
	_ =	sdelay $0x3  }
0x37: {  	[smem:$0x3FB8] =	sst s10  }
0x38: {  	s10 =	sld [smem:$0x3FB9]  }
0x39: {  	_ = 	snop;
	(pc) =	sbr.ind lr, $3  }
0x3a: {  	_ = 	snop  }
0x3b: {  	_ = 	snop  }
0x3c: {  	p2 =	seq.s32 s10, $0x1;
	s10 =	sld [smem:$0x3FB8]  }
0x3d: {  	_ =	shalt  }
0x3e: {  	_ =	shalt  }
0x3f: {  	_ =	shalt  }
0x40: {  	_ =	shalt  }
0x41: {  	_ =	shalt  }
0x42: {  	_ =	shalt  }
0x43: {  	_ =	shalt  }
0x44: {  	_ =	shalt  }
0x45: {  	_ =	shalt  }
0x46: {  	_ =	shalt  }
0x47: {  	_ =	shalt  }
0x48: {  	_ =	shalt  }
0x49: {  	_ =	shalt  }
0x4a: {  	_ =	shalt  }
0x4b: {  	_ =	shalt  }
0x4c: {  	_ =	shalt  }
0x4d: {  	_ =	shalt  }
0x4e: {  	_ =	shalt  }
0x4f: {  	_ =	shalt  }
0x50: {  	_ =	shalt  }
0x51: {  	_ =	shalt  }
0x52: {  	_ =	shalt  }
0x53: {  	_ =	shalt  }
0x54: {  	_ =	shalt  }
0x55: {  	_ =	shalt  }
0x56: {  	_ =	shalt  }
0x57: {  	_ =	shalt  }
0x58: {  	_ =	shalt  }
0x59: {  	_ =	shalt  }
0x5a: {  	_ =	shalt  }
0x5b: {  	_ =	shalt  }
0x5c: {  	_ =	shalt  }
0x5d: {  	_ =	shalt  }
0x5e: {  	_ =	shalt  }
0x5f: {  	_ =	shalt  }
0x60: {  	_ =	shalt  }
0x61: {  	_ =	shalt  }
0x62: {  	_ =	shalt  }
0x63: {  	_ =	shalt  }
0x64: {  	_ =	shalt  }
0x65: {  	_ =	shalt  }
0x66: {  	_ =	shalt  }
0x67: {  	_ =	shalt  }
0x68: {  	_ =	shalt  }
0x69: {  	_ =	shalt  }
0x6a: {  	_ =	shalt  }
0x6b: {  	_ =	shalt  }
0x6c: {  	_ =	shalt  }
0x6d: {  	_ =	shalt  }
0x6e: {  	_ =	shalt  }
0x6f: {  	_ =	shalt  }
0x70: {  	_ =	shalt  }
0x71: {  	_ =	shalt  }
0x72: {  	_ =	shalt  }
0x73: {  	_ =	shalt  }
0x74: {  	_ =	shalt  }
0x75: {  	_ =	shalt  }
0x76: {  	_ =	shalt  }
0x77: {  	_ =	shalt  }
0x78: {  	_ =	shalt  }
0x79: {  	_ =	shalt  }
0x7a: {  	_ =	shalt  }
0x7b: {  	_ =	shalt  }
0x7c: {  	_ =	shalt  }
0x7d: {  	_ =	shalt  }
0x7e: {  	_ =	shalt  }
0x7f: {  	_ =	shalt  }
0x80: {  	_ =	shalt  }
0x81: {  	_ =	shalt  }
0x82: {  	_ =	shalt  }
0x83: {  	_ =	shalt  }
0x84: {  	_ =	shalt  }
0x85: {  	_ =	shalt  }
0x86: {  	_ =	shalt  }
0x87: {  	_ =	shalt  }
.Lfunc_end0:
.L_simem_size_0:
called_computation_lowered:
.L_overlay_start_0:
0x88: {  	s2 =	sld [smem:$0x3FD9]  }
0x89: {  	s3 =	sld [smem:$0x3FFE];
	_ =	sdelay $0x1  }
0x8a: {  	s1 =	srdreg.scid  }
0x8b: {  	s0 =	sand.u32 $0x1, s1  }
0x8c: {  	s17 =	sshll.u32 s0, $0xA;
	s2 =	sadd.s32 s3, s2  }
0x8d: {  	s2 =	sadd.s32 s2, s17  }
0x8e: {  	[smem:$0x3FC4] =	sst s2  }
0x8f: {  	_ = 	snop  }
0x90: {  	s2 =	sld [smem:$0x3FD0];
	(tm) =	ssettm $0x1  }
0x91: {  	s18 =	sld [smem:$0x3FFB];
	_ =	sdelay $0x3  }
0x92: {  	_ =	strace s18  }
0x93: {  	s3 =	sld [smem:$0x3FFC];
	_ =	sdelay $0x3  }
0x94: {  	_ =	strace s3  }
0x95: {  	s3 =	sld [smem:$0x3FFD];
	_ =	sdelay $0x3  }
0x96: {  	_ =	strace s3  }
0x97: {  	_ =	strace $0x8FFFFFFF  }
0x98: {  	s19 =	sld [smem:$0x3FDB];
	_ =	sdelay $0x1  }
0x99: {  	s4 =	simm.s32 $_scs_section_size  }
0x9a: {  	s5 =	simm.s32 $_size__tile_overlayer_lowered;
	s6 =	simm.s32 $_tile_overlayer_lowered  }
0x9b: {  	s22 =	simm.s32 $0x1BFF;
	s21 =	sshll.u32 s6, $0x1;
	s3 =	sadd.s32 s4, s19  }
0x9c: {  	s7 =	simm.s32 $0x0;
	s20 =	sshll.u32 s5, $0x1;
	s5 =	sadd.s32 s21, s3  }
0x9d: {  	[timem:s7], [sflag:s22] =	dma.local [hbm:s5], s20  }
0x9e: {  	_ =	swait.ge [sflag:s22], s20  }
0x9f: {  	s4 =	ssub.s32 $0x0, s20;
	[sflag:s22] =	ssyncset.done $0x0  }
0xa0: {  	[sflag:s22] =	ssyncadd.s32 s4;
	_ =	sdelay $0x1  }
0xa1: {  	s23 =	simm.s32 $0x1B8B  }
0xa2: {  	_ =	swait.ge [sflag:s23], $0x1  }
0xa3: {  	[sflag:s23] =	ssyncset.done $0x0  }
0xa4: {  	s25 =	simm.s32 $0x1B8E;
	s24 =	sld [smem:$0x3FFE];
	[sflag:s23] =	ssyncadd.s32 $0xFFFFFFFF  }
0xa5: {  	s26 =	simm.s32 $execute0_lowered;
	[smem:$0x3FD2] =	sst s25  }
0xa6: {  	s5 =	sshll.u32 s26, $0x1;
	_ =	strace $0x80000046;
	[dreg:$0x1] =	wrdreg $0xFFFFFFFF  }
0xa7: {  	s28 =	simm.s32 $_size_execute0_lowered;
	s3 =	sadd.s32 s3, s5;
	[dreg:$0x0] =	wrdreg $0x0  }
0xa8: {  	s5 =	sshll.u32 s28, $0x1;
	[dreg:$0x2] =	wrdreg s3  }
0xa9: {  	[dreg:$0x3] =	wrdreg s5  }
0xaa: {  	[dreg:$0x4] =	wrdreg $0xC0  }
0xab: {  	_ =	task [dreg:s7], $0x5FFFF  }
0xac: {  	[dreg:$0x1] =	wrdreg $0xFFFFFFFF  }
0xad: {  	[dreg:$0x0] =	wrdreg $0x60  }
0xae: {  	[dreg:$0x2] =	wrdreg s2  }
0xaf: {  	[dreg:$0x3] =	wrdreg s24  }
0xb0: {  	[dreg:$0x4] =	wrdreg $0xA8200  }
0xb1: {  	[dreg:$0x5] =	wrdreg $0x1E0A00  }
0xb2: {  	[dreg:$0x6] =	wrdreg $0x9  }
0xb3: {  	_ =	task.clear_ibuf [dreg:s7], $0x7FFFF;
	_ =	strace $0x90000046  }
0xb4: {  	s29 =	simm.s32 $0x9;
	_ =	strace $0x80000048  }
0xb5: {  	_ =	swait.ge [sflag:s29], $0x1  }
0xb6: {  	[sflag:s29] =	ssyncadd.s32 $0xFFFFFFFF  }
0xb7: {  	_ =	strace $0x90000048  }
0xb8: {  	_ =	sfence  }
0xb9: {  	s30 =	sld [smem:$0x0];
	_ =	sdelay $0x2  }
0xba: {  	s31 =	sshll.u32 s1, $0xD;
	s1 =	sshrl.u32 s1, $0x2  }
0xbb: {  	s3 =	sand.u32 $0x4000, s31;
	s1 =	sadd.s32 s1, s30  }
0xbc: {  	s0 =	sor.u32 s3, s0;
	s1 =	sshll.u32 s1, $0x11  }
0xbd: {  	s0 =	sor.u32 s1, s0  }
0xbe: {  	s0 =	sadd.s32 $0x8F2B, s0  }
0xbf: {  	[sflag:s0] =	ssyncadd.remote.s32 $0x1  }
0xc0: {  	_ =	sfence.sel $0xFFFF  }
0xc1: {  	[dreg:$0x0] =	wrdreg $0xFFFFFFFF;
	(pc) =	sbr.abs _section_cstart, $3  }
0xc2: {  	[dreg:$0x1] =	wrdreg $0xFFFFFFFF  }
0xc3: {  	_ =	task.clear_ibuf [dreg:s7], $0x2FFFF;
	_ =	strace $0x9FFFFFFF  }
0xc4: {  	(tm) =	ssettm $0x7FFFFFFF  }
0xc5: {  	_ =	shalt  }
tec
execute0_lowered:
.L_overlay_start_1:
0x0: {  	(tag) =	ssettag $0x1  }
0x1: {  	s0 =	srdreg.scid  }
0x2: {  	s22 =	stileid.u32;
	s5 =	rddreg [dreg:$0x1];
	s28 =	simm.s32 $0x4  }
0x3: {  	s29 =	simm.s32 $0x5;
	s30 =	simm.s32 $0x0;
	s1 =	smul.u32 $0x271, s22  }
0x4: {  	s8 =	sand.u32 $0x1, s0;
	s24 =	sshll.u32 s22, $0x1;
	s16 =	smul.u32 $0x13880, s22  }
0x5: {  	s17 =	sadd.s32 $0x1EE00, s5;
	s25 =	ssub.s32 $0x2, s8;
	s18 =	smul.u32 $0x138800, s8  }
0x6: {  	s15 =	sor.u32 s8, s24;
	s20 =	smul.u32 $0x13880, s8;
	s2 =	sshrl.u32 s25, $0x1  }
0x7: {  	s6 =	sadd.s32 $0x50, s1;
	s11 =	sadd.s32 $0xA0, s1;
	s7 =	sadd.s32 $0x140, s1  }
0x8: {  	s3 =	sadd.s32 $0x190, s1;
	s4 =	sadd.s32 $0x1E0, s1;
	s0 =	ssub.s32 s25, s2  }
0x9: {  	s13 =	sshll.u32 s6, $0x7;
	s2 =	sadd.s32 $0xF0, s1;
	s14 =	sshll.u32 s11, $0x7  }
0xa: {  	s9 =	sshll.u32 s7, $0x7;
	s19 =	sadd.s32 s16, s18;
	s10 =	sshll.u32 s3, $0x7  }
0xb: {  	s1 =	sadd.s32 $0x230, s1;
	s12 =	sshll.u32 s2, $0x7;
	s19 =	sshrl.u32 s19, $0x3  }
0xc: {  	s26 =	sadd.s32 s18, s13;
	s21 =	sadd.s32 s18, s14;
	s19 =	sadd.s32 s17, s19  }
0xd: {  	s23 =	sshrl.u32 s21, $0x3;
	s24 =	sadd.s32 s18, s12;
	s21 =	sadd.s32 s18, s10  }
0xe: {  	[dreg:$0x5] =	wrdreg s19;
	s19 =	sshrl.u32 s26, $0x3;
	s26 =	sadd.s32 s18, s9  }
0xf: {  	s25 =	sshrl.u32 s24, $0x3;
	s8 =	sadd.s32 s17, s19;
	s19 =	sshrl.u32 s26, $0x3  }
0x10: {  	[dreg:$0x6] =	wrdreg s8;
	s8 =	sadd.s32 s17, s23;
	s23 =	sshrl.u32 s21, $0x3  }
0x11: {  	s21 =	sshll.u32 s1, $0x7;
	[dreg:$0x7] =	wrdreg s8;
	s8 =	sadd.s32 s17, s25  }
0x12: {  	[dreg:$0x8] =	wrdreg s8;
	s8 =	sadd.s32 s17, s19;
	s19 =	sshll.u32 s4, $0x7  }
0x13: {  	[dreg:$0x9] =	wrdreg s8;
	s8 =	sadd.s32 s17, s23;
	s24 =	sadd.s32 s18, s19  }
0x14: {  	s18 =	sadd.s32 s18, s21;
	s23 =	sshrl.u32 s20, $0x3;
	[dreg:$0xa] =	wrdreg s8  }
0x15: {  	s8 =	sshrl.u32 s24, $0x3;
	s24 =	smul.u32 $0x1388, s22;
	s18 =	sshrl.u32 s18, $0x3  }
0x16: {  	s22 =	sadd.s32 $0x19E00, s5;
	s8 =	sadd.s32 s17, s8;
	s17 =	sadd.s32 s17, s18  }
0x17: {  	s18 =	smul.u32 $0x2710, s15;
	[dreg:$0xb] =	wrdreg s8;
	s25 =	sadd.s32 s24, s20  }
0x18: {  	s8 =	simm.s32 $0x0;
	[dreg:$0xc] =	wrdreg s17;
	s26 =	sshrl.u32 s25, $0x3  }
0x19: {  	[smem:$0x7FF] =	sst s8;
	s25 =	sadd.s32 s22, s2;
	s15 =	sadd.s32 s22, s26  }
0x1a: {  	s17 =	sadd.s32 s22, s6;
	s26 =	sadd.s32 s23, s25;
	[dreg:$0xd] =	wrdreg s15  }
0x1b: {  	s20 =	sadd.s32 s22, s11;
	s15 =	sadd.s32 s23, s17;
	[dreg:$0x10] =	wrdreg s26  }
0x1c: {  	s17 =	sadd.s32 s22, s7;
	[dreg:$0xe] =	wrdreg s15;
	s15 =	sadd.s32 s23, s20  }
0x1d: {  	s0 =	smax.u32 s0, $0x1;
	[dreg:$0xf] =	wrdreg s15;
	s15 =	sadd.s32 s23, s17  }
0x1e: {  	s18 =	sshrl.u32 s18, $0x3;
	s20 =	sadd.s32 s22, s3;
	[dreg:$0x11] =	wrdreg s15  }
0x1f: {  	s2 =	sshll.u32 s2, $0x3;
	s17 =	sadd.s32 s23, s20;
	s15 =	rddreg [dreg:$0x0]  }
0x20: {  	s25 =	sadd.s32 s22, s4;
	s18 =	sadd.s32 s18, s5;
	[dreg:$0x12] =	wrdreg s17  }
0x21: {  	s26 =	sadd.s32 $0x1400, s18;
	s20 =	sadd.s32 s23, s25;
	s17 =	rddreg [dreg:$0x2]  }
0x22: {  	s18 =	sadd.s32 $0xB040, s18;
	s22 =	sadd.s32 s22, s1;
	[dreg:$0x13] =	wrdreg s20  }
0x23: {  	s1 =	sshll.u32 s1, $0x3;
	s22 =	sadd.s32 s23, s22;
	s20 =	rddreg [dreg:$0x3]  }
0x24: {  	s23 =	sadd.s32 $0x17600, s5;
	s25 =	sshll.u32 s11, $0x3;
	[dreg:$0x14] =	wrdreg s22  }
0x25: {  	s11 =	simm.s32 $0x1;
	_ =	strace $0x80000047;
	[dreg:$0x15] =	wrdreg s26  }
0x26: {  	s22 =	sadd.s32 $0x14E00, s5;
	[dreg:$0x16] =	wrdreg s18;
	s31 =	sadd.s32 s24, s20  }
0x27: {  	s24 =	sshll.u32 s6, $0x3;
	s26 =	sadd.s32 s14, s17;
	[smem:$0x7FB] =	sst s0  }
0x28: {  	s6 =	sadd.s32 s13, s17;
	s13 =	sadd.s32 s12, s17;
	[dreg:$0x18] =	wrdreg s26  }
0x29: {  	s18 =	sadd.s32 s16, s17;
	s2 =	sadd.s32 s2, s20;
	[dreg:$0x1a] =	wrdreg s13  }
0x2a: {  	s14 =	sshll.u32 s7, $0x3;
	s16 =	sadd.s32 s9, s17;
	[dreg:$0x1b] =	wrdreg s2  }
0x2b: {  	s1 =	sadd.s32 s1, s20;
	s12 =	simm.s32 $0x6;
	[dreg:$0x1c] =	wrdreg s16  }
0x2c: {  	s5 =	sadd.s32 s24, s20;
	s2 =	sadd.s32 s14, s20;
	[smem:$0x7FA] =	sst s1  }
0x2d: {  	s24 =	sshll.u32 s3, $0x3;
	s3 =	sadd.s32 s10, s17;
	[dreg:$0x17] =	wrdreg s5  }
0x2e: {  	s26 =	sadd.s32 s21, s17;
	s14 =	simm.s32 $0x5320;
	[dreg:$0x1d] =	wrdreg s2  }
0x2f: {  	s16 =	simm.s32 $0x55A0;
	s21 =	simm.s32 $0x50;
	[smem:$0x7F9] =	sst s26  }
0x30: {  	s13 =	simm.s32 $0x2;
	s2 =	sadd.s32 s24, s20;
	[dreg:$0x1e] =	wrdreg s3  }
0x31: {  	s5 =	sadd.s32 s25, s20;
	s25 =	sshll.u32 s4, $0x3;
	[dreg:$0x1f] =	wrdreg s2  }
0x32: {  	v2 =	vlaneseq.u32;
	s4 =	sadd.s32 s19, s17;
	s19 =	simm.s32 $0x5820;
	[dreg:$0x19] =	wrdreg s5  }
0x33: {  	v1 =	vshrl.u32 v2, $0x3;
	s24 =	simm.s32 $0x4E20;
	s2 =	sadd.s32 s25, s20;
	[smem:$0x7FC] =	sst s4  }
0x34: {  	v0 =	vimm.f32 $0.0e+00;
	v2 =	vand.u32 $0x7, v2;
	v1 =	vmul.u32 $0x8, v1;
	s26 =	simm.s32 $0x3;
	s25 =	simm.s32 $0x50A0;
	[smem:$0x7FD] =	sst s2  }
.LBB2_1:
0x35: {  	s0 =	rddreg [dreg:$0x15]  }
0x36: {  	[tilespmem:s8], [sflag:$0x6] =	stream.linear.gather [hbm4b:s0+s8], $0x2710, $0x38;
	[tilespmem:$0x1F428] =	vst v63  }
0x37: {  	_ =	swait.ge [sflag:s12], $0x2710  }
0x38: {  	[sflag:s12] =	ssyncset.done $0x0  }
0x39: {  	s1 =	simm.s32 $0x2710;
	s10 =	rddreg [dreg:$0x16];
	[sflag:s12] =	ssyncadd.s32 $0xFFFFD8F0  }
0x3a: {  	[tilespmem:s1], [sflag:$0x6] =	stream.linear.gather [hbm4b:s10+s8], $0x2710, $0x38;
	[tilespmem:$0x1F428] =	vst v63  }
0x3b: {  	_ =	swait.ge [sflag:s12], $0x2710  }
0x3c: {  	[sflag:s12] =	ssyncset.done $0x0  }
0x3d: {  	s0 =	simm.s32 $0x40;
	s1 =	simm.s32 $0x300;
	[sflag:s12] =	ssyncadd.s32 $0xFFFFD8F0  }
.LBB2_2:
0x3e: {  	p0 =	sne.s32 s1, $0x9F00;
	[tilespmem:s0+$0x8050] =	vst v0  }
0x3f: {  	[tilespmem:s0+$0x57E0] =	vst v0  }
0x40: {  	[tilespmem:s0+$0x57F0] =	vst v0  }
0x41: {  	[tilespmem:s0+$0x5800] =	vst v0  }
0x42: {  	[tilespmem:s0+$0x5810] =	vst v0  }
0x43: {  	[tilespmem:s0+$0x5820] =	vst v0  }
0x44: {  	[tilespmem:s0+$0x5830] =	vst v0  }
0x45: {  	[tilespmem:s0+$0x5840] =	vst v0  }
0x46: {  	[tilespmem:s0+$0x5850] =	vst v0  }
0x47: {  	[tilespmem:s0+$0x7FE0] =	vst v0  }
0x48: {  	[tilespmem:s0+$0x7FF0] =	vst v0  }
.Ltmp0:
0x49: {  	[tilespmem:s0+$0x8000] =	vst v0;
	(pc) =	sbr.rel @p0 .LBB2_2-.Ltmp0, $4  }
0x4a: {  	[tilespmem:s0+$0x8010] =	vst v0  }
0x4b: {  	[tilespmem:s0+$0x8020] =	vst v0  }
0x4c: {  	[tilespmem:s0+$0x8030] =	vst v0  }
0x4d: {  	[tilespmem:s0+$0x8040] =	vst v0;
	s0 =	sshra.s32 s1, $0x2;
	s1 =	sadd.s32 $0x200, s1  }
0x4e: {  	[tilespmem:s0+$0x8050] =	vst v0  }
0x4f: {  	[tilespmem:s0+$0x57E0] =	vst v0  }
0x50: {  	[tilespmem:s0+$0x57F0] =	vst v0  }
0x51: {  	[tilespmem:s0+$0x5800] =	vst v0  }
0x52: {  	[tilespmem:s0+$0x5810] =	vst v0  }
0x53: {  	[tilespmem:s0+$0x5820] =	vst v0  }
0x54: {  	[tilespmem:s0+$0x5830] =	vst v0  }
0x55: {  	[tilespmem:s0+$0x5840] =	vst v0  }
0x56: {  	[tilespmem:s0+$0x5850] =	vst v0  }
0x57: {  	[tilespmem:s0+$0x7FE0] =	vst v0  }
0x58: {  	[tilespmem:s0+$0x7FF0] =	vst v0  }
0x59: {  	[tilespmem:s0+$0x8000] =	vst v0;
	s1 =	simm.s32 $0x0  }
0x5a: {  	[tilespmem:s0+$0x8010] =	vst v0;
	v3 =	vmov s1  }
0x5b: {  	[tilespmem:s0+$0x8020] =	vst v0;
	v3 =	vshll.u32 v3, $0x3  }
0x5c: {  	[tilespmem:s0+$0x8030] =	vst v0;
	v3 =	vor.u32 v1, v3  }
0x5d: {  	[tilespmem:s0+$0x8040] =	vst v0;
	s0 =	simm.s32 $0x2;
	v3 =	vor.u32 v2, v3  }
.LBB2_4:
0x5e: {  	p0 =	sne.s32 s0, $0x4E  }
.Ltmp1:
0x5f: {  	_ = 	snop;
	(pc) =	sbr.rel @p0 .LBB2_4-.Ltmp1, $4  }
0x60: {  	v4 =	vmov s0  }
0x61: {  	v4 =	vshll.u32 v4, $0x3  }
0x62: {  	[tilespmem:v3+s14+$0x0] =	vst.idx.msk $0xffff, v0;
	v4 =	vor.u32 v1, v4  }
0x63: {  	s0 =	sadd.s32 $0x2, s0;
	[tilespmem:v3+s16+$0x0] =	vst.idx.msk $0xffff, v0;
	v3 =	vor.u32 v2, v4  }
0x64: {  	_ =	sdelay $0x3  }
0x65: {  	[tilespmem:v3+s14+$0x0] =	vst.idx.msk $0xffff, v0  }
0x66: {  	[tilespmem:v3+s16+$0x0] =	vst.idx.msk $0xffff, v0  }
0x67: {  	[spmem:s18] =	stream.linear.scatter [tilespmem:s19], [sflag:$0x6], $0x2800, $0x38;
	[tilespmem:$0x1F428] =	vst v63  }
0x68: {  	_ =	swait.ge [sflag:s12], $0x2800  }
0x69: {  	[sflag:s12] =	ssyncset.done $0x0  }
0x6a: {  	[sflag:s12] =	ssyncadd.s32 $0xFFFFD800  }
0x6b: {  	[spmem:s31] =	stream.linear.scatter [tilespmem:s14], [sflag:$0x6], $0x280, $0x38;
	[tilespmem:$0x1F428] =	vst v63  }
0x6c: {  	_ =	swait.ge [sflag:s12], $0x280  }
0x6d: {  	[sflag:s12] =	ssyncset.done $0x0  }
0x6e: {  	[sflag:s12] =	ssyncadd.s32 $0xFFFFFD80  }
0x6f: {  	[spmem:s6] =	stream.linear.scatter [tilespmem:s19], [sflag:$0x6], $0x2800, $0x38;
	[tilespmem:$0x1F428] =	vst v63  }
0x70: {  	_ =	swait.ge [sflag:s12], $0x2800  }
0x71: {  	[sflag:s12] =	ssyncset.done $0x0  }
0x72: {  	s0 =	rddreg [dreg:$0x17];
	[sflag:s12] =	ssyncadd.s32 $0xFFFFD800  }
0x73: {  	[spmem:s0] =	stream.linear.scatter [tilespmem:s14], [sflag:$0x6], $0x280, $0x38;
	[tilespmem:$0x1F428] =	vst v63  }
0x74: {  	_ =	swait.ge [sflag:s12], $0x280  }
0x75: {  	[sflag:s12] =	ssyncset.done $0x0  }
0x76: {  	s1 =	rddreg [dreg:$0x18];
	[sflag:s12] =	ssyncadd.s32 $0xFFFFFD80  }
0x77: {  	[spmem:s1] =	stream.linear.scatter [tilespmem:s19], [sflag:$0x6], $0x2800, $0x38;
	[tilespmem:$0x1F428] =	vst v63  }
0x78: {  	_ =	swait.ge [sflag:s12], $0x2800  }
0x79: {  	[sflag:s12] =	ssyncset.done $0x0  }
0x7a: {  	[sflag:s12] =	ssyncadd.s32 $0xFFFFD800  }
0x7b: {  	[spmem:s5] =	stream.linear.scatter [tilespmem:s14], [sflag:$0x6], $0x280, $0x38;
	[tilespmem:$0x1F428] =	vst v63  }
0x7c: {  	_ =	swait.ge [sflag:s12], $0x280  }
0x7d: {  	[sflag:s12] =	ssyncset.done $0x0  }
0x7e: {  	s10 =	smov.u32 s6;
	s6 =	rddreg [dreg:$0x1a];
	[sflag:s12] =	ssyncadd.s32 $0xFFFFFD80  }
0x7f: {  	[spmem:s6] =	stream.linear.scatter [tilespmem:s19], [sflag:$0x6], $0x2800, $0x38;
	[tilespmem:$0x1F428] =	vst v63  }
0x80: {  	_ =	swait.ge [sflag:s12], $0x2800  }
0x81: {  	[sflag:s12] =	ssyncset.done $0x0  }
0x82: {  	s7 =	smov.u32 s18;
	s18 =	rddreg [dreg:$0x1b];
	[sflag:s12] =	ssyncadd.s32 $0xFFFFD800  }
0x83: {  	[spmem:s18] =	stream.linear.scatter [tilespmem:s14], [sflag:$0x6], $0x280, $0x38;
	[tilespmem:$0x1F428] =	vst v63  }
0x84: {  	_ =	swait.ge [sflag:s12], $0x280  }
0x85: {  	[sflag:s12] =	ssyncset.done $0x0  }
0x86: {  	s9 =	smov.u32 s31;
	s31 =	rddreg [dreg:$0x1c];
	[sflag:s12] =	ssyncadd.s32 $0xFFFFFD80  }
0x87: {  	[spmem:s31] =	stream.linear.scatter [tilespmem:s19], [sflag:$0x6], $0x2800, $0x38;
	[tilespmem:$0x1F428] =	vst v63  }
0x88: {  	_ =	swait.ge [sflag:s12], $0x2800  }
0x89: {  	[sflag:s12] =	ssyncset.done $0x0  }
0x8a: {  	s1 =	rddreg [dreg:$0x1d];
	[sflag:s12] =	ssyncadd.s32 $0xFFFFD800  }
0x8b: {  	[spmem:s1] =	stream.linear.scatter [tilespmem:s14], [sflag:$0x6], $0x280, $0x38;
	[tilespmem:$0x1F428] =	vst v63  }
0x8c: {  	_ =	swait.ge [sflag:s12], $0x280  }
0x8d: {  	[sflag:s12] =	ssyncset.done $0x0  }
0x8e: {  	[sflag:s12] =	ssyncadd.s32 $0xFFFFFD80  }
0x8f: {  	[spmem:s3] =	stream.linear.scatter [tilespmem:s19], [sflag:$0x6], $0x2800, $0x38;
	[tilespmem:$0x1F428] =	vst v63  }
0x90: {  	_ =	swait.ge [sflag:s12], $0x2800  }
0x91: {  	[sflag:s12] =	ssyncset.done $0x0  }
0x92: {  	s3 =	rddreg [dreg:$0x1f];
	[sflag:s12] =	ssyncadd.s32 $0xFFFFD800  }
0x93: {  	[spmem:s3] =	stream.linear.scatter [tilespmem:s14], [sflag:$0x6], $0x280, $0x38;
	[tilespmem:$0x1F428] =	vst v63  }
0x94: {  	_ =	swait.ge [sflag:s12], $0x280  }
0x95: {  	[sflag:s12] =	ssyncset.done $0x0  }
0x96: {  	[sflag:s12] =	ssyncadd.s32 $0xFFFFFD80  }
0x97: {  	[spmem:s4] =	stream.linear.scatter [tilespmem:s19], [sflag:$0x6], $0x2800, $0x38;
	[tilespmem:$0x1F428] =	vst v63  }
0x98: {  	_ =	swait.ge [sflag:s12], $0x2800  }
0x99: {  	[sflag:s12] =	ssyncset.done $0x0  }
0x9a: {  	[sflag:s12] =	ssyncadd.s32 $0xFFFFD800  }
0x9b: {  	[spmem:s2] =	stream.linear.scatter [tilespmem:s14], [sflag:$0x6], $0x280, $0x38;
	[tilespmem:$0x1F428] =	vst v63  }
0x9c: {  	_ =	swait.ge [sflag:s12], $0x280  }
0x9d: {  	s5 =	sld [smem:$0x7F9]  }
0x9e: {  	[sflag:s12] =	ssyncset.done $0x0  }
0x9f: {  	[sflag:s12] =	ssyncadd.s32 $0xFFFFFD80  }
0xa0: {  	[spmem:s5] =	stream.linear.scatter [tilespmem:s19], [sflag:$0x6], $0x2080, $0x38;
	[tilespmem:$0x1F428] =	vst v63  }
0xa1: {  	_ =	swait.ge [sflag:s12], $0x2080  }
0xa2: {  	s6 =	sld [smem:$0x7FA]  }
0xa3: {  	[sflag:s12] =	ssyncset.done $0x0  }
0xa4: {  	[sflag:s12] =	ssyncadd.s32 $0xFFFFDF80  }
0xa5: {  	[spmem:s6] =	stream.linear.scatter [tilespmem:s14], [sflag:$0x6], $0x208, $0x38;
	[tilespmem:$0x1F428] =	vst v63  }
0xa6: {  	_ =	swait.ge [sflag:s12], $0x208  }
0xa7: {  	[sflag:s12] =	ssyncset.done $0x0  }
0xa8: {  	[sflag:s12] =	ssyncadd.s32 $0xFFFFFDF8  }
0xa9: {  	s18 =	simm.s32 $0x8020;
	s2 =	simm.s32 $0x0;
	[bflag:$0x0] =	sbarrier.arrive $0xFFFF  }
0xaa: {  	[spmem:s17] =	stream.indirect.scatter.add.f32 [tilespmem:s18], [sflag:$0x4], $0x80, s2, s21, $0xb8;
	[tilespmem:$0x1F428] =	vst v63  }
0xab: {  	_ = 	snop  }
0xac: {  	[spmem:s20] =	stream.indirect.scatter.add.f32 [tilespmem:s16], [sflag:$0x5], $0x8, s2, s21, $0xb8;
	[tilespmem:$0x1F428] =	vst v63  }
0xad: {  	s31 =	simm.s32 $0x2710  }
0xae: {  	[tilespmem:s19], [sflag:$0x1] =	stream.indirect.gather [hbm4b:s15+s21], $0x80, s31, s21, $0xb8;
	[tilespmem:$0x1F428] =	vst v63  }
0xaf: {  	_ = 	snop  }
0xb0: {  	[tilespmem:s24], [sflag:$0x2] =	stream.indirect.gather [hbm4b:s22+s21], $0x8, s2, s21, $0xb8;
	[tilespmem:$0x1F428] =	vst v63  }
0xb1: {  	p0 =	por $0x0, $0x0  }
0xb2: {  	[tilespmem:s25], [sflag:$0x3] =	stream.indirect.gather [hbm4b:s23+s21], $0x8, s31, s21, $0xb8;
	[tilespmem:$0x1F428] =	vst v63  }
.LBB2_6:
0xb3: {  	s0 =	simm.s32 $0x4  }
0xb4: {  	v3 =	vmov s0  }
0xb5: {  	v3 =	vshll.u32 v3, $0x3  }
0xb6: {  	_ =	swait.ge [sflag:s13], $0x280;
	v3 =	vor.u32 v1, v3  }
0xb7: {  	s3 =	simm.s32 $0x0;
	[sflag:s13] =	ssyncset.done $0x0;
	v13 =	vor.u32 v2, v3  }
0xb8: {  	s4 =	simm.s32 $0x2;
	v4 =	vmov s3;
	[sflag:s13] =	ssyncadd.s32 $0xFFFFFD80  }
0xb9: {  	_ =	swait.ge [sflag:s26], $0x280;
	v3 =	vshll.u32 v4, $0x3;
	v4 =	vmov s4  }
0xba: {  	s5 =	simm.s32 $0x6;
	[sflag:s26] =	ssyncset.done $0x0;
	v3 =	vor.u32 v1, v3;
	v4 =	vshll.u32 v4, $0x3  }
0xbb: {  	[sflag:s26] =	ssyncadd.s32 $0xFFFFFD80;
	v6 =	vor.u32 v2, v3;
	v3 =	vmov s5;
	v4 =	vor.u32 v1, v4  }
0xbc: {  	v5 =	vshll.u32 v3, $0x3;
	v3 =	vor.u32 v2, v4;
	v4 =	vld.idx.msk [tilespmem:v13+s24+$0x0], $0xffff  }
0xbd: {  	v8 =	vld.idx.msk [tilespmem:v13+s25+$0x0], $0xffff  }
0xbe: {  	v5 =	vor.u32 v1, v5  }
0xbf: {  	v7 =	vor.u32 v2, v5  }
0xc0: {  	s6 =	simm.s32 $0xC;
	v5 =	vld.idx.msk [tilespmem:v6+s24+$0x0], $0xffff  }
0xc1: {  	s1 =	simm.s32 $0x8;
	v9 =	vmov s6;
	v10 =	vld.idx.msk [tilespmem:v6+s25+$0x0], $0xffff  }
0xc2: {  	s18 =	simm.s32 $0xE;
	v14 =	vmov s1;
	v11 =	vld.idx.msk [tilespmem:v3+s24+$0x0], $0xffff;
	v4 =	vadd.f32 v8, v4;
	v8 =	vshll.u32 v9, $0x3  }
0xc3: {  	s3 =	simm.s32 $0xA;
	v15 =	vmov s18;
	s6 =	simm.s32 $0x12;
	v14 =	vshll.u32 v14, $0x3;
	v12 =	vld.idx.msk [tilespmem:v3+s25+$0x0], $0xffff;
	v8 =	vor.u32 v1, v8  }
0xc4: {  	v17 =	vmov s3;
	v22 =	vmov s6;
	v16 =	vld.idx.msk [tilespmem:v7+s24+$0x0], $0xffff;
	v9 =	vor.u32 v2, v8  }
0xc5: {  	v15 =	vshll.u32 v15, $0x3;
	v14 =	vor.u32 v1, v14;
	v22 =	vshll.u32 v22, $0x3;
	v18 =	vld.idx.msk [tilespmem:v7+s25+$0x0], $0xffff  }
0xc6: {  	v15 =	vor.u32 v1, v15;
	v22 =	vor.u32 v1, v22;
	v19 =	vmul.f32 $2.000000030e-01, v4  }
0xc7: {  	v8 =	vshll.u32 v17, $0x3;
	vm0 =	vgt.f32 v4, $0.0e+00;
	v10 =	vadd.f32 v10, v5  }
0xc8: {  	v5 =	vor.u32 v2, v15;
	v17 =	vor.u32 v1, v8;
	v8 =	vor.u32 v2, v14  }
0xc9: {  	v11 =	vadd.f32 v12, v11;
	v4 =	vsel vm0, v4, v19;
	v15 =	vmul.f32 $2.000000030e-01, v10;
	v12 =	vld.idx.msk [tilespmem:v9+s24+$0x0], $0xffff  }
0xca: {  	v19 =	vsub.f32 $0.0e+00, v4;
	v4 =	vor.u32 v2, v17;
	v14 =	vadd.f32 v18, v16;
	v17 =	vld.idx.msk [tilespmem:v9+s25+$0x0], $0xffff  }
0xcb: {  	vm10 =	vgt.f32 v10, $0.0e+00;
	v18 =	vmul.f32 $2.000000030e-01, v11;
	vm1 =	vgt.f32 v11, $0.0e+00  }
0xcc: {  	v10 =	vsel vm10, v10, v15;
	v16 =	vmul.f32 $1.442695020e+00, v19;
	v19 =	vmul.f32 $2.000000030e-01, v14  }
0xcd: {  	vm11 =	vgt.f32 v14, $0.0e+00;
	v10 =	vsub.f32 $0.0e+00, v10;
	v11 =	vsel vm1, v11, v18;
	v15 =	vld.idx.msk [tilespmem:v8+s24+$0x0], $0xffff  }
0xce: {  	s5 =	simm.s32 $0x10;
	v18 =	vld.idx.msk [tilespmem:v8+s25+$0x0], $0xffff;
	(erf) = vpow2.f32 v16;
	v14 =	vsel vm11, v14, v19;
	v16 =	vsub.f32 $0.0e+00, v11  }
0xcf: {  	s3 =	simm.s32 $0x14;
	s4 =	simm.s32 $0x16;
	v23 =	vld.idx.msk [tilespmem:v5+s24+$0x0], $0xffff;
	v20 =	vmul.f32 $1.442695020e+00, v10;
	v10 =	vmov s5;
	v12 =	vadd.f32 v17, v12  }
0xd0: {  	v25 =	vld.idx.msk [tilespmem:v5+s25+$0x0], $0xffff;
	v11 =	vmov s3;
	v19 =	vsub.f32 $0.0e+00, v14;
	v14 =	vmov s4  }
0xd1: {  	v21 =	vld.idx.msk [tilespmem:v4+s24+$0x0], $0xffff;
	v10 =	vshll.u32 v10, $0x3;
	v11 =	vshll.u32 v11, $0x3;
	v24 =	vmul.f32 $2.000000030e-01, v12  }
0xd2: {  	v11 =	vor.u32 v1, v11;
	v14 =	vshll.u32 v14, $0x3;
	v17 =	vld.idx.msk [tilespmem:v4+s25+$0x0], $0xffff;
	vm12 =	vgt.f32 v12, $0.0e+00  }
0xd3: {  	v11 =	vor.u32 v2, v11;
	v18 =	vadd.f32 v18, v15;
	v12 =	vsel vm12, v12, v24  }
0xd4: {  	v10 =	vor.u32 v1, v10;
	v60 =	vor.u32 v1, v14;
	v26 =	vsub.f32 $0.0e+00, v12  }
0xd5: {  	s1 =	sand.u32 $0x1, s2;
	v14 =	vor.u32 v2, v22;
	v61 =	vmul.f32 $1.442695020e+00, v19;
	v19 =	vmul.f32 $2.000000030e-01, v18  }
0xd6: {  	s18 =	smul.u32 $0xA00, s1;
	v10 =	vor.u32 v2, v10;
	v23 =	vadd.f32 v25, v23;
	v15 =	vmul.f32 $1.442695020e+00, v26  }
0xd7: {  	s0 =	simm.s32 $0x1;
	v16 =	vmul.f32 $1.442695020e+00, v16;
	(erf) = vpow2.f32 v20;
	v21 =	vadd.f32 v17, v21  }
0xd8: {  	s0 =	simm.s32 @!p0 $0x0;
	s3 =	sshrl.u32 s18, $0x2;
	v63 =	vmul.f32 $2.000000030e-01, v23;
	vm13 =	vgt.f32 v18, $0.0e+00;
	v17 =	vld.idx.msk [tilespmem:v11+s24+$0x0], $0xffff;
	(erf) = vpow2.f32 v15  }
0xd9: {  	s0 =	smul.u32 $0xA000, s0;
	s18 =	sadd.s32 $0x5320, s3;
	vm15 =	vgt.f32 v23, $0.0e+00;
	v20 =	vld.idx.msk [tilespmem:v11+s25+$0x0], $0xffff;
	v18 =	vsel vm13, v18, v19;
	v62 =	vmul.f32 $2.000000030e-01, v21;
	v19 =	vpop (erf)  }
0xda: {  	v23 =	vsel vm15, v23, v63;
	vm14 =	vgt.f32 v21, $0.0e+00;
	[tilespmem:v13+s18+$0x0] =	vst.idx.msk $0xffff, v19;
	v19 =	vld.idx.msk [tilespmem:v14+s24+$0x0], $0xffff;
	(erf) = vpow2.f32 v16  }
0xdb: {  	s0 =	sshrl.u32 s0, $0x2;
	v12 =	vor.u32 v2, v60;
	v22 =	vsub.f32 $0.0e+00, v18;
	v15 =	vld.idx.msk [tilespmem:v10+s24+$0x0], $0xffff;
	v18 =	vsel vm14, v21, v62  }
0xdc: {  	s31 =	simm.s32 $0x1E;
	s0 =	sadd.s32 $0x58A0, s0;
	s3 =	simm.s32 $0x8;
	v13 =	vmovc v14;
	v16 =	vld.idx.msk [tilespmem:v10+s25+$0x0], $0xffff;
	v21 =	vsub.f32 $0.0e+00, v18;
	v18 =	vsub.f32 $0.0e+00, v23;
	(erf) = vpow2.f32 v61  }
.LBB2_7:
0xdd: {  	s4 =	sadd.s32 $0xFFFFFFFA, s31;
	s5 =	sadd.s32 $0xFFFFFFFC, s31;
	s6 =	sadd.s32 $0xFFFFFFFE, s31;
	v23 =	vmov s31;
	v24 =	vld.idx.msk [tilespmem:v14+s25+$0x0], $0xffff;
	v22 =	vmul.f32 $1.442695020e+00, v22;
	v25 =	vmov v12  }
0xde: {  	s3 =	sadd.s32 $0x4, s3;
	v17 =	vadd.f32 v20, v17;
	v14 =	vmov s4;
	v26 =	vmov s6;
	v20 =	vld.idx.msk [tilespmem:v12+s24+$0x0], $0xffff  }
0xdf: {  	v27 =	vmov s5;
	p1 =	slt.u32 s3, $0x24;
	v14 =	vshll.u32 v14, $0x3;
	v26 =	vshll.u32 v26, $0x3;
	v28 =	vld.idx.msk [tilespmem:v12+s25+$0x0], $0xffff  }
0xe0: {  	v12 =	vshll.u32 v27, $0x3;
	v27 =	vmul.f32 $2.000000030e-01, v17;
	v26 =	vor.u32 v1, v26;
	v29 =	vpop (erf)  }
0xe1: {  	v31 =	vshll.u32 v23, $0x3;
	vm0 =	vgt.f32 v17, $0.0e+00;
	v26 =	vor.u32 v2, v26;
	v30 =	vpop (erf);
	[tilespmem:v6+s18+$0x0] =	vst.idx.msk $0xffff, v29  }
0xe2: {  	v21 =	vmul.f32 $1.442695020e+00, v21;
	v6 =	vor.u32 v1, v14;
	v14 =	vsel vm0, v17, v27;
	[tilespmem:v9+s18+$0x0] =	vst.idx.msk $0xffff, v30  }
0xe3: {  	v29 =	vor.u32 v1, v12;
	v12 =	vor.u32 v1, v31;
	v17 =	vsub.f32 $0.0e+00, v14;
	v23 =	vpop (erf)  }
0xe4: {  	v27 =	vor.u32 v2, v6;
	v14 =	vor.u32 v2, v29;
	v12 =	vor.u32 v2, v12;
	v9 =	vmovc v11  }
0xe5: {  	v16 =	vadd.f32 v16, v15;
	v19 =	vadd.f32 v24, v19;
	v15 =	vmul.f32 $1.442695020e+00, v17;
	[tilespmem:v3+s18+$0x0] =	vst.idx.msk $0xffff, v23;
	v3 =	vpop (erf)  }
0xe6: {  	v24 =	vmul.f32 $1.442695020e+00, v18;
	v23 =	vadd.f32 v28, v20;
	v17 =	vld.idx.msk [tilespmem:v26+s24+$0x0], $0xffff;
	(erf) = vpow2.f32 v22;
	[tilespmem:v7+s18+$0x0] =	vst.idx.msk $0xffff, v3  }
.Ltmp2:
0xe7: {  	vm0 =	vgt.f32 v16, $0.0e+00;
	v11 =	vmovc v26;
	v6 =	vmovc v8;
	v28 =	vmul.f32 $2.000000030e-01, v16;
	v20 =	vld.idx.msk [tilespmem:v26+s25+$0x0], $0xffff;
	(erf) = vpow2.f32 v15;
	(pc) =	sbr.rel @p1 .LBB2_7-.Ltmp2, $4  }
0xe8: {  	vm1 =	vgt.f32 v19, $0.0e+00;
	v29 =	vmul.f32 $2.000000030e-01, v19;
	v8 =	vmovc v10;
	v10 =	vmovc v27;
	v18 =	vmul.f32 $2.000000030e-01, v23  }
0xe9: {  	v3 =	vmovc v4;
	v4 =	vmovc v13;
	v22 =	vsel vm0, v16, v28;
	vm0 =	vgt.f32 v23, $0.0e+00;
	v15 =	vld.idx.msk [tilespmem:v27+s24+$0x0], $0xffff;
	(erf) = vpow2.f32 v21  }
0xea: {  	v13 =	vmovc v14;
	v26 =	vsel vm1, v19, v29;
	v22 =	vsub.f32 $0.0e+00, v22;
	v18 =	vsel vm0, v23, v18;
	v16 =	vld.idx.msk [tilespmem:v27+s25+$0x0], $0xffff  }
0xeb: {  	s31 =	sadd.s32 $0x8, s31;
	v7 =	vmovc v5;
	v5 =	vmovc v25;
	v21 =	vsub.f32 $0.0e+00, v26;
	v18 =	vsub.f32 $0.0e+00, v18;
	v19 =	vld.idx.msk [tilespmem:v14+s24+$0x0], $0xffff;
	(erf) = vpow2.f32 v24  }
0xec: {  	_ =	sdelay $0x3  }
0xed: {  	v14 =	vld.idx.msk [tilespmem:v14+s25+$0x0], $0xffff  }
0xee: {  	v17 =	vadd.f32 v20, v17;
	v51 =	vld.idx.msk [tilespmem:v12+s24+$0x0], $0xffff  }
0xef: {  	v24 =	vld.idx.msk [tilespmem:v12+s25+$0x0], $0xffff  }
0xf0: {  	v23 =	vmul.f32 $2.000000030e-01, v17  }
0xf1: {  	v22 =	vmul.f32 $1.442695020e+00, v22;
	vm0 =	vgt.f32 v17, $0.0e+00  }
0xf2: {  	v52 =	vmul.f32 $1.442695020e+00, v21;
	v15 =	vadd.f32 v16, v15;
	v17 =	vsel vm0, v17, v23  }
0xf3: {  	v18 =	vmul.f32 $1.442695020e+00, v18;
	v17 =	vsub.f32 $0.0e+00, v17;
	v14 =	vadd.f32 v14, v19  }
0xf4: {  	(erf) = vpow2.f32 v22;
	v53 =	vadd.f32 v24, v51;
	v54 =	vmul.f32 $2.000000030e-01, v15  }
0xf5: {  	vm14 =	vgt.f32 v15, $0.0e+00;
	v17 =	vmul.f32 $1.442695020e+00, v17;
	v55 =	vmul.f32 $2.000000030e-01, v14  }
0xf6: {  	vm1 =	vgt.f32 v14, $0.0e+00;
	v56 =	vmul.f32 $2.000000030e-01, v53;
	v15 =	vsel vm14, v15, v54  }
0xf7: {  	vm15 =	vgt.f32 v53, $0.0e+00;
	v15 =	vsub.f32 $0.0e+00, v15;
	v14 =	vsel vm1, v14, v55  }
0xf8: {  	(erf) = vpow2.f32 v17;
	v57 =	vsel vm15, v53, v56;
	v14 =	vsub.f32 $0.0e+00, v14  }
0xf9: {  	(erf) = vpow2.f32 v52;
	v58 =	vsub.f32 $0.0e+00, v57;
	v15 =	vmul.f32 $1.442695020e+00, v15  }
0xfa: {  	(erf) = vpow2.f32 v18;
	v14 =	vmul.f32 $1.442695020e+00, v14  }
0xfb: {  	v16 =	vmul.f32 $1.442695020e+00, v58;
	(erf) = vpow2.f32 v15  }
0xfc: {  	v59 =	vpop (erf);
	(erf) = vpow2.f32 v14  }
0xfd: {  	v60 =	vpop (erf);
	[tilespmem:v6+s18+$0x0] =	vst.idx.msk $0xffff, v59;
	(erf) = vpow2.f32 v16  }
0xfe: {  	[tilespmem:v9+s18+$0x0] =	vst.idx.msk $0xffff, v60;
	v6 =	vpop (erf)  }
0xff: {  	[tilespmem:v3+s18+$0x0] =	vst.idx.msk $0xffff, v6;
	v9 =	vpop (erf)  }
0x100: {  	[tilespmem:v7+s18+$0x0] =	vst.idx.msk $0xffff, v9;
	v3 =	vpop (erf)  }
0x101: {  	[tilespmem:v8+s18+$0x0] =	vst.idx.msk $0xffff, v3;
	v6 =	vpop (erf)  }
0x102: {  	v3 =	vpop (erf);
	[tilespmem:v11+s18+$0x0] =	vst.idx.msk $0xffff, v6  }
0x103: {  	[tilespmem:v4+s18+$0x0] =	vst.idx.msk $0xffff, v3;
	v3 =	vpop (erf)  }
0x104: {  	s31 =	sadd.s32 $0x1, s2;
	[tilespmem:v5+s18+$0x0] =	vst.idx.msk $0xffff, v3;
	v3 =	vpop (erf)  }
0x105: {  	s3 =	smin.u32 s31, $0x7C;
	[tilespmem:v10+s18+$0x0] =	vst.idx.msk $0xffff, v3;
	v3 =	vpop (erf)  }
0x106: {  	s3 =	smul.u32 $0x50, s3;
	[tilespmem:v13+s18+$0x0] =	vst.idx.msk $0xffff, v3;
	v3 =	vpop (erf)  }
0x107: {  	[tilespmem:v12+s18+$0x0] =	vst.idx.msk $0xffff, v3  }
0x108: {  	[tilespmem:s24], [sflag:$0x2] =	stream.indirect.gather [hbm4b:s22+s21], $0x8, s3, s21, $0xb8;
	[tilespmem:$0x1F428] =	vst v63  }
0x109: {  	s3 =	sadd.s32 $0x2710, s3  }
0x10a: {  	[tilespmem:s25], [sflag:$0x3] =	stream.indirect.gather [hbm4b:s23+s21], $0x8, s3, s21, $0xb8;
	[tilespmem:$0x1F428] =	vst v63  }
0x10b: {  	_ =	swait.ge [sflag:s11], $0x2800  }
0x10c: {  	[sflag:s11] =	ssyncset.done $0x0  }
0x10d: {  	[sflag:s11] =	ssyncadd.s32 $0xFFFFD800  }
0x10e: {  	_ =	swait.ge [sflag:s28], $0x2800  }
0x10f: {  	s4 =	sxor.u32 $0x1, s1;
	s5 =	simm.s32 $0x0;
	[sflag:s28] =	ssyncset.done $0x0  }
0x110: {  	s6 =	simm.s32 $0x8;
	s4 =	smul.u32 $0xA000, s4;
	v3 =	vor.u32 s5, v2;
	[sflag:s28] =	ssyncadd.s32 $0xFFFFD800  }
0x111: {  	v5 =	vor.u32 s6, v2;
	_ =	swait.ge [sflag:s29], $0x280  }
0x112: {  	s4 =	sshrl.u32 s4, $0x2;
	[sflag:s29] =	ssyncset.done $0x0  }
0x113: {  	s4 =	sadd.s32 $0x5820, s4;
	[sflag:s29] =	ssyncadd.s32 $0xFFFFFD80  }
0x114: {  	[tilespmem:s4], [sflag:$0x1] =	stream.indirect.gather [hbm4b:s15+s21], $0x80, s3, s21, $0xb8;
	[tilespmem:$0x1F428] =	vst v63  }
0x115: {  	v4 =	vld.idx.msk [tilespmem:v3+s18+$0x0], $0xffff  }
0x116: {  	v3 =	vld.idx.msk [tilespmem:v5+s18+$0x0], $0xffff  }
0x117: {  	v6 =	vld [tilespmem:s0+$0xFFFFFF80]  }
0x118: {  	v5 =	vld [tilespmem:s0+$0x70]  }
0x119: {  	v7 =	vld [tilespmem:s0+$0xFFFFFF90]  }
0x11a: {  	v8 =	vld [tilespmem:s0+$0xFFFFFFA0]  }
0x11b: {  	v9 =	vld [tilespmem:s0+$0xFFFFFFB0]  }
0x11c: {  	v11 =	vld [tilespmem:s0+$0xFFFFFFC0];
	v10 =	vmul.f32 v6, v4  }
0x11d: {  	s6 =	smul.u32 $0xA000, s1;
	v6 =	vld [tilespmem:s0+$0xFFFFFFD0];
	v61 =	vmul.f32 v5, v3  }
0x11e: {  	v5 =	vld [tilespmem:s0+$0xFFFFFFE0];
	v62 =	vmul.f32 v7, v4;
	[tilespmem:s0+$0xFFFFFF80] =	vst v10  }
0x11f: {  	s1 =	sshrl.u32 s6, $0x2;
	v63 =	vmul.f32 v8, v4;
	v7 =	vld [tilespmem:s0+$0xFFFFFFF0];
	[tilespmem:s0+$0x70] =	vst v61  }
0x120: {  	s1 =	sadd.s32 $0x5820, s1;
	v8 =	vld [tilespmem:s0+$0x0];
	[tilespmem:s0+$0xFFFFFF90] =	vst v62;
	v10 =	vmul.f32 v9, v4  }
0x121: {  	s5 =	simm.s32 $0x10;
	s4 =	simm.s32 $0x4;
	s3 =	smov.u32 s0;
	v11 =	vmul.f32 v11, v4;
	[tilespmem:s0+$0xFFFFFFA0] =	vst v63;
	v9 =	vld [tilespmem:s0+$0x10]  }
.LBB2_9:
0x122: {  	p1 =	slt.u32 s4, $0x4E;
	v12 =	vor.u32 s5, v2;
	s5 =	sadd.s32 $0x8, s5;
	[tilespmem:s0+$0xFFFFFFB0] =	vst v10;
	v6 =	vmul.f32 v6, v4;
	v10 =	vld [tilespmem:s0+$0x20]  }
0x123: {  	v13 =	vor.u32 s5, v2;
	[tilespmem:s0+$0xFFFFFFC0] =	vst v11;
	v5 =	vmul.f32 v5, v4;
	v11 =	vld [tilespmem:s0+$0x30]  }
0x124: {  	[tilespmem:s0+$0xFFFFFFD0] =	vst v6;
	v4 =	vmul.f32 v7, v4;
	v6 =	vld [tilespmem:s0+$0x40]  }
0x125: {  	[tilespmem:s0+$0xFFFFFFE0] =	vst v5;
	v5 =	vmul.f32 v8, v3;
	v7 =	vld [tilespmem:s0+$0x50]  }
0x126: {  	[tilespmem:s0+$0xFFFFFFF0] =	vst v4;
	v8 =	vmul.f32 v9, v3;
	v9 =	vld [tilespmem:s0+$0x60]  }
0x127: {  	v4 =	vld.idx.msk [tilespmem:v12+s18+$0x0], $0xffff;
	[tilespmem:s0+$0x0] =	vst v5;
	v5 =	vmul.f32 v10, v3  }
0x128: {  	s0 =	sadd.s32 $0x100, s0;
	v10 =	vld.idx.msk [tilespmem:v13+s18+$0x0], $0xffff;
	[tilespmem:s3+$0x10] =	vst v8;
	v8 =	vmul.f32 v11, v3  }
0x129: {  	v11 =	vld [tilespmem:s0+$0x70];
	[tilespmem:s3+$0x20] =	vst v5;
	v5 =	vmul.f32 v6, v3  }
0x12a: {  	v6 =	vld [tilespmem:s0+$0xFFFFFF80];
	[tilespmem:s3+$0x30] =	vst v8;
	v7 =	vmul.f32 v7, v3  }
0x12b: {  	v8 =	vld [tilespmem:s0+$0xFFFFFF90];
	[tilespmem:s3+$0x40] =	vst v5;
	v5 =	vmul.f32 v9, v3  }
0x12c: {  	v9 =	vld [tilespmem:s0+$0xFFFFFFA0];
	[tilespmem:s3+$0x50] =	vst v7  }
0x12d: {  	v12 =	vld [tilespmem:s0+$0xFFFFFFB0];
	[tilespmem:s3+$0x60] =	vst v5;
	s3 =	smov.u32 s0  }
0x12e: {  	v3 =	vmov v10;
	v13 =	vld [tilespmem:s0+$0xFFFFFFC0];
	v7 =	vmul.f32 v11, v10  }
.Ltmp3:
0x12f: {  	v10 =	vmul.f32 v6, v4;
	v6 =	vld [tilespmem:s0+$0xFFFFFFD0];
	(pc) =	sbr.rel @p1 .LBB2_9-.Ltmp3, $4  }
0x130: {  	v8 =	vmul.f32 v8, v4;
	v5 =	vld [tilespmem:s0+$0xFFFFFFE0];
	[tilespmem:s0+$0x70] =	vst v7  }
0x131: {  	[tilespmem:s0+$0xFFFFFF80] =	vst v10;
	v9 =	vmul.f32 v9, v4;
	v7 =	vld [tilespmem:s0+$0xFFFFFFF0]  }
0x132: {  	[tilespmem:s0+$0xFFFFFF90] =	vst v8;
	v10 =	vmul.f32 v12, v4;
	v8 =	vld [tilespmem:s0+$0x0]  }
0x133: {  	s5 =	sshll.u32 s4, $0x3;
	s4 =	sadd.s32 $0x2, s4;
	[tilespmem:s0+$0xFFFFFFA0] =	vst v9;
	v11 =	vmul.f32 v13, v4;
	v9 =	vld [tilespmem:s0+$0x10]  }
0x134: {  	v13 =	vld [tilespmem:s0+$0x20]  }
0x135: {  	v15 =	vld [tilespmem:s0+$0x30]  }
0x136: {  	v12 =	vor.u32 s5, v2;
	[tilespmem:s0+$0xFFFFFFB0] =	vst v10;
	v6 =	vmul.f32 v6, v4;
	v31 =	vld [tilespmem:s0+$0x40]  }
0x137: {  	v32 =	vld [tilespmem:s0+$0x50];
	[tilespmem:s0+$0xFFFFFFC0] =	vst v11;
	v5 =	vmul.f32 v5, v4  }
0x138: {  	s4 =	sadd.s32 $0x8, s5;
	v34 =	vld [tilespmem:s0+$0x60];
	s5 =	sadd.s32 $0x100, s0;
	[tilespmem:s0+$0xFFFFFFD0] =	vst v6;
	v33 =	vmul.f32 v7, v4  }
0x139: {  	v40 =	vld [tilespmem:s5+$0x70];
	[tilespmem:s0+$0xFFFFFFE0] =	vst v5;
	v35 =	vmul.f32 v8, v3  }
0x13a: {  	v42 =	vld [tilespmem:s5+$0xFFFFFF80];
	[tilespmem:s0+$0xFFFFFFF0] =	vst v33;
	v37 =	vmul.f32 v9, v3  }
0x13b: {  	v36 =	vld.idx.msk [tilespmem:v12+s18+$0x0], $0xffff;
	[tilespmem:s0+$0x0] =	vst v35;
	v39 =	vmul.f32 v13, v3  }
0x13c: {  	v44 =	vld [tilespmem:s5+$0xFFFFFF90];
	v41 =	vmul.f32 v15, v3;
	[tilespmem:s3+$0x10] =	vst v37  }
0x13d: {  	v47 =	vld [tilespmem:s5+$0xFFFFFFB0];
	v43 =	vmul.f32 v31, v3;
	[tilespmem:s3+$0x20] =	vst v39  }
0x13e: {  	v14 =	vor.u32 s4, v2;
	v46 =	vld [tilespmem:s5+$0xFFFFFFA0];
	v45 =	vmul.f32 v32, v3;
	v3 =	vmul.f32 v34, v3;
	[tilespmem:s3+$0x30] =	vst v41  }
0x13f: {  	v50 =	vld [tilespmem:s5+$0xFFFFFFD0];
	[tilespmem:s3+$0x40] =	vst v43  }
0x140: {  	v48 =	vld [tilespmem:s5+$0xFFFFFFC0];
	[tilespmem:s3+$0x60] =	vst v3;
	v3 =	vmul.f32 v42, v36  }
0x141: {  	v52 =	vld [tilespmem:s5+$0xFFFFFFF0];
	[tilespmem:s3+$0x50] =	vst v45;
	v10 =	vmul.f32 v44, v36  }
0x142: {  	v51 =	vld [tilespmem:s5+$0xFFFFFFE0];
	v5 =	vmul.f32 v47, v36;
	[tilespmem:s5+$0xFFFFFF80] =	vst v3  }
0x143: {  	v38 =	vld.idx.msk [tilespmem:v14+s18+$0x0], $0xffff;
	v3 =	vmul.f32 v46, v36;
	[tilespmem:s5+$0xFFFFFF90] =	vst v10  }
0x144: {  	v53 =	vld [tilespmem:s5+$0x0];
	v55 =	vmul.f32 v50, v36;
	[tilespmem:s5+$0xFFFFFFB0] =	vst v5  }
0x145: {  	v54 =	vld [tilespmem:s5+$0x10];
	[tilespmem:s5+$0xFFFFFFA0] =	vst v3;
	v3 =	vmul.f32 v48, v36  }
0x146: {  	v56 =	vld [tilespmem:s5+$0x20];
	v58 =	vmul.f32 v52, v36;
	[tilespmem:s5+$0xFFFFFFD0] =	vst v55  }
0x147: {  	v57 =	vld [tilespmem:s5+$0x30];
	[tilespmem:s5+$0xFFFFFFC0] =	vst v3;
	v3 =	vmul.f32 v51, v36  }
0x148: {  	v59 =	vld [tilespmem:s5+$0x40];
	v49 =	vmul.f32 v40, v38;
	[tilespmem:s5+$0xFFFFFFF0] =	vst v58  }
0x149: {  	v60 =	vld [tilespmem:s5+$0x50];
	[tilespmem:s5+$0xFFFFFFE0] =	vst v3;
	v3 =	vmul.f32 v53, v38  }
0x14a: {  	v61 =	vld [tilespmem:s5+$0x60];
	v4 =	vmul.f32 v54, v38;
	[tilespmem:s5+$0x70] =	vst v49  }
0x14b: {  	[tilespmem:s5+$0x0] =	vst v3;
	v3 =	vmul.f32 v56, v38  }
0x14c: {  	v62 =	vmul.f32 v57, v38;
	[tilespmem:s5+$0x10] =	vst v4  }
0x14d: {  	[tilespmem:s5+$0x20] =	vst v3;
	v3 =	vmul.f32 v59, v38  }
0x14e: {  	v63 =	vmul.f32 v60, v38;
	[tilespmem:s5+$0x30] =	vst v62  }
0x14f: {  	s6 =	smul.u32 $0x140, s2;
	p1 =	sne.s32 s31, $0x7D;
	[tilespmem:s5+$0x40] =	vst v3;
	v3 =	vmul.f32 v61, v38  }
.Ltmp4:
0x150: {  	[tilespmem:s5+$0x50] =	vst v63;
	(pc) =	sbr.rel @p1 .LBB2_6-.Ltmp4, $4  }
0x151: {  	s0 =	sshra.s32 s6, $0x2;
	[tilespmem:s5+$0x60] =	vst v3  }
0x152: {  	[spmem:s17] =	stream.indirect.scatter.add.f32 [tilespmem:s1], [sflag:$0x4], $0x80, s0, s21, $0xb8;
	[tilespmem:$0x1F428] =	vst v63  }
0x153: {  	p0 =	por !p0, !p0;
	s2 =	smov.u32 s31  }
0x154: {  	[spmem:s20] =	stream.indirect.scatter.add.f32 [tilespmem:s18], [sflag:$0x5], $0x8, s0, s21, $0xb8;
	[tilespmem:$0x1F428] =	vst v63  }
0x155: {  	_ =	swait.ge [sflag:s13], $0x280  }
0x156: {  	[sflag:s13] =	ssyncset.done $0x0  }
0x157: {  	[sflag:s13] =	ssyncadd.s32 $0xFFFFFD80  }
0x158: {  	_ =	swait.ge [sflag:s26], $0x280  }
0x159: {  	[sflag:s26] =	ssyncset.done $0x0  }
0x15a: {  	[sflag:s26] =	ssyncadd.s32 $0xFFFFFD80  }
0x15b: {  	_ =	swait.ge [sflag:s11], $0x2800  }
0x15c: {  	[sflag:s11] =	ssyncset.done $0x0  }
0x15d: {  	[sflag:s11] =	ssyncadd.s32 $0xFFFFD800  }
0x15e: {  	_ =	swait.ge [sflag:s28], $0x2800  }
0x15f: {  	[sflag:s28] =	ssyncset.done $0x0  }
0x160: {  	[sflag:s28] =	ssyncadd.s32 $0xFFFFD800  }
0x161: {  	_ =	swait.ge [sflag:s29], $0x280  }
0x162: {  	[sflag:s29] =	ssyncset.done $0x0  }
0x163: {  	[sflag:s29] =	ssyncadd.s32 $0xFFFFFD80  }
0x164: {  	[bflag:$0x0] =	sbarrier.arrive $0xFFFF  }
0x165: {  	[tilespmem:s19], [sflag:$0x6] =	stream.linear.gather [spmem:s7], $0x2800, $0x38;
	[tilespmem:$0x1F428] =	vst v63  }
0x166: {  	_ =	swait.ge [sflag:s12], $0x2800  }
0x167: {  	[sflag:s12] =	ssyncset.done $0x0  }
0x168: {  	s0 =	rddreg [dreg:$0x5];
	[sflag:s12] =	ssyncadd.s32 $0xFFFFD800  }
0x169: {  	[hbm4b:s0+s8] =	stream.linear.scatter [tilespmem:s19], [sflag:$0x6], $0x2800, $0x38;
	[tilespmem:$0x1F428] =	vst v63  }
0x16a: {  	_ =	swait.ge [sflag:s12], $0x2800  }
0x16b: {  	[sflag:s12] =	ssyncset.done $0x0  }
0x16c: {  	[sflag:s12] =	ssyncadd.s32 $0xFFFFD800  }
0x16d: {  	[tilespmem:s14], [sflag:$0x6] =	stream.linear.gather [spmem:s9], $0x280, $0x38;
	[tilespmem:$0x1F428] =	vst v63  }
0x16e: {  	_ =	swait.ge [sflag:s12], $0x280  }
0x16f: {  	[sflag:s12] =	ssyncset.done $0x0  }
0x170: {  	s1 =	rddreg [dreg:$0xd];
	[sflag:s12] =	ssyncadd.s32 $0xFFFFFD80  }
0x171: {  	[hbm4b:s1+s8] =	stream.linear.scatter [tilespmem:s14], [sflag:$0x6], $0x280, $0x38;
	[tilespmem:$0x1F428] =	vst v63  }
0x172: {  	_ =	swait.ge [sflag:s12], $0x280  }
0x173: {  	[sflag:s12] =	ssyncset.done $0x0  }
0x174: {  	[sflag:s12] =	ssyncadd.s32 $0xFFFFFD80  }
0x175: {  	[tilespmem:s19], [sflag:$0x6] =	stream.linear.gather [spmem:s10], $0x2800, $0x38;
	[tilespmem:$0x1F428] =	vst v63  }
0x176: {  	_ =	swait.ge [sflag:s12], $0x2800  }
0x177: {  	[sflag:s12] =	ssyncset.done $0x0  }
0x178: {  	s2 =	rddreg [dreg:$0x6];
	[sflag:s12] =	ssyncadd.s32 $0xFFFFD800  }
0x179: {  	[hbm4b:s2+s8] =	stream.linear.scatter [tilespmem:s19], [sflag:$0x6], $0x2800, $0x38;
	[tilespmem:$0x1F428] =	vst v63  }
0x17a: {  	_ =	swait.ge [sflag:s12], $0x2800  }
0x17b: {  	[sflag:s12] =	ssyncset.done $0x0  }
0x17c: {  	s3 =	rddreg [dreg:$0x17];
	[sflag:s12] =	ssyncadd.s32 $0xFFFFD800  }
0x17d: {  	[tilespmem:s14], [sflag:$0x6] =	stream.linear.gather [spmem:s3], $0x280, $0x38;
	[tilespmem:$0x1F428] =	vst v63  }
0x17e: {  	_ =	swait.ge [sflag:s12], $0x280  }
0x17f: {  	[sflag:s12] =	ssyncset.done $0x0  }
0x180: {  	s4 =	rddreg [dreg:$0xe];
	[sflag:s12] =	ssyncadd.s32 $0xFFFFFD80  }
0x181: {  	[hbm4b:s4+s8] =	stream.linear.scatter [tilespmem:s14], [sflag:$0x6], $0x280, $0x38;
	[tilespmem:$0x1F428] =	vst v63  }
0x182: {  	_ =	swait.ge [sflag:s12], $0x280  }
0x183: {  	[sflag:s12] =	ssyncset.done $0x0  }
0x184: {  	s5 =	rddreg [dreg:$0x18];
	[sflag:s12] =	ssyncadd.s32 $0xFFFFFD80  }
0x185: {  	[tilespmem:s19], [sflag:$0x6] =	stream.linear.gather [spmem:s5], $0x2800, $0x38;
	[tilespmem:$0x1F428] =	vst v63  }
0x186: {  	_ =	swait.ge [sflag:s12], $0x2800  }
0x187: {  	[sflag:s12] =	ssyncset.done $0x0  }
0x188: {  	s18 =	smov.u32 s7;
	s7 =	rddreg [dreg:$0x7];
	[sflag:s12] =	ssyncadd.s32 $0xFFFFD800  }
0x189: {  	[hbm4b:s7+s8] =	stream.linear.scatter [tilespmem:s19], [sflag:$0x6], $0x2800, $0x38;
	[tilespmem:$0x1F428] =	vst v63  }
0x18a: {  	_ =	swait.ge [sflag:s12], $0x2800  }
0x18b: {  	[sflag:s12] =	ssyncset.done $0x0  }
0x18c: {  	s5 =	rddreg [dreg:$0x19];
	[sflag:s12] =	ssyncadd.s32 $0xFFFFD800  }
0x18d: {  	[tilespmem:s14], [sflag:$0x6] =	stream.linear.gather [spmem:s5], $0x280, $0x38;
	[tilespmem:$0x1F428] =	vst v63  }
0x18e: {  	_ =	swait.ge [sflag:s12], $0x280  }
0x18f: {  	[sflag:s12] =	ssyncset.done $0x0  }
0x190: {  	s31 =	smov.u32 s9;
	s9 =	rddreg [dreg:$0xf];
	[sflag:s12] =	ssyncadd.s32 $0xFFFFFD80  }
0x191: {  	[hbm4b:s9+s8] =	stream.linear.scatter [tilespmem:s14], [sflag:$0x6], $0x280, $0x38;
	[tilespmem:$0x1F428] =	vst v63  }
0x192: {  	_ =	swait.ge [sflag:s12], $0x280  }
0x193: {  	[sflag:s12] =	ssyncset.done $0x0  }
0x194: {  	s6 =	smov.u32 s10;
	s10 =	rddreg [dreg:$0x1a];
	[sflag:s12] =	ssyncadd.s32 $0xFFFFFD80  }
0x195: {  	[tilespmem:s19], [sflag:$0x6] =	stream.linear.gather [spmem:s10], $0x2800, $0x38;
	[tilespmem:$0x1F428] =	vst v63  }
0x196: {  	_ =	swait.ge [sflag:s12], $0x2800  }
0x197: {  	[sflag:s12] =	ssyncset.done $0x0  }
0x198: {  	s1 =	rddreg [dreg:$0x8];
	[sflag:s12] =	ssyncadd.s32 $0xFFFFD800  }
0x199: {  	[hbm4b:s1+s8] =	stream.linear.scatter [tilespmem:s19], [sflag:$0x6], $0x2800, $0x38;
	[tilespmem:$0x1F428] =	vst v63  }
0x19a: {  	_ =	swait.ge [sflag:s12], $0x2800  }
0x19b: {  	[sflag:s12] =	ssyncset.done $0x0  }
0x19c: {  	s2 =	rddreg [dreg:$0x1b];
	[sflag:s12] =	ssyncadd.s32 $0xFFFFD800  }
0x19d: {  	[tilespmem:s14], [sflag:$0x6] =	stream.linear.gather [spmem:s2], $0x280, $0x38;
	[tilespmem:$0x1F428] =	vst v63  }
0x19e: {  	_ =	swait.ge [sflag:s12], $0x280  }
0x19f: {  	[sflag:s12] =	ssyncset.done $0x0  }
0x1a0: {  	s3 =	rddreg [dreg:$0x10];
	[sflag:s12] =	ssyncadd.s32 $0xFFFFFD80  }
0x1a1: {  	[hbm4b:s3+s8] =	stream.linear.scatter [tilespmem:s14], [sflag:$0x6], $0x280, $0x38;
	[tilespmem:$0x1F428] =	vst v63  }
0x1a2: {  	_ =	swait.ge [sflag:s12], $0x280  }
0x1a3: {  	[sflag:s12] =	ssyncset.done $0x0  }
0x1a4: {  	s4 =	rddreg [dreg:$0x1c];
	[sflag:s12] =	ssyncadd.s32 $0xFFFFFD80  }
0x1a5: {  	[tilespmem:s19], [sflag:$0x6] =	stream.linear.gather [spmem:s4], $0x2800, $0x38;
	[tilespmem:$0x1F428] =	vst v63  }
0x1a6: {  	_ =	swait.ge [sflag:s12], $0x2800  }
0x1a7: {  	[sflag:s12] =	ssyncset.done $0x0  }
0x1a8: {  	s7 =	rddreg [dreg:$0x9];
	[sflag:s12] =	ssyncadd.s32 $0xFFFFD800  }
0x1a9: {  	[hbm4b:s7+s8] =	stream.linear.scatter [tilespmem:s19], [sflag:$0x6], $0x2800, $0x38;
	[tilespmem:$0x1F428] =	vst v63  }
0x1aa: {  	_ =	swait.ge [sflag:s12], $0x2800  }
0x1ab: {  	[sflag:s12] =	ssyncset.done $0x0  }
0x1ac: {  	s9 =	rddreg [dreg:$0x1d];
	[sflag:s12] =	ssyncadd.s32 $0xFFFFD800  }
0x1ad: {  	[tilespmem:s14], [sflag:$0x6] =	stream.linear.gather [spmem:s9], $0x280, $0x38;
	[tilespmem:$0x1F428] =	vst v63  }
0x1ae: {  	_ =	swait.ge [sflag:s12], $0x280  }
0x1af: {  	[sflag:s12] =	ssyncset.done $0x0  }
0x1b0: {  	s10 =	rddreg [dreg:$0x11];
	[sflag:s12] =	ssyncadd.s32 $0xFFFFFD80  }
0x1b1: {  	[hbm4b:s10+s8] =	stream.linear.scatter [tilespmem:s14], [sflag:$0x6], $0x280, $0x38;
	[tilespmem:$0x1F428] =	vst v63  }
0x1b2: {  	_ =	swait.ge [sflag:s12], $0x280  }
0x1b3: {  	[sflag:s12] =	ssyncset.done $0x0  }
0x1b4: {  	s3 =	rddreg [dreg:$0x1e];
	[sflag:s12] =	ssyncadd.s32 $0xFFFFFD80  }
0x1b5: {  	[tilespmem:s19], [sflag:$0x6] =	stream.linear.gather [spmem:s3], $0x2800, $0x38;
	[tilespmem:$0x1F428] =	vst v63  }
0x1b6: {  	_ =	swait.ge [sflag:s12], $0x2800  }
0x1b7: {  	[sflag:s12] =	ssyncset.done $0x0  }
0x1b8: {  	s1 =	rddreg [dreg:$0xa];
	[sflag:s12] =	ssyncadd.s32 $0xFFFFD800  }
0x1b9: {  	[hbm4b:s1+s8] =	stream.linear.scatter [tilespmem:s19], [sflag:$0x6], $0x2800, $0x38;
	[tilespmem:$0x1F428] =	vst v63  }
0x1ba: {  	_ =	swait.ge [sflag:s12], $0x2800  }
0x1bb: {  	[sflag:s12] =	ssyncset.done $0x0  }
0x1bc: {  	s2 =	rddreg [dreg:$0x1f];
	[sflag:s12] =	ssyncadd.s32 $0xFFFFD800  }
0x1bd: {  	[tilespmem:s14], [sflag:$0x6] =	stream.linear.gather [spmem:s2], $0x280, $0x38;
	[tilespmem:$0x1F428] =	vst v63  }
0x1be: {  	_ =	swait.ge [sflag:s12], $0x280  }
0x1bf: {  	[sflag:s12] =	ssyncset.done $0x0  }
0x1c0: {  	s4 =	rddreg [dreg:$0x12];
	[sflag:s12] =	ssyncadd.s32 $0xFFFFFD80  }
0x1c1: {  	[hbm4b:s4+s8] =	stream.linear.scatter [tilespmem:s14], [sflag:$0x6], $0x280, $0x38;
	[tilespmem:$0x1F428] =	vst v63  }
0x1c2: {  	_ =	swait.ge [sflag:s12], $0x280  }
0x1c3: {  	s4 =	sld [smem:$0x7FC]  }
0x1c4: {  	[sflag:s12] =	ssyncset.done $0x0  }
0x1c5: {  	[sflag:s12] =	ssyncadd.s32 $0xFFFFFD80  }
0x1c6: {  	[tilespmem:s19], [sflag:$0x6] =	stream.linear.gather [spmem:s4], $0x2800, $0x38;
	[tilespmem:$0x1F428] =	vst v63  }
0x1c7: {  	_ =	swait.ge [sflag:s12], $0x2800  }
0x1c8: {  	[sflag:s12] =	ssyncset.done $0x0  }
0x1c9: {  	s7 =	rddreg [dreg:$0xb];
	[sflag:s12] =	ssyncadd.s32 $0xFFFFD800  }
0x1ca: {  	[hbm4b:s7+s8] =	stream.linear.scatter [tilespmem:s19], [sflag:$0x6], $0x2800, $0x38;
	[tilespmem:$0x1F428] =	vst v63  }
0x1cb: {  	_ =	swait.ge [sflag:s12], $0x2800  }
0x1cc: {  	s2 =	sld [smem:$0x7FD]  }
0x1cd: {  	[sflag:s12] =	ssyncset.done $0x0  }
0x1ce: {  	[sflag:s12] =	ssyncadd.s32 $0xFFFFD800  }
0x1cf: {  	[tilespmem:s14], [sflag:$0x6] =	stream.linear.gather [spmem:s2], $0x280, $0x38;
	[tilespmem:$0x1F428] =	vst v63  }
0x1d0: {  	_ =	swait.ge [sflag:s12], $0x280  }
0x1d1: {  	[sflag:s12] =	ssyncset.done $0x0  }
0x1d2: {  	s9 =	rddreg [dreg:$0x13];
	[sflag:s12] =	ssyncadd.s32 $0xFFFFFD80  }
0x1d3: {  	[hbm4b:s9+s8] =	stream.linear.scatter [tilespmem:s14], [sflag:$0x6], $0x280, $0x38;
	[tilespmem:$0x1F428] =	vst v63  }
0x1d4: {  	_ =	swait.ge [sflag:s12], $0x280  }
0x1d5: {  	s10 =	sld [smem:$0x7F9]  }
0x1d6: {  	[sflag:s12] =	ssyncset.done $0x0  }
0x1d7: {  	[sflag:s12] =	ssyncadd.s32 $0xFFFFFD80  }
0x1d8: {  	[tilespmem:s19], [sflag:$0x6] =	stream.linear.gather [spmem:s10], $0x2080, $0x38;
	[tilespmem:$0x1F428] =	vst v63  }
0x1d9: {  	_ =	swait.ge [sflag:s12], $0x2080  }
0x1da: {  	[sflag:s12] =	ssyncset.done $0x0  }
0x1db: {  	s1 =	rddreg [dreg:$0xc];
	[sflag:s12] =	ssyncadd.s32 $0xFFFFDF80  }
0x1dc: {  	[hbm4b:s1+s8] =	stream.linear.scatter [tilespmem:s19], [sflag:$0x6], $0x2080, $0x38;
	[tilespmem:$0x1F428] =	vst v63  }
0x1dd: {  	_ =	swait.ge [sflag:s12], $0x2080  }
0x1de: {  	s7 =	sld [smem:$0x7FA]  }
0x1df: {  	[sflag:s12] =	ssyncset.done $0x0  }
0x1e0: {  	[sflag:s12] =	ssyncadd.s32 $0xFFFFDF80  }
0x1e1: {  	[tilespmem:s14], [sflag:$0x6] =	stream.linear.gather [spmem:s7], $0x208, $0x38;
	[tilespmem:$0x1F428] =	vst v63  }
0x1e2: {  	_ =	swait.ge [sflag:s12], $0x208  }
0x1e3: {  	[sflag:s12] =	ssyncset.done $0x0  }
0x1e4: {  	s9 =	rddreg [dreg:$0x14];
	[sflag:s12] =	ssyncadd.s32 $0xFFFFFDF8  }
0x1e5: {  	[hbm4b:s9+s8] =	stream.linear.scatter [tilespmem:s14], [sflag:$0x6], $0x208, $0x38;
	[tilespmem:$0x1F428] =	vst v63  }
0x1e6: {  	_ =	swait.ge [sflag:s12], $0x208  }
0x1e7: {  	s10 =	sld [smem:$0x7FB];
	_ =	sdelay $0x1  }
0x1e8: {  	s30 =	sadd.s32 $0x1, s30  }
0x1e9: {  	p0 =	sne.s32 s30, s10  }
.Ltmp5:
0x1ea: {  	_ = 	snop;
	(pc) =	sbr.rel @p0 .LBB2_1-.Ltmp5, $3  }
0x1eb: {  	_ =	sdelay $0x1  }
0x1ec: {  	[sflag:s12] =	ssyncset.done $0x0  }
0x1ed: {  	[sflag:s12] =	ssyncadd.s32 $0xFFFFFDF8  }
0x1ee: {  	_ =	sfence.sel $0x180000  }
0x1ef: {  	[bflag:$0x0] =	sbarrier.arrive $0xFFFF  }
0x1f0: {  	_ =	strace $0x90000047  }
0x1f1: {  	s0 =	stileid.u32;
	[bflag:$0x2] =	sbarrier.arrive $0xFFFF  }
0x1f2: {  	p0 =	sne.s32 s0, $0x0;
	s0 =	rddreg [dreg:$0x4]  }
0x1f3: {  	s0 =	sadd.s32 @!p0 $0x100000, s0  }
0x1f4: {  	[sflag:s0] =	ssyncadd.tile.s32 @!p0 $0x1;
	_ =	shalt  }
.Lfunc_end2:
_tile_overlayer_lowered:
.L_overlay_start_2:
0x1f5: {  	(tag) =	ssettag $0x2  }
0x1f6: {  	s0 =	rddreg [dreg:$0x0];
	s2 =	stileid.u32  }
0x1f7: {  	s1 =	rddreg [dreg:$0x1];
	p0 =	sne.s32 s2, $0x0  }
0x1f8: {  	s3 =	rddreg [dreg:$0x2];
	[bflag:$0x3] =	sbarrier.arrive $0xFFFF;
	s2 =	simm.s32 @!p0 $0x1C06  }
0x1f9: {  	[timem:s3], [sflag:s2] =	dma.local @!p0 [hbm:s0], s1  }
0x1fa: {  	s0 =	simm.s32 @!p0 $0x6  }
0x1fb: {  	_ =	swait.ge @!p0 [sflag:s0], s1  }
0x1fc: {  	s1 =	ssub.s32 @!p0 $0x0, s1;
	[sflag:s0] =	ssyncset.done @!p0 $0x0  }
0x1fd: {  	[sflag:s0] =	ssyncadd.s32 @!p0 s1  }
0x1fe: {  	[bflag:$0x3] =	sbarrier.arrive $0xFFFF  }
0x1ff: {  	_ =	shalt  }

</sc_bundles>
